<compile_context>
chip_gen: v7x
topology: tpu7x:2x2x1
jax: 0.10.2.dev20260603
libtpu: 0.0.44.dev20260713+nightly
codegen_flags: <defaults>
</compile_context>

<pallas_src>
import functools

import jax
import jax.numpy as jnp
from jax import lax
from jax.experimental import pallas as pl
from jax.experimental.pallas import tpu as pltpu
from jax.experimental.pallas import tpu_sc as plsc

_BLK = 1024
_CHUNK = 8192
_INTERPRET = False


def _sc_gather(table, idx):
    R = idx.shape[0]
    K = table.shape[1]
    dt = table.dtype
    info = plsc.get_sparse_core_info()
    nw = info.num_cores * info.num_subcores
    bpw = R // nw
    ch = 0
    for c in range(min(bpw, 96 * 1024 // K), 0, -1):
        if bpw % c == 0 and c % 8 == 0:
            ch = c
            break
    assert ch > 0, (R, K)
    nchunks = bpw // ch
    mesh = plsc.VectorSubcoreMesh(core_axis_name="c", subcore_axis_name="s")

    @functools.partial(
        pl.kernel, mesh=mesh,
        out_type=jax.ShapeDtypeStruct((R, K), dt),
        scratch_types=[
            pltpu.VMEM((ch,), jnp.int32),
            pltpu.VMEM((ch, K), dt),
            pltpu.SemaphoreType.DMA,
        ],
    )
    def gk(table_hbm, idx_hbm, out_hbm, idx_v, rows_v, sem):
        wid = lax.axis_index("s") * info.num_cores + lax.axis_index("c")
        base = wid * bpw
        for j in range(nchunks):
            off = base + j * ch
            pltpu.sync_copy(idx_hbm.at[pl.ds(off, ch)], idx_v)
            pltpu.async_copy(table_hbm.at[idx_v], rows_v, sem).wait()
            pltpu.sync_copy(rows_v, out_hbm.at[pl.ds(off, ch)])

    return gk(table, idx)


def _proj_kernel(nf_ref, w_ref, b_ref, out_ref):
    out_ref[...] = (
        jnp.dot(nf_ref[...], w_ref[...], preferred_element_type=jnp.float32)
        + b_ref[...]
    )


def _level_kernel(s_ref, xiou_ref, xfp_ref, hf_ref, hs_ref, mf_ref, cmf_ref,
                  uiou_ref, uf_ref, hs_out_ref, hfch_ref):
    h = xfp_ref.shape[1]
    hsum = hf_ref[:, 0:h]
    fc = hf_ref[:, h:2 * h]
    iou = xiou_ref[...] + jnp.dot(hsum, uiou_ref[...],
                                  preferred_element_type=jnp.float32)
    i = jax.nn.sigmoid(iou[:, 0:h])
    o = jax.nn.sigmoid(iou[:, h:2 * h])
    u = jnp.tanh(iou[:, 2 * h:3 * h])
    c = i * u + fc
    hv = o * jnp.tanh(c)
    f = jax.nn.sigmoid(xfp_ref[...] + jnp.dot(hv, uf_ref[...],
                                              preferred_element_type=jnp.float32))
    m = mf_ref[...]
    cm = cmf_ref[...]
    hs_out_ref[...] = hs_ref[...] * (1.0 - m) + hv * m
    hfch_ref[:, 0:h] = hv * cm
    hfch_ref[:, h:2 * h] = (f * c) * cm


def kernel(node_features, parent_raw, W_iou, U_iou_w, U_iou_b, W_f, U_f_w, U_f_b):
    N, D = node_features.shape
    H = U_f_b.shape[0]
    B = _BLK if N >= _BLK else 64
    Np = ((N + B - 1) // B) * B
    C = min(_CHUNK, Np)
    f32 = jnp.float32

    Rg = ((Np + 255) // 256) * 256
    ar = jnp.arange(N, dtype=jnp.int32)
    raw = parent_raw.astype(jnp.int32)
    parent = jnp.where(ar == 0, -1, raw % jnp.maximum(ar, 1))

    def dbl_cond(carry):
        anc, _ = carry
        return jnp.any(anc >= 0)

    def dbl(carry):
        anc, dep = carry
        a_g = jnp.zeros((Rg,), jnp.int32).at[:N].set(jnp.maximum(anc, 0))
        ad = jnp.zeros((N, 128), jnp.int32).at[:, 0].set(anc).at[:, 1].set(dep)
        g = _sc_gather(ad, a_g)[:N]
        live = anc >= 0
        dep = dep + jnp.where(live, g[:, 1], 0)
        anc = jnp.where(live, g[:, 0], -1)
        return anc, dep

    _, dep = lax.while_loop(
        dbl_cond, dbl, (parent, (parent >= 0).astype(jnp.int32)))
    maxd = jnp.max(dep)

    dep_s, ord_ = lax.sort_key_val(dep, ar)
    rank = jnp.zeros((N,), jnp.int32).at[ord_].set(ar)
    parent_ord = parent[ord_]
    pvalid = parent_ord >= 0
    pps = rank[jnp.maximum(parent_ord, 0)]

    ord_g = jnp.zeros((Rg,), jnp.int32).at[:N].set(ord_)
    nf_p = _sc_gather(node_features, ord_g)[:Np]

    Wcat_t = jnp.concatenate([W_iou, W_f], axis=0).T
    bcat = jnp.concatenate([U_iou_b, jnp.zeros((H,), f32)]).reshape(1, 4 * H)

    X = pl.pallas_call(
        _proj_kernel,
        grid=(Np // B,),
        in_specs=[
            pl.BlockSpec((B, D), lambda i: (i, 0)),
            pl.BlockSpec((D, 4 * H), lambda i: (0, 0)),
            pl.BlockSpec((1, 4 * H), lambda i: (0, 0)),
        ],
        out_specs=pl.BlockSpec((B, 4 * H), lambda i: (i, 0)),
        out_shape=jax.ShapeDtypeStruct((Np, 4 * H), f32),
        interpret=_INTERPRET,
    )(nf_p, Wcat_t, bcat)

    Xiou = X[:, :3 * H]
    P = X[:, 3 * H:]
    pps_g = jnp.zeros((Rg,), jnp.int32).at[:N].set(pps)
    XfP = _sc_gather(P, pps_g)[:Np] + U_f_b

    dep_pad = jnp.full((Np,), -1, jnp.int32).at[:N].set(dep_s)
    pv_pad = jnp.zeros((Np,), jnp.bool_).at[:N].set(pvalid)
    pps_pad = jnp.zeros((Np,), jnp.int32).at[:N].set(pps)

    UiouT = U_iou_w.T
    UfT = U_f_w.T

    def _band(i, s):
        return (s[0] + i, 0)

    def _chunk(i, s):
        return (i, 0)

    level_call = pl.pallas_call(
        _level_kernel,
        grid_spec=pltpu.PrefetchScalarGridSpec(
            num_scalar_prefetch=1,
            grid=(C // B,),
            in_specs=[
                pl.BlockSpec((B, 3 * H), _band),
                pl.BlockSpec((B, H), _band),
                pl.BlockSpec((B, 2 * H), _band),
                pl.BlockSpec((B, H), _band),
                pl.BlockSpec((B, 1), _chunk),
                pl.BlockSpec((B, 1), _chunk),
                pl.BlockSpec((H, 3 * H), lambda i, s: (0, 0)),
                pl.BlockSpec((H, H), lambda i, s: (0, 0)),
            ],
            out_specs=[
                pl.BlockSpec((B, H), _band),
                pl.BlockSpec((B, 2 * H), _chunk),
            ],
        ),
        out_shape=[
            jax.ShapeDtypeStruct((Np, H), f32),
            jax.ShapeDtypeStruct((C, 2 * H), f32),
        ],
        input_output_aliases={4: 0},
        interpret=_INTERPRET,
    )

    def body(t, carry):
        Hs, HF = carry
        L = maxd - t
        lo = jnp.searchsorted(dep_s, L).astype(jnp.int32)
        hi = jnp.searchsorted(dep_s, L, side="right").astype(jnp.int32)
        base = (lo // B) * B
        nchunks = (hi - base + C - 1) // C

        def chunk_body(st):
            k, Hs, HF = st
            q0 = jnp.minimum(base + k * C, Np - C)
            dep_c = lax.dynamic_slice(dep_pad, (q0,), (C,))
            pv_c = lax.dynamic_slice(pv_pad, (q0,), (C,))
            pps_c = lax.dynamic_slice(pps_pad, (q0,), (C,))
            on = dep_c == L
            cmb = on & pv_c
            mf = on.astype(f32).reshape(C, 1)
            cmf = cmb.astype(f32).reshape(C, 1)
            sblk = (q0 // B).reshape(1)
            Hs, hfch = level_call(sblk, Xiou, XfP, HF, Hs, mf, cmf, UiouT, UfT)
            pi = jnp.where(cmb, pps_c, Np)
            HF = HF.at[pi].add(hfch, mode="drop")
            return k + 1, Hs, HF

        _, Hs, HF = lax.while_loop(
            lambda st: st[0] < nchunks, chunk_body,
            (jnp.int32(0), Hs, HF))
        return Hs, HF

    Hs, _ = lax.fori_loop(
        0, maxd + 1, body,
        (jnp.zeros((Np, H), f32), jnp.zeros((Np, 2 * H), f32)))
    rank_g = jnp.zeros((Rg,), jnp.int32).at[:N].set(rank)
    return _sc_gather(Hs, rank_g)[:N]

# --- scband reference (transcript-rebuilt; emitter-appended) ---
"""Pipeline reference for scband-child-sum-tree-lstm-31636729103180 (READ-ONLY COPY).

The authoritative reference and input builder live on the scoring server;
editing this copy changes nothing except your own understanding.
"""

import jax, jax.numpy as jnp
import numpy as np

N = 100000
D = 128
HID = 128

def setup_inputs(seed: int = 0) -> dict:
    key = jax.random.key(seed)
    ks = jax.random.split(key, 8)
    s_in = 1.0 / np.sqrt(D)
    s_h = 1.0 / np.sqrt(HID)
    node_features = jax.random.normal(ks[0], (N, D), dtype=jnp.float32)
    parent_raw = jax.random.randint(ks[1], (N,), 0, N)
    W_iou = jax.random.normal(ks[2], (3 * HID, D), dtype=jnp.float32) * s_in
    U_iou_w = jax.random.normal(ks[3], (3 * HID, HID), dtype=jnp.float32) * s_h
    U_iou_b = jax.random.uniform(ks[4], (3 * HID,), dtype=jnp.float32, minval=-s_h, maxval=s_h)
    W_f = jax.random.normal(ks[5], (HID, D), dtype=jnp.float32) * s_in
    U_f_w = jax.random.normal(ks[6], (HID, HID), dtype=jnp.float32) * s_h
    U_f_b = jax.random.uniform(ks[7], (HID,), dtype=jnp.float32, minval=-s_h, maxval=s_h)
    return {"node_features": node_features, "parent_raw": parent_raw, "W_iou": W_iou,
            "U_iou_w": U_iou_w, "U_iou_b": U_iou_b, "W_f": W_f, "U_f_w": U_f_w, "U_f_b": U_f_b}

def _tree_levels(parent_raw, n):
    raw = parent_raw.astype(jnp.int32)
    ar = jnp.arange(n, dtype=jnp.int32)
    parent = jnp.where(ar == 0, -1, raw % jnp.maximum(ar, 1))
    def depth_body(j, depth):
        return depth.at[j].set(depth[parent[j]] + 1)
    depth = jax.lax.fori_loop(1, n, depth_body, jnp.zeros(n, dtype=jnp.int32))
    maxd = jnp.max(depth)
    return parent, depth, maxd

def reference(node_features, parent_raw, W_iou, U_iou_w, U_iou_b, W_f, U_f_w, U_f_b):
    n = node_features.shape[0]
    h = U_f_b.shape[0]
    parent, depth, maxd = _tree_levels(parent_raw, n)
    Hs = jnp.zeros((n, h), dtype=jnp.float32)  # output hidden states
    Cs = jnp.zeros((n, h), dtype=jnp.float32)
    Hsum = jnp.zeros((n, h), dtype=jnp.float32)  # sum of child h per node
    FC = jnp.zeros((n, h), dtype=jnp.float32)    # sum of f*c per node
    # process levels deepest-first: all children of a node are exactly one level deeper,
    # so this reproduces the pos = n-1..0 ordering of the original code.
    def level_body(t, carry):
        Hs, Cs, Hsum, FC = carry
        L = maxd - t
        lvl = depth == L
        iou = node_features @ W_iou.T + Hsum @ U_iou_w.T + U_iou_b
        i, o, u = jnp.split(iou, 3, axis=-1)
        i = jax.nn.sigmoid(i)
        o = jax.nn.sigmoid(o)
        u = jnp.tanh(u)
        c = i * u + FC
        hvec = o * jnp.tanh(c)
        m = lvl[:, None]
        Hs = jnp.where(m, hvec, Hs)
        Cs = jnp.where(m, c, Cs)
        cmask = lvl & (parent >= 0)
        pi = jnp.where(cmask, parent, 0)
        f = jax.nn.sigmoid(node_features[pi] @ W_f.T + hvec @ U_f_w.T + U_f_b)
        hch = jnp.where(cmask[:, None], hvec, 0.0)
        fch = jnp.where(cmask[:, None], f * c, 0.0)
        Hsum = Hsum.at[pi].add(hch)
        FC = FC.at[pi].add(fch)
        return (Hs, Cs, Hsum, FC)
    Hs, Cs, Hsum, FC = jax.lax.fori_loop(0, maxd + 1, level_body, (Hs, Cs, Hsum, FC))
    return Hs

if __name__ == "__main__":
    import jax
    _d = setup_inputs()
    print(jax.jit(kernel)(*tuple(_d.values())))

</pallas_src>

<mosaic_0001>
#map = affine_map<(d0, d1) -> (0, 0)>
#map1 = affine_map<(d0, d1) -> (0)>
module attributes {stable_mosaic.version = 14 : i64} {
  func.func @gk(%arg0: i32, %arg1: i32, %arg2: memref<100000x128xf32, #tpu.memory_space<hbm>>, %arg3: memref<100352xi32, #tpu.memory_space<hbm>>, %arg4: memref<100352x128xf32, #tpu.memory_space<hbm>>, %arg5: memref<448xi32, #tpu.memory_space<vmem>>, %arg6: memref<448x128xf32, #tpu.memory_space<vmem>>, %arg7: memref<!tpu.dma_semaphore, #tpu.memory_space<semaphore_mem>>) attributes {dimension_semantics = [#tpu.dimension_semantics<core_parallel>, #tpu.dimension_semantics<subcore_parallel>], iteration_bounds = array<i64: 2, 16>, scalar_prefetch = 0 : i64, scratch_operands = 3 : i64, tpu.core_type = #tpu.core_type<sc_vector_subcore>, window_params = [{transform_indices = #map}, {transform_indices = #map1}, {transform_indices = #map}]} {
    %mul3A = arith.constant 2 : i32
    %mul3A_0 = arith.muli %arg1, %mul3A : i32
    %add3A = arith.addi %mul3A_0, %arg0 : i32
    %mul3A_1 = arith.constant 3136 : i32
    %mul3A_2 = arith.muli %add3A, %mul3A_1 : i32
    %add3A_3 = arith.constant 0 : i32
    %add3A_4 = arith.addi %mul3A_2, %add3A_3 : i32
    "tpu.region"() ({
      %run_scoped3A = tpu.sem_alloc : memref<!tpu.dma_semaphore, #tpu.memory_space<semaphore_mem>>
      %dma_start3A_57 = tpu.memref_slice %arg3[%add3A_4] : memref<100352xi32, #tpu.memory_space<hbm>> -> memref<448xi32, #tpu.memory_space<hbm>>
      %dma_start3A_58 = tpu.memref_slice %arg3[%add3A_4] : memref<100352xi32, #tpu.memory_space<hbm>> -> memref<448xi32, #tpu.memory_space<hbm>>
      tpu.enqueue_dma source(%dma_start3A_58 : memref<448xi32, #tpu.memory_space<hbm>>) target(%arg5 : memref<448xi32, #tpu.memory_space<vmem>>) target_semaphore(%run_scoped3A : memref<!tpu.dma_semaphore, #tpu.memory_space<semaphore_mem>>)
      %dma_wait3A_59 = tpu.memref_slice %arg3[%add3A_4] : memref<100352xi32, #tpu.memory_space<hbm>> -> memref<448xi32, #tpu.memory_space<hbm>>
      %dma_wait3A_60 = tpu.memref_slice %arg3[%add3A_4] : memref<100352xi32, #tpu.memory_space<hbm>> -> memref<448xi32, #tpu.memory_space<hbm>>
      tpu.wait_dma2 semaphore(%run_scoped3A : memref<!tpu.dma_semaphore, #tpu.memory_space<semaphore_mem>>) src(%dma_wait3A_60 : memref<448xi32, #tpu.memory_space<hbm>>) dst(%arg5 : memref<448xi32, #tpu.memory_space<vmem>>)
      tpu.yield
    }) : () -> ()
    %dma_start3A = arith.constant 0 : i32
    %dma_start3A_5 = arith.constant 0 : i32
    %dma_start3A_6 = tpu.memref_slice %arg2[%dma_start3A, %dma_start3A_5] : memref<100000x128xf32, #tpu.memory_space<hbm>> -> memref<100000x128xf32, #tpu.memory_space<hbm>>
    tpu.enqueue_indirect_dma source(%dma_start3A_6 : memref<100000x128xf32, #tpu.memory_space<hbm>>) target(%arg6 : memref<448x128xf32, #tpu.memory_space<vmem>>) offsets(%arg5 : memref<448xi32, #tpu.memory_space<vmem>>) semaphore(%arg7 : memref<!tpu.dma_semaphore, #tpu.memory_space<semaphore_mem>>)
    %dma_wait3A = arith.constant 0 : i32
    %dma_wait3A_7 = arith.constant 0 : i32
    %dma_wait3A_8 = tpu.memref_slice %arg2[%dma_wait3A, %dma_wait3A_7] : memref<100000x128xf32, #tpu.memory_space<hbm>> -> memref<100000x128xf32, #tpu.memory_space<hbm>>
    tpu.wait_indirect_dma semaphore(%arg7 : memref<!tpu.dma_semaphore, #tpu.memory_space<semaphore_mem>>) src(%dma_wait3A_8 : memref<100000x128xf32, #tpu.memory_space<hbm>>) dst(%arg6 : memref<448x128xf32, #tpu.memory_space<vmem>>)
    "tpu.region"() ({
      %run_scoped3A = tpu.sem_alloc : memref<!tpu.dma_semaphore, #tpu.memory_space<semaphore_mem>>
      %dma_start3A_57 = arith.constant 0 : i32
      %dma_start3A_58 = tpu.memref_slice %arg4[%add3A_4, %dma_start3A_57] : memref<100352x128xf32, #tpu.memory_space<hbm>> -> memref<448x128xf32, #tpu.memory_space<hbm>>
      %dma_start3A_59 = arith.constant 0 : i32
      %dma_start3A_60 = tpu.memref_slice %arg4[%add3A_4, %dma_start3A_59] : memref<100352x128xf32, #tpu.memory_space<hbm>> -> memref<448x128xf32, #tpu.memory_space<hbm>>
      tpu.enqueue_dma source(%arg6 : memref<448x128xf32, #tpu.memory_space<vmem>>) target(%dma_start3A_60 : memref<448x128xf32, #tpu.memory_space<hbm>>) target_semaphore(%run_scoped3A : memref<!tpu.dma_semaphore, #tpu.memory_space<semaphore_mem>>)
      %dma_wait3A_61 = arith.constant 0 : i32
      %dma_wait3A_62 = tpu.memref_slice %arg4[%add3A_4, %dma_wait3A_61] : memref<100352x128xf32, #tpu.memory_space<hbm>> -> memref<448x128xf32, #tpu.memory_space<hbm>>
      %dma_wait3A_63 = arith.constant 0 : i32
      %dma_wait3A_64 = tpu.memref_slice %arg4[%add3A_4, %dma_wait3A_63] : memref<100352x128xf32, #tpu.memory_space<hbm>> -> memref<448x128xf32, #tpu.memory_space<hbm>>
      tpu.wait_dma2 semaphore(%run_scoped3A : memref<!tpu.dma_semaphore, #tpu.memory_space<semaphore_mem>>) src(%arg6 : memref<448x128xf32, #tpu.memory_space<vmem>>) dst(%dma_wait3A_64 : memref<448x128xf32, #tpu.memory_space<hbm>>)
      tpu.yield
    }) : () -> ()
    %add3A_9 = arith.constant 448 : i32
    %add3A_10 = arith.addi %mul3A_2, %add3A_9 : i32
    "tpu.region"() ({
      %run_scoped3A = tpu.sem_alloc : memref<!tpu.dma_semaphore, #tpu.memory_space<semaphore_mem>>
      %dma_start3A_57 = tpu.memref_slice %arg3[%add3A_10] : memref<100352xi32, #tpu.memory_space<hbm>> -> memref<448xi32, #tpu.memory_space<hbm>>
      %dma_start3A_58 = tpu.memref_slice %arg3[%add3A_10] : memref<100352xi32, #tpu.memory_space<hbm>> -> memref<448xi32, #tpu.memory_space<hbm>>
      tpu.enqueue_dma source(%dma_start3A_58 : memref<448xi32, #tpu.memory_space<hbm>>) target(%arg5 : memref<448xi32, #tpu.memory_space<vmem>>) target_semaphore(%run_scoped3A : memref<!tpu.dma_semaphore, #tpu.memory_space<semaphore_mem>>)
      %dma_wait3A_59 = tpu.memref_slice %arg3[%add3A_10] : memref<100352xi32, #tpu.memory_space<hbm>> -> memref<448xi32, #tpu.memory_space<hbm>>
      %dma_wait3A_60 = tpu.memref_slice %arg3[%add3A_10] : memref<100352xi32, #tpu.memory_space<hbm>> -> memref<448xi32, #tpu.memory_space<hbm>>
      tpu.wait_dma2 semaphore(%run_scoped3A : memref<!tpu.dma_semaphore, #tpu.memory_space<semaphore_mem>>) src(%dma_wait3A_60 : memref<448xi32, #tpu.memory_space<hbm>>) dst(%arg5 : memref<448xi32, #tpu.memory_space<vmem>>)
      tpu.yield
    }) : () -> ()
    %dma_start3A_11 = arith.constant 0 : i32
    %dma_start3A_12 = arith.constant 0 : i32
    %dma_start3A_13 = tpu.memref_slice %arg2[%dma_start3A_11, %dma_start3A_12] : memref<100000x128xf32, #tpu.memory_space<hbm>> -> memref<100000x128xf32, #tpu.memory_space<hbm>>
    tpu.enqueue_indirect_dma source(%dma_start3A_13 : memref<100000x128xf32, #tpu.memory_space<hbm>>) target(%arg6 : memref<448x128xf32, #tpu.memory_space<vmem>>) offsets(%arg5 : memref<448xi32, #tpu.memory_space<vmem>>) semaphore(%arg7 : memref<!tpu.dma_semaphore, #tpu.memory_space<semaphore_mem>>)
    %dma_wait3A_14 = arith.constant 0 : i32
    %dma_wait3A_15 = arith.constant 0 : i32
    %dma_wait3A_16 = tpu.memref_slice %arg2[%dma_wait3A_14, %dma_wait3A_15] : memref<100000x128xf32, #tpu.memory_space<hbm>> -> memref<100000x128xf32, #tpu.memory_space<hbm>>
    tpu.wait_indirect_dma semaphore(%arg7 : memref<!tpu.dma_semaphore, #tpu.memory_space<semaphore_mem>>) src(%dma_wait3A_16 : memref<100000x128xf32, #tpu.memory_space<hbm>>) dst(%arg6 : memref<448x128xf32, #tpu.memory_space<vmem>>)
    "tpu.region"() ({
      %run_scoped3A = tpu.sem_alloc : memref<!tpu.dma_semaphore, #tpu.memory_space<semaphore_mem>>
      %dma_start3A_57 = arith.constant 0 : i32
      %dma_start3A_58 = tpu.memref_slice %arg4[%add3A_10, %dma_start3A_57] : memref<100352x128xf32, #tpu.memory_space<hbm>> -> memref<448x128xf32, #tpu.memory_space<hbm>>
      %dma_start3A_59 = arith.constant 0 : i32
      %dma_start3A_60 = tpu.memref_slice %arg4[%add3A_10, %dma_start3A_59] : memref<100352x128xf32, #tpu.memory_space<hbm>> -> memref<448x128xf32, #tpu.memory_space<hbm>>
      tpu.enqueue_dma source(%arg6 : memref<448x128xf32, #tpu.memory_space<vmem>>) target(%dma_start3A_60 : memref<448x128xf32, #tpu.memory_space<hbm>>) target_semaphore(%run_scoped3A : memref<!tpu.dma_semaphore, #tpu.memory_space<semaphore_mem>>)
      %dma_wait3A_61 = arith.constant 0 : i32
      %dma_wait3A_62 = tpu.memref_slice %arg4[%add3A_10, %dma_wait3A_61] : memref<100352x128xf32, #tpu.memory_space<hbm>> -> memref<448x128xf32, #tpu.memory_space<hbm>>
      %dma_wait3A_63 = arith.constant 0 : i32
      %dma_wait3A_64 = tpu.memref_slice %arg4[%add3A_10, %dma_wait3A_63] : memref<100352x128xf32, #tpu.memory_space<hbm>> -> memref<448x128xf32, #tpu.memory_space<hbm>>
      tpu.wait_dma2 semaphore(%run_scoped3A : memref<!tpu.dma_semaphore, #tpu.memory_space<semaphore_mem>>) src(%arg6 : memref<448x128xf32, #tpu.memory_space<vmem>>) dst(%dma_wait3A_64 : memref<448x128xf32, #tpu.memory_space<hbm>>)
      tpu.yield
    }) : () -> ()
    %add3A_17 = arith.constant 896 : i32
    %add3A_18 = arith.addi %mul3A_2, %add3A_17 : i32
    "tpu.region"() ({
      %run_scoped3A = tpu.sem_alloc : memref<!tpu.dma_semaphore, #tpu.memory_space<semaphore_mem>>
      %dma_start3A_57 = tpu.memref_slice %arg3[%add3A_18] : memref<100352xi32, #tpu.memory_space<hbm>> -> memref<448xi32, #tpu.memory_space<hbm>>
      %dma_start3A_58 = tpu.memref_slice %arg3[%add3A_18] : memref<100352xi32, #tpu.memory_space<hbm>> -> memref<448xi32, #tpu.memory_space<hbm>>
      tpu.enqueue_dma source(%dma_start3A_58 : memref<448xi32, #tpu.memory_space<hbm>>) target(%arg5 : memref<448xi32, #tpu.memory_space<vmem>>) target_semaphore(%run_scoped3A : memref<!tpu.dma_semaphore, #tpu.memory_space<semaphore_mem>>)
      %dma_wait3A_59 = tpu.memref_slice %arg3[%add3A_18] : memref<100352xi32, #tpu.memory_space<hbm>> -> memref<448xi32, #tpu.memory_space<hbm>>
      %dma_wait3A_60 = tpu.memref_slice %arg3[%add3A_18] : memref<100352xi32, #tpu.memory_space<hbm>> -> memref<448xi32, #tpu.memory_space<hbm>>
      tpu.wait_dma2 semaphore(%run_scoped3A : memref<!tpu.dma_semaphore, #tpu.memory_space<semaphore_mem>>) src(%dma_wait3A_60 : memref<448xi32, #tpu.memory_space<hbm>>) dst(%arg5 : memref<448xi32, #tpu.memory_space<vmem>>)
      tpu.yield
    }) : () -> ()
    %dma_start3A_19 = arith.constant 0 : i32
    %dma_start3A_20 = arith.constant 0 : i32
    %dma_start3A_21 = tpu.memref_slice %arg2[%dma_start3A_19, %dma_start3A_20] : memref<100000x128xf32, #tpu.memory_space<hbm>> -> memref<100000x128xf32, #tpu.memory_space<hbm>>
    tpu.enqueue_indirect_dma source(%dma_start3A_21 : memref<100000x128xf32, #tpu.memory_space<hbm>>) target(%arg6 : memref<448x128xf32, #tpu.memory_space<vmem>>) offsets(%arg5 : memref<448xi32, #tpu.memory_space<vmem>>) semaphore(%arg7 : memref<!tpu.dma_semaphore, #tpu.memory_space<semaphore_mem>>)
    %dma_wait3A_22 = arith.constant 0 : i32
    %dma_wait3A_23 = arith.constant 0 : i32
    %dma_wait3A_24 = tpu.memref_slice %arg2[%dma_wait3A_22, %dma_wait3A_23] : memref<100000x128xf32, #tpu.memory_space<hbm>> -> memref<100000x128xf32, #tpu.memory_space<hbm>>
    tpu.wait_indirect_dma semaphore(%arg7 : memref<!tpu.dma_semaphore, #tpu.memory_space<semaphore_mem>>) src(%dma_wait3A_24 : memref<100000x128xf32, #tpu.memory_space<hbm>>) dst(%arg6 : memref<448x128xf32, #tpu.memory_space<vmem>>)
    "tpu.region"() ({
      %run_scoped3A = tpu.sem_alloc : memref<!tpu.dma_semaphore, #tpu.memory_space<semaphore_mem>>
      %dma_start3A_57 = arith.constant 0 : i32
      %dma_start3A_58 = tpu.memref_slice %arg4[%add3A_18, %dma_start3A_57] : memref<100352x128xf32, #tpu.memory_space<hbm>> -> memref<448x128xf32, #tpu.memory_space<hbm>>
      %dma_start3A_59 = arith.constant 0 : i32
      %dma_start3A_60 = tpu.memref_slice %arg4[%add3A_18, %dma_start3A_59] : memref<100352x128xf32, #tpu.memory_space<hbm>> -> memref<448x128xf32, #tpu.memory_space<hbm>>
      tpu.enqueue_dma source(%arg6 : memref<448x128xf32, #tpu.memory_space<vmem>>) target(%dma_start3A_60 : memref<448x128xf32, #tpu.memory_space<hbm>>) target_semaphore(%run_scoped3A : memref<!tpu.dma_semaphore, #tpu.memory_space<semaphore_mem>>)
      %dma_wait3A_61 = arith.constant 0 : i32
      %dma_wait3A_62 = tpu.memref_slice %arg4[%add3A_18, %dma_wait3A_61] : memref<100352x128xf32, #tpu.memory_space<hbm>> -> memref<448x128xf32, #tpu.memory_space<hbm>>
      %dma_wait3A_63 = arith.constant 0 : i32
      %dma_wait3A_64 = tpu.memref_slice %arg4[%add3A_18, %dma_wait3A_63] : memref<100352x128xf32, #tpu.memory_space<hbm>> -> memref<448x128xf32, #tpu.memory_space<hbm>>
      tpu.wait_dma2 semaphore(%run_scoped3A : memref<!tpu.dma_semaphore, #tpu.memory_space<semaphore_mem>>) src(%arg6 : memref<448x128xf32, #tpu.memory_space<vmem>>) dst(%dma_wait3A_64 : memref<448x128xf32, #tpu.memory_space<hbm>>)
      tpu.yield
    }) : () -> ()
    %add3A_25 = arith.constant 1344 : i32
    %add3A_26 = arith.addi %mul3A_2, %add3A_25 : i32
    "tpu.region"() ({
      %run_scoped3A = tpu.sem_alloc : memref<!tpu.dma_semaphore, #tpu.memory_space<semaphore_mem>>
      %dma_start3A_57 = tpu.memref_slice %arg3[%add3A_26] : memref<100352xi32, #tpu.memory_space<hbm>> -> memref<448xi32, #tpu.memory_space<hbm>>
      %dma_start3A_58 = tpu.memref_slice %arg3[%add3A_26] : memref<100352xi32, #tpu.memory_space<hbm>> -> memref<448xi32, #tpu.memory_space<hbm>>
      tpu.enqueue_dma source(%dma_start3A_58 : memref<448xi32, #tpu.memory_space<hbm>>) target(%arg5 : memref<448xi32, #tpu.memory_space<vmem>>) target_semaphore(%run_scoped3A : memref<!tpu.dma_semaphore, #tpu.memory_space<semaphore_mem>>)
      %dma_wait3A_59 = tpu.memref_slice %arg3[%add3A_26] : memref<100352xi32, #tpu.memory_space<hbm>> -> memref<448xi32, #tpu.memory_space<hbm>>
      %dma_wait3A_60 = tpu.memref_slice %arg3[%add3A_26] : memref<100352xi32, #tpu.memory_space<hbm>> -> memref<448xi32, #tpu.memory_space<hbm>>
      tpu.wait_dma2 semaphore(%run_scoped3A : memref<!tpu.dma_semaphore, #tpu.memory_space<semaphore_mem>>) src(%dma_wait3A_60 : memref<448xi32, #tpu.memory_space<hbm>>) dst(%arg5 : memref<448xi32, #tpu.memory_space<vmem>>)
      tpu.yield
    }) : () -> ()
    %dma_start3A_27 = arith.constant 0 : i32
    %dma_start3A_28 = arith.constant 0 : i32
    %dma_start3A_29 = tpu.memref_slice %arg2[%dma_start3A_27, %dma_start3A_28] : memref<100000x128xf32, #tpu.memory_space<hbm>> -> memref<100000x128xf32, #tpu.memory_space<hbm>>
    tpu.enqueue_indirect_dma source(%dma_start3A_29 : memref<100000x128xf32, #tpu.memory_space<hbm>>) target(%arg6 : memref<448x128xf32, #tpu.memory_space<vmem>>) offsets(%arg5 : memref<448xi32, #tpu.memory_space<vmem>>) semaphore(%arg7 : memref<!tpu.dma_semaphore, #tpu.memory_space<semaphore_mem>>)
    %dma_wait3A_30 = arith.constant 0 : i32
    %dma_wait3A_31 = arith.constant 0 : i32
    %dma_wait3A_32 = tpu.memref_slice %arg2[%dma_wait3A_30, %dma_wait3A_31] : memref<100000x128xf32, #tpu.memory_space<hbm>> -> memref<100000x128xf32, #tpu.memory_space<hbm>>
    tpu.wait_indirect_dma semaphore(%arg7 : memref<!tpu.dma_semaphore, #tpu.memory_space<semaphore_mem>>) src(%dma_wait3A_32 : memref<100000x128xf32, #tpu.memory_space<hbm>>) dst(%arg6 : memref<448x128xf32, #tpu.memory_space<vmem>>)
    "tpu.region"() ({
      %run_scoped3A = tpu.sem_alloc : memref<!tpu.dma_semaphore, #tpu.memory_space<semaphore_mem>>
      %dma_start3A_57 = arith.constant 0 : i32
      %dma_start3A_58 = tpu.memref_slice %arg4[%add3A_26, %dma_start3A_57] : memref<100352x128xf32, #tpu.memory_space<hbm>> -> memref<448x128xf32, #tpu.memory_space<hbm>>
      %dma_start3A_59 = arith.constant 0 : i32
      %dma_start3A_60 = tpu.memref_slice %arg4[%add3A_26, %dma_start3A_59] : memref<100352x128xf32, #tpu.memory_space<hbm>> -> memref<448x128xf32, #tpu.memory_space<hbm>>
      tpu.enqueue_dma source(%arg6 : memref<448x128xf32, #tpu.memory_space<vmem>>) target(%dma_start3A_60 : memref<448x128xf32, #tpu.memory_space<hbm>>) target_semaphore(%run_scoped3A : memref<!tpu.dma_semaphore, #tpu.memory_space<semaphore_mem>>)
      %dma_wait3A_61 = arith.constant 0 : i32
      %dma_wait3A_62 = tpu.memref_slice %arg4[%add3A_26, %dma_wait3A_61] : memref<100352x128xf32, #tpu.memory_space<hbm>> -> memref<448x128xf32, #tpu.memory_space<hbm>>
      %dma_wait3A_63 = arith.constant 0 : i32
      %dma_wait3A_64 = tpu.memref_slice %arg4[%add3A_26, %dma_wait3A_63] : memref<100352x128xf32, #tpu.memory_space<hbm>> -> memref<448x128xf32, #tpu.memory_space<hbm>>
      tpu.wait_dma2 semaphore(%run_scoped3A : memref<!tpu.dma_semaphore, #tpu.memory_space<semaphore_mem>>) src(%arg6 : memref<448x128xf32, #tpu.memory_space<vmem>>) dst(%dma_wait3A_64 : memref<448x128xf32, #tpu.memory_space<hbm>>)
      tpu.yield
    }) : () -> ()
    %add3A_33 = arith.constant 1792 : i32
    %add3A_34 = arith.addi %mul3A_2, %add3A_33 : i32
    "tpu.region"() ({
      %run_scoped3A = tpu.sem_alloc : memref<!tpu.dma_semaphore, #tpu.memory_space<semaphore_mem>>
      %dma_start3A_57 = tpu.memref_slice %arg3[%add3A_34] : memref<100352xi32, #tpu.memory_space<hbm>> -> memref<448xi32, #tpu.memory_space<hbm>>
      %dma_start3A_58 = tpu.memref_slice %arg3[%add3A_34] : memref<100352xi32, #tpu.memory_space<hbm>> -> memref<448xi32, #tpu.memory_space<hbm>>
      tpu.enqueue_dma source(%dma_start3A_58 : memref<448xi32, #tpu.memory_space<hbm>>) target(%arg5 : memref<448xi32, #tpu.memory_space<vmem>>) target_semaphore(%run_scoped3A : memref<!tpu.dma_semaphore, #tpu.memory_space<semaphore_mem>>)
      %dma_wait3A_59 = tpu.memref_slice %arg3[%add3A_34] : memref<100352xi32, #tpu.memory_space<hbm>> -> memref<448xi32, #tpu.memory_space<hbm>>
      %dma_wait3A_60 = tpu.memref_slice %arg3[%add3A_34] : memref<100352xi32, #tpu.memory_space<hbm>> -> memref<448xi32, #tpu.memory_space<hbm>>
      tpu.wait_dma2 semaphore(%run_scoped3A : memref<!tpu.dma_semaphore, #tpu.memory_space<semaphore_mem>>) src(%dma_wait3A_60 : memref<448xi32, #tpu.memory_space<hbm>>) dst(%arg5 : memref<448xi32, #tpu.memory_space<vmem>>)
      tpu.yield
    }) : () -> ()
    %dma_start3A_35 = arith.constant 0 : i32
    %dma_start3A_36 = arith.constant 0 : i32
    %dma_start3A_37 = tpu.memref_slice %arg2[%dma_start3A_35, %dma_start3A_36] : memref<100000x128xf32, #tpu.memory_space<hbm>> -> memref<100000x128xf32, #tpu.memory_space<hbm>>
    tpu.enqueue_indirect_dma source(%dma_start3A_37 : memref<100000x128xf32, #tpu.memory_space<hbm>>) target(%arg6 : memref<448x128xf32, #tpu.memory_space<vmem>>) offsets(%arg5 : memref<448xi32, #tpu.memory_space<vmem>>) semaphore(%arg7 : memref<!tpu.dma_semaphore, #tpu.memory_space<semaphore_mem>>)
    %dma_wait3A_38 = arith.constant 0 : i32
    %dma_wait3A_39 = arith.constant 0 : i32
    %dma_wait3A_40 = tpu.memref_slice %arg2[%dma_wait3A_38, %dma_wait3A_39] : memref<100000x128xf32, #tpu.memory_space<hbm>> -> memref<100000x128xf32, #tpu.memory_space<hbm>>
    tpu.wait_indirect_dma semaphore(%arg7 : memref<!tpu.dma_semaphore, #tpu.memory_space<semaphore_mem>>) src(%dma_wait3A_40 : memref<100000x128xf32, #tpu.memory_space<hbm>>) dst(%arg6 : memref<448x128xf32, #tpu.memory_space<vmem>>)
    "tpu.region"() ({
      %run_scoped3A = tpu.sem_alloc : memref<!tpu.dma_semaphore, #tpu.memory_space<semaphore_mem>>
      %dma_start3A_57 = arith.constant 0 : i32
      %dma_start3A_58 = tpu.memref_slice %arg4[%add3A_34, %dma_start3A_57] : memref<100352x128xf32, #tpu.memory_space<hbm>> -> memref<448x128xf32, #tpu.memory_space<hbm>>
      %dma_start3A_59 = arith.constant 0 : i32
      %dma_start3A_60 = tpu.memref_slice %arg4[%add3A_34, %dma_start3A_59] : memref<100352x128xf32, #tpu.memory_space<hbm>> -> memref<448x128xf32, #tpu.memory_space<hbm>>
      tpu.enqueue_dma source(%arg6 : memref<448x128xf32, #tpu.memory_space<vmem>>) target(%dma_start3A_60 : memref<448x128xf32, #tpu.memory_space<hbm>>) target_semaphore(%run_scoped3A : memref<!tpu.dma_semaphore, #tpu.memory_space<semaphore_mem>>)
      %dma_wait3A_61 = arith.constant 0 : i32
      %dma_wait3A_62 = tpu.memref_slice %arg4[%add3A_34, %dma_wait3A_61] : memref<100352x128xf32, #tpu.memory_space<hbm>> -> memref<448x128xf32, #tpu.memory_space<hbm>>
      %dma_wait3A_63 = arith.constant 0 : i32
      %dma_wait3A_64 = tpu.memref_slice %arg4[%add3A_34, %dma_wait3A_63] : memref<100352x128xf32, #tpu.memory_space<hbm>> -> memref<448x128xf32, #tpu.memory_space<hbm>>
      tpu.wait_dma2 semaphore(%run_scoped3A : memref<!tpu.dma_semaphore, #tpu.memory_space<semaphore_mem>>) src(%arg6 : memref<448x128xf32, #tpu.memory_space<vmem>>) dst(%dma_wait3A_64 : memref<448x128xf32, #tpu.memory_space<hbm>>)
      tpu.yield
    }) : () -> ()
    %add3A_41 = arith.constant 2240 : i32
    %add3A_42 = arith.addi %mul3A_2, %add3A_41 : i32
    "tpu.region"() ({
      %run_scoped3A = tpu.sem_alloc : memref<!tpu.dma_semaphore, #tpu.memory_space<semaphore_mem>>
      %dma_start3A_57 = tpu.memref_slice %arg3[%add3A_42] : memref<100352xi32, #tpu.memory_space<hbm>> -> memref<448xi32, #tpu.memory_space<hbm>>
      %dma_start3A_58 = tpu.memref_slice %arg3[%add3A_42] : memref<100352xi32, #tpu.memory_space<hbm>> -> memref<448xi32, #tpu.memory_space<hbm>>
      tpu.enqueue_dma source(%dma_start3A_58 : memref<448xi32, #tpu.memory_space<hbm>>) target(%arg5 : memref<448xi32, #tpu.memory_space<vmem>>) target_semaphore(%run_scoped3A : memref<!tpu.dma_semaphore, #tpu.memory_space<semaphore_mem>>)
      %dma_wait3A_59 = tpu.memref_slice %arg3[%add3A_42] : memref<100352xi32, #tpu.memory_space<hbm>> -> memref<448xi32, #tpu.memory_space<hbm>>
      %dma_wait3A_60 = tpu.memref_slice %arg3[%add3A_42] : memref<100352xi32, #tpu.memory_space<hbm>> -> memref<448xi32, #tpu.memory_space<hbm>>
      tpu.wait_dma2 semaphore(%run_scoped3A : memref<!tpu.dma_semaphore, #tpu.memory_space<semaphore_mem>>) src(%dma_wait3A_60 : memref<448xi32, #tpu.memory_space<hbm>>) dst(%arg5 : memref<448xi32, #tpu.memory_space<vmem>>)
      tpu.yield
    }) : () -> ()
    %dma_start3A_43 = arith.constant 0 : i32
    %dma_start3A_44 = arith.constant 0 : i32
    %dma_start3A_45 = tpu.memref_slice %arg2[%dma_start3A_43, %dma_start3A_44] : memref<100000x128xf32, #tpu.memory_space<hbm>> -> memref<100000x128xf32, #tpu.memory_space<hbm>>
    tpu.enqueue_indirect_dma source(%dma_start3A_45 : memref<100000x128xf32, #tpu.memory_space<hbm>>) target(%arg6 : memref<448x128xf32, #tpu.memory_space<vmem>>) offsets(%arg5 : memref<448xi32, #tpu.memory_space<vmem>>) semaphore(%arg7 : memref<!tpu.dma_semaphore, #tpu.memory_space<semaphore_mem>>)
    %dma_wait3A_46 = arith.constant 0 : i32
    %dma_wait3A_47 = arith.constant 0 : i32
    %dma_wait3A_48 = tpu.memref_slice %arg2[%dma_wait3A_46, %dma_wait3A_47] : memref<100000x128xf32, #tpu.memory_space<hbm>> -> memref<100000x128xf32, #tpu.memory_space<hbm>>
    tpu.wait_indirect_dma semaphore(%arg7 : memref<!tpu.dma_semaphore, #tpu.memory_space<semaphore_mem>>) src(%dma_wait3A_48 : memref<100000x128xf32, #tpu.memory_space<hbm>>) dst(%arg6 : memref<448x128xf32, #tpu.memory_space<vmem>>)
    "tpu.region"() ({
      %run_scoped3A = tpu.sem_alloc : memref<!tpu.dma_semaphore, #tpu.memory_space<semaphore_mem>>
      %dma_start3A_57 = arith.constant 0 : i32
      %dma_start3A_58 = tpu.memref_slice %arg4[%add3A_42, %dma_start3A_57] : memref<100352x128xf32, #tpu.memory_space<hbm>> -> memref<448x128xf32, #tpu.memory_space<hbm>>
      %dma_start3A_59 = arith.constant 0 : i32
      %dma_start3A_60 = tpu.memref_slice %arg4[%add3A_42, %dma_start3A_59] : memref<100352x128xf32, #tpu.memory_space<hbm>> -> memref<448x128xf32, #tpu.memory_space<hbm>>
      tpu.enqueue_dma source(%arg6 : memref<448x128xf32, #tpu.memory_space<vmem>>) target(%dma_start3A_60 : memref<448x128xf32, #tpu.memory_space<hbm>>) target_semaphore(%run_scoped3A : memref<!tpu.dma_semaphore, #tpu.memory_space<semaphore_mem>>)
      %dma_wait3A_61 = arith.constant 0 : i32
      %dma_wait3A_62 = tpu.memref_slice %arg4[%add3A_42, %dma_wait3A_61] : memref<100352x128xf32, #tpu.memory_space<hbm>> -> memref<448x128xf32, #tpu.memory_space<hbm>>
      %dma_wait3A_63 = arith.constant 0 : i32
      %dma_wait3A_64 = tpu.memref_slice %arg4[%add3A_42, %dma_wait3A_63] : memref<100352x128xf32, #tpu.memory_space<hbm>> -> memref<448x128xf32, #tpu.memory_space<hbm>>
      tpu.wait_dma2 semaphore(%run_scoped3A : memref<!tpu.dma_semaphore, #tpu.memory_space<semaphore_mem>>) src(%arg6 : memref<448x128xf32, #tpu.memory_space<vmem>>) dst(%dma_wait3A_64 : memref<448x128xf32, #tpu.memory_space<hbm>>)
      tpu.yield
    }) : () -> ()
    %add3A_49 = arith.constant 2688 : i32
    %add3A_50 = arith.addi %mul3A_2, %add3A_49 : i32
    "tpu.region"() ({
      %run_scoped3A = tpu.sem_alloc : memref<!tpu.dma_semaphore, #tpu.memory_space<semaphore_mem>>
      %dma_start3A_57 = tpu.memref_slice %arg3[%add3A_50] : memref<100352xi32, #tpu.memory_space<hbm>> -> memref<448xi32, #tpu.memory_space<hbm>>
      %dma_start3A_58 = tpu.memref_slice %arg3[%add3A_50] : memref<100352xi32, #tpu.memory_space<hbm>> -> memref<448xi32, #tpu.memory_space<hbm>>
      tpu.enqueue_dma source(%dma_start3A_58 : memref<448xi32, #tpu.memory_space<hbm>>) target(%arg5 : memref<448xi32, #tpu.memory_space<vmem>>) target_semaphore(%run_scoped3A : memref<!tpu.dma_semaphore, #tpu.memory_space<semaphore_mem>>)
      %dma_wait3A_59 = tpu.memref_slice %arg3[%add3A_50] : memref<100352xi32, #tpu.memory_space<hbm>> -> memref<448xi32, #tpu.memory_space<hbm>>
      %dma_wait3A_60 = tpu.memref_slice %arg3[%add3A_50] : memref<100352xi32, #tpu.memory_space<hbm>> -> memref<448xi32, #tpu.memory_space<hbm>>
      tpu.wait_dma2 semaphore(%run_scoped3A : memref<!tpu.dma_semaphore, #tpu.memory_space<semaphore_mem>>) src(%dma_wait3A_60 : memref<448xi32, #tpu.memory_space<hbm>>) dst(%arg5 : memref<448xi32, #tpu.memory_space<vmem>>)
      tpu.yield
    }) : () -> ()
    %dma_start3A_51 = arith.constant 0 : i32
    %dma_start3A_52 = arith.constant 0 : i32
    %dma_start3A_53 = tpu.memref_slice %arg2[%dma_start3A_51, %dma_start3A_52] : memref<100000x128xf32, #tpu.memory_space<hbm>> -> memref<100000x128xf32, #tpu.memory_space<hbm>>
    tpu.enqueue_indirect_dma source(%dma_start3A_53 : memref<100000x128xf32, #tpu.memory_space<hbm>>) target(%arg6 : memref<448x128xf32, #tpu.memory_space<vmem>>) offsets(%arg5 : memref<448xi32, #tpu.memory_space<vmem>>) semaphore(%arg7 : memref<!tpu.dma_semaphore, #tpu.memory_space<semaphore_mem>>)
    %dma_wait3A_54 = arith.constant 0 : i32
    %dma_wait3A_55 = arith.constant 0 : i32
    %dma_wait3A_56 = tpu.memref_slice %arg2[%dma_wait3A_54, %dma_wait3A_55] : memref<100000x128xf32, #tpu.memory_space<hbm>> -> memref<100000x128xf32, #tpu.memory_space<hbm>>
    tpu.wait_indirect_dma semaphore(%arg7 : memref<!tpu.dma_semaphore, #tpu.memory_space<semaphore_mem>>) src(%dma_wait3A_56 : memref<100000x128xf32, #tpu.memory_space<hbm>>) dst(%arg6 : memref<448x128xf32, #tpu.memory_space<vmem>>)
    "tpu.region"() ({
      %run_scoped3A = tpu.sem_alloc : memref<!tpu.dma_semaphore, #tpu.memory_space<semaphore_mem>>
      %dma_start3A_57 = arith.constant 0 : i32
      %dma_start3A_58 = tpu.memref_slice %arg4[%add3A_50, %dma_start3A_57] : memref<100352x128xf32, #tpu.memory_space<hbm>> -> memref<448x128xf32, #tpu.memory_space<hbm>>
      %dma_start3A_59 = arith.constant 0 : i32
      %dma_start3A_60 = tpu.memref_slice %arg4[%add3A_50, %dma_start3A_59] : memref<100352x128xf32, #tpu.memory_space<hbm>> -> memref<448x128xf32, #tpu.memory_space<hbm>>
      tpu.enqueue_dma source(%arg6 : memref<448x128xf32, #tpu.memory_space<vmem>>) target(%dma_start3A_60 : memref<448x128xf32, #tpu.memory_space<hbm>>) target_semaphore(%run_scoped3A : memref<!tpu.dma_semaphore, #tpu.memory_space<semaphore_mem>>)
      %dma_wait3A_61 = arith.constant 0 : i32
      %dma_wait3A_62 = tpu.memref_slice %arg4[%add3A_50, %dma_wait3A_61] : memref<100352x128xf32, #tpu.memory_space<hbm>> -> memref<448x128xf32, #tpu.memory_space<hbm>>
      %dma_wait3A_63 = arith.constant 0 : i32
      %dma_wait3A_64 = tpu.memref_slice %arg4[%add3A_50, %dma_wait3A_63] : memref<100352x128xf32, #tpu.memory_space<hbm>> -> memref<448x128xf32, #tpu.memory_space<hbm>>
      tpu.wait_dma2 semaphore(%run_scoped3A : memref<!tpu.dma_semaphore, #tpu.memory_space<semaphore_mem>>) src(%arg6 : memref<448x128xf32, #tpu.memory_space<vmem>>) dst(%dma_wait3A_64 : memref<448x128xf32, #tpu.memory_space<hbm>>)
      tpu.yield
    }) : () -> ()
    return
  }
}

#map = affine_map<(d0, d1) -> (0, 0)>
#map1 = affine_map<(d0, d1) -> (0)>
module attributes {stable_mosaic.version = 14 : i64} {
  func.func @gk(%arg0: i32, %arg1: i32, %arg2: memref<100352x128xf32, #tpu.memory_space<hbm>>, %arg3: memref<100352xi32, #tpu.memory_space<hbm>>, %arg4: memref<100352x128xf32, #tpu.memory_space<hbm>>, %arg5: memref<448xi32, #tpu.memory_space<vmem>>, %arg6: memref<448x128xf32, #tpu.memory_space<vmem>>, %arg7: memref<!tpu.dma_semaphore, #tpu.memory_space<semaphore_mem>>) attributes {dimension_semantics = [#tpu.dimension_semantics<core_parallel>, #tpu.dimension_semantics<subcore_parallel>], iteration_bounds = array<i64: 2, 16>, scalar_prefetch = 0 : i64, scratch_operands = 3 : i64, tpu.core_type = #tpu.core_type<sc_vector_subcore>, window_params = [{transform_indices = #map}, {transform_indices = #map1}, {transform_indices = #map}]} {
    %mul3A = arith.constant 2 : i32
    %mul3A_0 = arith.muli %arg1, %mul3A : i32
    %add3A = arith.addi %mul3A_0, %arg0 : i32
    %mul3A_1 = arith.constant 3136 : i32
    %mul3A_2 = arith.muli %add3A, %mul3A_1 : i32
    %add3A_3 = arith.constant 0 : i32
    %add3A_4 = arith.addi %mul3A_2, %add3A_3 : i32
    "tpu.region"() ({
      %run_scoped3A = tpu.sem_alloc : memref<!tpu.dma_semaphore, #tpu.memory_space<semaphore_mem>>
      %dma_start3A_57 = tpu.memref_slice %arg3[%add3A_4] : memref<100352xi32, #tpu.memory_space<hbm>> -> memref<448xi32, #tpu.memory_space<hbm>>
      %dma_start3A_58 = tpu.memref_slice %arg3[%add3A_4] : memref<100352xi32, #tpu.memory_space<hbm>> -> memref<448xi32, #tpu.memory_space<hbm>>
      tpu.enqueue_dma source(%dma_start3A_58 : memref<448xi32, #tpu.memory_space<hbm>>) target(%arg5 : memref<448xi32, #tpu.memory_space<vmem>>) target_semaphore(%run_scoped3A : memref<!tpu.dma_semaphore, #tpu.memory_space<semaphore_mem>>)
      %dma_wait3A_59 = tpu.memref_slice %arg3[%add3A_4] : memref<100352xi32, #tpu.memory_space<hbm>> -> memref<448xi32, #tpu.memory_space<hbm>>
      %dma_wait3A_60 = tpu.memref_slice %arg3[%add3A_4] : memref<100352xi32, #tpu.memory_space<hbm>> -> memref<448xi32, #tpu.memory_space<hbm>>
      tpu.wait_dma2 semaphore(%run_scoped3A : memref<!tpu.dma_semaphore, #tpu.memory_space<semaphore_mem>>) src(%dma_wait3A_60 : memref<448xi32, #tpu.memory_space<hbm>>) dst(%arg5 : memref<448xi32, #tpu.memory_space<vmem>>)
      tpu.yield
    }) : () -> ()
    %dma_start3A = arith.constant 0 : i32
    %dma_start3A_5 = arith.constant 0 : i32
    %dma_start3A_6 = tpu.memref_slice %arg2[%dma_start3A, %dma_start3A_5] : memref<100352x128xf32, #tpu.memory_space<hbm>> -> memref<100352x128xf32, #tpu.memory_space<hbm>>
    tpu.enqueue_indirect_dma source(%dma_start3A_6 : memref<100352x128xf32, #tpu.memory_space<hbm>>) target(%arg6 : memref<448x128xf32, #tpu.memory_space<vmem>>) offsets(%arg5 : memref<448xi32, #tpu.memory_space<vmem>>) semaphore(%arg7 : memref<!tpu.dma_semaphore, #tpu.memory_space<semaphore_mem>>)
    %dma_wait3A = arith.constant 0 : i32
    %dma_wait3A_7 = arith.constant 0 : i32
    %dma_wait3A_8 = tpu.memref_slice %arg2[%dma_wait3A, %dma_wait3A_7] : memref<100352x128xf32, #tpu.memory_space<hbm>> -> memref<100352x128xf32, #tpu.memory_space<hbm>>
    tpu.wait_indirect_dma semaphore(%arg7 : memref<!tpu.dma_semaphore, #tpu.memory_space<semaphore_mem>>) src(%dma_wait3A_8 : memref<100352x128xf32, #tpu.memory_space<hbm>>) dst(%arg6 : memref<448x128xf32, #tpu.memory_space<vmem>>)
    "tpu.region"() ({
      %run_scoped3A = tpu.sem_alloc : memref<!tpu.dma_semaphore, #tpu.memory_space<semaphore_mem>>
      %dma_start3A_57 = arith.constant 0 : i32
      %dma_start3A_58 = tpu.memref_slice %arg4[%add3A_4, %dma_start3A_57] : memref<100352x128xf32, #tpu.memory_space<hbm>> -> memref<448x128xf32, #tpu.memory_space<hbm>>
      %dma_start3A_59 = arith.constant 0 : i32
      %dma_start3A_60 = tpu.memref_slice %arg4[%add3A_4, %dma_start3A_59] : memref<100352x128xf32, #tpu.memory_space<hbm>> -> memref<448x128xf32, #tpu.memory_space<hbm>>
      tpu.enqueue_dma source(%arg6 : memref<448x128xf32, #tpu.memory_space<vmem>>) target(%dma_start3A_60 : memref<448x128xf32, #tpu.memory_space<hbm>>) target_semaphore(%run_scoped3A : memref<!tpu.dma_semaphore, #tpu.memory_space<semaphore_mem>>)
      %dma_wait3A_61 = arith.constant 0 : i32
      %dma_wait3A_62 = tpu.memref_slice %arg4[%add3A_4, %dma_wait3A_61] : memref<100352x128xf32, #tpu.memory_space<hbm>> -> memref<448x128xf32, #tpu.memory_space<hbm>>
      %dma_wait3A_63 = arith.constant 0 : i32
      %dma_wait3A_64 = tpu.memref_slice %arg4[%add3A_4, %dma_wait3A_63] : memref<100352x128xf32, #tpu.memory_space<hbm>> -> memref<448x128xf32, #tpu.memory_space<hbm>>
      tpu.wait_dma2 semaphore(%run_scoped3A : memref<!tpu.dma_semaphore, #tpu.memory_space<semaphore_mem>>) src(%arg6 : memref<448x128xf32, #tpu.memory_space<vmem>>) dst(%dma_wait3A_64 : memref<448x128xf32, #tpu.memory_space<hbm>>)
      tpu.yield
    }) : () -> ()
    %add3A_9 = arith.constant 448 : i32
    %add3A_10 = arith.addi %mul3A_2, %add3A_9 : i32
    "tpu.region"() ({
      %run_scoped3A = tpu.sem_alloc : memref<!tpu.dma_semaphore, #tpu.memory_space<semaphore_mem>>
      %dma_start3A_57 = tpu.memref_slice %arg3[%add3A_10] : memref<100352xi32, #tpu.memory_space<hbm>> -> memref<448xi32, #tpu.memory_space<hbm>>
      %dma_start3A_58 = tpu.memref_slice %arg3[%add3A_10] : memref<100352xi32, #tpu.memory_space<hbm>> -> memref<448xi32, #tpu.memory_space<hbm>>
      tpu.enqueue_dma source(%dma_start3A_58 : memref<448xi32, #tpu.memory_space<hbm>>) target(%arg5 : memref<448xi32, #tpu.memory_space<vmem>>) target_semaphore(%run_scoped3A : memref<!tpu.dma_semaphore, #tpu.memory_space<semaphore_mem>>)
      %dma_wait3A_59 = tpu.memref_slice %arg3[%add3A_10] : memref<100352xi32, #tpu.memory_space<hbm>> -> memref<448xi32, #tpu.memory_space<hbm>>
      %dma_wait3A_60 = tpu.memref_slice %arg3[%add3A_10] : memref<100352xi32, #tpu.memory_space<hbm>> -> memref<448xi32, #tpu.memory_space<hbm>>
      tpu.wait_dma2 semaphore(%run_scoped3A : memref<!tpu.dma_semaphore, #tpu.memory_space<semaphore_mem>>) src(%dma_wait3A_60 : memref<448xi32, #tpu.memory_space<hbm>>) dst(%arg5 : memref<448xi32, #tpu.memory_space<vmem>>)
      tpu.yield
    }) : () -> ()
    %dma_start3A_11 = arith.constant 0 : i32
    %dma_start3A_12 = arith.constant 0 : i32
    %dma_start3A_13 = tpu.memref_slice %arg2[%dma_start3A_11, %dma_start3A_12] : memref<100352x128xf32, #tpu.memory_space<hbm>> -> memref<100352x128xf32, #tpu.memory_space<hbm>>
    tpu.enqueue_indirect_dma source(%dma_start3A_13 : memref<100352x128xf32, #tpu.memory_space<hbm>>) target(%arg6 : memref<448x128xf32, #tpu.memory_space<vmem>>) offsets(%arg5 : memref<448xi32, #tpu.memory_space<vmem>>) semaphore(%arg7 : memref<!tpu.dma_semaphore, #tpu.memory_space<semaphore_mem>>)
    %dma_wait3A_14 = arith.constant 0 : i32
    %dma_wait3A_15 = arith.constant 0 : i32
    %dma_wait3A_16 = tpu.memref_slice %arg2[%dma_wait3A_14, %dma_wait3A_15] : memref<100352x128xf32, #tpu.memory_space<hbm>> -> memref<100352x128xf32, #tpu.memory_space<hbm>>
    tpu.wait_indirect_dma semaphore(%arg7 : memref<!tpu.dma_semaphore, #tpu.memory_space<semaphore_mem>>) src(%dma_wait3A_16 : memref<100352x128xf32, #tpu.memory_space<hbm>>) dst(%arg6 : memref<448x128xf32, #tpu.memory_space<vmem>>)
    "tpu.region"() ({
      %run_scoped3A = tpu.sem_alloc : memref<!tpu.dma_semaphore, #tpu.memory_space<semaphore_mem>>
      %dma_start3A_57 = arith.constant 0 : i32
      %dma_start3A_58 = tpu.memref_slice %arg4[%add3A_10, %dma_start3A_57] : memref<100352x128xf32, #tpu.memory_space<hbm>> -> memref<448x128xf32, #tpu.memory_space<hbm>>
      %dma_start3A_59 = arith.constant 0 : i32
      %dma_start3A_60 = tpu.memref_slice %arg4[%add3A_10, %dma_start3A_59] : memref<100352x128xf32, #tpu.memory_space<hbm>> -> memref<448x128xf32, #tpu.memory_space<hbm>>
      tpu.enqueue_dma source(%arg6 : memref<448x128xf32, #tpu.memory_space<vmem>>) target(%dma_start3A_60 : memref<448x128xf32, #tpu.memory_space<hbm>>) target_semaphore(%run_scoped3A : memref<!tpu.dma_semaphore, #tpu.memory_space<semaphore_mem>>)
      %dma_wait3A_61 = arith.constant 0 : i32
      %dma_wait3A_62 = tpu.memref_slice %arg4[%add3A_10, %dma_wait3A_61] : memref<100352x128xf32, #tpu.memory_space<hbm>> -> memref<448x128xf32, #tpu.memory_space<hbm>>
      %dma_wait3A_63 = arith.constant 0 : i32
      %dma_wait3A_64 = tpu.memref_slice %arg4[%add3A_10, %dma_wait3A_63] : memref<100352x128xf32, #tpu.memory_space<hbm>> -> memref<448x128xf32, #tpu.memory_space<hbm>>
      tpu.wait_dma2 semaphore(%run_scoped3A : memref<!tpu.dma_semaphore, #tpu.memory_space<semaphore_mem>>) src(%arg6 : memref<448x128xf32, #tpu.memory_space<vmem>>) dst(%dma_wait3A_64 : memref<448x128xf32, #tpu.memory_space<hbm>>)
      tpu.yield
    }) : () -> ()
    %add3A_17 = arith.constant 896 : i32
    %add3A_18 = arith.addi %mul3A_2, %add3A_17 : i32
    "tpu.region"() ({
      %run_scoped3A = tpu.sem_alloc : memref<!tpu.dma_semaphore, #tpu.memory_space<semaphore_mem>>
      %dma_start3A_57 = tpu.memref_slice %arg3[%add3A_18] : memref<100352xi32, #tpu.memory_space<hbm>> -> memref<448xi32, #tpu.memory_space<hbm>>
      %dma_start3A_58 = tpu.memref_slice %arg3[%add3A_18] : memref<100352xi32, #tpu.memory_space<hbm>> -> memref<448xi32, #tpu.memory_space<hbm>>
      tpu.enqueue_dma source(%dma_start3A_58 : memref<448xi32, #tpu.memory_space<hbm>>) target(%arg5 : memref<448xi32, #tpu.memory_space<vmem>>) target_semaphore(%run_scoped3A : memref<!tpu.dma_semaphore, #tpu.memory_space<semaphore_mem>>)
      %dma_wait3A_59 = tpu.memref_slice %arg3[%add3A_18] : memref<100352xi32, #tpu.memory_space<hbm>> -> memref<448xi32, #tpu.memory_space<hbm>>
      %dma_wait3A_60 = tpu.memref_slice %arg3[%add3A_18] : memref<100352xi32, #tpu.memory_space<hbm>> -> memref<448xi32, #tpu.memory_space<hbm>>
      tpu.wait_dma2 semaphore(%run_scoped3A : memref<!tpu.dma_semaphore, #tpu.memory_space<semaphore_mem>>) src(%dma_wait3A_60 : memref<448xi32, #tpu.memory_space<hbm>>) dst(%arg5 : memref<448xi32, #tpu.memory_space<vmem>>)
      tpu.yield
    }) : () -> ()
    %dma_start3A_19 = arith.constant 0 : i32
    %dma_start3A_20 = arith.constant 0 : i32
    %dma_start3A_21 = tpu.memref_slice %arg2[%dma_start3A_19, %dma_start3A_20] : memref<100352x128xf32, #tpu.memory_space<hbm>> -> memref<100352x128xf32, #tpu.memory_space<hbm>>
    tpu.enqueue_indirect_dma source(%dma_start3A_21 : memref<100352x128xf32, #tpu.memory_space<hbm>>) target(%arg6 : memref<448x128xf32, #tpu.memory_space<vmem>>) offsets(%arg5 : memref<448xi32, #tpu.memory_space<vmem>>) semaphore(%arg7 : memref<!tpu.dma_semaphore, #tpu.memory_space<semaphore_mem>>)
    %dma_wait3A_22 = arith.constant 0 : i32
    %dma_wait3A_23 = arith.constant 0 : i32
    %dma_wait3A_24 = tpu.memref_slice %arg2[%dma_wait3A_22, %dma_wait3A_23] : memref<100352x128xf32, #tpu.memory_space<hbm>> -> memref<100352x128xf32, #tpu.memory_space<hbm>>
    tpu.wait_indirect_dma semaphore(%arg7 : memref<!tpu.dma_semaphore, #tpu.memory_space<semaphore_mem>>) src(%dma_wait3A_24 : memref<100352x128xf32, #tpu.memory_space<hbm>>) dst(%arg6 : memref<448x128xf32, #tpu.memory_space<vmem>>)
    "tpu.region"() ({
      %run_scoped3A = tpu.sem_alloc : memref<!tpu.dma_semaphore, #tpu.memory_space<semaphore_mem>>
      %dma_start3A_57 = arith.constant 0 : i32
      %dma_start3A_58 = tpu.memref_slice %arg4[%add3A_18, %dma_start3A_57] : memref<100352x128xf32, #tpu.memory_space<hbm>> -> memref<448x128xf32, #tpu.memory_space<hbm>>
      %dma_start3A_59 = arith.constant 0 : i32
      %dma_start3A_60 = tpu.memref_slice %arg4[%add3A_18, %dma_start3A_59] : memref<100352x128xf32, #tpu.memory_space<hbm>> -> memref<448x128xf32, #tpu.memory_space<hbm>>
      tpu.enqueue_dma source(%arg6 : memref<448x128xf32, #tpu.memory_space<vmem>>) target(%dma_start3A_60 : memref<448x128xf32, #tpu.memory_space<hbm>>) target_semaphore(%run_scoped3A : memref<!tpu.dma_semaphore, #tpu.memory_space<semaphore_mem>>)
      %dma_wait3A_61 = arith.constant 0 : i32
      %dma_wait3A_62 = tpu.memref_slice %arg4[%add3A_18, %dma_wait3A_61] : memref<100352x128xf32, #tpu.memory_space<hbm>> -> memref<448x128xf32, #tpu.memory_space<hbm>>
      %dma_wait3A_63 = arith.constant 0 : i32
      %dma_wait3A_64 = tpu.memref_slice %arg4[%add3A_18, %dma_wait3A_63] : memref<100352x128xf32, #tpu.memory_space<hbm>> -> memref<448x128xf32, #tpu.memory_space<hbm>>
      tpu.wait_dma2 semaphore(%run_scoped3A : memref<!tpu.dma_semaphore, #tpu.memory_space<semaphore_mem>>) src(%arg6 : memref<448x128xf32, #tpu.memory_space<vmem>>) dst(%dma_wait3A_64 : memref<448x128xf32, #tpu.memory_space<hbm>>)
      tpu.yield
    }) : () -> ()
    %add3A_25 = arith.constant 1344 : i32
    %add3A_26 = arith.addi %mul3A_2, %add3A_25 : i32
    "tpu.region"() ({
      %run_scoped3A = tpu.sem_alloc : memref<!tpu.dma_semaphore, #tpu.memory_space<semaphore_mem>>
      %dma_start3A_57 = tpu.memref_slice %arg3[%add3A_26] : memref<100352xi32, #tpu.memory_space<hbm>> -> memref<448xi32, #tpu.memory_space<hbm>>
      %dma_start3A_58 = tpu.memref_slice %arg3[%add3A_26] : memref<100352xi32, #tpu.memory_space<hbm>> -> memref<448xi32, #tpu.memory_space<hbm>>
      tpu.enqueue_dma source(%dma_start3A_58 : memref<448xi32, #tpu.memory_space<hbm>>) target(%arg5 : memref<448xi32, #tpu.memory_space<vmem>>) target_semaphore(%run_scoped3A : memref<!tpu.dma_semaphore, #tpu.memory_space<semaphore_mem>>)
      %dma_wait3A_59 = tpu.memref_slice %arg3[%add3A_26] : memref<100352xi32, #tpu.memory_space<hbm>> -> memref<448xi32, #tpu.memory_space<hbm>>
      %dma_wait3A_60 = tpu.memref_slice %arg3[%add3A_26] : memref<100352xi32, #tpu.memory_space<hbm>> -> memref<448xi32, #tpu.memory_space<hbm>>
      tpu.wait_dma2 semaphore(%run_scoped3A : memref<!tpu.dma_semaphore, #tpu.memory_space<semaphore_mem>>) src(%dma_wait3A_60 : memref<448xi32, #tpu.memory_space<hbm>>) dst(%arg5 : memref<448xi32, #tpu.memory_space<vmem>>)
      tpu.yield
    }) : () -> ()
    %dma_start3A_27 = arith.constant 0 : i32
    %dma_start3A_28 = arith.constant 0 : i32
    %dma_start3A_29 = tpu.memref_slice %arg2[%dma_start3A_27, %dma_start3A_28] : memref<100352x128xf32, #tpu.memory_space<hbm>> -> memref<100352x128xf32, #tpu.memory_space<hbm>>
    tpu.enqueue_indirect_dma source(%dma_start3A_29 : memref<100352x128xf32, #tpu.memory_space<hbm>>) target(%arg6 : memref<448x128xf32, #tpu.memory_space<vmem>>) offsets(%arg5 : memref<448xi32, #tpu.memory_space<vmem>>) semaphore(%arg7 : memref<!tpu.dma_semaphore, #tpu.memory_space<semaphore_mem>>)
    %dma_wait3A_30 = arith.constant 0 : i32
    %dma_wait3A_31 = arith.constant 0 : i32
    %dma_wait3A_32 = tpu.memref_slice %arg2[%dma_wait3A_30, %dma_wait3A_31] : memref<100352x128xf32, #tpu.memory_space<hbm>> -> memref<100352x128xf32, #tpu.memory_space<hbm>>
    tpu.wait_indirect_dma semaphore(%arg7 : memref<!tpu.dma_semaphore, #tpu.memory_space<semaphore_mem>>) src(%dma_wait3A_32 : memref<100352x128xf32, #tpu.memory_space<hbm>>) dst(%arg6 : memref<448x128xf32, #tpu.memory_space<vmem>>)
    "tpu.region"() ({
      %run_scoped3A = tpu.sem_alloc : memref<!tpu.dma_semaphore, #tpu.memory_space<semaphore_mem>>
      %dma_start3A_57 = arith.constant 0 : i32
      %dma_start3A_58 = tpu.memref_slice %arg4[%add3A_26, %dma_start3A_57] : memref<100352x128xf32, #tpu.memory_space<hbm>> -> memref<448x128xf32, #tpu.memory_space<hbm>>
      %dma_start3A_59 = arith.constant 0 : i32
      %dma_start3A_60 = tpu.memref_slice %arg4[%add3A_26, %dma_start3A_59] : memref<100352x128xf32, #tpu.memory_space<hbm>> -> memref<448x128xf32, #tpu.memory_space<hbm>>
      tpu.enqueue_dma source(%arg6 : memref<448x128xf32, #tpu.memory_space<vmem>>) target(%dma_start3A_60 : memref<448x128xf32, #tpu.memory_space<hbm>>) target_semaphore(%run_scoped3A : memref<!tpu.dma_semaphore, #tpu.memory_space<semaphore_mem>>)
      %dma_wait3A_61 = arith.constant 0 : i32
      %dma_wait3A_62 = tpu.memref_slice %arg4[%add3A_26, %dma_wait3A_61] : memref<100352x128xf32, #tpu.memory_space<hbm>> -> memref<448x128xf32, #tpu.memory_space<hbm>>
      %dma_wait3A_63 = arith.constant 0 : i32
      %dma_wait3A_64 = tpu.memref_slice %arg4[%add3A_26, %dma_wait3A_63] : memref<100352x128xf32, #tpu.memory_space<hbm>> -> memref<448x128xf32, #tpu.memory_space<hbm>>
      tpu.wait_dma2 semaphore(%run_scoped3A : memref<!tpu.dma_semaphore, #tpu.memory_space<semaphore_mem>>) src(%arg6 : memref<448x128xf32, #tpu.memory_space<vmem>>) dst(%dma_wait3A_64 : memref<448x128xf32, #tpu.memory_space<hbm>>)
      tpu.yield
    }) : () -> ()
    %add3A_33 = arith.constant 1792 : i32
    %add3A_34 = arith.addi %mul3A_2, %add3A_33 : i32
    "tpu.region"() ({
      %run_scoped3A = tpu.sem_alloc : memref<!tpu.dma_semaphore, #tpu.memory_space<semaphore_mem>>
      %dma_start3A_57 = tpu.memref_slice %arg3[%add3A_34] : memref<100352xi32, #tpu.memory_space<hbm>> -> memref<448xi32, #tpu.memory_space<hbm>>
      %dma_start3A_58 = tpu.memref_slice %arg3[%add3A_34] : memref<100352xi32, #tpu.memory_space<hbm>> -> memref<448xi32, #tpu.memory_space<hbm>>
      tpu.enqueue_dma source(%dma_start3A_58 : memref<448xi32, #tpu.memory_space<hbm>>) target(%arg5 : memref<448xi32, #tpu.memory_space<vmem>>) target_semaphore(%run_scoped3A : memref<!tpu.dma_semaphore, #tpu.memory_space<semaphore_mem>>)
      %dma_wait3A_59 = tpu.memref_slice %arg3[%add3A_34] : memref<100352xi32, #tpu.memory_space<hbm>> -> memref<448xi32, #tpu.memory_space<hbm>>
      %dma_wait3A_60 = tpu.memref_slice %arg3[%add3A_34] : memref<100352xi32, #tpu.memory_space<hbm>> -> memref<448xi32, #tpu.memory_space<hbm>>
      tpu.wait_dma2 semaphore(%run_scoped3A : memref<!tpu.dma_semaphore, #tpu.memory_space<semaphore_mem>>) src(%dma_wait3A_60 : memref<448xi32, #tpu.memory_space<hbm>>) dst(%arg5 : memref<448xi32, #tpu.memory_space<vmem>>)
      tpu.yield
    }) : () -> ()
    %dma_start3A_35 = arith.constant 0 : i32
    %dma_start3A_36 = arith.constant 0 : i32
    %dma_start3A_37 = tpu.memref_slice %arg2[%dma_start3A_35, %dma_start3A_36] : memref<100352x128xf32, #tpu.memory_space<hbm>> -> memref<100352x128xf32, #tpu.memory_space<hbm>>
    tpu.enqueue_indirect_dma source(%dma_start3A_37 : memref<100352x128xf32, #tpu.memory_space<hbm>>) target(%arg6 : memref<448x128xf32, #tpu.memory_space<vmem>>) offsets(%arg5 : memref<448xi32, #tpu.memory_space<vmem>>) semaphore(%arg7 : memref<!tpu.dma_semaphore, #tpu.memory_space<semaphore_mem>>)
    %dma_wait3A_38 = arith.constant 0 : i32
    %dma_wait3A_39 = arith.constant 0 : i32
    %dma_wait3A_40 = tpu.memref_slice %arg2[%dma_wait3A_38, %dma_wait3A_39] : memref<100352x128xf32, #tpu.memory_space<hbm>> -> memref<100352x128xf32, #tpu.memory_space<hbm>>
    tpu.wait_indirect_dma semaphore(%arg7 : memref<!tpu.dma_semaphore, #tpu.memory_space<semaphore_mem>>) src(%dma_wait3A_40 : memref<100352x128xf32, #tpu.memory_space<hbm>>) dst(%arg6 : memref<448x128xf32, #tpu.memory_space<vmem>>)
    "tpu.region"() ({
      %run_scoped3A = tpu.sem_alloc : memref<!tpu.dma_semaphore, #tpu.memory_space<semaphore_mem>>
      %dma_start3A_57 = arith.constant 0 : i32
      %dma_start3A_58 = tpu.memref_slice %arg4[%add3A_34, %dma_start3A_57] : memref<100352x128xf32, #tpu.memory_space<hbm>> -> memref<448x128xf32, #tpu.memory_space<hbm>>
      %dma_start3A_59 = arith.constant 0 : i32
      %dma_start3A_60 = tpu.memref_slice %arg4[%add3A_34, %dma_start3A_59] : memref<100352x128xf32, #tpu.memory_space<hbm>> -> memref<448x128xf32, #tpu.memory_space<hbm>>
      tpu.enqueue_dma source(%arg6 : memref<448x128xf32, #tpu.memory_space<vmem>>) target(%dma_start3A_60 : memref<448x128xf32, #tpu.memory_space<hbm>>) target_semaphore(%run_scoped3A : memref<!tpu.dma_semaphore, #tpu.memory_space<semaphore_mem>>)
      %dma_wait3A_61 = arith.constant 0 : i32
      %dma_wait3A_62 = tpu.memref_slice %arg4[%add3A_34, %dma_wait3A_61] : memref<100352x128xf32, #tpu.memory_space<hbm>> -> memref<448x128xf32, #tpu.memory_space<hbm>>
      %dma_wait3A_63 = arith.constant 0 : i32
      %dma_wait3A_64 = tpu.memref_slice %arg4[%add3A_34, %dma_wait3A_63] : memref<100352x128xf32, #tpu.memory_space<hbm>> -> memref<448x128xf32, #tpu.memory_space<hbm>>
      tpu.wait_dma2 semaphore(%run_scoped3A : memref<!tpu.dma_semaphore, #tpu.memory_space<semaphore_mem>>) src(%arg6 : memref<448x128xf32, #tpu.memory_space<vmem>>) dst(%dma_wait3A_64 : memref<448x128xf32, #tpu.memory_space<hbm>>)
      tpu.yield
    }) : () -> ()
    %add3A_41 = arith.constant 2240 : i32
    %add3A_42 = arith.addi %mul3A_2, %add3A_41 : i32
    "tpu.region"() ({
      %run_scoped3A = tpu.sem_alloc : memref<!tpu.dma_semaphore, #tpu.memory_space<semaphore_mem>>
      %dma_start3A_57 = tpu.memref_slice %arg3[%add3A_42] : memref<100352xi32, #tpu.memory_space<hbm>> -> memref<448xi32, #tpu.memory_space<hbm>>
      %dma_start3A_58 = tpu.memref_slice %arg3[%add3A_42] : memref<100352xi32, #tpu.memory_space<hbm>> -> memref<448xi32, #tpu.memory_space<hbm>>
      tpu.enqueue_dma source(%dma_start3A_58 : memref<448xi32, #tpu.memory_space<hbm>>) target(%arg5 : memref<448xi32, #tpu.memory_space<vmem>>) target_semaphore(%run_scoped3A : memref<!tpu.dma_semaphore, #tpu.memory_space<semaphore_mem>>)
      %dma_wait3A_59 = tpu.memref_slice %arg3[%add3A_42] : memref<100352xi32, #tpu.memory_space<hbm>> -> memref<448xi32, #tpu.memory_space<hbm>>
      %dma_wait3A_60 = tpu.memref_slice %arg3[%add3A_42] : memref<100352xi32, #tpu.memory_space<hbm>> -> memref<448xi32, #tpu.memory_space<hbm>>
      tpu.wait_dma2 semaphore(%run_scoped3A : memref<!tpu.dma_semaphore, #tpu.memory_space<semaphore_mem>>) src(%dma_wait3A_60 : memref<448xi32, #tpu.memory_space<hbm>>) dst(%arg5 : memref<448xi32, #tpu.memory_space<vmem>>)
      tpu.yield
    }) : () -> ()
    %dma_start3A_43 = arith.constant 0 : i32
    %dma_start3A_44 = arith.constant 0 : i32
    %dma_start3A_45 = tpu.memref_slice %arg2[%dma_start3A_43, %dma_start3A_44] : memref<100352x128xf32, #tpu.memory_space<hbm>> -> memref<100352x128xf32, #tpu.memory_space<hbm>>
    tpu.enqueue_indirect_dma source(%dma_start3A_45 : memref<100352x128xf32, #tpu.memory_space<hbm>>) target(%arg6 : memref<448x128xf32, #tpu.memory_space<vmem>>) offsets(%arg5 : memref<448xi32, #tpu.memory_space<vmem>>) semaphore(%arg7 : memref<!tpu.dma_semaphore, #tpu.memory_space<semaphore_mem>>)
    %dma_wait3A_46 = arith.constant 0 : i32
    %dma_wait3A_47 = arith.constant 0 : i32
    %dma_wait3A_48 = tpu.memref_slice %arg2[%dma_wait3A_46, %dma_wait3A_47] : memref<100352x128xf32, #tpu.memory_space<hbm>> -> memref<100352x128xf32, #tpu.memory_space<hbm>>
    tpu.wait_indirect_dma semaphore(%arg7 : memref<!tpu.dma_semaphore, #tpu.memory_space<semaphore_mem>>) src(%dma_wait3A_48 : memref<100352x128xf32, #tpu.memory_space<hbm>>) dst(%arg6 : memref<448x128xf32, #tpu.memory_space<vmem>>)
    "tpu.region"() ({
      %run_scoped3A = tpu.sem_alloc : memref<!tpu.dma_semaphore, #tpu.memory_space<semaphore_mem>>
      %dma_start3A_57 = arith.constant 0 : i32
      %dma_start3A_58 = tpu.memref_slice %arg4[%add3A_42, %dma_start3A_57] : memref<100352x128xf32, #tpu.memory_space<hbm>> -> memref<448x128xf32, #tpu.memory_space<hbm>>
      %dma_start3A_59 = arith.constant 0 : i32
      %dma_start3A_60 = tpu.memref_slice %arg4[%add3A_42, %dma_start3A_59] : memref<100352x128xf32, #tpu.memory_space<hbm>> -> memref<448x128xf32, #tpu.memory_space<hbm>>
      tpu.enqueue_dma source(%arg6 : memref<448x128xf32, #tpu.memory_space<vmem>>) target(%dma_start3A_60 : memref<448x128xf32, #tpu.memory_space<hbm>>) target_semaphore(%run_scoped3A : memref<!tpu.dma_semaphore, #tpu.memory_space<semaphore_mem>>)
      %dma_wait3A_61 = arith.constant 0 : i32
      %dma_wait3A_62 = tpu.memref_slice %arg4[%add3A_42, %dma_wait3A_61] : memref<100352x128xf32, #tpu.memory_space<hbm>> -> memref<448x128xf32, #tpu.memory_space<hbm>>
      %dma_wait3A_63 = arith.constant 0 : i32
      %dma_wait3A_64 = tpu.memref_slice %arg4[%add3A_42, %dma_wait3A_63] : memref<100352x128xf32, #tpu.memory_space<hbm>> -> memref<448x128xf32, #tpu.memory_space<hbm>>
      tpu.wait_dma2 semaphore(%run_scoped3A : memref<!tpu.dma_semaphore, #tpu.memory_space<semaphore_mem>>) src(%arg6 : memref<448x128xf32, #tpu.memory_space<vmem>>) dst(%dma_wait3A_64 : memref<448x128xf32, #tpu.memory_space<hbm>>)
      tpu.yield
    }) : () -> ()
    %add3A_49 = arith.constant 2688 : i32
    %add3A_50 = arith.addi %mul3A_2, %add3A_49 : i32
    "tpu.region"() ({
      %run_scoped3A = tpu.sem_alloc : memref<!tpu.dma_semaphore, #tpu.memory_space<semaphore_mem>>
      %dma_start3A_57 = tpu.memref_slice %arg3[%add3A_50] : memref<100352xi32, #tpu.memory_space<hbm>> -> memref<448xi32, #tpu.memory_space<hbm>>
      %dma_start3A_58 = tpu.memref_slice %arg3[%add3A_50] : memref<100352xi32, #tpu.memory_space<hbm>> -> memref<448xi32, #tpu.memory_space<hbm>>
      tpu.enqueue_dma source(%dma_start3A_58 : memref<448xi32, #tpu.memory_space<hbm>>) target(%arg5 : memref<448xi32, #tpu.memory_space<vmem>>) target_semaphore(%run_scoped3A : memref<!tpu.dma_semaphore, #tpu.memory_space<semaphore_mem>>)
      %dma_wait3A_59 = tpu.memref_slice %arg3[%add3A_50] : memref<100352xi32, #tpu.memory_space<hbm>> -> memref<448xi32, #tpu.memory_space<hbm>>
      %dma_wait3A_60 = tpu.memref_slice %arg3[%add3A_50] : memref<100352xi32, #tpu.memory_space<hbm>> -> memref<448xi32, #tpu.memory_space<hbm>>
      tpu.wait_dma2 semaphore(%run_scoped3A : memref<!tpu.dma_semaphore, #tpu.memory_space<semaphore_mem>>) src(%dma_wait3A_60 : memref<448xi32, #tpu.memory_space<hbm>>) dst(%arg5 : memref<448xi32, #tpu.memory_space<vmem>>)
      tpu.yield
    }) : () -> ()
    %dma_start3A_51 = arith.constant 0 : i32
    %dma_start3A_52 = arith.constant 0 : i32
    %dma_start3A_53 = tpu.memref_slice %arg2[%dma_start3A_51, %dma_start3A_52] : memref<100352x128xf32, #tpu.memory_space<hbm>> -> memref<100352x128xf32, #tpu.memory_space<hbm>>
    tpu.enqueue_indirect_dma source(%dma_start3A_53 : memref<100352x128xf32, #tpu.memory_space<hbm>>) target(%arg6 : memref<448x128xf32, #tpu.memory_space<vmem>>) offsets(%arg5 : memref<448xi32, #tpu.memory_space<vmem>>) semaphore(%arg7 : memref<!tpu.dma_semaphore, #tpu.memory_space<semaphore_mem>>)
    %dma_wait3A_54 = arith.constant 0 : i32
    %dma_wait3A_55 = arith.constant 0 : i32
    %dma_wait3A_56 = tpu.memref_slice %arg2[%dma_wait3A_54, %dma_wait3A_55] : memref<100352x128xf32, #tpu.memory_space<hbm>> -> memref<100352x128xf32, #tpu.memory_space<hbm>>
    tpu.wait_indirect_dma semaphore(%arg7 : memref<!tpu.dma_semaphore, #tpu.memory_space<semaphore_mem>>) src(%dma_wait3A_56 : memref<100352x128xf32, #tpu.memory_space<hbm>>) dst(%arg6 : memref<448x128xf32, #tpu.memory_space<vmem>>)
    "tpu.region"() ({
      %run_scoped3A = tpu.sem_alloc : memref<!tpu.dma_semaphore, #tpu.memory_space<semaphore_mem>>
      %dma_start3A_57 = arith.constant 0 : i32
      %dma_start3A_58 = tpu.memref_slice %arg4[%add3A_50, %dma_start3A_57] : memref<100352x128xf32, #tpu.memory_space<hbm>> -> memref<448x128xf32, #tpu.memory_space<hbm>>
      %dma_start3A_59 = arith.constant 0 : i32
      %dma_start3A_60 = tpu.memref_slice %arg4[%add3A_50, %dma_start3A_59] : memref<100352x128xf32, #tpu.memory_space<hbm>> -> memref<448x128xf32, #tpu.memory_space<hbm>>
      tpu.enqueue_dma source(%arg6 : memref<448x128xf32, #tpu.memory_space<vmem>>) target(%dma_start3A_60 : memref<448x128xf32, #tpu.memory_space<hbm>>) target_semaphore(%run_scoped3A : memref<!tpu.dma_semaphore, #tpu.memory_space<semaphore_mem>>)
      %dma_wait3A_61 = arith.constant 0 : i32
      %dma_wait3A_62 = tpu.memref_slice %arg4[%add3A_50, %dma_wait3A_61] : memref<100352x128xf32, #tpu.memory_space<hbm>> -> memref<448x128xf32, #tpu.memory_space<hbm>>
      %dma_wait3A_63 = arith.constant 0 : i32
      %dma_wait3A_64 = tpu.memref_slice %arg4[%add3A_50, %dma_wait3A_63] : memref<100352x128xf32, #tpu.memory_space<hbm>> -> memref<448x128xf32, #tpu.memory_space<hbm>>
      tpu.wait_dma2 semaphore(%run_scoped3A : memref<!tpu.dma_semaphore, #tpu.memory_space<semaphore_mem>>) src(%arg6 : memref<448x128xf32, #tpu.memory_space<vmem>>) dst(%dma_wait3A_64 : memref<448x128xf32, #tpu.memory_space<hbm>>)
      tpu.yield
    }) : () -> ()
    return
  }
}

#map = affine_map<(d0, d1) -> (0, 0)>
#map1 = affine_map<(d0, d1) -> (0)>
module attributes {stable_mosaic.version = 14 : i64} {
  func.func @gk(%arg0: i32, %arg1: i32, %arg2: memref<100352x128xf32, #tpu.memory_space<hbm>>, %arg3: memref<100352xi32, #tpu.memory_space<hbm>>, %arg4: memref<100352x128xf32, #tpu.memory_space<hbm>>, %arg5: memref<448xi32, #tpu.memory_space<vmem>>, %arg6: memref<448x128xf32, #tpu.memory_space<vmem>>, %arg7: memref<!tpu.dma_semaphore, #tpu.memory_space<semaphore_mem>>) attributes {dimension_semantics = [#tpu.dimension_semantics<core_parallel>, #tpu.dimension_semantics<subcore_parallel>], iteration_bounds = array<i64: 2, 16>, scalar_prefetch = 0 : i64, scratch_operands = 3 : i64, tpu.core_type = #tpu.core_type<sc_vector_subcore>, window_params = [{transform_indices = #map}, {transform_indices = #map1}, {transform_indices = #map}]} {
    %mul3A = arith.constant 2 : i32
    %mul3A_0 = arith.muli %arg1, %mul3A : i32
    %add3A = arith.addi %mul3A_0, %arg0 : i32
    %mul3A_1 = arith.constant 3136 : i32
    %mul3A_2 = arith.muli %add3A, %mul3A_1 : i32
    %add3A_3 = arith.constant 0 : i32
    %add3A_4 = arith.addi %mul3A_2, %add3A_3 : i32
    "tpu.region"() ({
      %run_scoped3A = tpu.sem_alloc : memref<!tpu.dma_semaphore, #tpu.memory_space<semaphore_mem>>
      %dma_start3A_57 = tpu.memref_slice %arg3[%add3A_4] : memref<100352xi32, #tpu.memory_space<hbm>> -> memref<448xi32, #tpu.memory_space<hbm>>
      %dma_start3A_58 = tpu.memref_slice %arg3[%add3A_4] : memref<100352xi32, #tpu.memory_space<hbm>> -> memref<448xi32, #tpu.memory_space<hbm>>
      tpu.enqueue_dma source(%dma_start3A_58 : memref<448xi32, #tpu.memory_space<hbm>>) target(%arg5 : memref<448xi32, #tpu.memory_space<vmem>>) target_semaphore(%run_scoped3A : memref<!tpu.dma_semaphore, #tpu.memory_space<semaphore_mem>>)
      %dma_wait3A_59 = tpu.memref_slice %arg3[%add3A_4] : memref<100352xi32, #tpu.memory_space<hbm>> -> memref<448xi32, #tpu.memory_space<hbm>>
      %dma_wait3A_60 = tpu.memref_slice %arg3[%add3A_4] : memref<100352xi32, #tpu.memory_space<hbm>> -> memref<448xi32, #tpu.memory_space<hbm>>
      tpu.wait_dma2 semaphore(%run_scoped3A : memref<!tpu.dma_semaphore, #tpu.memory_space<semaphore_mem>>) src(%dma_wait3A_60 : memref<448xi32, #tpu.memory_space<hbm>>) dst(%arg5 : memref<448xi32, #tpu.memory_space<vmem>>)
      tpu.yield
    }) : () -> ()
    %dma_start3A = arith.constant 0 : i32
    %dma_start3A_5 = arith.constant 0 : i32
    %dma_start3A_6 = tpu.memref_slice %arg2[%dma_start3A, %dma_start3A_5] : memref<100352x128xf32, #tpu.memory_space<hbm>> -> memref<100352x128xf32, #tpu.memory_space<hbm>>
    tpu.enqueue_indirect_dma source(%dma_start3A_6 : memref<100352x128xf32, #tpu.memory_space<hbm>>) target(%arg6 : memref<448x128xf32, #tpu.memory_space<vmem>>) offsets(%arg5 : memref<448xi32, #tpu.memory_space<vmem>>) semaphore(%arg7 : memref<!tpu.dma_semaphore, #tpu.memory_space<semaphore_mem>>)
    %dma_wait3A = arith.constant 0 : i32
    %dma_wait3A_7 = arith.constant 0 : i32
    %dma_wait3A_8 = tpu.memref_slice %arg2[%dma_wait3A, %dma_wait3A_7] : memref<100352x128xf32, #tpu.memory_space<hbm>> -> memref<100352x128xf32, #tpu.memory_space<hbm>>
    tpu.wait_indirect_dma semaphore(%arg7 : memref<!tpu.dma_semaphore, #tpu.memory_space<semaphore_mem>>) src(%dma_wait3A_8 : memref<100352x128xf32, #tpu.memory_space<hbm>>) dst(%arg6 : memref<448x128xf32, #tpu.memory_space<vmem>>)
    "tpu.region"() ({
      %run_scoped3A = tpu.sem_alloc : memref<!tpu.dma_semaphore, #tpu.memory_space<semaphore_mem>>
      %dma_start3A_57 = arith.constant 0 : i32
      %dma_start3A_58 = tpu.memref_slice %arg4[%add3A_4, %dma_start3A_57] : memref<100352x128xf32, #tpu.memory_space<hbm>> -> memref<448x128xf32, #tpu.memory_space<hbm>>
      %dma_start3A_59 = arith.constant 0 : i32
      %dma_start3A_60 = tpu.memref_slice %arg4[%add3A_4, %dma_start3A_59] : memref<100352x128xf32, #tpu.memory_space<hbm>> -> memref<448x128xf32, #tpu.memory_space<hbm>>
      tpu.enqueue_dma source(%arg6 : memref<448x128xf32, #tpu.memory_space<vmem>>) target(%dma_start3A_60 : memref<448x128xf32, #tpu.memory_space<hbm>>) target_semaphore(%run_scoped3A : memref<!tpu.dma_semaphore, #tpu.memory_space<semaphore_mem>>)
      %dma_wait3A_61 = arith.constant 0 : i32
      %dma_wait3A_62 = tpu.memref_slice %arg4[%add3A_4, %dma_wait3A_61] : memref<100352x128xf32, #tpu.memory_space<hbm>> -> memref<448x128xf32, #tpu.memory_space<hbm>>
      %dma_wait3A_63 = arith.constant 0 : i32
      %dma_wait3A_64 = tpu.memref_slice %arg4[%add3A_4, %dma_wait3A_63] : memref<100352x128xf32, #tpu.memory_space<hbm>> -> memref<448x128xf32, #tpu.memory_space<hbm>>
      tpu.wait_dma2 semaphore(%run_scoped3A : memref<!tpu.dma_semaphore, #tpu.memory_space<semaphore_mem>>) src(%arg6 : memref<448x128xf32, #tpu.memory_space<vmem>>) dst(%dma_wait3A_64 : memref<448x128xf32, #tpu.memory_space<hbm>>)
      tpu.yield
    }) : () -> ()
    %add3A_9 = arith.constant 448 : i32
    %add3A_10 = arith.addi %mul3A_2, %add3A_9 : i32
    "tpu.region"() ({
      %run_scoped3A = tpu.sem_alloc : memref<!tpu.dma_semaphore, #tpu.memory_space<semaphore_mem>>
      %dma_start3A_57 = tpu.memref_slice %arg3[%add3A_10] : memref<100352xi32, #tpu.memory_space<hbm>> -> memref<448xi32, #tpu.memory_space<hbm>>
      %dma_start3A_58 = tpu.memref_slice %arg3[%add3A_10] : memref<100352xi32, #tpu.memory_space<hbm>> -> memref<448xi32, #tpu.memory_space<hbm>>
      tpu.enqueue_dma source(%dma_start3A_58 : memref<448xi32, #tpu.memory_space<hbm>>) target(%arg5 : memref<448xi32, #tpu.memory_space<vmem>>) target_semaphore(%run_scoped3A : memref<!tpu.dma_semaphore, #tpu.memory_space<semaphore_mem>>)
      %dma_wait3A_59 = tpu.memref_slice %arg3[%add3A_10] : memref<100352xi32, #tpu.memory_space<hbm>> -> memref<448xi32, #tpu.memory_space<hbm>>
      %dma_wait3A_60 = tpu.memref_slice %arg3[%add3A_10] : memref<100352xi32, #tpu.memory_space<hbm>> -> memref<448xi32, #tpu.memory_space<hbm>>
      tpu.wait_dma2 semaphore(%run_scoped3A : memref<!tpu.dma_semaphore, #tpu.memory_space<semaphore_mem>>) src(%dma_wait3A_60 : memref<448xi32, #tpu.memory_space<hbm>>) dst(%arg5 : memref<448xi32, #tpu.memory_space<vmem>>)
      tpu.yield
    }) : () -> ()
    %dma_start3A_11 = arith.constant 0 : i32
    %dma_start3A_12 = arith.constant 0 : i32
    %dma_start3A_13 = tpu.memref_slice %arg2[%dma_start3A_11, %dma_start3A_12] : memref<100352x128xf32, #tpu.memory_space<hbm>> -> memref<100352x128xf32, #tpu.memory_space<hbm>>
    tpu.enqueue_indirect_dma source(%dma_start3A_13 : memref<100352x128xf32, #tpu.memory_space<hbm>>) target(%arg6 : memref<448x128xf32, #tpu.memory_space<vmem>>) offsets(%arg5 : memref<448xi32, #tpu.memory_space<vmem>>) semaphore(%arg7 : memref<!tpu.dma_semaphore, #tpu.memory_space<semaphore_mem>>)
    %dma_wait3A_14 = arith.constant 0 : i32
    %dma_wait3A_15 = arith.constant 0 : i32
    %dma_wait3A_16 = tpu.memref_slice %arg2[%dma_wait3A_14, %dma_wait3A_15] : memref<100352x128xf32, #tpu.memory_space<hbm>> -> memref<100352x128xf32, #tpu.memory_space<hbm>>
    tpu.wait_indirect_dma semaphore(%arg7 : memref<!tpu.dma_semaphore, #tpu.memory_space<semaphore_mem>>) src(%dma_wait3A_16 : memref<100352x128xf32, #tpu.memory_space<hbm>>) dst(%arg6 : memref<448x128xf32, #tpu.memory_space<vmem>>)
    "tpu.region"() ({
      %run_scoped3A = tpu.sem_alloc : memref<!tpu.dma_semaphore, #tpu.memory_space<semaphore_mem>>
      %dma_start3A_57 = arith.constant 0 : i32
      %dma_start3A_58 = tpu.memref_slice %arg4[%add3A_10, %dma_start3A_57] : memref<100352x128xf32, #tpu.memory_space<hbm>> -> memref<448x128xf32, #tpu.memory_space<hbm>>
      %dma_start3A_59 = arith.constant 0 : i32
      %dma_start3A_60 = tpu.memref_slice %arg4[%add3A_10, %dma_start3A_59] : memref<100352x128xf32, #tpu.memory_space<hbm>> -> memref<448x128xf32, #tpu.memory_space<hbm>>
      tpu.enqueue_dma source(%arg6 : memref<448x128xf32, #tpu.memory_space<vmem>>) target(%dma_start3A_60 : memref<448x128xf32, #tpu.memory_space<hbm>>) target_semaphore(%run_scoped3A : memref<!tpu.dma_semaphore, #tpu.memory_space<semaphore_mem>>)
      %dma_wait3A_61 = arith.constant 0 : i32
      %dma_wait3A_62 = tpu.memref_slice %arg4[%add3A_10, %dma_wait3A_61] : memref<100352x128xf32, #tpu.memory_space<hbm>> -> memref<448x128xf32, #tpu.memory_space<hbm>>
      %dma_wait3A_63 = arith.constant 0 : i32
      %dma_wait3A_64 = tpu.memref_slice %arg4[%add3A_10, %dma_wait3A_63] : memref<100352x128xf32, #tpu.memory_space<hbm>> -> memref<448x128xf32, #tpu.memory_space<hbm>>
      tpu.wait_dma2 semaphore(%run_scoped3A : memref<!tpu.dma_semaphore, #tpu.memory_space<semaphore_mem>>) src(%arg6 : memref<448x128xf32, #tpu.memory_space<vmem>>) dst(%dma_wait3A_64 : memref<448x128xf32, #tpu.memory_space<hbm>>)
      tpu.yield
    }) : () -> ()
    %add3A_17 = arith.constant 896 : i32
    %add3A_18 = arith.addi %mul3A_2, %add3A_17 : i32
    "tpu.region"() ({
      %run_scoped3A = tpu.sem_alloc : memref<!tpu.dma_semaphore, #tpu.memory_space<semaphore_mem>>
      %dma_start3A_57 = tpu.memref_slice %arg3[%add3A_18] : memref<100352xi32, #tpu.memory_space<hbm>> -> memref<448xi32, #tpu.memory_space<hbm>>
      %dma_start3A_58 = tpu.memref_slice %arg3[%add3A_18] : memref<100352xi32, #tpu.memory_space<hbm>> -> memref<448xi32, #tpu.memory_space<hbm>>
      tpu.enqueue_dma source(%dma_start3A_58 : memref<448xi32, #tpu.memory_space<hbm>>) target(%arg5 : memref<448xi32, #tpu.memory_space<vmem>>) target_semaphore(%run_scoped3A : memref<!tpu.dma_semaphore, #tpu.memory_space<semaphore_mem>>)
      %dma_wait3A_59 = tpu.memref_slice %arg3[%add3A_18] : memref<100352xi32, #tpu.memory_space<hbm>> -> memref<448xi32, #tpu.memory_space<hbm>>
      %dma_wait3A_60 = tpu.memref_slice %arg3[%add3A_18] : memref<100352xi32, #tpu.memory_space<hbm>> -> memref<448xi32, #tpu.memory_space<hbm>>
      tpu.wait_dma2 semaphore(%run_scoped3A : memref<!tpu.dma_semaphore, #tpu.memory_space<semaphore_mem>>) src(%dma_wait3A_60 : memref<448xi32, #tpu.memory_space<hbm>>) dst(%arg5 : memref<448xi32, #tpu.memory_space<vmem>>)
      tpu.yield
    }) : () -> ()
    %dma_start3A_19 = arith.constant 0 : i32
    %dma_start3A_20 = arith.constant 0 : i32
    %dma_start3A_21 = tpu.memref_slice %arg2[%dma_start3A_19, %dma_start3A_20] : memref<100352x128xf32, #tpu.memory_space<hbm>> -> memref<100352x128xf32, #tpu.memory_space<hbm>>
    tpu.enqueue_indirect_dma source(%dma_start3A_21 : memref<100352x128xf32, #tpu.memory_space<hbm>>) target(%arg6 : memref<448x128xf32, #tpu.memory_space<vmem>>) offsets(%arg5 : memref<448xi32, #tpu.memory_space<vmem>>) semaphore(%arg7 : memref<!tpu.dma_semaphore, #tpu.memory_space<semaphore_mem>>)
    %dma_wait3A_22 = arith.constant 0 : i32
    %dma_wait3A_23 = arith.constant 0 : i32
    %dma_wait3A_24 = tpu.memref_slice %arg2[%dma_wait3A_22, %dma_wait3A_23] : memref<100352x128xf32, #tpu.memory_space<hbm>> -> memref<100352x128xf32, #tpu.memory_space<hbm>>
    tpu.wait_indirect_dma semaphore(%arg7 : memref<!tpu.dma_semaphore, #tpu.memory_space<semaphore_mem>>) src(%dma_wait3A_24 : memref<100352x128xf32, #tpu.memory_space<hbm>>) dst(%arg6 : memref<448x128xf32, #tpu.memory_space<vmem>>)
    "tpu.region"() ({
      %run_scoped3A = tpu.sem_alloc : memref<!tpu.dma_semaphore, #tpu.memory_space<semaphore_mem>>
      %dma_start3A_57 = arith.constant 0 : i32
      %dma_start3A_58 = tpu.memref_slice %arg4[%add3A_18, %dma_start3A_57] : memref<100352x128xf32, #tpu.memory_space<hbm>> -> memref<448x128xf32, #tpu.memory_space<hbm>>
      %dma_start3A_59 = arith.constant 0 : i32
      %dma_start3A_60 = tpu.memref_slice %arg4[%add3A_18, %dma_start3A_59] : memref<100352x128xf32, #tpu.memory_space<hbm>> -> memref<448x128xf32, #tpu.memory_space<hbm>>
      tpu.enqueue_dma source(%arg6 : memref<448x128xf32, #tpu.memory_space<vmem>>) target(%dma_start3A_60 : memref<448x128xf32, #tpu.memory_space<hbm>>) target_semaphore(%run_scoped3A : memref<!tpu.dma_semaphore, #tpu.memory_space<semaphore_mem>>)
      %dma_wait3A_61 = arith.constant 0 : i32
      %dma_wait3A_62 = tpu.memref_slice %arg4[%add3A_18, %dma_wait3A_61] : memref<100352x128xf32, #tpu.memory_space<hbm>> -> memref<448x128xf32, #tpu.memory_space<hbm>>
      %dma_wait3A_63 = arith.constant 0 : i32
      %dma_wait3A_64 = tpu.memref_slice %arg4[%add3A_18, %dma_wait3A_63] : memref<100352x128xf32, #tpu.memory_space<hbm>> -> memref<448x128xf32, #tpu.memory_space<hbm>>
      tpu.wait_dma2 semaphore(%run_scoped3A : memref<!tpu.dma_semaphore, #tpu.memory_space<semaphore_mem>>) src(%arg6 : memref<448x128xf32, #tpu.memory_space<vmem>>) dst(%dma_wait3A_64 : memref<448x128xf32, #tpu.memory_space<hbm>>)
      tpu.yield
    }) : () -> ()
    %add3A_25 = arith.constant 1344 : i32
    %add3A_26 = arith.addi %mul3A_2, %add3A_25 : i32
    "tpu.region"() ({
      %run_scoped3A = tpu.sem_alloc : memref<!tpu.dma_semaphore, #tpu.memory_space<semaphore_mem>>
      %dma_start3A_57 = tpu.memref_slice %arg3[%add3A_26] : memref<100352xi32, #tpu.memory_space<hbm>> -> memref<448xi32, #tpu.memory_space<hbm>>
      %dma_start3A_58 = tpu.memref_slice %arg3[%add3A_26] : memref<100352xi32, #tpu.memory_space<hbm>> -> memref<448xi32, #tpu.memory_space<hbm>>
      tpu.enqueue_dma source(%dma_start3A_58 : memref<448xi32, #tpu.memory_space<hbm>>) target(%arg5 : memref<448xi32, #tpu.memory_space<vmem>>) target_semaphore(%run_scoped3A : memref<!tpu.dma_semaphore, #tpu.memory_space<semaphore_mem>>)
      %dma_wait3A_59 = tpu.memref_slice %arg3[%add3A_26] : memref<100352xi32, #tpu.memory_space<hbm>> -> memref<448xi32, #tpu.memory_space<hbm>>
      %dma_wait3A_60 = tpu.memref_slice %arg3[%add3A_26] : memref<100352xi32, #tpu.memory_space<hbm>> -> memref<448xi32, #tpu.memory_space<hbm>>
      tpu.wait_dma2 semaphore(%run_scoped3A : memref<!tpu.dma_semaphore, #tpu.memory_space<semaphore_mem>>) src(%dma_wait3A_60 : memref<448xi32, #tpu.memory_space<hbm>>) dst(%arg5 : memref<448xi32, #tpu.memory_space<vmem>>)
      tpu.yield
    }) : () -> ()
    %dma_start3A_27 = arith.constant 0 : i32
    %dma_start3A_28 = arith.constant 0 : i32
    %dma_start3A_29 = tpu.memref_slice %arg2[%dma_start3A_27, %dma_start3A_28] : memref<100352x128xf32, #tpu.memory_space<hbm>> -> memref<100352x128xf32, #tpu.memory_space<hbm>>
    tpu.enqueue_indirect_dma source(%dma_start3A_29 : memref<100352x128xf32, #tpu.memory_space<hbm>>) target(%arg6 : memref<448x128xf32, #tpu.memory_space<vmem>>) offsets(%arg5 : memref<448xi32, #tpu.memory_space<vmem>>) semaphore(%arg7 : memref<!tpu.dma_semaphore, #tpu.memory_space<semaphore_mem>>)
    %dma_wait3A_30 = arith.constant 0 : i32
    %dma_wait3A_31 = arith.constant 0 : i32
    %dma_wait3A_32 = tpu.memref_slice %arg2[%dma_wait3A_30, %dma_wait3A_31] : memref<100352x128xf32, #tpu.memory_space<hbm>> -> memref<100352x128xf32, #tpu.memory_space<hbm>>
    tpu.wait_indirect_dma semaphore(%arg7 : memref<!tpu.dma_semaphore, #tpu.memory_space<semaphore_mem>>) src(%dma_wait3A_32 : memref<100352x128xf32, #tpu.memory_space<hbm>>) dst(%arg6 : memref<448x128xf32, #tpu.memory_space<vmem>>)
    "tpu.region"() ({
      %run_scoped3A = tpu.sem_alloc : memref<!tpu.dma_semaphore, #tpu.memory_space<semaphore_mem>>
      %dma_start3A_57 = arith.constant 0 : i32
      %dma_start3A_58 = tpu.memref_slice %arg4[%add3A_26, %dma_start3A_57] : memref<100352x128xf32, #tpu.memory_space<hbm>> -> memref<448x128xf32, #tpu.memory_space<hbm>>
      %dma_start3A_59 = arith.constant 0 : i32
      %dma_start3A_60 = tpu.memref_slice %arg4[%add3A_26, %dma_start3A_59] : memref<100352x128xf32, #tpu.memory_space<hbm>> -> memref<448x128xf32, #tpu.memory_space<hbm>>
      tpu.enqueue_dma source(%arg6 : memref<448x128xf32, #tpu.memory_space<vmem>>) target(%dma_start3A_60 : memref<448x128xf32, #tpu.memory_space<hbm>>) target_semaphore(%run_scoped3A : memref<!tpu.dma_semaphore, #tpu.memory_space<semaphore_mem>>)
      %dma_wait3A_61 = arith.constant 0 : i32
      %dma_wait3A_62 = tpu.memref_slice %arg4[%add3A_26, %dma_wait3A_61] : memref<100352x128xf32, #tpu.memory_space<hbm>> -> memref<448x128xf32, #tpu.memory_space<hbm>>
      %dma_wait3A_63 = arith.constant 0 : i32
      %dma_wait3A_64 = tpu.memref_slice %arg4[%add3A_26, %dma_wait3A_63] : memref<100352x128xf32, #tpu.memory_space<hbm>> -> memref<448x128xf32, #tpu.memory_space<hbm>>
      tpu.wait_dma2 semaphore(%run_scoped3A : memref<!tpu.dma_semaphore, #tpu.memory_space<semaphore_mem>>) src(%arg6 : memref<448x128xf32, #tpu.memory_space<vmem>>) dst(%dma_wait3A_64 : memref<448x128xf32, #tpu.memory_space<hbm>>)
      tpu.yield
    }) : () -> ()
    %add3A_33 = arith.constant 1792 : i32
    %add3A_34 = arith.addi %mul3A_2, %add3A_33 : i32
    "tpu.region"() ({
      %run_scoped3A = tpu.sem_alloc : memref<!tpu.dma_semaphore, #tpu.memory_space<semaphore_mem>>
      %dma_start3A_57 = tpu.memref_slice %arg3[%add3A_34] : memref<100352xi32, #tpu.memory_space<hbm>> -> memref<448xi32, #tpu.memory_space<hbm>>
      %dma_start3A_58 = tpu.memref_slice %arg3[%add3A_34] : memref<100352xi32, #tpu.memory_space<hbm>> -> memref<448xi32, #tpu.memory_space<hbm>>
      tpu.enqueue_dma source(%dma_start3A_58 : memref<448xi32, #tpu.memory_space<hbm>>) target(%arg5 : memref<448xi32, #tpu.memory_space<vmem>>) target_semaphore(%run_scoped3A : memref<!tpu.dma_semaphore, #tpu.memory_space<semaphore_mem>>)
      %dma_wait3A_59 = tpu.memref_slice %arg3[%add3A_34] : memref<100352xi32, #tpu.memory_space<hbm>> -> memref<448xi32, #tpu.memory_space<hbm>>
      %dma_wait3A_60 = tpu.memref_slice %arg3[%add3A_34] : memref<100352xi32, #tpu.memory_space<hbm>> -> memref<448xi32, #tpu.memory_space<hbm>>
      tpu.wait_dma2 semaphore(%run_scoped3A : memref<!tpu.dma_semaphore, #tpu.memory_space<semaphore_mem>>) src(%dma_wait3A_60 : memref<448xi32, #tpu.memory_space<hbm>>) dst(%arg5 : memref<448xi32, #tpu.memory_space<vmem>>)
      tpu.yield
    }) : () -> ()
    %dma_start3A_35 = arith.constant 0 : i32
    %dma_start3A_36 = arith.constant 0 : i32
    %dma_start3A_37 = tpu.memref_slice %arg2[%dma_start3A_35, %dma_start3A_36] : memref<100352x128xf32, #tpu.memory_space<hbm>> -> memref<100352x128xf32, #tpu.memory_space<hbm>>
    tpu.enqueue_indirect_dma source(%dma_start3A_37 : memref<100352x128xf32, #tpu.memory_space<hbm>>) target(%arg6 : memref<448x128xf32, #tpu.memory_space<vmem>>) offsets(%arg5 : memref<448xi32, #tpu.memory_space<vmem>>) semaphore(%arg7 : memref<!tpu.dma_semaphore, #tpu.memory_space<semaphore_mem>>)
    %dma_wait3A_38 = arith.constant 0 : i32
    %dma_wait3A_39 = arith.constant 0 : i32
    %dma_wait3A_40 = tpu.memref_slice %arg2[%dma_wait3A_38, %dma_wait3A_39] : memref<100352x128xf32, #tpu.memory_space<hbm>> -> memref<100352x128xf32, #tpu.memory_space<hbm>>
    tpu.wait_indirect_dma semaphore(%arg7 : memref<!tpu.dma_semaphore, #tpu.memory_space<semaphore_mem>>) src(%dma_wait3A_40 : memref<100352x128xf32, #tpu.memory_space<hbm>>) dst(%arg6 : memref<448x128xf32, #tpu.memory_space<vmem>>)
    "tpu.region"() ({
      %run_scoped3A = tpu.sem_alloc : memref<!tpu.dma_semaphore, #tpu.memory_space<semaphore_mem>>
      %dma_start3A_57 = arith.constant 0 : i32
      %dma_start3A_58 = tpu.memref_slice %arg4[%add3A_34, %dma_start3A_57] : memref<100352x128xf32, #tpu.memory_space<hbm>> -> memref<448x128xf32, #tpu.memory_space<hbm>>
      %dma_start3A_59 = arith.constant 0 : i32
      %dma_start3A_60 = tpu.memref_slice %arg4[%add3A_34, %dma_start3A_59] : memref<100352x128xf32, #tpu.memory_space<hbm>> -> memref<448x128xf32, #tpu.memory_space<hbm>>
      tpu.enqueue_dma source(%arg6 : memref<448x128xf32, #tpu.memory_space<vmem>>) target(%dma_start3A_60 : memref<448x128xf32, #tpu.memory_space<hbm>>) target_semaphore(%run_scoped3A : memref<!tpu.dma_semaphore, #tpu.memory_space<semaphore_mem>>)
      %dma_wait3A_61 = arith.constant 0 : i32
      %dma_wait3A_62 = tpu.memref_slice %arg4[%add3A_34, %dma_wait3A_61] : memref<100352x128xf32, #tpu.memory_space<hbm>> -> memref<448x128xf32, #tpu.memory_space<hbm>>
      %dma_wait3A_63 = arith.constant 0 : i32
      %dma_wait3A_64 = tpu.memref_slice %arg4[%add3A_34, %dma_wait3A_63] : memref<100352x128xf32, #tpu.memory_space<hbm>> -> memref<448x128xf32, #tpu.memory_space<hbm>>
      tpu.wait_dma2 semaphore(%run_scoped3A : memref<!tpu.dma_semaphore, #tpu.memory_space<semaphore_mem>>) src(%arg6 : memref<448x128xf32, #tpu.memory_space<vmem>>) dst(%dma_wait3A_64 : memref<448x128xf32, #tpu.memory_space<hbm>>)
      tpu.yield
    }) : () -> ()
    %add3A_41 = arith.constant 2240 : i32
    %add3A_42 = arith.addi %mul3A_2, %add3A_41 : i32
    "tpu.region"() ({
      %run_scoped3A = tpu.sem_alloc : memref<!tpu.dma_semaphore, #tpu.memory_space<semaphore_mem>>
      %dma_start3A_57 = tpu.memref_slice %arg3[%add3A_42] : memref<100352xi32, #tpu.memory_space<hbm>> -> memref<448xi32, #tpu.memory_space<hbm>>
      %dma_start3A_58 = tpu.memref_slice %arg3[%add3A_42] : memref<100352xi32, #tpu.memory_space<hbm>> -> memref<448xi32, #tpu.memory_space<hbm>>
      tpu.enqueue_dma source(%dma_start3A_58 : memref<448xi32, #tpu.memory_space<hbm>>) target(%arg5 : memref<448xi32, #tpu.memory_space<vmem>>) target_semaphore(%run_scoped3A : memref<!tpu.dma_semaphore, #tpu.memory_space<semaphore_mem>>)
      %dma_wait3A_59 = tpu.memref_slice %arg3[%add3A_42] : memref<100352xi32, #tpu.memory_space<hbm>> -> memref<448xi32, #tpu.memory_space<hbm>>
      %dma_wait3A_60 = tpu.memref_slice %arg3[%add3A_42] : memref<100352xi32, #tpu.memory_space<hbm>> -> memref<448xi32, #tpu.memory_space<hbm>>
      tpu.wait_dma2 semaphore(%run_scoped3A : memref<!tpu.dma_semaphore, #tpu.memory_space<semaphore_mem>>) src(%dma_wait3A_60 : memref<448xi32, #tpu.memory_space<hbm>>) dst(%arg5 : memref<448xi32, #tpu.memory_space<vmem>>)
      tpu.yield
    }) : () -> ()
    %dma_start3A_43 = arith.constant 0 : i32
    %dma_start3A_44 = arith.constant 0 : i32
    %dma_start3A_45 = tpu.memref_slice %arg2[%dma_start3A_43, %dma_start3A_44] : memref<100352x128xf32, #tpu.memory_space<hbm>> -> memref<100352x128xf32, #tpu.memory_space<hbm>>
    tpu.enqueue_indirect_dma source(%dma_start3A_45 : memref<100352x128xf32, #tpu.memory_space<hbm>>) target(%arg6 : memref<448x128xf32, #tpu.memory_space<vmem>>) offsets(%arg5 : memref<448xi32, #tpu.memory_space<vmem>>) semaphore(%arg7 : memref<!tpu.dma_semaphore, #tpu.memory_space<semaphore_mem>>)
    %dma_wait3A_46 = arith.constant 0 : i32
    %dma_wait3A_47 = arith.constant 0 : i32
    %dma_wait3A_48 = tpu.memref_slice %arg2[%dma_wait3A_46, %dma_wait3A_47] : memref<100352x128xf32, #tpu.memory_space<hbm>> -> memref<100352x128xf32, #tpu.memory_space<hbm>>
    tpu.wait_indirect_dma semaphore(%arg7 : memref<!tpu.dma_semaphore, #tpu.memory_space<semaphore_mem>>) src(%dma_wait3A_48 : memref<100352x128xf32, #tpu.memory_space<hbm>>) dst(%arg6 : memref<448x128xf32, #tpu.memory_space<vmem>>)
    "tpu.region"() ({
      %run_scoped3A = tpu.sem_alloc : memref<!tpu.dma_semaphore, #tpu.memory_space<semaphore_mem>>
      %dma_start3A_57 = arith.constant 0 : i32
      %dma_start3A_58 = tpu.memref_slice %arg4[%add3A_42, %dma_start3A_57] : memref<100352x128xf32, #tpu.memory_space<hbm>> -> memref<448x128xf32, #tpu.memory_space<hbm>>
      %dma_start3A_59 = arith.constant 0 : i32
      %dma_start3A_60 = tpu.memref_slice %arg4[%add3A_42, %dma_start3A_59] : memref<100352x128xf32, #tpu.memory_space<hbm>> -> memref<448x128xf32, #tpu.memory_space<hbm>>
      tpu.enqueue_dma source(%arg6 : memref<448x128xf32, #tpu.memory_space<vmem>>) target(%dma_start3A_60 : memref<448x128xf32, #tpu.memory_space<hbm>>) target_semaphore(%run_scoped3A : memref<!tpu.dma_semaphore, #tpu.memory_space<semaphore_mem>>)
      %dma_wait3A_61 = arith.constant 0 : i32
      %dma_wait3A_62 = tpu.memref_slice %arg4[%add3A_42, %dma_wait3A_61] : memref<100352x128xf32, #tpu.memory_space<hbm>> -> memref<448x128xf32, #tpu.memory_space<hbm>>
      %dma_wait3A_63 = arith.constant 0 : i32
      %dma_wait3A_64 = tpu.memref_slice %arg4[%add3A_42, %dma_wait3A_63] : memref<100352x128xf32, #tpu.memory_space<hbm>> -> memref<448x128xf32, #tpu.memory_space<hbm>>
      tpu.wait_dma2 semaphore(%run_scoped3A : memref<!tpu.dma_semaphore, #tpu.memory_space<semaphore_mem>>) src(%arg6 : memref<448x128xf32, #tpu.memory_space<vmem>>) dst(%dma_wait3A_64 : memref<448x128xf32, #tpu.memory_space<hbm>>)
      tpu.yield
    }) : () -> ()
    %add3A_49 = arith.constant 2688 : i32
    %add3A_50 = arith.addi %mul3A_2, %add3A_49 : i32
    "tpu.region"() ({
      %run_scoped3A = tpu.sem_alloc : memref<!tpu.dma_semaphore, #tpu.memory_space<semaphore_mem>>
      %dma_start3A_57 = tpu.memref_slice %arg3[%add3A_50] : memref<100352xi32, #tpu.memory_space<hbm>> -> memref<448xi32, #tpu.memory_space<hbm>>
      %dma_start3A_58 = tpu.memref_slice %arg3[%add3A_50] : memref<100352xi32, #tpu.memory_space<hbm>> -> memref<448xi32, #tpu.memory_space<hbm>>
      tpu.enqueue_dma source(%dma_start3A_58 : memref<448xi32, #tpu.memory_space<hbm>>) target(%arg5 : memref<448xi32, #tpu.memory_space<vmem>>) target_semaphore(%run_scoped3A : memref<!tpu.dma_semaphore, #tpu.memory_space<semaphore_mem>>)
      %dma_wait3A_59 = tpu.memref_slice %arg3[%add3A_50] : memref<100352xi32, #tpu.memory_space<hbm>> -> memref<448xi32, #tpu.memory_space<hbm>>
      %dma_wait3A_60 = tpu.memref_slice %arg3[%add3A_50] : memref<100352xi32, #tpu.memory_space<hbm>> -> memref<448xi32, #tpu.memory_space<hbm>>
      tpu.wait_dma2 semaphore(%run_scoped3A : memref<!tpu.dma_semaphore, #tpu.memory_space<semaphore_mem>>) src(%dma_wait3A_60 : memref<448xi32, #tpu.memory_space<hbm>>) dst(%arg5 : memref<448xi32, #tpu.memory_space<vmem>>)
      tpu.yield
    }) : () -> ()
    %dma_start3A_51 = arith.constant 0 : i32
    %dma_start3A_52 = arith.constant 0 : i32
    %dma_start3A_53 = tpu.memref_slice %arg2[%dma_start3A_51, %dma_start3A_52] : memref<100352x128xf32, #tpu.memory_space<hbm>> -> memref<100352x128xf32, #tpu.memory_space<hbm>>
    tpu.enqueue_indirect_dma source(%dma_start3A_53 : memref<100352x128xf32, #tpu.memory_space<hbm>>) target(%arg6 : memref<448x128xf32, #tpu.memory_space<vmem>>) offsets(%arg5 : memref<448xi32, #tpu.memory_space<vmem>>) semaphore(%arg7 : memref<!tpu.dma_semaphore, #tpu.memory_space<semaphore_mem>>)
    %dma_wait3A_54 = arith.constant 0 : i32
    %dma_wait3A_55 = arith.constant 0 : i32
    %dma_wait3A_56 = tpu.memref_slice %arg2[%dma_wait3A_54, %dma_wait3A_55] : memref<100352x128xf32, #tpu.memory_space<hbm>> -> memref<100352x128xf32, #tpu.memory_space<hbm>>
    tpu.wait_indirect_dma semaphore(%arg7 : memref<!tpu.dma_semaphore, #tpu.memory_space<semaphore_mem>>) src(%dma_wait3A_56 : memref<100352x128xf32, #tpu.memory_space<hbm>>) dst(%arg6 : memref<448x128xf32, #tpu.memory_space<vmem>>)
    "tpu.region"() ({
      %run_scoped3A = tpu.sem_alloc : memref<!tpu.dma_semaphore, #tpu.memory_space<semaphore_mem>>
      %dma_start3A_57 = arith.constant 0 : i32
      %dma_start3A_58 = tpu.memref_slice %arg4[%add3A_50, %dma_start3A_57] : memref<100352x128xf32, #tpu.memory_space<hbm>> -> memref<448x128xf32, #tpu.memory_space<hbm>>
      %dma_start3A_59 = arith.constant 0 : i32
      %dma_start3A_60 = tpu.memref_slice %arg4[%add3A_50, %dma_start3A_59] : memref<100352x128xf32, #tpu.memory_space<hbm>> -> memref<448x128xf32, #tpu.memory_space<hbm>>
      tpu.enqueue_dma source(%arg6 : memref<448x128xf32, #tpu.memory_space<vmem>>) target(%dma_start3A_60 : memref<448x128xf32, #tpu.memory_space<hbm>>) target_semaphore(%run_scoped3A : memref<!tpu.dma_semaphore, #tpu.memory_space<semaphore_mem>>)
      %dma_wait3A_61 = arith.constant 0 : i32
      %dma_wait3A_62 = tpu.memref_slice %arg4[%add3A_50, %dma_wait3A_61] : memref<100352x128xf32, #tpu.memory_space<hbm>> -> memref<448x128xf32, #tpu.memory_space<hbm>>
      %dma_wait3A_63 = arith.constant 0 : i32
      %dma_wait3A_64 = tpu.memref_slice %arg4[%add3A_50, %dma_wait3A_63] : memref<100352x128xf32, #tpu.memory_space<hbm>> -> memref<448x128xf32, #tpu.memory_space<hbm>>
      tpu.wait_dma2 semaphore(%run_scoped3A : memref<!tpu.dma_semaphore, #tpu.memory_space<semaphore_mem>>) src(%arg6 : memref<448x128xf32, #tpu.memory_space<vmem>>) dst(%dma_wait3A_64 : memref<448x128xf32, #tpu.memory_space<hbm>>)
      tpu.yield
    }) : () -> ()
    return
  }
}

#map = affine_map<(d0, d1) -> (0, 0)>
#map1 = affine_map<(d0, d1) -> (0)>
module attributes {stable_mosaic.version = 14 : i64} {
  func.func @gk(%arg0: i32, %arg1: i32, %arg2: memref<100000x128xi32, #tpu.memory_space<hbm>>, %arg3: memref<100352xi32, #tpu.memory_space<hbm>>, %arg4: memref<100352x128xi32, #tpu.memory_space<hbm>>, %arg5: memref<448xi32, #tpu.memory_space<vmem>>, %arg6: memref<448x128xi32, #tpu.memory_space<vmem>>, %arg7: memref<!tpu.dma_semaphore, #tpu.memory_space<semaphore_mem>>) attributes {dimension_semantics = [#tpu.dimension_semantics<core_parallel>, #tpu.dimension_semantics<subcore_parallel>], iteration_bounds = array<i64: 2, 16>, scalar_prefetch = 0 : i64, scratch_operands = 3 : i64, tpu.core_type = #tpu.core_type<sc_vector_subcore>, window_params = [{transform_indices = #map}, {transform_indices = #map1}, {transform_indices = #map}]} {
    %mul3A = arith.constant 2 : i32
    %mul3A_0 = arith.muli %arg1, %mul3A : i32
    %add3A = arith.addi %mul3A_0, %arg0 : i32
    %mul3A_1 = arith.constant 3136 : i32
    %mul3A_2 = arith.muli %add3A, %mul3A_1 : i32
    %add3A_3 = arith.constant 0 : i32
    %add3A_4 = arith.addi %mul3A_2, %add3A_3 : i32
    "tpu.region"() ({
      %run_scoped3A = tpu.sem_alloc : memref<!tpu.dma_semaphore, #tpu.memory_space<semaphore_mem>>
      %dma_start3A_57 = tpu.memref_slice %arg3[%add3A_4] : memref<100352xi32, #tpu.memory_space<hbm>> -> memref<448xi32, #tpu.memory_space<hbm>>
      %dma_start3A_58 = tpu.memref_slice %arg3[%add3A_4] : memref<100352xi32, #tpu.memory_space<hbm>> -> memref<448xi32, #tpu.memory_space<hbm>>
      tpu.enqueue_dma source(%dma_start3A_58 : memref<448xi32, #tpu.memory_space<hbm>>) target(%arg5 : memref<448xi32, #tpu.memory_space<vmem>>) target_semaphore(%run_scoped3A : memref<!tpu.dma_semaphore, #tpu.memory_space<semaphore_mem>>)
      %dma_wait3A_59 = tpu.memref_slice %arg3[%add3A_4] : memref<100352xi32, #tpu.memory_space<hbm>> -> memref<448xi32, #tpu.memory_space<hbm>>
      %dma_wait3A_60 = tpu.memref_slice %arg3[%add3A_4] : memref<100352xi32, #tpu.memory_space<hbm>> -> memref<448xi32, #tpu.memory_space<hbm>>
      tpu.wait_dma2 semaphore(%run_scoped3A : memref<!tpu.dma_semaphore, #tpu.memory_space<semaphore_mem>>) src(%dma_wait3A_60 : memref<448xi32, #tpu.memory_space<hbm>>) dst(%arg5 : memref<448xi32, #tpu.memory_space<vmem>>)
      tpu.yield
    }) : () -> ()
    %dma_start3A = arith.constant 0 : i32
    %dma_start3A_5 = arith.constant 0 : i32
    %dma_start3A_6 = tpu.memref_slice %arg2[%dma_start3A, %dma_start3A_5] : memref<100000x128xi32, #tpu.memory_space<hbm>> -> memref<100000x128xi32, #tpu.memory_space<hbm>>
    tpu.enqueue_indirect_dma source(%dma_start3A_6 : memref<100000x128xi32, #tpu.memory_space<hbm>>) target(%arg6 : memref<448x128xi32, #tpu.memory_space<vmem>>) offsets(%arg5 : memref<448xi32, #tpu.memory_space<vmem>>) semaphore(%arg7 : memref<!tpu.dma_semaphore, #tpu.memory_space<semaphore_mem>>)
    %dma_wait3A = arith.constant 0 : i32
    %dma_wait3A_7 = arith.constant 0 : i32
    %dma_wait3A_8 = tpu.memref_slice %arg2[%dma_wait3A, %dma_wait3A_7] : memref<100000x128xi32, #tpu.memory_space<hbm>> -> memref<100000x128xi32, #tpu.memory_space<hbm>>
    tpu.wait_indirect_dma semaphore(%arg7 : memref<!tpu.dma_semaphore, #tpu.memory_space<semaphore_mem>>) src(%dma_wait3A_8 : memref<100000x128xi32, #tpu.memory_space<hbm>>) dst(%arg6 : memref<448x128xi32, #tpu.memory_space<vmem>>)
    "tpu.region"() ({
      %run_scoped3A = tpu.sem_alloc : memref<!tpu.dma_semaphore, #tpu.memory_space<semaphore_mem>>
      %dma_start3A_57 = arith.constant 0 : i32
      %dma_start3A_58 = tpu.memref_slice %arg4[%add3A_4, %dma_start3A_57] : memref<100352x128xi32, #tpu.memory_space<hbm>> -> memref<448x128xi32, #tpu.memory_space<hbm>>
      %dma_start3A_59 = arith.constant 0 : i32
      %dma_start3A_60 = tpu.memref_slice %arg4[%add3A_4, %dma_start3A_59] : memref<100352x128xi32, #tpu.memory_space<hbm>> -> memref<448x128xi32, #tpu.memory_space<hbm>>
      tpu.enqueue_dma source(%arg6 : memref<448x128xi32, #tpu.memory_space<vmem>>) target(%dma_start3A_60 : memref<448x128xi32, #tpu.memory_space<hbm>>) target_semaphore(%run_scoped3A : memref<!tpu.dma_semaphore, #tpu.memory_space<semaphore_mem>>)
      %dma_wait3A_61 = arith.constant 0 : i32
      %dma_wait3A_62 = tpu.memref_slice %arg4[%add3A_4, %dma_wait3A_61] : memref<100352x128xi32, #tpu.memory_space<hbm>> -> memref<448x128xi32, #tpu.memory_space<hbm>>
      %dma_wait3A_63 = arith.constant 0 : i32
      %dma_wait3A_64 = tpu.memref_slice %arg4[%add3A_4, %dma_wait3A_63] : memref<100352x128xi32, #tpu.memory_space<hbm>> -> memref<448x128xi32, #tpu.memory_space<hbm>>
      tpu.wait_dma2 semaphore(%run_scoped3A : memref<!tpu.dma_semaphore, #tpu.memory_space<semaphore_mem>>) src(%arg6 : memref<448x128xi32, #tpu.memory_space<vmem>>) dst(%dma_wait3A_64 : memref<448x128xi32, #tpu.memory_space<hbm>>)
      tpu.yield
    }) : () -> ()
    %add3A_9 = arith.constant 448 : i32
    %add3A_10 = arith.addi %mul3A_2, %add3A_9 : i32
    "tpu.region"() ({
      %run_scoped3A = tpu.sem_alloc : memref<!tpu.dma_semaphore, #tpu.memory_space<semaphore_mem>>
      %dma_start3A_57 = tpu.memref_slice %arg3[%add3A_10] : memref<100352xi32, #tpu.memory_space<hbm>> -> memref<448xi32, #tpu.memory_space<hbm>>
      %dma_start3A_58 = tpu.memref_slice %arg3[%add3A_10] : memref<100352xi32, #tpu.memory_space<hbm>> -> memref<448xi32, #tpu.memory_space<hbm>>
      tpu.enqueue_dma source(%dma_start3A_58 : memref<448xi32, #tpu.memory_space<hbm>>) target(%arg5 : memref<448xi32, #tpu.memory_space<vmem>>) target_semaphore(%run_scoped3A : memref<!tpu.dma_semaphore, #tpu.memory_space<semaphore_mem>>)
      %dma_wait3A_59 = tpu.memref_slice %arg3[%add3A_10] : memref<100352xi32, #tpu.memory_space<hbm>> -> memref<448xi32, #tpu.memory_space<hbm>>
      %dma_wait3A_60 = tpu.memref_slice %arg3[%add3A_10] : memref<100352xi32, #tpu.memory_space<hbm>> -> memref<448xi32, #tpu.memory_space<hbm>>
      tpu.wait_dma2 semaphore(%run_scoped3A : memref<!tpu.dma_semaphore, #tpu.memory_space<semaphore_mem>>) src(%dma_wait3A_60 : memref<448xi32, #tpu.memory_space<hbm>>) dst(%arg5 : memref<448xi32, #tpu.memory_space<vmem>>)
      tpu.yield
    }) : () -> ()
    %dma_start3A_11 = arith.constant 0 : i32
    %dma_start3A_12 = arith.constant 0 : i32
    %dma_start3A_13 = tpu.memref_slice %arg2[%dma_start3A_11, %dma_start3A_12] : memref<100000x128xi32, #tpu.memory_space<hbm>> -> memref<100000x128xi32, #tpu.memory_space<hbm>>
    tpu.enqueue_indirect_dma source(%dma_start3A_13 : memref<100000x128xi32, #tpu.memory_space<hbm>>) target(%arg6 : memref<448x128xi32, #tpu.memory_space<vmem>>) offsets(%arg5 : memref<448xi32, #tpu.memory_space<vmem>>) semaphore(%arg7 : memref<!tpu.dma_semaphore, #tpu.memory_space<semaphore_mem>>)
    %dma_wait3A_14 = arith.constant 0 : i32
    %dma_wait3A_15 = arith.constant 0 : i32
    %dma_wait3A_16 = tpu.memref_slice %arg2[%dma_wait3A_14, %dma_wait3A_15] : memref<100000x128xi32, #tpu.memory_space<hbm>> -> memref<100000x128xi32, #tpu.memory_space<hbm>>
    tpu.wait_indirect_dma semaphore(%arg7 : memref<!tpu.dma_semaphore, #tpu.memory_space<semaphore_mem>>) src(%dma_wait3A_16 : memref<100000x128xi32, #tpu.memory_space<hbm>>) dst(%arg6 : memref<448x128xi32, #tpu.memory_space<vmem>>)
    "tpu.region"() ({
      %run_scoped3A = tpu.sem_alloc : memref<!tpu.dma_semaphore, #tpu.memory_space<semaphore_mem>>
      %dma_start3A_57 = arith.constant 0 : i32
      %dma_start3A_58 = tpu.memref_slice %arg4[%add3A_10, %dma_start3A_57] : memref<100352x128xi32, #tpu.memory_space<hbm>> -> memref<448x128xi32, #tpu.memory_space<hbm>>
      %dma_start3A_59 = arith.constant 0 : i32
      %dma_start3A_60 = tpu.memref_slice %arg4[%add3A_10, %dma_start3A_59] : memref<100352x128xi32, #tpu.memory_space<hbm>> -> memref<448x128xi32, #tpu.memory_space<hbm>>
      tpu.enqueue_dma source(%arg6 : memref<448x128xi32, #tpu.memory_space<vmem>>) target(%dma_start3A_60 : memref<448x128xi32, #tpu.memory_space<hbm>>) target_semaphore(%run_scoped3A : memref<!tpu.dma_semaphore, #tpu.memory_space<semaphore_mem>>)
      %dma_wait3A_61 = arith.constant 0 : i32
      %dma_wait3A_62 = tpu.memref_slice %arg4[%add3A_10, %dma_wait3A_61] : memref<100352x128xi32, #tpu.memory_space<hbm>> -> memref<448x128xi32, #tpu.memory_space<hbm>>
      %dma_wait3A_63 = arith.constant 0 : i32
      %dma_wait3A_64 = tpu.memref_slice %arg4[%add3A_10, %dma_wait3A_63] : memref<100352x128xi32, #tpu.memory_space<hbm>> -> memref<448x128xi32, #tpu.memory_space<hbm>>
      tpu.wait_dma2 semaphore(%run_scoped3A : memref<!tpu.dma_semaphore, #tpu.memory_space<semaphore_mem>>) src(%arg6 : memref<448x128xi32, #tpu.memory_space<vmem>>) dst(%dma_wait3A_64 : memref<448x128xi32, #tpu.memory_space<hbm>>)
      tpu.yield
    }) : () -> ()
    %add3A_17 = arith.constant 896 : i32
    %add3A_18 = arith.addi %mul3A_2, %add3A_17 : i32
    "tpu.region"() ({
      %run_scoped3A = tpu.sem_alloc : memref<!tpu.dma_semaphore, #tpu.memory_space<semaphore_mem>>
      %dma_start3A_57 = tpu.memref_slice %arg3[%add3A_18] : memref<100352xi32, #tpu.memory_space<hbm>> -> memref<448xi32, #tpu.memory_space<hbm>>
      %dma_start3A_58 = tpu.memref_slice %arg3[%add3A_18] : memref<100352xi32, #tpu.memory_space<hbm>> -> memref<448xi32, #tpu.memory_space<hbm>>
      tpu.enqueue_dma source(%dma_start3A_58 : memref<448xi32, #tpu.memory_space<hbm>>) target(%arg5 : memref<448xi32, #tpu.memory_space<vmem>>) target_semaphore(%run_scoped3A : memref<!tpu.dma_semaphore, #tpu.memory_space<semaphore_mem>>)
      %dma_wait3A_59 = tpu.memref_slice %arg3[%add3A_18] : memref<100352xi32, #tpu.memory_space<hbm>> -> memref<448xi32, #tpu.memory_space<hbm>>
      %dma_wait3A_60 = tpu.memref_slice %arg3[%add3A_18] : memref<100352xi32, #tpu.memory_space<hbm>> -> memref<448xi32, #tpu.memory_space<hbm>>
      tpu.wait_dma2 semaphore(%run_scoped3A : memref<!tpu.dma_semaphore, #tpu.memory_space<semaphore_mem>>) src(%dma_wait3A_60 : memref<448xi32, #tpu.memory_space<hbm>>) dst(%arg5 : memref<448xi32, #tpu.memory_space<vmem>>)
      tpu.yield
    }) : () -> ()
    %dma_start3A_19 = arith.constant 0 : i32
    %dma_start3A_20 = arith.constant 0 : i32
    %dma_start3A_21 = tpu.memref_slice %arg2[%dma_start3A_19, %dma_start3A_20] : memref<100000x128xi32, #tpu.memory_space<hbm>> -> memref<100000x128xi32, #tpu.memory_space<hbm>>
    tpu.enqueue_indirect_dma source(%dma_start3A_21 : memref<100000x128xi32, #tpu.memory_space<hbm>>) target(%arg6 : memref<448x128xi32, #tpu.memory_space<vmem>>) offsets(%arg5 : memref<448xi32, #tpu.memory_space<vmem>>) semaphore(%arg7 : memref<!tpu.dma_semaphore, #tpu.memory_space<semaphore_mem>>)
    %dma_wait3A_22 = arith.constant 0 : i32
    %dma_wait3A_23 = arith.constant 0 : i32
    %dma_wait3A_24 = tpu.memref_slice %arg2[%dma_wait3A_22, %dma_wait3A_23] : memref<100000x128xi32, #tpu.memory_space<hbm>> -> memref<100000x128xi32, #tpu.memory_space<hbm>>
    tpu.wait_indirect_dma semaphore(%arg7 : memref<!tpu.dma_semaphore, #tpu.memory_space<semaphore_mem>>) src(%dma_wait3A_24 : memref<100000x128xi32, #tpu.memory_space<hbm>>) dst(%arg6 : memref<448x128xi32, #tpu.memory_space<vmem>>)
    "tpu.region"() ({
      %run_scoped3A = tpu.sem_alloc : memref<!tpu.dma_semaphore, #tpu.memory_space<semaphore_mem>>
      %dma_start3A_57 = arith.constant 0 : i32
      %dma_start3A_58 = tpu.memref_slice %arg4[%add3A_18, %dma_start3A_57] : memref<100352x128xi32, #tpu.memory_space<hbm>> -> memref<448x128xi32, #tpu.memory_space<hbm>>
      %dma_start3A_59 = arith.constant 0 : i32
      %dma_start3A_60 = tpu.memref_slice %arg4[%add3A_18, %dma_start3A_59] : memref<100352x128xi32, #tpu.memory_space<hbm>> -> memref<448x128xi32, #tpu.memory_space<hbm>>
      tpu.enqueue_dma source(%arg6 : memref<448x128xi32, #tpu.memory_space<vmem>>) target(%dma_start3A_60 : memref<448x128xi32, #tpu.memory_space<hbm>>) target_semaphore(%run_scoped3A : memref<!tpu.dma_semaphore, #tpu.memory_space<semaphore_mem>>)
      %dma_wait3A_61 = arith.constant 0 : i32
      %dma_wait3A_62 = tpu.memref_slice %arg4[%add3A_18, %dma_wait3A_61] : memref<100352x128xi32, #tpu.memory_space<hbm>> -> memref<448x128xi32, #tpu.memory_space<hbm>>
      %dma_wait3A_63 = arith.constant 0 : i32
      %dma_wait3A_64 = tpu.memref_slice %arg4[%add3A_18, %dma_wait3A_63] : memref<100352x128xi32, #tpu.memory_space<hbm>> -> memref<448x128xi32, #tpu.memory_space<hbm>>
      tpu.wait_dma2 semaphore(%run_scoped3A : memref<!tpu.dma_semaphore, #tpu.memory_space<semaphore_mem>>) src(%arg6 : memref<448x128xi32, #tpu.memory_space<vmem>>) dst(%dma_wait3A_64 : memref<448x128xi32, #tpu.memory_space<hbm>>)
      tpu.yield
    }) : () -> ()
    %add3A_25 = arith.constant 1344 : i32
    %add3A_26 = arith.addi %mul3A_2, %add3A_25 : i32
    "tpu.region"() ({
      %run_scoped3A = tpu.sem_alloc : memref<!tpu.dma_semaphore, #tpu.memory_space<semaphore_mem>>
      %dma_start3A_57 = tpu.memref_slice %arg3[%add3A_26] : memref<100352xi32, #tpu.memory_space<hbm>> -> memref<448xi32, #tpu.memory_space<hbm>>
      %dma_start3A_58 = tpu.memref_slice %arg3[%add3A_26] : memref<100352xi32, #tpu.memory_space<hbm>> -> memref<448xi32, #tpu.memory_space<hbm>>
      tpu.enqueue_dma source(%dma_start3A_58 : memref<448xi32, #tpu.memory_space<hbm>>) target(%arg5 : memref<448xi32, #tpu.memory_space<vmem>>) target_semaphore(%run_scoped3A : memref<!tpu.dma_semaphore, #tpu.memory_space<semaphore_mem>>)
      %dma_wait3A_59 = tpu.memref_slice %arg3[%add3A_26] : memref<100352xi32, #tpu.memory_space<hbm>> -> memref<448xi32, #tpu.memory_space<hbm>>
      %dma_wait3A_60 = tpu.memref_slice %arg3[%add3A_26] : memref<100352xi32, #tpu.memory_space<hbm>> -> memref<448xi32, #tpu.memory_space<hbm>>
      tpu.wait_dma2 semaphore(%run_scoped3A : memref<!tpu.dma_semaphore, #tpu.memory_space<semaphore_mem>>) src(%dma_wait3A_60 : memref<448xi32, #tpu.memory_space<hbm>>) dst(%arg5 : memref<448xi32, #tpu.memory_space<vmem>>)
      tpu.yield
    }) : () -> ()
    %dma_start3A_27 = arith.constant 0 : i32
    %dma_start3A_28 = arith.constant 0 : i32
    %dma_start3A_29 = tpu.memref_slice %arg2[%dma_start3A_27, %dma_start3A_28] : memref<100000x128xi32, #tpu.memory_space<hbm>> -> memref<100000x128xi32, #tpu.memory_space<hbm>>
    tpu.enqueue_indirect_dma source(%dma_start3A_29 : memref<100000x128xi32, #tpu.memory_space<hbm>>) target(%arg6 : memref<448x128xi32, #tpu.memory_space<vmem>>) offsets(%arg5 : memref<448xi32, #tpu.memory_space<vmem>>) semaphore(%arg7 : memref<!tpu.dma_semaphore, #tpu.memory_space<semaphore_mem>>)
    %dma_wait3A_30 = arith.constant 0 : i32
    %dma_wait3A_31 = arith.constant 0 : i32
    %dma_wait3A_32 = tpu.memref_slice %arg2[%dma_wait3A_30, %dma_wait3A_31] : memref<100000x128xi32, #tpu.memory_space<hbm>> -> memref<100000x128xi32, #tpu.memory_space<hbm>>
    tpu.wait_indirect_dma semaphore(%arg7 : memref<!tpu.dma_semaphore, #tpu.memory_space<semaphore_mem>>) src(%dma_wait3A_32 : memref<100000x128xi32, #tpu.memory_space<hbm>>) dst(%arg6 : memref<448x128xi32, #tpu.memory_space<vmem>>)
    "tpu.region"() ({
      %run_scoped3A = tpu.sem_alloc : memref<!tpu.dma_semaphore, #tpu.memory_space<semaphore_mem>>
      %dma_start3A_57 = arith.constant 0 : i32
      %dma_start3A_58 = tpu.memref_slice %arg4[%add3A_26, %dma_start3A_57] : memref<100352x128xi32, #tpu.memory_space<hbm>> -> memref<448x128xi32, #tpu.memory_space<hbm>>
      %dma_start3A_59 = arith.constant 0 : i32
      %dma_start3A_60 = tpu.memref_slice %arg4[%add3A_26, %dma_start3A_59] : memref<100352x128xi32, #tpu.memory_space<hbm>> -> memref<448x128xi32, #tpu.memory_space<hbm>>
      tpu.enqueue_dma source(%arg6 : memref<448x128xi32, #tpu.memory_space<vmem>>) target(%dma_start3A_60 : memref<448x128xi32, #tpu.memory_space<hbm>>) target_semaphore(%run_scoped3A : memref<!tpu.dma_semaphore, #tpu.memory_space<semaphore_mem>>)
      %dma_wait3A_61 = arith.constant 0 : i32
      %dma_wait3A_62 = tpu.memref_slice %arg4[%add3A_26, %dma_wait3A_61] : memref<100352x128xi32, #tpu.memory_space<hbm>> -> memref<448x128xi32, #tpu.memory_space<hbm>>
      %dma_wait3A_63 = arith.constant 0 : i32
      %dma_wait3A_64 = tpu.memref_slice %arg4[%add3A_26, %dma_wait3A_63] : memref<100352x128xi32, #tpu.memory_space<hbm>> -> memref<448x128xi32, #tpu.memory_space<hbm>>
      tpu.wait_dma2 semaphore(%run_scoped3A : memref<!tpu.dma_semaphore, #tpu.memory_space<semaphore_mem>>) src(%arg6 : memref<448x128xi32, #tpu.memory_space<vmem>>) dst(%dma_wait3A_64 : memref<448x128xi32, #tpu.memory_space<hbm>>)
      tpu.yield
    }) : () -> ()
    %add3A_33 = arith.constant 1792 : i32
    %add3A_34 = arith.addi %mul3A_2, %add3A_33 : i32
    "tpu.region"() ({
      %run_scoped3A = tpu.sem_alloc : memref<!tpu.dma_semaphore, #tpu.memory_space<semaphore_mem>>
      %dma_start3A_57 = tpu.memref_slice %arg3[%add3A_34] : memref<100352xi32, #tpu.memory_space<hbm>> -> memref<448xi32, #tpu.memory_space<hbm>>
      %dma_start3A_58 = tpu.memref_slice %arg3[%add3A_34] : memref<100352xi32, #tpu.memory_space<hbm>> -> memref<448xi32, #tpu.memory_space<hbm>>
      tpu.enqueue_dma source(%dma_start3A_58 : memref<448xi32, #tpu.memory_space<hbm>>) target(%arg5 : memref<448xi32, #tpu.memory_space<vmem>>) target_semaphore(%run_scoped3A : memref<!tpu.dma_semaphore, #tpu.memory_space<semaphore_mem>>)
      %dma_wait3A_59 = tpu.memref_slice %arg3[%add3A_34] : memref<100352xi32, #tpu.memory_space<hbm>> -> memref<448xi32, #tpu.memory_space<hbm>>
      %dma_wait3A_60 = tpu.memref_slice %arg3[%add3A_34] : memref<100352xi32, #tpu.memory_space<hbm>> -> memref<448xi32, #tpu.memory_space<hbm>>
      tpu.wait_dma2 semaphore(%run_scoped3A : memref<!tpu.dma_semaphore, #tpu.memory_space<semaphore_mem>>) src(%dma_wait3A_60 : memref<448xi32, #tpu.memory_space<hbm>>) dst(%arg5 : memref<448xi32, #tpu.memory_space<vmem>>)
      tpu.yield
    }) : () -> ()
    %dma_start3A_35 = arith.constant 0 : i32
    %dma_start3A_36 = arith.constant 0 : i32
    %dma_start3A_37 = tpu.memref_slice %arg2[%dma_start3A_35, %dma_start3A_36] : memref<100000x128xi32, #tpu.memory_space<hbm>> -> memref<100000x128xi32, #tpu.memory_space<hbm>>
    tpu.enqueue_indirect_dma source(%dma_start3A_37 : memref<100000x128xi32, #tpu.memory_space<hbm>>) target(%arg6 : memref<448x128xi32, #tpu.memory_space<vmem>>) offsets(%arg5 : memref<448xi32, #tpu.memory_space<vmem>>) semaphore(%arg7 : memref<!tpu.dma_semaphore, #tpu.memory_space<semaphore_mem>>)
    %dma_wait3A_38 = arith.constant 0 : i32
    %dma_wait3A_39 = arith.constant 0 : i32
    %dma_wait3A_40 = tpu.memref_slice %arg2[%dma_wait3A_38, %dma_wait3A_39] : memref<100000x128xi32, #tpu.memory_space<hbm>> -> memref<100000x128xi32, #tpu.memory_space<hbm>>
    tpu.wait_indirect_dma semaphore(%arg7 : memref<!tpu.dma_semaphore, #tpu.memory_space<semaphore_mem>>) src(%dma_wait3A_40 : memref<100000x128xi32, #tpu.memory_space<hbm>>) dst(%arg6 : memref<448x128xi32, #tpu.memory_space<vmem>>)
    "tpu.region"() ({
      %run_scoped3A = tpu.sem_alloc : memref<!tpu.dma_semaphore, #tpu.memory_space<semaphore_mem>>
      %dma_start3A_57 = arith.constant 0 : i32
      %dma_start3A_58 = tpu.memref_slice %arg4[%add3A_34, %dma_start3A_57] : memref<100352x128xi32, #tpu.memory_space<hbm>> -> memref<448x128xi32, #tpu.memory_space<hbm>>
      %dma_start3A_59 = arith.constant 0 : i32
      %dma_start3A_60 = tpu.memref_slice %arg4[%add3A_34, %dma_start3A_59] : memref<100352x128xi32, #tpu.memory_space<hbm>> -> memref<448x128xi32, #tpu.memory_space<hbm>>
      tpu.enqueue_dma source(%arg6 : memref<448x128xi32, #tpu.memory_space<vmem>>) target(%dma_start3A_60 : memref<448x128xi32, #tpu.memory_space<hbm>>) target_semaphore(%run_scoped3A : memref<!tpu.dma_semaphore, #tpu.memory_space<semaphore_mem>>)
      %dma_wait3A_61 = arith.constant 0 : i32
      %dma_wait3A_62 = tpu.memref_slice %arg4[%add3A_34, %dma_wait3A_61] : memref<100352x128xi32, #tpu.memory_space<hbm>> -> memref<448x128xi32, #tpu.memory_space<hbm>>
      %dma_wait3A_63 = arith.constant 0 : i32
      %dma_wait3A_64 = tpu.memref_slice %arg4[%add3A_34, %dma_wait3A_63] : memref<100352x128xi32, #tpu.memory_space<hbm>> -> memref<448x128xi32, #tpu.memory_space<hbm>>
      tpu.wait_dma2 semaphore(%run_scoped3A : memref<!tpu.dma_semaphore, #tpu.memory_space<semaphore_mem>>) src(%arg6 : memref<448x128xi32, #tpu.memory_space<vmem>>) dst(%dma_wait3A_64 : memref<448x128xi32, #tpu.memory_space<hbm>>)
      tpu.yield
    }) : () -> ()
    %add3A_41 = arith.constant 2240 : i32
    %add3A_42 = arith.addi %mul3A_2, %add3A_41 : i32
    "tpu.region"() ({
      %run_scoped3A = tpu.sem_alloc : memref<!tpu.dma_semaphore, #tpu.memory_space<semaphore_mem>>
      %dma_start3A_57 = tpu.memref_slice %arg3[%add3A_42] : memref<100352xi32, #tpu.memory_space<hbm>> -> memref<448xi32, #tpu.memory_space<hbm>>
      %dma_start3A_58 = tpu.memref_slice %arg3[%add3A_42] : memref<100352xi32, #tpu.memory_space<hbm>> -> memref<448xi32, #tpu.memory_space<hbm>>
      tpu.enqueue_dma source(%dma_start3A_58 : memref<448xi32, #tpu.memory_space<hbm>>) target(%arg5 : memref<448xi32, #tpu.memory_space<vmem>>) target_semaphore(%run_scoped3A : memref<!tpu.dma_semaphore, #tpu.memory_space<semaphore_mem>>)
      %dma_wait3A_59 = tpu.memref_slice %arg3[%add3A_42] : memref<100352xi32, #tpu.memory_space<hbm>> -> memref<448xi32, #tpu.memory_space<hbm>>
      %dma_wait3A_60 = tpu.memref_slice %arg3[%add3A_42] : memref<100352xi32, #tpu.memory_space<hbm>> -> memref<448xi32, #tpu.memory_space<hbm>>
      tpu.wait_dma2 semaphore(%run_scoped3A : memref<!tpu.dma_semaphore, #tpu.memory_space<semaphore_mem>>) src(%dma_wait3A_60 : memref<448xi32, #tpu.memory_space<hbm>>) dst(%arg5 : memref<448xi32, #tpu.memory_space<vmem>>)
      tpu.yield
    }) : () -> ()
    %dma_start3A_43 = arith.constant 0 : i32
    %dma_start3A_44 = arith.constant 0 : i32
    %dma_start3A_45 = tpu.memref_slice %arg2[%dma_start3A_43, %dma_start3A_44] : memref<100000x128xi32, #tpu.memory_space<hbm>> -> memref<100000x128xi32, #tpu.memory_space<hbm>>
    tpu.enqueue_indirect_dma source(%dma_start3A_45 : memref<100000x128xi32, #tpu.memory_space<hbm>>) target(%arg6 : memref<448x128xi32, #tpu.memory_space<vmem>>) offsets(%arg5 : memref<448xi32, #tpu.memory_space<vmem>>) semaphore(%arg7 : memref<!tpu.dma_semaphore, #tpu.memory_space<semaphore_mem>>)
    %dma_wait3A_46 = arith.constant 0 : i32
    %dma_wait3A_47 = arith.constant 0 : i32
    %dma_wait3A_48 = tpu.memref_slice %arg2[%dma_wait3A_46, %dma_wait3A_47] : memref<100000x128xi32, #tpu.memory_space<hbm>> -> memref<100000x128xi32, #tpu.memory_space<hbm>>
    tpu.wait_indirect_dma semaphore(%arg7 : memref<!tpu.dma_semaphore, #tpu.memory_space<semaphore_mem>>) src(%dma_wait3A_48 : memref<100000x128xi32, #tpu.memory_space<hbm>>) dst(%arg6 : memref<448x128xi32, #tpu.memory_space<vmem>>)
    "tpu.region"() ({
      %run_scoped3A = tpu.sem_alloc : memref<!tpu.dma_semaphore, #tpu.memory_space<semaphore_mem>>
      %dma_start3A_57 = arith.constant 0 : i32
      %dma_start3A_58 = tpu.memref_slice %arg4[%add3A_42, %dma_start3A_57] : memref<100352x128xi32, #tpu.memory_space<hbm>> -> memref<448x128xi32, #tpu.memory_space<hbm>>
      %dma_start3A_59 = arith.constant 0 : i32
      %dma_start3A_60 = tpu.memref_slice %arg4[%add3A_42, %dma_start3A_59] : memref<100352x128xi32, #tpu.memory_space<hbm>> -> memref<448x128xi32, #tpu.memory_space<hbm>>
      tpu.enqueue_dma source(%arg6 : memref<448x128xi32, #tpu.memory_space<vmem>>) target(%dma_start3A_60 : memref<448x128xi32, #tpu.memory_space<hbm>>) target_semaphore(%run_scoped3A : memref<!tpu.dma_semaphore, #tpu.memory_space<semaphore_mem>>)
      %dma_wait3A_61 = arith.constant 0 : i32
      %dma_wait3A_62 = tpu.memref_slice %arg4[%add3A_42, %dma_wait3A_61] : memref<100352x128xi32, #tpu.memory_space<hbm>> -> memref<448x128xi32, #tpu.memory_space<hbm>>
      %dma_wait3A_63 = arith.constant 0 : i32
      %dma_wait3A_64 = tpu.memref_slice %arg4[%add3A_42, %dma_wait3A_63] : memref<100352x128xi32, #tpu.memory_space<hbm>> -> memref<448x128xi32, #tpu.memory_space<hbm>>
      tpu.wait_dma2 semaphore(%run_scoped3A : memref<!tpu.dma_semaphore, #tpu.memory_space<semaphore_mem>>) src(%arg6 : memref<448x128xi32, #tpu.memory_space<vmem>>) dst(%dma_wait3A_64 : memref<448x128xi32, #tpu.memory_space<hbm>>)
      tpu.yield
    }) : () -> ()
    %add3A_49 = arith.constant 2688 : i32
    %add3A_50 = arith.addi %mul3A_2, %add3A_49 : i32
    "tpu.region"() ({
      %run_scoped3A = tpu.sem_alloc : memref<!tpu.dma_semaphore, #tpu.memory_space<semaphore_mem>>
      %dma_start3A_57 = tpu.memref_slice %arg3[%add3A_50] : memref<100352xi32, #tpu.memory_space<hbm>> -> memref<448xi32, #tpu.memory_space<hbm>>
      %dma_start3A_58 = tpu.memref_slice %arg3[%add3A_50] : memref<100352xi32, #tpu.memory_space<hbm>> -> memref<448xi32, #tpu.memory_space<hbm>>
      tpu.enqueue_dma source(%dma_start3A_58 : memref<448xi32, #tpu.memory_space<hbm>>) target(%arg5 : memref<448xi32, #tpu.memory_space<vmem>>) target_semaphore(%run_scoped3A : memref<!tpu.dma_semaphore, #tpu.memory_space<semaphore_mem>>)
      %dma_wait3A_59 = tpu.memref_slice %arg3[%add3A_50] : memref<100352xi32, #tpu.memory_space<hbm>> -> memref<448xi32, #tpu.memory_space<hbm>>
      %dma_wait3A_60 = tpu.memref_slice %arg3[%add3A_50] : memref<100352xi32, #tpu.memory_space<hbm>> -> memref<448xi32, #tpu.memory_space<hbm>>
      tpu.wait_dma2 semaphore(%run_scoped3A : memref<!tpu.dma_semaphore, #tpu.memory_space<semaphore_mem>>) src(%dma_wait3A_60 : memref<448xi32, #tpu.memory_space<hbm>>) dst(%arg5 : memref<448xi32, #tpu.memory_space<vmem>>)
      tpu.yield
    }) : () -> ()
    %dma_start3A_51 = arith.constant 0 : i32
    %dma_start3A_52 = arith.constant 0 : i32
    %dma_start3A_53 = tpu.memref_slice %arg2[%dma_start3A_51, %dma_start3A_52] : memref<100000x128xi32, #tpu.memory_space<hbm>> -> memref<100000x128xi32, #tpu.memory_space<hbm>>
    tpu.enqueue_indirect_dma source(%dma_start3A_53 : memref<100000x128xi32, #tpu.memory_space<hbm>>) target(%arg6 : memref<448x128xi32, #tpu.memory_space<vmem>>) offsets(%arg5 : memref<448xi32, #tpu.memory_space<vmem>>) semaphore(%arg7 : memref<!tpu.dma_semaphore, #tpu.memory_space<semaphore_mem>>)
    %dma_wait3A_54 = arith.constant 0 : i32
    %dma_wait3A_55 = arith.constant 0 : i32
    %dma_wait3A_56 = tpu.memref_slice %arg2[%dma_wait3A_54, %dma_wait3A_55] : memref<100000x128xi32, #tpu.memory_space<hbm>> -> memref<100000x128xi32, #tpu.memory_space<hbm>>
    tpu.wait_indirect_dma semaphore(%arg7 : memref<!tpu.dma_semaphore, #tpu.memory_space<semaphore_mem>>) src(%dma_wait3A_56 : memref<100000x128xi32, #tpu.memory_space<hbm>>) dst(%arg6 : memref<448x128xi32, #tpu.memory_space<vmem>>)
    "tpu.region"() ({
      %run_scoped3A = tpu.sem_alloc : memref<!tpu.dma_semaphore, #tpu.memory_space<semaphore_mem>>
      %dma_start3A_57 = arith.constant 0 : i32
      %dma_start3A_58 = tpu.memref_slice %arg4[%add3A_50, %dma_start3A_57] : memref<100352x128xi32, #tpu.memory_space<hbm>> -> memref<448x128xi32, #tpu.memory_space<hbm>>
      %dma_start3A_59 = arith.constant 0 : i32
      %dma_start3A_60 = tpu.memref_slice %arg4[%add3A_50, %dma_start3A_59] : memref<100352x128xi32, #tpu.memory_space<hbm>> -> memref<448x128xi32, #tpu.memory_space<hbm>>
      tpu.enqueue_dma source(%arg6 : memref<448x128xi32, #tpu.memory_space<vmem>>) target(%dma_start3A_60 : memref<448x128xi32, #tpu.memory_space<hbm>>) target_semaphore(%run_scoped3A : memref<!tpu.dma_semaphore, #tpu.memory_space<semaphore_mem>>)
      %dma_wait3A_61 = arith.constant 0 : i32
      %dma_wait3A_62 = tpu.memref_slice %arg4[%add3A_50, %dma_wait3A_61] : memref<100352x128xi32, #tpu.memory_space<hbm>> -> memref<448x128xi32, #tpu.memory_space<hbm>>
      %dma_wait3A_63 = arith.constant 0 : i32
      %dma_wait3A_64 = tpu.memref_slice %arg4[%add3A_50, %dma_wait3A_63] : memref<100352x128xi32, #tpu.memory_space<hbm>> -> memref<448x128xi32, #tpu.memory_space<hbm>>
      tpu.wait_dma2 semaphore(%run_scoped3A : memref<!tpu.dma_semaphore, #tpu.memory_space<semaphore_mem>>) src(%arg6 : memref<448x128xi32, #tpu.memory_space<vmem>>) dst(%dma_wait3A_64 : memref<448x128xi32, #tpu.memory_space<hbm>>)
      tpu.yield
    }) : () -> ()
    return
  }
}

module attributes {stable_mosaic.version = 14 : i64} {
  func.func @_proj_kernel(%arg0: i32, %arg1: memref<1024x128xf32, #tpu.memory_space<vmem>>, %arg2: memref<128x512xf32, #tpu.memory_space<vmem>>, %arg3: memref<1x512xf32, #tpu.memory_space<vmem>>, %arg4: memref<1024x512xf32, #tpu.memory_space<vmem>>) attributes {dimension_semantics = [#tpu.dimension_semantics<arbitrary>], iteration_bounds = array<i64: 98>, scalar_prefetch = 0 : i64, scratch_operands = 0 : i64, tpu.core_type = #tpu.core_type<tc>, window_params = [{transform_indices = @transform_0, window_bounds = array<i64: 1024, 128>}, {pipeline_mode = #tpu.pipeline_mode<synchronous>, transform_indices = @transform_1, window_bounds = array<i64: 128, 512>}, {pipeline_mode = #tpu.pipeline_mode<synchronous>, transform_indices = @transform_2, window_bounds = array<i64: 1, 512>}, {transform_indices = @transform_3, window_bounds = array<i64: 1024, 512>}]} {
    %get3A = arith.constant 0 : index
    %get3A_0 = arith.constant 0 : index
    %get3A_1 = vector.load %arg1[%get3A, %get3A_0] : memref<1024x128xf32, #tpu.memory_space<vmem>>, vector<1024x128xf32>
    %get3A_2 = arith.constant 0 : index
    %get3A_3 = arith.constant 0 : index
    %get3A_4 = vector.load %arg2[%get3A_2, %get3A_3] : memref<128x512xf32, #tpu.memory_space<vmem>>, vector<128x512xf32>
    %dot_general3A = arith.constant dense<0.000000e+00> : vector<1024x512xf32>
    %dot_general3A_5 = tpu.matmul %get3A_1, %get3A_4, %dot_general3A {dimension_numbers = #tpu.dot_dimension_numbers<[1], [0], [0], [1], [0, 0, 1, 1], [], []>, transpose_lhs_hint = false} : vector<1024x128xf32>, vector<128x512xf32>, vector<1024x512xf32> -> vector<1024x512xf32>
    %get3A_6 = arith.constant 0 : index
    %get3A_7 = arith.constant 0 : index
    %get3A_8 = vector.load %arg3[%get3A_6, %get3A_7] : memref<1x512xf32, #tpu.memory_space<vmem>>, vector<1x512xf32>
    %add3A = vector.broadcast %get3A_8 : vector<1x512xf32> to vector<1024x512xf32>
    %add3A_9 = arith.addf %dot_general3A_5, %add3A : vector<1024x512xf32>
    %swap3A = arith.constant 0 : index
    %swap3A_10 = arith.constant 0 : index
    %swap3A_11 = vector.load %arg4[%swap3A, %swap3A_10] : memref<1024x512xf32, #tpu.memory_space<vmem>>, vector<1024x512xf32>
    tpu.vector_store %arg4[%swap3A, %swap3A_10], %add3A_9 {strides = array<i32>} : memref<1024x512xf32, #tpu.memory_space<vmem>>, vector<1024x512xf32>,
    return
  }
  func.func @transform_0(%arg0: i32) -> (i32, i32) {
    %c0_i32 = arith.constant 0 : i32
    %c0_i32_0 = arith.constant 0 : i32
    return %arg0, %c0_i32 : i32, i32
  }
  func.func @transform_1(%arg0: i32) -> (i32, i32) {
    %c0_i32 = arith.constant 0 : i32
    %c0_i32_0 = arith.constant 0 : i32
    %c0_i32_1 = arith.constant 0 : i32
    return %c0_i32, %c0_i32_0 : i32, i32
  }
  func.func @transform_2(%arg0: i32) -> (i32, i32) {
    %c0_i32 = arith.constant 0 : i32
    %c0_i32_0 = arith.constant 0 : i32
    %c0_i32_1 = arith.constant 0 : i32
    return %c0_i32, %c0_i32_0 : i32, i32
  }
  func.func @transform_3(%arg0: i32) -> (i32, i32) {
    %c0_i32 = arith.constant 0 : i32
    %c0_i32_0 = arith.constant 0 : i32
    return %arg0, %c0_i32 : i32, i32
  }
}

module attributes {stable_mosaic.version = 14 : i64} {
  func.func @_level_kernel(%arg0: i32, %arg1: memref<1xi32, #tpu.memory_space<smem>>, %arg2: memref<1024x384xf32, #tpu.memory_space<vmem>>, %arg3: memref<1024x128xf32, #tpu.memory_space<vmem>>, %arg4: memref<1024x256xf32, #tpu.memory_space<vmem>>, %arg5: memref<1024x128xf32, #tpu.memory_space<vmem>>, %arg6: memref<1024x1xf32, #tpu.memory_space<vmem>>, %arg7: memref<1024x1xf32, #tpu.memory_space<vmem>>, %arg8: memref<128x384xf32, #tpu.memory_space<vmem>>, %arg9: memref<128x128xf32, #tpu.memory_space<vmem>>, %arg10: memref<1024x128xf32, #tpu.memory_space<vmem>>, %arg11: memref<1024x256xf32, #tpu.memory_space<vmem>>) attributes {dimension_semantics = [#tpu.dimension_semantics<arbitrary>], iteration_bounds = array<i64: 8>, scalar_prefetch = 1 : i64, scratch_operands = 0 : i64, tpu.core_type = #tpu.core_type<tc>, window_params = [{transform_indices = @transform_0, window_bounds = array<i64: 1024, 384>}, {transform_indices = @transform_1, window_bounds = array<i64: 1024, 128>}, {transform_indices = @transform_2, window_bounds = array<i64: 1024, 256>}, {transform_indices = @transform_3, window_bounds = array<i64: 1024, 128>}, {transform_indices = @transform_4, window_bounds = array<i64: 1024, 1>}, {transform_indices = @transform_5, window_bounds = array<i64: 1024, 1>}, {pipeline_mode = #tpu.pipeline_mode<synchronous>, transform_indices = @transform_6, window_bounds = array<i64: 128, 384>}, {pipeline_mode = #tpu.pipeline_mode<synchronous>, transform_indices = @transform_7, window_bounds = array<i64: 128, 128>}, {transform_indices = @transform_8, window_bounds = array<i64: 1024, 128>}, {transform_indices = @transform_9, window_bounds = array<i64: 1024, 256>}]} {
    %get3A = arith.constant 0 : index
    %get3A_0 = arith.constant 0 : index
    %get3A_1 = vector.load %arg4[%get3A, %get3A_0] : memref<1024x256xf32, #tpu.memory_space<vmem>>, vector<1024x128xf32>
    %get3A_2 = arith.constant 0 : index
    %get3A_3 = arith.constant 128 : index
    %get3A_4 = vector.load %arg4[%get3A_2, %get3A_3] : memref<1024x256xf32, #tpu.memory_space<vmem>>, vector<1024x128xf32>
    %get3A_5 = arith.constant 0 : index
    %get3A_6 = arith.constant 0 : index
    %get3A_7 = vector.load %arg2[%get3A_5, %get3A_6] : memref<1024x384xf32, #tpu.memory_space<vmem>>, vector<1024x384xf32>
    %get3A_8 = arith.constant 0 : index
    %get3A_9 = arith.constant 0 : index
    %get3A_10 = vector.load %arg8[%get3A_8, %get3A_9] : memref<128x384xf32, #tpu.memory_space<vmem>>, vector<128x384xf32>
    %dot_general3A = arith.constant dense<0.000000e+00> : vector<1024x384xf32>
    %dot_general3A_11 = tpu.matmul %get3A_1, %get3A_10, %dot_general3A {dimension_numbers = #tpu.dot_dimension_numbers<[1], [0], [0], [1], [0, 0, 1, 1], [], []>, transpose_lhs_hint = false} : vector<1024x128xf32>, vector<128x384xf32>, vector<1024x384xf32> -> vector<1024x384xf32>
    %add3A = arith.addf %get3A_7, %dot_general3A_11 : vector<1024x384xf32>
    %slice3A = vector.extract_strided_slice %add3A {offsets = [0, 0], sizes = [1024, 128], strides = [1, 1]} : vector<1024x384xf32> to vector<1024x128xf32>
    %logistic3A = arith.negf %slice3A : vector<1024x128xf32>
    %logistic3A_12 = math.exp %logistic3A : vector<1024x128xf32>
    %logistic3A_13 = arith.constant 1.000000e+00 : f32
    %logistic3A_14 = vector.broadcast %logistic3A_13 : f32 to vector<1024x128xf32>
    %logistic3A_15 = arith.addf %logistic3A_14, %logistic3A_12 : vector<1024x128xf32>
    %logistic3A_16 = arith.divf %logistic3A_14, %logistic3A_15 : vector<1024x128xf32>
    %slice3A_17 = vector.extract_strided_slice %add3A {offsets = [0, 128], sizes = [1024, 128], strides = [1, 1]} : vector<1024x384xf32> to vector<1024x128xf32>
    %logistic3A_18 = arith.negf %slice3A_17 : vector<1024x128xf32>
    %logistic3A_19 = math.exp %logistic3A_18 : vector<1024x128xf32>
    %logistic3A_20 = arith.constant 1.000000e+00 : f32
    %logistic3A_21 = vector.broadcast %logistic3A_20 : f32 to vector<1024x128xf32>
    %logistic3A_22 = arith.addf %logistic3A_21, %logistic3A_19 : vector<1024x128xf32>
    %logistic3A_23 = arith.divf %logistic3A_21, %logistic3A_22 : vector<1024x128xf32>
    %slice3A_24 = vector.extract_strided_slice %add3A {offsets = [0, 256], sizes = [1024, 128], strides = [1, 1]} : vector<1024x384xf32> to vector<1024x128xf32>
    %tanh3A = math.tanh %slice3A_24 : vector<1024x128xf32>
    %mul3A = arith.mulf %logistic3A_16, %tanh3A : vector<1024x128xf32>
    %add3A_25 = arith.addf %mul3A, %get3A_4 : vector<1024x128xf32>
    %tanh3A_26 = math.tanh %add3A_25 : vector<1024x128xf32>
    %mul3A_27 = arith.mulf %logistic3A_23, %tanh3A_26 : vector<1024x128xf32>
    %get3A_28 = arith.constant 0 : index
    %get3A_29 = arith.constant 0 : index
    %get3A_30 = vector.load %arg3[%get3A_28, %get3A_29] : memref<1024x128xf32, #tpu.memory_space<vmem>>, vector<1024x128xf32>
    %get3A_31 = arith.constant 0 : index
    %get3A_32 = arith.constant 0 : index
    %get3A_33 = vector.load %arg9[%get3A_31, %get3A_32] : memref<128x128xf32, #tpu.memory_space<vmem>>, vector<128x128xf32>
    %dot_general3A_34 = arith.constant dense<0.000000e+00> : vector<1024x128xf32>
    %dot_general3A_35 = tpu.matmul %mul3A_27, %get3A_33, %dot_general3A_34 {dimension_numbers = #tpu.dot_dimension_numbers<[1], [0], [0], [1], [0, 0, 1, 1], [], []>, transpose_lhs_hint = false} : vector<1024x128xf32>, vector<128x128xf32>, vector<1024x128xf32> -> vector<1024x128xf32>
    %add3A_36 = arith.addf %get3A_30, %dot_general3A_35 : vector<1024x128xf32>
    %logistic3A_37 = arith.negf %add3A_36 : vector<1024x128xf32>
    %logistic3A_38 = math.exp %logistic3A_37 : vector<1024x128xf32>
    %logistic3A_39 = arith.constant 1.000000e+00 : f32
    %logistic3A_40 = vector.broadcast %logistic3A_39 : f32 to vector<1024x128xf32>
    %logistic3A_41 = arith.addf %logistic3A_40, %logistic3A_38 : vector<1024x128xf32>
    %logistic3A_42 = arith.divf %logistic3A_40, %logistic3A_41 : vector<1024x128xf32>
    %get3A_43 = arith.constant 0 : index
    %get3A_44 = arith.constant 0 : index
    %get3A_45 = vector.load %arg6[%get3A_43, %get3A_44] : memref<1024x1xf32, #tpu.memory_space<vmem>>, vector<1024x1xf32>
    %get3A_46 = arith.constant 0 : index
    %get3A_47 = arith.constant 0 : index
    %get3A_48 = vector.load %arg7[%get3A_46, %get3A_47] : memref<1024x1xf32, #tpu.memory_space<vmem>>, vector<1024x1xf32>
    %get3A_49 = arith.constant 0 : index
    %get3A_50 = arith.constant 0 : index
    %get3A_51 = vector.load %arg5[%get3A_49, %get3A_50] : memref<1024x128xf32, #tpu.memory_space<vmem>>, vector<1024x128xf32>
    %sub3A = arith.constant 1.000000e+00 : f32
    %sub3A_52 = vector.broadcast %sub3A : f32 to vector<1024x1xf32>
    %sub3A_53 = arith.subf %sub3A_52, %get3A_45 : vector<1024x1xf32>
    %mul3A_54 = vector.broadcast %sub3A_53 : vector<1024x1xf32> to vector<1024x128xf32>
    %mul3A_55 = arith.mulf %get3A_51, %mul3A_54 : vector<1024x128xf32>
    %mul3A_56 = vector.broadcast %get3A_45 : vector<1024x1xf32> to vector<1024x128xf32>
    %mul3A_57 = arith.mulf %mul3A_27, %mul3A_56 : vector<1024x128xf32>
    %add3A_58 = arith.addf %mul3A_55, %mul3A_57 : vector<1024x128xf32>
    %swap3A = arith.constant 0 : index
    %swap3A_59 = arith.constant 0 : index
    %swap3A_60 = vector.load %arg10[%swap3A, %swap3A_59] : memref<1024x128xf32, #tpu.memory_space<vmem>>, vector<1024x128xf32>
    tpu.vector_store %arg10[%swap3A, %swap3A_59], %add3A_58 {strides = array<i32>} : memref<1024x128xf32, #tpu.memory_space<vmem>>, vector<1024x128xf32>,
    %mul3A_61 = vector.broadcast %get3A_48 : vector<1024x1xf32> to vector<1024x128xf32>
    %mul3A_62 = arith.mulf %mul3A_27, %mul3A_61 : vector<1024x128xf32>
    %swap3A_63 = arith.constant 0 : index
    %swap3A_64 = arith.constant 0 : index
    %swap3A_65 = vector.load %arg11[%swap3A_63, %swap3A_64] : memref<1024x256xf32, #tpu.memory_space<vmem>>, vector<1024x128xf32>
    tpu.vector_store %arg11[%swap3A_63, %swap3A_64], %mul3A_62 {strides = array<i32>} : memref<1024x256xf32, #tpu.memory_space<vmem>>, vector<1024x128xf32>,
    %mul3A_66 = arith.mulf %logistic3A_42, %add3A_25 : vector<1024x128xf32>
    %mul3A_67 = vector.broadcast %get3A_48 : vector<1024x1xf32> to vector<1024x128xf32>
    %mul3A_68 = arith.mulf %mul3A_66, %mul3A_67 : vector<1024x128xf32>
    %swap3A_69 = arith.constant 0 : index
    %swap3A_70 = arith.constant 128 : index
    %swap3A_71 = vector.load %arg11[%swap3A_69, %swap3A_70] : memref<1024x256xf32, #tpu.memory_space<vmem>>, vector<1024x128xf32>
    tpu.vector_store %arg11[%swap3A_69, %swap3A_70], %mul3A_68 {strides = array<i32>} : memref<1024x256xf32, #tpu.memory_space<vmem>>, vector<1024x128xf32>,
    return
  }
  func.func @transform_0(%arg0: i32, %arg1: memref<1xi32, #tpu.memory_space<smem>>) -> (i32, i32) {
    %get3A = arith.constant 0 : index
    %get3A_0 = memref.load %arg1[%get3A] : memref<1xi32, #tpu.memory_space<smem>>
    %add3A = arith.addi %get3A_0, %arg0 : i32
    %c0_i32 = arith.constant 0 : i32
    %c0_i32_1 = arith.constant 0 : i32
    return %add3A, %c0_i32 : i32, i32
  }
  func.func @transform_1(%arg0: i32, %arg1: memref<1xi32, #tpu.memory_space<smem>>) -> (i32, i32) {
    %get3A = arith.constant 0 : index
    %get3A_0 = memref.load %arg1[%get3A] : memref<1xi32, #tpu.memory_space<smem>>
    %add3A = arith.addi %get3A_0, %arg0 : i32
    %c0_i32 = arith.constant 0 : i32
    %c0_i32_1 = arith.constant 0 : i32
    return %add3A, %c0_i32 : i32, i32
  }
  func.func @transform_2(%arg0: i32, %arg1: memref<1xi32, #tpu.memory_space<smem>>) -> (i32, i32) {
    %get3A = arith.constant 0 : index
    %get3A_0 = memref.load %arg1[%get3A] : memref<1xi32, #tpu.memory_space<smem>>
    %add3A = arith.addi %get3A_0, %arg0 : i32
    %c0_i32 = arith.constant 0 : i32
    %c0_i32_1 = arith.constant 0 : i32
    return %add3A, %c0_i32 : i32, i32
  }
  func.func @transform_3(%arg0: i32, %arg1: memref<1xi32, #tpu.memory_space<smem>>) -> (i32, i32) {
    %get3A = arith.constant 0 : index
    %get3A_0 = memref.load %arg1[%get3A] : memref<1xi32, #tpu.memory_space<smem>>
    %add3A = arith.addi %get3A_0, %arg0 : i32
    %c0_i32 = arith.constant 0 : i32
    %c0_i32_1 = arith.constant 0 : i32
    return %add3A, %c0_i32 : i32, i32
  }
  func.func @transform_4(%arg0: i32, %arg1: memref<1xi32, #tpu.memory_space<smem>>) -> (i32, i32) {
    %c0_i32 = arith.constant 0 : i32
    %c0_i32_0 = arith.constant 0 : i32
    return %arg0, %c0_i32 : i32, i32
  }
  func.func @transform_5(%arg0: i32, %arg1: memref<1xi32, #tpu.memory_space<smem>>) -> (i32, i32) {
    %c0_i32 = arith.constant 0 : i32
    %c0_i32_0 = arith.constant 0 : i32
    return %arg0, %c0_i32 : i32, i32
  }
  func.func @transform_6(%arg0: i32, %arg1: memref<1xi32, #tpu.memory_space<smem>>) -> (i32, i32) {
    %c0_i32 = arith.constant 0 : i32
    %c0_i32_0 = arith.constant 0 : i32
    %c0_i32_1 = arith.constant 0 : i32
    return %c0_i32, %c0_i32_0 : i32, i32
  }
  func.func @transform_7(%arg0: i32, %arg1: memref<1xi32, #tpu.memory_space<smem>>) -> (i32, i32) {
    %c0_i32 = arith.constant 0 : i32
    %c0_i32_0 = arith.constant 0 : i32
    %c0_i32_1 = arith.constant 0 : i32
    return %c0_i32, %c0_i32_0 : i32, i32
  }
  func.func @transform_8(%arg0: i32, %arg1: memref<1xi32, #tpu.memory_space<smem>>) -> (i32, i32) {
    %get3A = arith.constant 0 : index
    %get3A_0 = memref.load %arg1[%get3A] : memref<1xi32, #tpu.memory_space<smem>>
    %add3A = arith.addi %get3A_0, %arg0 : i32
    %c0_i32 = arith.constant 0 : i32
    %c0_i32_1 = arith.constant 0 : i32
    return %add3A, %c0_i32 : i32, i32
  }
  func.func @transform_9(%arg0: i32, %arg1: memref<1xi32, #tpu.memory_space<smem>>) -> (i32, i32) {
    %c0_i32 = arith.constant 0 : i32
    %c0_i32_0 = arith.constant 0 : i32
    return %arg0, %c0_i32 : i32, i32
  }
}

</mosaic_0001>

<sc_bundles>
// kernel: body.11.cloned.1.call-start
scs
__scs_entry_jumppad:
0x0: {  	(pc) =	sbr.rel $0x88, $3  }
0x1: {  	(tag) =	ssettag $0x0;
	lr =	simm.s32 $0x1  }
0x2: {  	[smem:$0x3F99] =	sst lr;
	_ =	strace $0xD0000000  }
0x3: {  	_ = 	snop  }
0x4: {  	_ = 	snop  }
0x5: {  	_ = 	snop  }
0x6: {  	_ = 	snop  }
0x7: {  	_ = 	snop  }
__scs_overlays_trampoline_lowered:
0x8: {  	[smem:$0x3FA8] =	sst s0  }
0x9: {  	[smem:$0x3FA9] =	sst s1  }
0xa: {  	[smem:$0x3FAA] =	sst s2  }
0xb: {  	[smem:$0x3FAB] =	sst s3  }
0xc: {  	[smem:$0x3FAC] =	sst s4  }
0xd: {  	[smem:$0x3FAD] =	sst s5  }
0xe: {  	[smem:$0x3FAE] =	sst s6  }
0xf: {  	[smem:$0x3FAF] =	sst s7  }
0x10: {  	[smem:$0x3FB0] =	sst s8  }
0x11: {  	[smem:$0x3FB1] =	sst s9;
	s0 =	simm.s32 @!p0 $0x0  }
0x12: {  	s1 =	sld [smem:$0x3F97];
	s0 =	simm.s32 @p0 $0x1  }
0x13: {  	[smem:$0x3FB2] =	sst s0;
	s0 =	simm.s32 @!p1 $0x0  }
0x14: {  	s2 =	sld [smem:$0x3F96];
	s0 =	simm.s32 @p1 $0x1  }
0x15: {  	[smem:$0x3FB3] =	sst s0;
	s0 =	simm.s32 @!p2 $0x0  }
0x16: {  	s3 =	sld [smem:$0x3FDB];
	s0 =	simm.s32 @p2 $0x1  }
0x17: {  	s4 =	simm.s32 $0x1BF5;
	[smem:$0x3FB5] =	sst s0  }
0x18: {  	s0 =	sld [smem:$0x3F98];
	_ =	swait.ge [sflag:s4], $0x0  }
0x19: {  	s7 =	sld [smem:$0x3F99]  }
0x1a: {  	s8 =	sadd.s32 $0xFFFFE003, lr  }
0x1b: {  	s9 =	sadd.s32 $0xFFFFFEF7, lr;
	s5 =	simm.s32 $0xFFFFFFFF;
	p2 =	slt.u32 s8, $0xFFFFF086  }
0x1c: {  	p1 =	slt.u32 s9, $0xF7A;
	s5 =	simm.s32 @!p2 $0x0  }
0x1d: {  	s5 =	simm.s32 @p1 $0x1;
	p0 =	seq.s32 s7, s2  }
0x1e: {  	s7 =	smul.u32 @!p0 $0xF7A, s2;
	p2 =	seq.s32 @!p0 s5, $0x0  }
0x1f: {  	s9 =	smul.u32 $0xF7A, s1;
	s8 =	simm.s32 @!p0 $0x1BF5;
	p2 =	por !p2, p0  }
0x20: {  	[sflag:s8] =	ssyncset.s32 @!p0 $0xFFFFF086;
	s6 =	sadd.s32 @!p0 s3, s7;
	s7 =	simm.s32 @!p0 $0x108  }
0x21: {  	s3 =	sadd.s32 s3, s9;
	s6 =	sadd.s32 @!p0 $0x88, s6;
	s7 =	simm.s32 @p2 $0x1082  }
0x22: {  	[simem:s7], [sflag:s8] =	dma.local @!p0 [hbm:s6], $0xF7A  }
0x23: {  	s9 =	sor.u32 $0xD0000000, s2;
	s6 =	simm.s32 $0x108;
	_ =	swait.ge @!p0 [sflag:s8], $0x0  }
0x24: {  	s3 =	sadd.s32 $0x88, s3;
	s6 =	simm.s32 @!p1 $0x1082;
	[sflag:s4] =	ssyncset.s32 $0xFFFFF086  }
0x25: {  	[simem:s6], [sflag:s4] =	dma.local [hbm:s3], $0xF7A  }
0x26: {  	[smem:$0x3F99] =	sst s1;
	(tag) =	ssettag s2;
	_ =	strace s9  }
0x27: {  	s1 =	sld [smem:$0x3FA9]  }
0x28: {  	s2 =	sld [smem:$0x3FAA]  }
0x29: {  	s4 =	sld [smem:$0x3FAC]  }
0x2a: {  	p0 =	seq.s32 s5, $0x0;
	s5 =	sld [smem:$0x3FAD]  }
0x2b: {  	s6 =	sld [smem:$0x3FAE]  }
0x2c: {  	s7 =	sld [smem:$0x3FAF]  }
0x2d: {  	s3 =	simm.s32 $0x108;
	s8 =	sld [smem:$0x3FB0]  }
0x2e: {  	s3 =	simm.s32 @!p0 $0x1082;
	s9 =	sld [smem:$0x3FB1]  }
0x2f: {  	lr =	sadd.s32 s0, s3;
	s0 =	sld [smem:$0x3FA8]  }
0x30: {  	s3 =	sld [smem:$0x3FAB]  }
0x31: {  	[smem:$0x3FB4] =	sst s10  }
0x32: {  	s10 =	sld [smem:$0x3FB2];
	_ =	sdelay $0x3  }
0x33: {  	p0 =	seq.s32 s10, $0x1;
	s10 =	sld [smem:$0x3FB4];
	_ =	sdelay $0x3  }
0x34: {  	[smem:$0x3FB4] =	sst s10  }
0x35: {  	s10 =	sld [smem:$0x3FB3];
	_ =	sdelay $0x3  }
0x36: {  	p1 =	seq.s32 s10, $0x1;
	s10 =	sld [smem:$0x3FB4];
	_ =	sdelay $0x3  }
0x37: {  	[smem:$0x3FB4] =	sst s10  }
0x38: {  	s10 =	sld [smem:$0x3FB5]  }
0x39: {  	_ = 	snop;
	(pc) =	sbr.ind lr, $3  }
0x3a: {  	_ = 	snop  }
0x3b: {  	_ = 	snop  }
0x3c: {  	p2 =	seq.s32 s10, $0x1;
	s10 =	sld [smem:$0x3FB4]  }
0x3d: {  	_ =	shalt  }
0x3e: {  	_ =	shalt  }
0x3f: {  	_ =	shalt  }
0x40: {  	_ =	shalt  }
0x41: {  	_ =	shalt  }
0x42: {  	_ =	shalt  }
0x43: {  	_ =	shalt  }
0x44: {  	_ =	shalt  }
0x45: {  	_ =	shalt  }
0x46: {  	_ =	shalt  }
0x47: {  	_ =	shalt  }
0x48: {  	_ =	shalt  }
0x49: {  	_ =	shalt  }
0x4a: {  	_ =	shalt  }
0x4b: {  	_ =	shalt  }
0x4c: {  	_ =	shalt  }
0x4d: {  	_ =	shalt  }
0x4e: {  	_ =	shalt  }
0x4f: {  	_ =	shalt  }
0x50: {  	_ =	shalt  }
0x51: {  	_ =	shalt  }
0x52: {  	_ =	shalt  }
0x53: {  	_ =	shalt  }
0x54: {  	_ =	shalt  }
0x55: {  	_ =	shalt  }
0x56: {  	_ =	shalt  }
0x57: {  	_ =	shalt  }
0x58: {  	_ =	shalt  }
0x59: {  	_ =	shalt  }
0x5a: {  	_ =	shalt  }
0x5b: {  	_ =	shalt  }
0x5c: {  	_ =	shalt  }
0x5d: {  	_ =	shalt  }
0x5e: {  	_ =	shalt  }
0x5f: {  	_ =	shalt  }
0x60: {  	_ =	shalt  }
0x61: {  	_ =	shalt  }
0x62: {  	_ =	shalt  }
0x63: {  	_ =	shalt  }
0x64: {  	_ =	shalt  }
0x65: {  	_ =	shalt  }
0x66: {  	_ =	shalt  }
0x67: {  	_ =	shalt  }
0x68: {  	_ =	shalt  }
0x69: {  	_ =	shalt  }
0x6a: {  	_ =	shalt  }
0x6b: {  	_ =	shalt  }
0x6c: {  	_ =	shalt  }
0x6d: {  	_ =	shalt  }
0x6e: {  	_ =	shalt  }
0x6f: {  	_ =	shalt  }
0x70: {  	_ =	shalt  }
0x71: {  	_ =	shalt  }
0x72: {  	_ =	shalt  }
0x73: {  	_ =	shalt  }
0x74: {  	_ =	shalt  }
0x75: {  	_ =	shalt  }
0x76: {  	_ =	shalt  }
0x77: {  	_ =	shalt  }
0x78: {  	_ =	shalt  }
0x79: {  	_ =	shalt  }
0x7a: {  	_ =	shalt  }
0x7b: {  	_ =	shalt  }
0x7c: {  	_ =	shalt  }
0x7d: {  	_ =	shalt  }
0x7e: {  	_ =	shalt  }
0x7f: {  	_ =	shalt  }
0x80: {  	_ =	shalt  }
0x81: {  	_ =	shalt  }
0x82: {  	_ =	shalt  }
0x83: {  	_ =	shalt  }
0x84: {  	_ =	shalt  }
0x85: {  	_ =	shalt  }
0x86: {  	_ =	shalt  }
0x87: {  	_ =	shalt  }
.Lfunc_end0:
.L_simem_size_0:
called_computation.3_lowered:
.L_overlay_start_0:
0x88: {  	s2 =	sld [smem:$0x3FD9]  }
0x89: {  	s3 =	sld [smem:$0x3FFE];
	_ =	sdelay $0x1  }
0x8a: {  	s1 =	srdreg.scid  }
0x8b: {  	s0 =	sand.u32 $0x1, s1  }
0x8c: {  	s17 =	sshll.u32 s0, $0xA;
	s2 =	sadd.s32 s3, s2  }
0x8d: {  	s2 =	sadd.s32 s2, s17  }
0x8e: {  	[smem:$0x3FC0] =	sst s2  }
0x8f: {  	_ = 	snop  }
0x90: {  	s2 =	sld [smem:$0x3FD0];
	(tm) =	ssettm $0x1  }
0x91: {  	s18 =	sld [smem:$0x3FFB];
	_ =	sdelay $0x3  }
0x92: {  	_ =	strace s18  }
0x93: {  	s3 =	sld [smem:$0x3FFC];
	_ =	sdelay $0x3  }
0x94: {  	_ =	strace s3  }
0x95: {  	s3 =	sld [smem:$0x3FFD];
	_ =	sdelay $0x3  }
0x96: {  	_ =	strace s3  }
0x97: {  	_ =	strace $0x8FFFFFFF  }
0x98: {  	s19 =	sld [smem:$0x3FDB];
	_ =	sdelay $0x1  }
0x99: {  	s4 =	simm.s32 $_scs_section_size  }
0x9a: {  	s5 =	simm.s32 $_size__tile_overlayer_lowered;
	s6 =	simm.s32 $_tile_overlayer_lowered  }
0x9b: {  	s22 =	simm.s32 $0x1BFF;
	s21 =	sshll.u32 s6, $0x1;
	s3 =	sadd.s32 s4, s19  }
0x9c: {  	s7 =	simm.s32 $0x0;
	s20 =	sshll.u32 s5, $0x1;
	s5 =	sadd.s32 s21, s3  }
0x9d: {  	[timem:s7], [sflag:s22] =	dma.local [hbm:s5], s20  }
0x9e: {  	_ =	swait.ge [sflag:s22], s20  }
0x9f: {  	s4 =	ssub.s32 $0x0, s20;
	[sflag:s22] =	ssyncset.done $0x0  }
0xa0: {  	[sflag:s22] =	ssyncadd.s32 s4;
	_ =	sdelay $0x1  }
0xa1: {  	s23 =	simm.s32 $0x1B8B  }
0xa2: {  	_ =	swait.ge [sflag:s23], $0x1  }
0xa3: {  	[sflag:s23] =	ssyncset.done $0x0  }
0xa4: {  	s25 =	simm.s32 $0x1B8E;
	s24 =	sld [smem:$0x3FFE];
	[sflag:s23] =	ssyncadd.s32 $0xFFFFFFFF  }
0xa5: {  	s26 =	simm.s32 $execute0_lowered;
	[smem:$0x3FD2] =	sst s25  }
0xa6: {  	s5 =	sshll.u32 s26, $0x1;
	_ =	strace $0x80000055;
	[dreg:$0x1] =	wrdreg $0xFFFFFFFF  }
0xa7: {  	s28 =	simm.s32 $_size_execute0_lowered;
	s3 =	sadd.s32 s3, s5;
	[dreg:$0x0] =	wrdreg $0x0  }
0xa8: {  	s5 =	sshll.u32 s28, $0x1;
	[dreg:$0x2] =	wrdreg s3  }
0xa9: {  	[dreg:$0x3] =	wrdreg s5  }
0xaa: {  	[dreg:$0x4] =	wrdreg $0xC0  }
0xab: {  	_ =	task [dreg:s7], $0x5FFFF  }
0xac: {  	[dreg:$0x1] =	wrdreg $0xFFFFFFFF  }
0xad: {  	[dreg:$0x0] =	wrdreg $0x60  }
0xae: {  	[dreg:$0x2] =	wrdreg s24  }
0xaf: {  	[dreg:$0x3] =	wrdreg s2  }
0xb0: {  	[dreg:$0x4] =	wrdreg $0x9  }
0xb1: {  	_ =	task.clear_ibuf [dreg:s7], $0x5FFFF;
	_ =	strace $0x90000055  }
0xb2: {  	s29 =	simm.s32 $0x9;
	_ =	strace $0x80000057  }
0xb3: {  	_ =	swait.ge [sflag:s29], $0x1  }
0xb4: {  	[sflag:s29] =	ssyncadd.s32 $0xFFFFFFFF  }
0xb5: {  	_ =	strace $0x90000057  }
0xb6: {  	_ =	sfence  }
0xb7: {  	s30 =	sld [smem:$0x0];
	_ =	sdelay $0x2  }
0xb8: {  	s31 =	sshll.u32 s1, $0xD;
	s1 =	sshrl.u32 s1, $0x2  }
0xb9: {  	s3 =	sand.u32 $0x4000, s31;
	s1 =	sadd.s32 s1, s30  }
0xba: {  	s0 =	sor.u32 s3, s0;
	s1 =	sshll.u32 s1, $0x11  }
0xbb: {  	s0 =	sor.u32 s1, s0  }
0xbc: {  	s0 =	sadd.s32 $0x8F2B, s0  }
0xbd: {  	[sflag:s0] =	ssyncadd.remote.s32 $0x1  }
0xbe: {  	_ =	sfence.sel $0xFFFF  }
0xbf: {  	[dreg:$0x0] =	wrdreg $0xFFFFFFFF;
	(pc) =	sbr.abs _section_cstart, $3  }
0xc0: {  	[dreg:$0x1] =	wrdreg $0xFFFFFFFF  }
0xc1: {  	_ =	task.clear_ibuf [dreg:s7], $0x2FFFF;
	_ =	strace $0x9FFFFFFF  }
0xc2: {  	(tm) =	ssettm $0x7FFFFFFF  }
0xc3: {  	_ =	shalt  }
tec
execute0_lowered:
.L_overlay_start_1:
0x0: {  	(tag) =	ssettag $0x1  }
0x1: {  	s1 =	srdreg.scid;
	s0 =	stileid.u32  }
0x2: {  	s21 =	sand.u32 $0x1, s1;
	s26 =	sshll.u32 s0, $0x1  }
0x3: {  	s9 =	rddreg [dreg:$0x0];
	s10 =	sor.u32 s21, s26  }
0x4: {  	s20 =	rddreg [dreg:$0x1];
	s22 =	smul.u32 $0xC40, s10  }
0x5: {  	s2 =	simm.s32 $0x0;
	s1 =	rddreg [dreg:$0x2]  }
0x6: {  	[smem:$0x7FF] =	sst s2;
	s3 =	sshrl.u32 s22, $0x3  }
0x7: {  	_ =	strace $0x80000056;
	s4 =	sadd.s32 s20, s3;
	s3 =	simm.s32 $0x2  }
0x8: {  	[tilespmem:s2], [sflag:$0x2] =	stream.linear.gather [hbm4b:s4+s2], $0x1C0, $0x38;
	[tilespmem:$0xE200] =	vst v63  }
0x9: {  	_ =	swait.ge [sflag:s3], $0x1C0  }
0xa: {  	s6 =	simm.s32 $0x1C0;
	s7 =	simm.s32 $0x200;
	[sflag:s3] =	ssyncset.done $0x0  }
0xb: {  	s8 =	simm.s32 $0x1;
	s5 =	sadd.s32 $0x190A00, s9;
	[sflag:s3] =	ssyncadd.s32 $0xFFFFFE40  }
0xc: {  	[tilespmem:s7], [sflag:$0x1] =	stream.indirect.gather [hbm4b:s5+s6], $0x80, s2, s6, $0xb8;
	[tilespmem:$0xE200] =	vst v63  }
0xd: {  	s10 =	smul.u32 $0xC400, s10;
	_ =	swait.ge [sflag:s8], $0xE000  }
0xe: {  	s23 =	sadd.s32 $0x317400, s9;
	[sflag:s8] =	ssyncset.done $0x0  }
0xf: {  	s9 =	sadd.s32 s23, s10;
	[sflag:s8] =	ssyncadd.s32 $0xFFFF2000  }
0x10: {  	[hbm4b:s9+s2] =	stream.linear.scatter [tilespmem:s7], [sflag:$0x2], $0xE000, $0x38;
	[tilespmem:$0xE200] =	vst v63  }
0x11: {  	s11 =	sadd.s32 $0x1C0, s22;
	_ =	swait.ge [sflag:s3], $0xE000  }
0x12: {  	s28 =	sshrl.u32 s11, $0x3;
	[sflag:s3] =	ssyncset.done $0x0  }
0x13: {  	s10 =	sadd.s32 s20, s28;
	[sflag:s3] =	ssyncadd.s32 $0xFFFF2000  }
0x14: {  	[tilespmem:s2], [sflag:$0x2] =	stream.linear.gather [hbm4b:s10+s2], $0x1C0, $0x38;
	[tilespmem:$0xE200] =	vst v63  }
0x15: {  	_ =	swait.ge [sflag:s3], $0x1C0  }
0x16: {  	[sflag:s3] =	ssyncset.done $0x0  }
0x17: {  	[sflag:s3] =	ssyncadd.s32 $0xFFFFFE40  }
0x18: {  	[tilespmem:s7], [sflag:$0x1] =	stream.indirect.gather [hbm4b:s5+s6], $0x80, s2, s6, $0xb8;
	[tilespmem:$0xE200] =	vst v63  }
0x19: {  	_ =	swait.ge [sflag:s8], $0xE000  }
0x1a: {  	s11 =	sshll.u32 s11, $0x4;
	[sflag:s8] =	ssyncset.done $0x0  }
0x1b: {  	s11 =	sadd.s32 s23, s11;
	[sflag:s8] =	ssyncadd.s32 $0xFFFF2000  }
0x1c: {  	[hbm4b:s11+s2] =	stream.linear.scatter [tilespmem:s7], [sflag:$0x2], $0xE000, $0x38;
	[tilespmem:$0xE200] =	vst v63  }
0x1d: {  	s13 =	sadd.s32 $0x380, s22;
	_ =	swait.ge [sflag:s3], $0xE000  }
0x1e: {  	s12 =	sshrl.u32 s13, $0x3;
	[sflag:s3] =	ssyncset.done $0x0  }
0x1f: {  	s12 =	sadd.s32 s20, s12;
	[sflag:s3] =	ssyncadd.s32 $0xFFFF2000  }
0x20: {  	[tilespmem:s2], [sflag:$0x2] =	stream.linear.gather [hbm4b:s12+s2], $0x1C0, $0x38;
	[tilespmem:$0xE200] =	vst v63  }
0x21: {  	_ =	swait.ge [sflag:s3], $0x1C0  }
0x22: {  	[sflag:s3] =	ssyncset.done $0x0  }
0x23: {  	[sflag:s3] =	ssyncadd.s32 $0xFFFFFE40  }
0x24: {  	[tilespmem:s7], [sflag:$0x1] =	stream.indirect.gather [hbm4b:s5+s6], $0x80, s2, s6, $0xb8;
	[tilespmem:$0xE200] =	vst v63  }
0x25: {  	_ =	swait.ge [sflag:s8], $0xE000  }
0x26: {  	s13 =	sshll.u32 s13, $0x4;
	[sflag:s8] =	ssyncset.done $0x0  }
0x27: {  	s13 =	sadd.s32 s23, s13;
	[sflag:s8] =	ssyncadd.s32 $0xFFFF2000  }
0x28: {  	[hbm4b:s13+s2] =	stream.linear.scatter [tilespmem:s7], [sflag:$0x2], $0xE000, $0x38;
	[tilespmem:$0xE200] =	vst v63  }
0x29: {  	s15 =	sadd.s32 $0x540, s22;
	_ =	swait.ge [sflag:s3], $0xE000  }
0x2a: {  	s14 =	sshrl.u32 s15, $0x3;
	[sflag:s3] =	ssyncset.done $0x0  }
0x2b: {  	s14 =	sadd.s32 s20, s14;
	[sflag:s3] =	ssyncadd.s32 $0xFFFF2000  }
0x2c: {  	[tilespmem:s2], [sflag:$0x2] =	stream.linear.gather [hbm4b:s14+s2], $0x1C0, $0x38;
	[tilespmem:$0xE200] =	vst v63  }
0x2d: {  	_ =	swait.ge [sflag:s3], $0x1C0  }
0x2e: {  	[sflag:s3] =	ssyncset.done $0x0  }
0x2f: {  	[sflag:s3] =	ssyncadd.s32 $0xFFFFFE40  }
0x30: {  	[tilespmem:s7], [sflag:$0x1] =	stream.indirect.gather [hbm4b:s5+s6], $0x80, s2, s6, $0xb8;
	[tilespmem:$0xE200] =	vst v63  }
0x31: {  	_ =	swait.ge [sflag:s8], $0xE000  }
0x32: {  	s15 =	sshll.u32 s15, $0x4;
	[sflag:s8] =	ssyncset.done $0x0  }
0x33: {  	s15 =	sadd.s32 s23, s15;
	[sflag:s8] =	ssyncadd.s32 $0xFFFF2000  }
0x34: {  	[hbm4b:s15+s2] =	stream.linear.scatter [tilespmem:s7], [sflag:$0x2], $0xE000, $0x38;
	[tilespmem:$0xE200] =	vst v63  }
0x35: {  	s17 =	sadd.s32 $0x700, s22;
	_ =	swait.ge [sflag:s3], $0xE000  }
0x36: {  	s16 =	sshrl.u32 s17, $0x3;
	[sflag:s3] =	ssyncset.done $0x0  }
0x37: {  	s16 =	sadd.s32 s20, s16;
	[sflag:s3] =	ssyncadd.s32 $0xFFFF2000  }
0x38: {  	[tilespmem:s2], [sflag:$0x2] =	stream.linear.gather [hbm4b:s16+s2], $0x1C0, $0x38;
	[tilespmem:$0xE200] =	vst v63  }
0x39: {  	_ =	swait.ge [sflag:s3], $0x1C0  }
0x3a: {  	[sflag:s3] =	ssyncset.done $0x0  }
0x3b: {  	[sflag:s3] =	ssyncadd.s32 $0xFFFFFE40  }
0x3c: {  	[tilespmem:s7], [sflag:$0x1] =	stream.indirect.gather [hbm4b:s5+s6], $0x80, s2, s6, $0xb8;
	[tilespmem:$0xE200] =	vst v63  }
0x3d: {  	_ =	swait.ge [sflag:s8], $0xE000  }
0x3e: {  	s17 =	sshll.u32 s17, $0x4;
	[sflag:s8] =	ssyncset.done $0x0  }
0x3f: {  	s17 =	sadd.s32 s23, s17;
	[sflag:s8] =	ssyncadd.s32 $0xFFFF2000  }
0x40: {  	[hbm4b:s17+s2] =	stream.linear.scatter [tilespmem:s7], [sflag:$0x2], $0xE000, $0x38;
	[tilespmem:$0xE200] =	vst v63  }
0x41: {  	s19 =	sadd.s32 $0x8C0, s22;
	_ =	swait.ge [sflag:s3], $0xE000  }
0x42: {  	s18 =	sshrl.u32 s19, $0x3;
	[sflag:s3] =	ssyncset.done $0x0  }
0x43: {  	s18 =	sadd.s32 s20, s18;
	[sflag:s3] =	ssyncadd.s32 $0xFFFF2000  }
0x44: {  	[tilespmem:s2], [sflag:$0x2] =	stream.linear.gather [hbm4b:s18+s2], $0x1C0, $0x38;
	[tilespmem:$0xE200] =	vst v63  }
0x45: {  	_ =	swait.ge [sflag:s3], $0x1C0  }
0x46: {  	[sflag:s3] =	ssyncset.done $0x0  }
0x47: {  	[sflag:s3] =	ssyncadd.s32 $0xFFFFFE40  }
0x48: {  	[tilespmem:s7], [sflag:$0x1] =	stream.indirect.gather [hbm4b:s5+s6], $0x80, s2, s6, $0xb8;
	[tilespmem:$0xE200] =	vst v63  }
0x49: {  	_ =	swait.ge [sflag:s8], $0xE000  }
0x4a: {  	s19 =	sshll.u32 s19, $0x4;
	[sflag:s8] =	ssyncset.done $0x0  }
0x4b: {  	s19 =	sadd.s32 s23, s19;
	[sflag:s8] =	ssyncadd.s32 $0xFFFF2000  }
0x4c: {  	[hbm4b:s19+s2] =	stream.linear.scatter [tilespmem:s7], [sflag:$0x2], $0xE000, $0x38;
	[tilespmem:$0xE200] =	vst v63  }
0x4d: {  	s22 =	sadd.s32 $0xA80, s22;
	_ =	swait.ge [sflag:s3], $0xE000  }
0x4e: {  	s24 =	sshrl.u32 s22, $0x3;
	[sflag:s3] =	ssyncset.done $0x0  }
0x4f: {  	s21 =	ssub.s32 $0x2, s21;
	s20 =	sadd.s32 s20, s24;
	[sflag:s3] =	ssyncadd.s32 $0xFFFF2000  }
0x50: {  	[tilespmem:s2], [sflag:$0x2] =	stream.linear.gather [hbm4b:s20+s2], $0x1C0, $0x38;
	[tilespmem:$0xE200] =	vst v63  }
0x51: {  	s29 =	sshrl.u32 s21, $0x1;
	_ =	swait.ge [sflag:s3], $0x1C0  }
0x52: {  	s24 =	ssub.s32 s21, s29;
	[sflag:s3] =	ssyncset.done $0x0  }
0x53: {  	s31 =	smax.u32 s24, $0x1;
	[sflag:s3] =	ssyncadd.s32 $0xFFFFFE40  }
0x54: {  	[tilespmem:s7], [sflag:$0x1] =	stream.indirect.gather [hbm4b:s5+s6], $0x80, s2, s6, $0xb8;
	[tilespmem:$0xE200] =	vst v63  }
0x55: {  	p0 =	sne.s32 s31, $0x1;
	_ =	swait.ge [sflag:s8], $0xE000  }
.Ltmp0:
0x56: {  	s30 =	sshll.u32 s22, $0x4;
	[sflag:s8] =	ssyncset.done $0x0;
	(pc) =	sbr.rel @!p0 .LBB2_2-.Ltmp0, $4  }
0x57: {  	s21 =	sadd.s32 s23, s30;
	[sflag:s8] =	ssyncadd.s32 $0xFFFF2000  }
0x58: {  	[hbm4b:s21+s2] =	stream.linear.scatter [tilespmem:s7], [sflag:$0x2], $0xE000, $0x38;
	[tilespmem:$0xE200] =	vst v63  }
0x59: {  	_ =	swait.ge [sflag:s3], $0xE000  }
0x5a: {  	s22 =	sadd.s32 $0xFFFFFFFF, s31;
	[sflag:s3] =	ssyncset.done $0x0  }
.LBB2_1:
0x5b: {  	p0 =	sne.s32 s22, $0x1;
	s22 =	sadd.s32 $0xFFFFFFFF, s22;
	[sflag:s3] =	ssyncadd.s32 $0xFFFF2000  }
0x5c: {  	[tilespmem:s2], [sflag:$0x2] =	stream.linear.gather [hbm4b:s4+s2], $0x1C0, $0x38;
	[tilespmem:$0xE200] =	vst v63  }
0x5d: {  	_ =	swait.ge [sflag:s3], $0x1C0  }
0x5e: {  	[sflag:s3] =	ssyncset.done $0x0  }
0x5f: {  	[sflag:s3] =	ssyncadd.s32 $0xFFFFFE40  }
0x60: {  	[tilespmem:s7], [sflag:$0x1] =	stream.indirect.gather [hbm4b:s5+s6], $0x80, s2, s6, $0xb8;
	[tilespmem:$0xE200] =	vst v63  }
0x61: {  	_ =	swait.ge [sflag:s8], $0xE000  }
0x62: {  	[sflag:s8] =	ssyncset.done $0x0  }
0x63: {  	[sflag:s8] =	ssyncadd.s32 $0xFFFF2000  }
0x64: {  	[hbm4b:s9+s2] =	stream.linear.scatter [tilespmem:s7], [sflag:$0x2], $0xE000, $0x38;
	[tilespmem:$0xE200] =	vst v63  }
0x65: {  	_ =	swait.ge [sflag:s3], $0xE000  }
0x66: {  	[sflag:s3] =	ssyncset.done $0x0  }
0x67: {  	[sflag:s3] =	ssyncadd.s32 $0xFFFF2000  }
0x68: {  	[tilespmem:s2], [sflag:$0x2] =	stream.linear.gather [hbm4b:s10+s2], $0x1C0, $0x38;
	[tilespmem:$0xE200] =	vst v63  }
0x69: {  	_ =	swait.ge [sflag:s3], $0x1C0  }
0x6a: {  	[sflag:s3] =	ssyncset.done $0x0  }
0x6b: {  	[sflag:s3] =	ssyncadd.s32 $0xFFFFFE40  }
0x6c: {  	[tilespmem:s7], [sflag:$0x1] =	stream.indirect.gather [hbm4b:s5+s6], $0x80, s2, s6, $0xb8;
	[tilespmem:$0xE200] =	vst v63  }
0x6d: {  	_ =	swait.ge [sflag:s8], $0xE000  }
0x6e: {  	[sflag:s8] =	ssyncset.done $0x0  }
0x6f: {  	[sflag:s8] =	ssyncadd.s32 $0xFFFF2000  }
0x70: {  	[hbm4b:s11+s2] =	stream.linear.scatter [tilespmem:s7], [sflag:$0x2], $0xE000, $0x38;
	[tilespmem:$0xE200] =	vst v63  }
0x71: {  	_ =	swait.ge [sflag:s3], $0xE000  }
0x72: {  	[sflag:s3] =	ssyncset.done $0x0  }
0x73: {  	[sflag:s3] =	ssyncadd.s32 $0xFFFF2000  }
0x74: {  	[tilespmem:s2], [sflag:$0x2] =	stream.linear.gather [hbm4b:s12+s2], $0x1C0, $0x38;
	[tilespmem:$0xE200] =	vst v63  }
0x75: {  	_ =	swait.ge [sflag:s3], $0x1C0  }
0x76: {  	[sflag:s3] =	ssyncset.done $0x0  }
0x77: {  	[sflag:s3] =	ssyncadd.s32 $0xFFFFFE40  }
0x78: {  	[tilespmem:s7], [sflag:$0x1] =	stream.indirect.gather [hbm4b:s5+s6], $0x80, s2, s6, $0xb8;
	[tilespmem:$0xE200] =	vst v63  }
0x79: {  	_ =	swait.ge [sflag:s8], $0xE000  }
0x7a: {  	[sflag:s8] =	ssyncset.done $0x0  }
0x7b: {  	[sflag:s8] =	ssyncadd.s32 $0xFFFF2000  }
0x7c: {  	[hbm4b:s13+s2] =	stream.linear.scatter [tilespmem:s7], [sflag:$0x2], $0xE000, $0x38;
	[tilespmem:$0xE200] =	vst v63  }
0x7d: {  	_ =	swait.ge [sflag:s3], $0xE000  }
0x7e: {  	[sflag:s3] =	ssyncset.done $0x0  }
0x7f: {  	[sflag:s3] =	ssyncadd.s32 $0xFFFF2000  }
0x80: {  	[tilespmem:s2], [sflag:$0x2] =	stream.linear.gather [hbm4b:s14+s2], $0x1C0, $0x38;
	[tilespmem:$0xE200] =	vst v63  }
0x81: {  	_ =	swait.ge [sflag:s3], $0x1C0  }
0x82: {  	[sflag:s3] =	ssyncset.done $0x0  }
0x83: {  	[sflag:s3] =	ssyncadd.s32 $0xFFFFFE40  }
0x84: {  	[tilespmem:s7], [sflag:$0x1] =	stream.indirect.gather [hbm4b:s5+s6], $0x80, s2, s6, $0xb8;
	[tilespmem:$0xE200] =	vst v63  }
0x85: {  	_ =	swait.ge [sflag:s8], $0xE000  }
0x86: {  	[sflag:s8] =	ssyncset.done $0x0  }
0x87: {  	[sflag:s8] =	ssyncadd.s32 $0xFFFF2000  }
0x88: {  	[hbm4b:s15+s2] =	stream.linear.scatter [tilespmem:s7], [sflag:$0x2], $0xE000, $0x38;
	[tilespmem:$0xE200] =	vst v63  }
0x89: {  	_ =	swait.ge [sflag:s3], $0xE000  }
0x8a: {  	[sflag:s3] =	ssyncset.done $0x0  }
0x8b: {  	[sflag:s3] =	ssyncadd.s32 $0xFFFF2000  }
0x8c: {  	[tilespmem:s2], [sflag:$0x2] =	stream.linear.gather [hbm4b:s16+s2], $0x1C0, $0x38;
	[tilespmem:$0xE200] =	vst v63  }
0x8d: {  	_ =	swait.ge [sflag:s3], $0x1C0  }
0x8e: {  	[sflag:s3] =	ssyncset.done $0x0  }
0x8f: {  	[sflag:s3] =	ssyncadd.s32 $0xFFFFFE40  }
0x90: {  	[tilespmem:s7], [sflag:$0x1] =	stream.indirect.gather [hbm4b:s5+s6], $0x80, s2, s6, $0xb8;
	[tilespmem:$0xE200] =	vst v63  }
0x91: {  	_ =	swait.ge [sflag:s8], $0xE000  }
0x92: {  	[sflag:s8] =	ssyncset.done $0x0  }
0x93: {  	[sflag:s8] =	ssyncadd.s32 $0xFFFF2000  }
0x94: {  	[hbm4b:s17+s2] =	stream.linear.scatter [tilespmem:s7], [sflag:$0x2], $0xE000, $0x38;
	[tilespmem:$0xE200] =	vst v63  }
0x95: {  	_ =	swait.ge [sflag:s3], $0xE000  }
0x96: {  	[sflag:s3] =	ssyncset.done $0x0  }
0x97: {  	[sflag:s3] =	ssyncadd.s32 $0xFFFF2000  }
0x98: {  	[tilespmem:s2], [sflag:$0x2] =	stream.linear.gather [hbm4b:s18+s2], $0x1C0, $0x38;
	[tilespmem:$0xE200] =	vst v63  }
0x99: {  	_ =	swait.ge [sflag:s3], $0x1C0  }
0x9a: {  	[sflag:s3] =	ssyncset.done $0x0  }
0x9b: {  	[sflag:s3] =	ssyncadd.s32 $0xFFFFFE40  }
0x9c: {  	[tilespmem:s7], [sflag:$0x1] =	stream.indirect.gather [hbm4b:s5+s6], $0x80, s2, s6, $0xb8;
	[tilespmem:$0xE200] =	vst v63  }
0x9d: {  	_ =	swait.ge [sflag:s8], $0xE000  }
0x9e: {  	[sflag:s8] =	ssyncset.done $0x0  }
0x9f: {  	[sflag:s8] =	ssyncadd.s32 $0xFFFF2000  }
0xa0: {  	[hbm4b:s19+s2] =	stream.linear.scatter [tilespmem:s7], [sflag:$0x2], $0xE000, $0x38;
	[tilespmem:$0xE200] =	vst v63  }
0xa1: {  	_ =	swait.ge [sflag:s3], $0xE000  }
0xa2: {  	[sflag:s3] =	ssyncset.done $0x0  }
0xa3: {  	[sflag:s3] =	ssyncadd.s32 $0xFFFF2000  }
0xa4: {  	[tilespmem:s2], [sflag:$0x2] =	stream.linear.gather [hbm4b:s20+s2], $0x1C0, $0x38;
	[tilespmem:$0xE200] =	vst v63  }
0xa5: {  	_ =	swait.ge [sflag:s3], $0x1C0  }
0xa6: {  	[sflag:s3] =	ssyncset.done $0x0  }
0xa7: {  	[sflag:s3] =	ssyncadd.s32 $0xFFFFFE40  }
0xa8: {  	[tilespmem:s7], [sflag:$0x1] =	stream.indirect.gather [hbm4b:s5+s6], $0x80, s2, s6, $0xb8;
	[tilespmem:$0xE200] =	vst v63  }
0xa9: {  	_ =	swait.ge [sflag:s8], $0xE000  }
.Ltmp1:
0xaa: {  	[sflag:s8] =	ssyncset.done $0x0;
	(pc) =	sbr.rel @p0 .LBB2_1-.Ltmp1, $4  }
0xab: {  	[sflag:s8] =	ssyncadd.s32 $0xFFFF2000  }
0xac: {  	[hbm4b:s21+s2] =	stream.linear.scatter [tilespmem:s7], [sflag:$0x2], $0xE000, $0x38;
	[tilespmem:$0xE200] =	vst v63  }
0xad: {  	_ =	swait.ge [sflag:s3], $0xE000  }
0xae: {  	[sflag:s3] =	ssyncset.done $0x0  }
.LBB2_2:
0xaf: {  	[sflag:s3] =	ssyncadd.s32 $0xFFFF2000  }
0xb0: {  	_ =	sfence.sel $0x180000  }
0xb1: {  	[bflag:$0x0] =	sbarrier.arrive $0xFFFF  }
0xb2: {  	p0 =	sne.s32 s0, $0x0;
	_ =	strace $0x90000056  }
0xb3: {  	s0 =	sadd.s32 @!p0 $0x100000, s1;
	[bflag:$0x2] =	sbarrier.arrive $0xFFFF  }
0xb4: {  	[sflag:s0] =	ssyncadd.tile.s32 @!p0 $0x1;
	_ =	shalt  }
.Lfunc_end2:
_tile_overlayer_lowered:
.L_overlay_start_2:
0xb5: {  	(tag) =	ssettag $0x2  }
0xb6: {  	s0 =	rddreg [dreg:$0x0];
	s2 =	stileid.u32  }
0xb7: {  	s1 =	rddreg [dreg:$0x1];
	p0 =	sne.s32 s2, $0x0  }
0xb8: {  	s3 =	rddreg [dreg:$0x2];
	[bflag:$0x3] =	sbarrier.arrive $0xFFFF;
	s2 =	simm.s32 @!p0 $0x1C02  }
0xb9: {  	[timem:s3], [sflag:s2] =	dma.local @!p0 [hbm:s0], s1  }
0xba: {  	s0 =	simm.s32 @!p0 $0x2  }
0xbb: {  	_ =	swait.ge @!p0 [sflag:s0], s1  }
0xbc: {  	s1 =	ssub.s32 @!p0 $0x0, s1;
	[sflag:s0] =	ssyncset.done @!p0 $0x0  }
0xbd: {  	[sflag:s0] =	ssyncadd.s32 @!p0 s1  }
0xbe: {  	[bflag:$0x3] =	sbarrier.arrive $0xFFFF  }
0xbf: {  	_ =	shalt  }

// kernel: gather_offload_async_start.1
scs
__scs_entry_jumppad:
0x0: {  	(pc) =	sbr.rel $0x88, $3  }
0x1: {  	(tag) =	ssettag $0x0;
	lr =	simm.s32 $0x1  }
0x2: {  	[smem:$0x3F99] =	sst lr;
	_ =	strace $0xD0000000  }
0x3: {  	_ = 	snop  }
0x4: {  	_ = 	snop  }
0x5: {  	_ = 	snop  }
0x6: {  	_ = 	snop  }
0x7: {  	_ = 	snop  }
__scs_overlays_trampoline_lowered:
0x8: {  	[smem:$0x3FA8] =	sst s0  }
0x9: {  	[smem:$0x3FA9] =	sst s1  }
0xa: {  	[smem:$0x3FAA] =	sst s2  }
0xb: {  	[smem:$0x3FAB] =	sst s3  }
0xc: {  	[smem:$0x3FAC] =	sst s4  }
0xd: {  	[smem:$0x3FAD] =	sst s5  }
0xe: {  	[smem:$0x3FAE] =	sst s6  }
0xf: {  	[smem:$0x3FAF] =	sst s7  }
0x10: {  	[smem:$0x3FB0] =	sst s8  }
0x11: {  	[smem:$0x3FB1] =	sst s9;
	s0 =	simm.s32 @!p0 $0x0  }
0x12: {  	s1 =	sld [smem:$0x3F97];
	s0 =	simm.s32 @p0 $0x1  }
0x13: {  	[smem:$0x3FB2] =	sst s0;
	s0 =	simm.s32 @!p1 $0x0  }
0x14: {  	s2 =	sld [smem:$0x3F96];
	s0 =	simm.s32 @p1 $0x1  }
0x15: {  	[smem:$0x3FB3] =	sst s0;
	s0 =	simm.s32 @!p2 $0x0  }
0x16: {  	s3 =	sld [smem:$0x3FDB];
	s0 =	simm.s32 @p2 $0x1  }
0x17: {  	s4 =	simm.s32 $0x1BF5;
	[smem:$0x3FB5] =	sst s0  }
0x18: {  	s0 =	sld [smem:$0x3F98];
	_ =	swait.ge [sflag:s4], $0x0  }
0x19: {  	s7 =	sld [smem:$0x3F99]  }
0x1a: {  	s8 =	sadd.s32 $0xFFFFE003, lr  }
0x1b: {  	s9 =	sadd.s32 $0xFFFFFEF7, lr;
	s5 =	simm.s32 $0xFFFFFFFF;
	p2 =	slt.u32 s8, $0xFFFFF086  }
0x1c: {  	p1 =	slt.u32 s9, $0xF7A;
	s5 =	simm.s32 @!p2 $0x0  }
0x1d: {  	s5 =	simm.s32 @p1 $0x1;
	p0 =	seq.s32 s7, s2  }
0x1e: {  	s7 =	smul.u32 @!p0 $0xF7A, s2;
	p2 =	seq.s32 @!p0 s5, $0x0  }
0x1f: {  	s9 =	smul.u32 $0xF7A, s1;
	s8 =	simm.s32 @!p0 $0x1BF5;
	p2 =	por !p2, p0  }
0x20: {  	[sflag:s8] =	ssyncset.s32 @!p0 $0xFFFFF086;
	s6 =	sadd.s32 @!p0 s3, s7;
	s7 =	simm.s32 @!p0 $0x108  }
0x21: {  	s3 =	sadd.s32 s3, s9;
	s6 =	sadd.s32 @!p0 $0x88, s6;
	s7 =	simm.s32 @p2 $0x1082  }
0x22: {  	[simem:s7], [sflag:s8] =	dma.local @!p0 [hbm:s6], $0xF7A  }
0x23: {  	s9 =	sor.u32 $0xD0000000, s2;
	s6 =	simm.s32 $0x108;
	_ =	swait.ge @!p0 [sflag:s8], $0x0  }
0x24: {  	s3 =	sadd.s32 $0x88, s3;
	s6 =	simm.s32 @!p1 $0x1082;
	[sflag:s4] =	ssyncset.s32 $0xFFFFF086  }
0x25: {  	[simem:s6], [sflag:s4] =	dma.local [hbm:s3], $0xF7A  }
0x26: {  	[smem:$0x3F99] =	sst s1;
	(tag) =	ssettag s2;
	_ =	strace s9  }
0x27: {  	s1 =	sld [smem:$0x3FA9]  }
0x28: {  	s2 =	sld [smem:$0x3FAA]  }
0x29: {  	s4 =	sld [smem:$0x3FAC]  }
0x2a: {  	p0 =	seq.s32 s5, $0x0;
	s5 =	sld [smem:$0x3FAD]  }
0x2b: {  	s6 =	sld [smem:$0x3FAE]  }
0x2c: {  	s7 =	sld [smem:$0x3FAF]  }
0x2d: {  	s3 =	simm.s32 $0x108;
	s8 =	sld [smem:$0x3FB0]  }
0x2e: {  	s3 =	simm.s32 @!p0 $0x1082;
	s9 =	sld [smem:$0x3FB1]  }
0x2f: {  	lr =	sadd.s32 s0, s3;
	s0 =	sld [smem:$0x3FA8]  }
0x30: {  	s3 =	sld [smem:$0x3FAB]  }
0x31: {  	[smem:$0x3FB4] =	sst s10  }
0x32: {  	s10 =	sld [smem:$0x3FB2];
	_ =	sdelay $0x3  }
0x33: {  	p0 =	seq.s32 s10, $0x1;
	s10 =	sld [smem:$0x3FB4];
	_ =	sdelay $0x3  }
0x34: {  	[smem:$0x3FB4] =	sst s10  }
0x35: {  	s10 =	sld [smem:$0x3FB3];
	_ =	sdelay $0x3  }
0x36: {  	p1 =	seq.s32 s10, $0x1;
	s10 =	sld [smem:$0x3FB4];
	_ =	sdelay $0x3  }
0x37: {  	[smem:$0x3FB4] =	sst s10  }
0x38: {  	s10 =	sld [smem:$0x3FB5]  }
0x39: {  	_ = 	snop;
	(pc) =	sbr.ind lr, $3  }
0x3a: {  	_ = 	snop  }
0x3b: {  	_ = 	snop  }
0x3c: {  	p2 =	seq.s32 s10, $0x1;
	s10 =	sld [smem:$0x3FB4]  }
0x3d: {  	_ =	shalt  }
0x3e: {  	_ =	shalt  }
0x3f: {  	_ =	shalt  }
0x40: {  	_ =	shalt  }
0x41: {  	_ =	shalt  }
0x42: {  	_ =	shalt  }
0x43: {  	_ =	shalt  }
0x44: {  	_ =	shalt  }
0x45: {  	_ =	shalt  }
0x46: {  	_ =	shalt  }
0x47: {  	_ =	shalt  }
0x48: {  	_ =	shalt  }
0x49: {  	_ =	shalt  }
0x4a: {  	_ =	shalt  }
0x4b: {  	_ =	shalt  }
0x4c: {  	_ =	shalt  }
0x4d: {  	_ =	shalt  }
0x4e: {  	_ =	shalt  }
0x4f: {  	_ =	shalt  }
0x50: {  	_ =	shalt  }
0x51: {  	_ =	shalt  }
0x52: {  	_ =	shalt  }
0x53: {  	_ =	shalt  }
0x54: {  	_ =	shalt  }
0x55: {  	_ =	shalt  }
0x56: {  	_ =	shalt  }
0x57: {  	_ =	shalt  }
0x58: {  	_ =	shalt  }
0x59: {  	_ =	shalt  }
0x5a: {  	_ =	shalt  }
0x5b: {  	_ =	shalt  }
0x5c: {  	_ =	shalt  }
0x5d: {  	_ =	shalt  }
0x5e: {  	_ =	shalt  }
0x5f: {  	_ =	shalt  }
0x60: {  	_ =	shalt  }
0x61: {  	_ =	shalt  }
0x62: {  	_ =	shalt  }
0x63: {  	_ =	shalt  }
0x64: {  	_ =	shalt  }
0x65: {  	_ =	shalt  }
0x66: {  	_ =	shalt  }
0x67: {  	_ =	shalt  }
0x68: {  	_ =	shalt  }
0x69: {  	_ =	shalt  }
0x6a: {  	_ =	shalt  }
0x6b: {  	_ =	shalt  }
0x6c: {  	_ =	shalt  }
0x6d: {  	_ =	shalt  }
0x6e: {  	_ =	shalt  }
0x6f: {  	_ =	shalt  }
0x70: {  	_ =	shalt  }
0x71: {  	_ =	shalt  }
0x72: {  	_ =	shalt  }
0x73: {  	_ =	shalt  }
0x74: {  	_ =	shalt  }
0x75: {  	_ =	shalt  }
0x76: {  	_ =	shalt  }
0x77: {  	_ =	shalt  }
0x78: {  	_ =	shalt  }
0x79: {  	_ =	shalt  }
0x7a: {  	_ =	shalt  }
0x7b: {  	_ =	shalt  }
0x7c: {  	_ =	shalt  }
0x7d: {  	_ =	shalt  }
0x7e: {  	_ =	shalt  }
0x7f: {  	_ =	shalt  }
0x80: {  	_ =	shalt  }
0x81: {  	_ =	shalt  }
0x82: {  	_ =	shalt  }
0x83: {  	_ =	shalt  }
0x84: {  	_ =	shalt  }
0x85: {  	_ =	shalt  }
0x86: {  	_ =	shalt  }
0x87: {  	_ =	shalt  }
.Lfunc_end0:
.L_simem_size_0:
called_computation.2_lowered:
.L_overlay_start_0:
0x88: {  	s2 =	sld [smem:$0x3FD9]  }
0x89: {  	s3 =	sld [smem:$0x3FFE];
	_ =	sdelay $0x1  }
0x8a: {  	s1 =	srdreg.scid  }
0x8b: {  	s0 =	sand.u32 $0x1, s1  }
0x8c: {  	s16 =	sshll.u32 s0, $0xA;
	s2 =	sadd.s32 s3, s2  }
0x8d: {  	s2 =	sadd.s32 s2, s16  }
0x8e: {  	[smem:$0x3FC0] =	sst s2  }
0x8f: {  	_ = 	snop  }
0x90: {  	(tm) =	ssettm $0x1  }
0x91: {  	s17 =	sld [smem:$0x3FFB];
	_ =	sdelay $0x3  }
0x92: {  	_ =	strace s17  }
0x93: {  	s2 =	sld [smem:$0x3FFC];
	_ =	sdelay $0x3  }
0x94: {  	_ =	strace s2  }
0x95: {  	s2 =	sld [smem:$0x3FFD];
	_ =	sdelay $0x3  }
0x96: {  	_ =	strace s2  }
0x97: {  	_ =	strace $0x8FFFFFFF  }
0x98: {  	s18 =	sld [smem:$0x3FDB];
	_ =	sdelay $0x1  }
0x99: {  	s19 =	simm.s32 $_scs_section_size  }
0x9a: {  	s4 =	simm.s32 $_size__tile_overlayer_lowered;
	s5 =	simm.s32 $_tile_overlayer_lowered  }
0x9b: {  	s22 =	simm.s32 $0x1BFF;
	s21 =	sshll.u32 s5, $0x1;
	s2 =	sadd.s32 s19, s18  }
0x9c: {  	s6 =	simm.s32 $0x0;
	s20 =	sshll.u32 s4, $0x1;
	s4 =	sadd.s32 s21, s2  }
0x9d: {  	[timem:s6], [sflag:s22] =	dma.local [hbm:s4], s20  }
0x9e: {  	_ =	swait.ge [sflag:s22], s20  }
0x9f: {  	s3 =	ssub.s32 $0x0, s20;
	[sflag:s22] =	ssyncset.done $0x0  }
0xa0: {  	[sflag:s22] =	ssyncadd.s32 s3;
	_ =	sdelay $0x1  }
0xa1: {  	s23 =	simm.s32 $0x1B8B  }
0xa2: {  	_ =	swait.ge [sflag:s23], $0x1  }
0xa3: {  	[sflag:s23] =	ssyncset.done $0x0  }
0xa4: {  	s25 =	simm.s32 $0x1B8E;
	s24 =	sld [smem:$0x3FFE];
	[sflag:s23] =	ssyncadd.s32 $0xFFFFFFFF  }
0xa5: {  	s26 =	simm.s32 $execute0_lowered;
	[smem:$0x3FD2] =	sst s25  }
0xa6: {  	s4 =	sshll.u32 s26, $0x1;
	_ =	strace $0x80000049;
	[dreg:$0x1] =	wrdreg $0xFFFFFFFF  }
0xa7: {  	s28 =	simm.s32 $_size_execute0_lowered;
	s2 =	sadd.s32 s2, s4;
	[dreg:$0x0] =	wrdreg $0x0  }
0xa8: {  	s4 =	sshll.u32 s28, $0x1;
	[dreg:$0x2] =	wrdreg s2  }
0xa9: {  	[dreg:$0x3] =	wrdreg s4  }
0xaa: {  	[dreg:$0x4] =	wrdreg $0xC0  }
0xab: {  	_ =	task [dreg:s6], $0x5FFFF  }
0xac: {  	[dreg:$0x1] =	wrdreg $0xFFFFFFFF  }
0xad: {  	[dreg:$0x0] =	wrdreg $0x60  }
0xae: {  	[dreg:$0x2] =	wrdreg s24  }
0xaf: {  	[dreg:$0x3] =	wrdreg $0x9  }
0xb0: {  	_ =	task.clear_ibuf [dreg:s6], $0x4FFFF;
	_ =	strace $0x90000049  }
0xb1: {  	s29 =	simm.s32 $0x9;
	_ =	strace $0x8000004B  }
0xb2: {  	_ =	swait.ge [sflag:s29], $0x1  }
0xb3: {  	[sflag:s29] =	ssyncadd.s32 $0xFFFFFFFF  }
0xb4: {  	_ =	strace $0x9000004B  }
0xb5: {  	_ =	sfence  }
0xb6: {  	s30 =	sld [smem:$0x0];
	_ =	sdelay $0x2  }
0xb7: {  	s31 =	sshll.u32 s1, $0xD;
	s1 =	sshrl.u32 s1, $0x2  }
0xb8: {  	s3 =	sand.u32 $0x4000, s31;
	s1 =	sadd.s32 s1, s30  }
0xb9: {  	s0 =	sor.u32 s3, s0;
	s1 =	sshll.u32 s1, $0x11  }
0xba: {  	s0 =	sor.u32 s1, s0  }
0xbb: {  	s0 =	sadd.s32 $0x8F2B, s0  }
0xbc: {  	[sflag:s0] =	ssyncadd.remote.s32 $0x1  }
0xbd: {  	_ =	sfence.sel $0xFFFF  }
0xbe: {  	[dreg:$0x0] =	wrdreg $0xFFFFFFFF;
	(pc) =	sbr.abs _section_cstart, $3  }
0xbf: {  	[dreg:$0x1] =	wrdreg $0xFFFFFFFF  }
0xc0: {  	_ =	task.clear_ibuf [dreg:s6], $0x2FFFF;
	_ =	strace $0x9FFFFFFF  }
0xc1: {  	(tm) =	ssettm $0x7FFFFFFF  }
tec
execute0_lowered:
.L_overlay_start_1:
0x0: {  	(tag) =	ssettag $0x1  }
0x1: {  	s8 =	rddreg [dreg:$0x0]  }
0x2: {  	s0 =	rddreg [dreg:$0x1];
	_ =	strace $0x8000004A;
	s1 =	stileid.u32  }
0x3: {  	s3 =	srdreg.scid;
	s4 =	simm.s32 $0x1;
	s7 =	simm.s32 $0x1  }
0x4: {  	s9 =	simm.s32 $0x1;
	s10 =	simm.s32 $0x3;
	s13 =	simm.s32 $0x0  }
0x5: {  	s12 =	simm.s32 $0x0;
	s5 =	sand.u32 $0x1, s3;
	s6 =	sshll.u32 s1, $0x1  }
0x6: {  	s2 =	sadd.s32 $0xD200, s8;
	s3 =	sadd.s32 $0xA00, s8;
	s5 =	sor.u32 s6, s5  }
.Ltmp0:
0x7: {  	[sflag:s4] =	ssyncpa.u1 $0x0;
	p0 =	slt.u32 s5, $0x13;
	(pc) =	sbr.rel .LBB2_1-.Ltmp0, $4  }
0x8: {  	s6 =	simm.s32 $0x2;
	s7 =	simm.s32 @!p0 $0x0;
	p0 =	sne.s32 s5, $0x12  }
0x9: {  	[sflag:s6] =	ssyncpa.u1 $0x0;
	s5 =	smul.u32 $0x7D0, s5;
	s9 =	simm.s32 @!p0 $0x0  }
0xa: {  	s8 =	sadd.s32 $0x6E00, s8;
	[sflag:s10] =	ssyncpa.u1 $0x0;
	s7 =	sadd.s32 s9, s7  }
0xb: {  	vm0 =	vmmov $0xffff;
	s10 =	simm.s32 $0x0;
	s11 =	smov.u32 s5;
	s9 =	sadd.s32 $0x1, s7  }
.LBB2_4:
0xc: {  	v2 =	vnsel vm1, $0x0, v2  }
0xd: {  	vm1 =	vgt.s32 v0, $0x0;
	v2 =	vmin.u32 v2, $0x1869F  }
0xe: {  	v0 =	vnsel vm1, $0x0, v0  }
0xf: {  	v0 =	vmin.u32 v0, $0x1869F  }
0x10: {  	[tilespmem:s18], [sflag:$0x1] =	stream.indirect_vreg.gather [hbm4b:s2+s10], $0x1, v1, vm0, $0x4038;
	[tilespmem:$0x1F40] =	vst v63  }
0x11: {  	(ifvalue) =	ssetifvalue $0x7FFFFFFF  }
0x12: {  	[tilespmem:s15], [sflag:$0x1] =	stream.indirect_vreg.gather [hbm4b:s2+s10], $0x1, v2, vm0, $0x4038;
	[tilespmem:$0x1F40] =	vst v63  }
0x13: {  	s29 =	sadd.s32 $0x10, s15;
	(ifvalue) =	ssetifvalue $0x7FFFFFFF  }
0x14: {  	[tilespmem:s29], [sflag:$0x1] =	stream.indirect_vreg.gather [hbm4b:s2+s10], $0x1, v0, vm0, $0x4038;
	[tilespmem:$0x1F40] =	vst v63  }
0x15: {  	_ =	swait.ge [sflag:s4], $0x7D0  }
0x16: {  	s30 =	sshrl.u32 s13, $0x3;
	[sflag:s4] =	ssyncset.done $0x0  }
0x17: {  	s31 =	sand.u32 $0x7, s13;
	s15 =	sadd.s32 s8, s30;
	[sflag:s4] =	ssyncadd.s32 $0xFFFFF830  }
0x18: {  	[hbm4b:s15+s31] =	stream.linear.scatter [tilespmem:s14], [sflag:$0x3], $0x7D0, $0x38;
	[tilespmem:$0x1F40] =	vst v63  }
.LBB2_5:
0x19: {  	s15 =	sadd.s32 $0xFA00, s11  }
0x1a: {  	p1 =	sgt.s32 s15, $0x1869F  }
0x1b: {  	s15 =	smov.u32 @p1 s5;
	p1 =	sne.s32 s12, s9  }
.Ltmp1:
0x1c: {  	p0 =	slt.u32 s12, $0x2;
	(pc) =	sbr.rel @!p1 .LBB2_6-.Ltmp1, $4  }
0x1d: {  	s14 =	simm.s32 @!p0 $0x3  }
0x1e: {  	_ =	swait.ge @!p0 [sflag:s14], $0x7D0  }
0x1f: {  	s16 =	sadd.s32 $0x1, s12;
	s13 =	smov.u32 s11;
	[sflag:s14] =	ssyncset.done @!p0 $0x0  }
0x20: {  	s12 =	smov.u32 s16;
	s11 =	smov.u32 s15;
	[sflag:s14] =	ssyncadd.s32 @!p0 $0xFFFFF830  }
.LBB2_1:
0x21: {  	p0 =	sge.u32 s12, s7  }
0x22: {  	s14 =	sxor.u32 @!p0 $0x1, s12  }
0x23: {  	s14 =	smul.u32 @!p0 $0x1F40, s14  }
0x24: {  	s31 =	sadd.s32 $0xFFFFFFFF, s12;
	s15 =	sshrl.u32 @!p0 s11, $0x3  }
0x25: {  	s16 =	sand.u32 @!p0 $0x7, s11;
	s15 =	sadd.s32 @!p0 s3, s15;
	s14 =	sshra.s32 @!p0 s14, $0x2  }
0x26: {  	[tilespmem:s14], [sflag:$0x2] =	stream.linear.gather @!p0 [hbm4b:s15+s16], $0x7D0, $0x38;
	[tilespmem:$0x1F40] =	vst v63  }
0x27: {  	p0 =	sge.u32 s31, s7  }
.Ltmp2:
0x28: {  	_ = 	snop;
	(pc) =	sbr.rel @p0 .LBB2_5-.Ltmp2, $1  }
0x29: {  	_ =	sdelay $0x3  }
0x2a: {  	s14 =	sand.u32 $0x1, s12  }
0x2b: {  	_ =	swait.ge [sflag:s6], $0x7D0;
	p0 =	seq.s32 s14, $0x1;
	s14 =	simm.s32 $0x7D0  }
0x2c: {  	[sflag:s6] =	ssyncset.done $0x0;
	s14 =	simm.s32 @!p0 $0x0  }
0x2d: {  	[sflag:s6] =	ssyncadd.s32 $0xFFFFF830;
	(ifvalue) =	ssetifvalue $0x7FFFFFFF;
	v0 =	vld.msk [tilespmem:s14+$0x0 ss:$0x1], $0xffff;
	_ =	sdelay $0x4  }
0x2e: {  	s15 =	sadd.s32 $0x10, s14;
	vm1 =	vgt.s32 v0, $0x0  }
0x2f: {  	v2 =	vld.msk [tilespmem:s15+$0x0 ss:$0x1], $0xffff;
	v1 =	vnsel vm1, $0x0, v0  }
0x30: {  	v1 =	vmin.u32 v1, $0x1869F;
	_ =	sdelay $0x2  }
0x31: {  	s17 =	simm.s32 $0x20;
	s14 =	sadd.s32 $0xFA0, s14;
	s16 =	sadd.s32 $0x10, s15  }
0x32: {  	s15 =	sadd.s32 $0x10, s14;
	s18 =	smov.u32 s14;
	v0 =	vld.msk [tilespmem:s16+$0x0 ss:$0x1], $0xffff;
	vm1 =	vgt.s32 v2, $0x0;
	(ifvalue) =	ssetifvalue $0x7FFFFFFF  }
.LBB2_3:
0x33: {  	[tilespmem:s18], [sflag:$0x1] =	stream.indirect_vreg.gather [hbm4b:s2+s10], $0x1, v1, vm0, $0x4038;
	[tilespmem:$0x1F40] =	vst v63  }
0x34: {  	s17 =	sadd.s32 $0x10, s17  }
0x35: {  	v2 =	vnsel vm1, $0x0, v2;
	p0 =	slt.u32 s17, $0x7C0  }
.Ltmp3:
0x36: {  	s18 =	smov.u32 s15;
	v1 =	vmin.u32 v2, $0x1869F;
	(pc) =	sbr.rel @p0 .LBB2_3-.Ltmp3, $3  }
0x37: {  	_ =	sdelay $0x1  }
0x38: {  	s16 =	sadd.s32 $0x10, s16  }
0x39: {  	vm1 =	vgt.s32 v0, $0x0;
	s15 =	sadd.s32 $0x10, s15;
	v2 =	vmov v0;
	(ifvalue) =	ssetifvalue $0x7FFFFFFF;
	v0 =	vld.msk [tilespmem:s16+$0x0 ss:$0x1], $0xffff  }
.Ltmp4:
0x3a: {  	_ = 	snop;
	(pc) =	sbr.rel .LBB2_4-.Ltmp4, $1  }
0x3b: {  	_ =	sdelay $0x3  }
.LBB2_6:
0x3c: {  	_ =	sfence.sel $0x180000  }
0x3d: {  	s2 =	simm.s32 $0x2;
	[bflag:$0x0] =	sbarrier.arrive $0xFFFF  }
0x3e: {  	s30 =	simm.s32 $0x3;
	[sflag:s2] =	ssyncpa.u1 $0x1  }
0x3f: {  	s31 =	simm.s32 $0x1;
	[sflag:s30] =	ssyncpa.u1 $0x1  }
0x40: {  	[sflag:s31] =	ssyncpa.u1 $0x1  }
0x41: {  	p0 =	sne.s32 s1, $0x0;
	_ =	strace $0x9000004A  }
0x42: {  	s0 =	sadd.s32 @!p0 $0x100000, s0;
	[bflag:$0x2] =	sbarrier.arrive $0xFFFF  }
0x43: {  	[sflag:s0] =	ssyncadd.tile.s32 @!p0 $0x1;
	_ =	shalt  }
.Lfunc_end2:
_tile_overlayer_lowered:
.L_overlay_start_2:
0x44: {  	(tag) =	ssettag $0x2  }
0x45: {  	s0 =	rddreg [dreg:$0x0];
	s2 =	stileid.u32  }
0x46: {  	s1 =	rddreg [dreg:$0x1];
	p0 =	sne.s32 s2, $0x0  }
0x47: {  	s3 =	rddreg [dreg:$0x2];
	[bflag:$0x3] =	sbarrier.arrive $0xFFFF;
	s2 =	simm.s32 @!p0 $0x1C01  }
0x48: {  	[timem:s3], [sflag:s2] =	dma.local @!p0 [hbm:s0], s1  }
0x49: {  	s0 =	simm.s32 @!p0 $0x1  }
0x4a: {  	_ =	swait.ge @!p0 [sflag:s0], s1  }
0x4b: {  	s1 =	ssub.s32 @!p0 $0x0, s1;
	[sflag:s0] =	ssyncset.done @!p0 $0x0  }
0x4c: {  	[sflag:s0] =	ssyncadd.s32 @!p0 s1  }
0x4d: {  	[bflag:$0x3] =	sbarrier.arrive $0xFFFF  }
0x4e: {  	_ =	shalt  }

// kernel: gather_offload_async_start
scs
__scs_entry_jumppad:
0x0: {  	(pc) =	sbr.rel $0x88, $3  }
0x1: {  	(tag) =	ssettag $0x0;
	lr =	simm.s32 $0x1  }
0x2: {  	[smem:$0x3F99] =	sst lr;
	_ =	strace $0xD0000000  }
0x3: {  	_ = 	snop  }
0x4: {  	_ = 	snop  }
0x5: {  	_ = 	snop  }
0x6: {  	_ = 	snop  }
0x7: {  	_ = 	snop  }
__scs_overlays_trampoline_lowered:
0x8: {  	[smem:$0x3FA8] =	sst s0  }
0x9: {  	[smem:$0x3FA9] =	sst s1  }
0xa: {  	[smem:$0x3FAA] =	sst s2  }
0xb: {  	[smem:$0x3FAB] =	sst s3  }
0xc: {  	[smem:$0x3FAC] =	sst s4  }
0xd: {  	[smem:$0x3FAD] =	sst s5  }
0xe: {  	[smem:$0x3FAE] =	sst s6  }
0xf: {  	[smem:$0x3FAF] =	sst s7  }
0x10: {  	[smem:$0x3FB0] =	sst s8  }
0x11: {  	[smem:$0x3FB1] =	sst s9;
	s0 =	simm.s32 @!p0 $0x0  }
0x12: {  	s1 =	sld [smem:$0x3F97];
	s0 =	simm.s32 @p0 $0x1  }
0x13: {  	[smem:$0x3FB2] =	sst s0;
	s0 =	simm.s32 @!p1 $0x0  }
0x14: {  	s2 =	sld [smem:$0x3F96];
	s0 =	simm.s32 @p1 $0x1  }
0x15: {  	[smem:$0x3FB3] =	sst s0;
	s0 =	simm.s32 @!p2 $0x0  }
0x16: {  	s3 =	sld [smem:$0x3FDB];
	s0 =	simm.s32 @p2 $0x1  }
0x17: {  	s4 =	simm.s32 $0x1BF5;
	[smem:$0x3FB5] =	sst s0  }
0x18: {  	s0 =	sld [smem:$0x3F98];
	_ =	swait.ge [sflag:s4], $0x0  }
0x19: {  	s7 =	sld [smem:$0x3F99]  }
0x1a: {  	s8 =	sadd.s32 $0xFFFFE003, lr  }
0x1b: {  	s9 =	sadd.s32 $0xFFFFFEF7, lr;
	s5 =	simm.s32 $0xFFFFFFFF;
	p2 =	slt.u32 s8, $0xFFFFF086  }
0x1c: {  	p1 =	slt.u32 s9, $0xF7A;
	s5 =	simm.s32 @!p2 $0x0  }
0x1d: {  	s5 =	simm.s32 @p1 $0x1;
	p0 =	seq.s32 s7, s2  }
0x1e: {  	s7 =	smul.u32 @!p0 $0xF7A, s2;
	p2 =	seq.s32 @!p0 s5, $0x0  }
0x1f: {  	s9 =	smul.u32 $0xF7A, s1;
	s8 =	simm.s32 @!p0 $0x1BF5;
	p2 =	por !p2, p0  }
0x20: {  	[sflag:s8] =	ssyncset.s32 @!p0 $0xFFFFF086;
	s6 =	sadd.s32 @!p0 s3, s7;
	s7 =	simm.s32 @!p0 $0x108  }
0x21: {  	s3 =	sadd.s32 s3, s9;
	s6 =	sadd.s32 @!p0 $0x88, s6;
	s7 =	simm.s32 @p2 $0x1082  }
0x22: {  	[simem:s7], [sflag:s8] =	dma.local @!p0 [hbm:s6], $0xF7A  }
0x23: {  	s9 =	sor.u32 $0xD0000000, s2;
	s6 =	simm.s32 $0x108;
	_ =	swait.ge @!p0 [sflag:s8], $0x0  }
0x24: {  	s3 =	sadd.s32 $0x88, s3;
	s6 =	simm.s32 @!p1 $0x1082;
	[sflag:s4] =	ssyncset.s32 $0xFFFFF086  }
0x25: {  	[simem:s6], [sflag:s4] =	dma.local [hbm:s3], $0xF7A  }
0x26: {  	[smem:$0x3F99] =	sst s1;
	(tag) =	ssettag s2;
	_ =	strace s9  }
0x27: {  	s1 =	sld [smem:$0x3FA9]  }
0x28: {  	s2 =	sld [smem:$0x3FAA]  }
0x29: {  	s4 =	sld [smem:$0x3FAC]  }
0x2a: {  	p0 =	seq.s32 s5, $0x0;
	s5 =	sld [smem:$0x3FAD]  }
0x2b: {  	s6 =	sld [smem:$0x3FAE]  }
0x2c: {  	s7 =	sld [smem:$0x3FAF]  }
0x2d: {  	s3 =	simm.s32 $0x108;
	s8 =	sld [smem:$0x3FB0]  }
0x2e: {  	s3 =	simm.s32 @!p0 $0x1082;
	s9 =	sld [smem:$0x3FB1]  }
0x2f: {  	lr =	sadd.s32 s0, s3;
	s0 =	sld [smem:$0x3FA8]  }
0x30: {  	s3 =	sld [smem:$0x3FAB]  }
0x31: {  	[smem:$0x3FB4] =	sst s10  }
0x32: {  	s10 =	sld [smem:$0x3FB2];
	_ =	sdelay $0x3  }
0x33: {  	p0 =	seq.s32 s10, $0x1;
	s10 =	sld [smem:$0x3FB4];
	_ =	sdelay $0x3  }
0x34: {  	[smem:$0x3FB4] =	sst s10  }
0x35: {  	s10 =	sld [smem:$0x3FB3];
	_ =	sdelay $0x3  }
0x36: {  	p1 =	seq.s32 s10, $0x1;
	s10 =	sld [smem:$0x3FB4];
	_ =	sdelay $0x3  }
0x37: {  	[smem:$0x3FB4] =	sst s10  }
0x38: {  	s10 =	sld [smem:$0x3FB5]  }
0x39: {  	_ = 	snop;
	(pc) =	sbr.ind lr, $3  }
0x3a: {  	_ = 	snop  }
0x3b: {  	_ = 	snop  }
0x3c: {  	p2 =	seq.s32 s10, $0x1;
	s10 =	sld [smem:$0x3FB4]  }
0x3d: {  	_ =	shalt  }
0x3e: {  	_ =	shalt  }
0x3f: {  	_ =	shalt  }
0x40: {  	_ =	shalt  }
0x41: {  	_ =	shalt  }
0x42: {  	_ =	shalt  }
0x43: {  	_ =	shalt  }
0x44: {  	_ =	shalt  }
0x45: {  	_ =	shalt  }
0x46: {  	_ =	shalt  }
0x47: {  	_ =	shalt  }
0x48: {  	_ =	shalt  }
0x49: {  	_ =	shalt  }
0x4a: {  	_ =	shalt  }
0x4b: {  	_ =	shalt  }
0x4c: {  	_ =	shalt  }
0x4d: {  	_ =	shalt  }
0x4e: {  	_ =	shalt  }
0x4f: {  	_ =	shalt  }
0x50: {  	_ =	shalt  }
0x51: {  	_ =	shalt  }
0x52: {  	_ =	shalt  }
0x53: {  	_ =	shalt  }
0x54: {  	_ =	shalt  }
0x55: {  	_ =	shalt  }
0x56: {  	_ =	shalt  }
0x57: {  	_ =	shalt  }
0x58: {  	_ =	shalt  }
0x59: {  	_ =	shalt  }
0x5a: {  	_ =	shalt  }
0x5b: {  	_ =	shalt  }
0x5c: {  	_ =	shalt  }
0x5d: {  	_ =	shalt  }
0x5e: {  	_ =	shalt  }
0x5f: {  	_ =	shalt  }
0x60: {  	_ =	shalt  }
0x61: {  	_ =	shalt  }
0x62: {  	_ =	shalt  }
0x63: {  	_ =	shalt  }
0x64: {  	_ =	shalt  }
0x65: {  	_ =	shalt  }
0x66: {  	_ =	shalt  }
0x67: {  	_ =	shalt  }
0x68: {  	_ =	shalt  }
0x69: {  	_ =	shalt  }
0x6a: {  	_ =	shalt  }
0x6b: {  	_ =	shalt  }
0x6c: {  	_ =	shalt  }
0x6d: {  	_ =	shalt  }
0x6e: {  	_ =	shalt  }
0x6f: {  	_ =	shalt  }
0x70: {  	_ =	shalt  }
0x71: {  	_ =	shalt  }
0x72: {  	_ =	shalt  }
0x73: {  	_ =	shalt  }
0x74: {  	_ =	shalt  }
0x75: {  	_ =	shalt  }
0x76: {  	_ =	shalt  }
0x77: {  	_ =	shalt  }
0x78: {  	_ =	shalt  }
0x79: {  	_ =	shalt  }
0x7a: {  	_ =	shalt  }
0x7b: {  	_ =	shalt  }
0x7c: {  	_ =	shalt  }
0x7d: {  	_ =	shalt  }
0x7e: {  	_ =	shalt  }
0x7f: {  	_ =	shalt  }
0x80: {  	_ =	shalt  }
0x81: {  	_ =	shalt  }
0x82: {  	_ =	shalt  }
0x83: {  	_ =	shalt  }
0x84: {  	_ =	shalt  }
0x85: {  	_ =	shalt  }
0x86: {  	_ =	shalt  }
0x87: {  	_ =	shalt  }
.Lfunc_end0:
.L_simem_size_0:
called_computation.1_lowered:
.L_overlay_start_0:
0x88: {  	s2 =	sld [smem:$0x3FD9]  }
0x89: {  	s3 =	sld [smem:$0x3FFE];
	_ =	sdelay $0x1  }
0x8a: {  	s1 =	srdreg.scid  }
0x8b: {  	s0 =	sand.u32 $0x1, s1  }
0x8c: {  	s16 =	sshll.u32 s0, $0xA;
	s2 =	sadd.s32 s3, s2  }
0x8d: {  	s2 =	sadd.s32 s2, s16  }
0x8e: {  	[smem:$0x3FC0] =	sst s2  }
0x8f: {  	_ = 	snop  }
0x90: {  	(tm) =	ssettm $0x1  }
0x91: {  	s17 =	sld [smem:$0x3FFB];
	_ =	sdelay $0x3  }
0x92: {  	_ =	strace s17  }
0x93: {  	s2 =	sld [smem:$0x3FFC];
	_ =	sdelay $0x3  }
0x94: {  	_ =	strace s2  }
0x95: {  	s2 =	sld [smem:$0x3FFD];
	_ =	sdelay $0x3  }
0x96: {  	_ =	strace s2  }
0x97: {  	_ =	strace $0x8FFFFFFF  }
0x98: {  	s18 =	sld [smem:$0x3FDB];
	_ =	sdelay $0x1  }
0x99: {  	s19 =	simm.s32 $_scs_section_size  }
0x9a: {  	s4 =	simm.s32 $_size__tile_overlayer_lowered;
	s5 =	simm.s32 $_tile_overlayer_lowered  }
0x9b: {  	s22 =	simm.s32 $0x1BFF;
	s21 =	sshll.u32 s5, $0x1;
	s2 =	sadd.s32 s19, s18  }
0x9c: {  	s6 =	simm.s32 $0x0;
	s20 =	sshll.u32 s4, $0x1;
	s4 =	sadd.s32 s21, s2  }
0x9d: {  	[timem:s6], [sflag:s22] =	dma.local [hbm:s4], s20  }
0x9e: {  	_ =	swait.ge [sflag:s22], s20  }
0x9f: {  	s3 =	ssub.s32 $0x0, s20;
	[sflag:s22] =	ssyncset.done $0x0  }
0xa0: {  	[sflag:s22] =	ssyncadd.s32 s3;
	_ =	sdelay $0x1  }
0xa1: {  	s23 =	simm.s32 $0x1B8B  }
0xa2: {  	_ =	swait.ge [sflag:s23], $0x1  }
0xa3: {  	[sflag:s23] =	ssyncset.done $0x0  }
0xa4: {  	s25 =	simm.s32 $0x1B8E;
	s24 =	sld [smem:$0x3FFE];
	[sflag:s23] =	ssyncadd.s32 $0xFFFFFFFF  }
0xa5: {  	s26 =	simm.s32 $execute0_lowered;
	[smem:$0x3FD2] =	sst s25  }
0xa6: {  	s4 =	sshll.u32 s26, $0x1;
	_ =	strace $0x80000046;
	[dreg:$0x1] =	wrdreg $0xFFFFFFFF  }
0xa7: {  	s28 =	simm.s32 $_size_execute0_lowered;
	s2 =	sadd.s32 s2, s4;
	[dreg:$0x0] =	wrdreg $0x0  }
0xa8: {  	s4 =	sshll.u32 s28, $0x1;
	[dreg:$0x2] =	wrdreg s2  }
0xa9: {  	[dreg:$0x3] =	wrdreg s4  }
0xaa: {  	[dreg:$0x4] =	wrdreg $0xC0  }
0xab: {  	_ =	task [dreg:s6], $0x5FFFF  }
0xac: {  	[dreg:$0x1] =	wrdreg $0xFFFFFFFF  }
0xad: {  	[dreg:$0x0] =	wrdreg $0x60  }
0xae: {  	[dreg:$0x2] =	wrdreg s24  }
0xaf: {  	[dreg:$0x3] =	wrdreg $0x9  }
0xb0: {  	_ =	task.clear_ibuf [dreg:s6], $0x4FFFF;
	_ =	strace $0x90000046  }
0xb1: {  	s29 =	simm.s32 $0x9;
	_ =	strace $0x80000048  }
0xb2: {  	_ =	swait.ge [sflag:s29], $0x1  }
0xb3: {  	[sflag:s29] =	ssyncadd.s32 $0xFFFFFFFF  }
0xb4: {  	_ =	strace $0x90000048  }
0xb5: {  	_ =	sfence  }
0xb6: {  	s30 =	sld [smem:$0x0];
	_ =	sdelay $0x2  }
0xb7: {  	s31 =	sshll.u32 s1, $0xD;
	s1 =	sshrl.u32 s1, $0x2  }
0xb8: {  	s3 =	sand.u32 $0x4000, s31;
	s1 =	sadd.s32 s1, s30  }
0xb9: {  	s0 =	sor.u32 s3, s0;
	s1 =	sshll.u32 s1, $0x11  }
0xba: {  	s0 =	sor.u32 s1, s0  }
0xbb: {  	s0 =	sadd.s32 $0x8F2B, s0  }
0xbc: {  	[sflag:s0] =	ssyncadd.remote.s32 $0x1  }
0xbd: {  	_ =	sfence.sel $0xFFFF  }
0xbe: {  	[dreg:$0x0] =	wrdreg $0xFFFFFFFF;
	(pc) =	sbr.abs _section_cstart, $3  }
0xbf: {  	[dreg:$0x1] =	wrdreg $0xFFFFFFFF  }
0xc0: {  	_ =	task.clear_ibuf [dreg:s6], $0x2FFFF;
	_ =	strace $0x9FFFFFFF  }
0xc1: {  	(tm) =	ssettm $0x7FFFFFFF  }
tec
execute0_lowered:
.L_overlay_start_1:
0x0: {  	(tag) =	ssettag $0x1  }
0x1: {  	s8 =	rddreg [dreg:$0x0]  }
0x2: {  	s0 =	rddreg [dreg:$0x1];
	_ =	strace $0x80000047;
	s1 =	stileid.u32  }
0x3: {  	s3 =	srdreg.scid;
	s4 =	simm.s32 $0x1;
	s7 =	simm.s32 $0x1  }
0x4: {  	s9 =	simm.s32 $0x1;
	s10 =	simm.s32 $0x3;
	s13 =	simm.s32 $0x0  }
0x5: {  	s12 =	simm.s32 $0x0;
	s5 =	sand.u32 $0x1, s3;
	s6 =	sshll.u32 s1, $0x1  }
0x6: {  	s2 =	sadd.s32 $0xA00, s8;
	s3 =	sadd.s32 $0xA000, s8;
	s5 =	sor.u32 s6, s5  }
.Ltmp0:
0x7: {  	[sflag:s4] =	ssyncpa.u1 $0x0;
	p0 =	slt.u32 s5, $0x13;
	(pc) =	sbr.rel .LBB2_1-.Ltmp0, $4  }
0x8: {  	s6 =	simm.s32 $0x2;
	s7 =	simm.s32 @!p0 $0x0;
	p0 =	sne.s32 s5, $0x12  }
0x9: {  	[sflag:s6] =	ssyncpa.u1 $0x0;
	s5 =	smul.u32 $0x7D0, s5;
	s9 =	simm.s32 @!p0 $0x0  }
0xa: {  	s8 =	sadd.s32 $0x10400, s8;
	[sflag:s10] =	ssyncpa.u1 $0x0;
	s7 =	sadd.s32 s9, s7  }
0xb: {  	vm0 =	vmmov $0xffff;
	s10 =	simm.s32 $0x0;
	s11 =	smov.u32 s5;
	s9 =	sadd.s32 $0x1, s7  }
.LBB2_4:
0xc: {  	v2 =	vnsel vm1, $0x0, v2  }
0xd: {  	vm1 =	vgt.s32 v0, $0x0;
	v2 =	vmin.u32 v2, $0x1869F  }
0xe: {  	v0 =	vnsel vm1, $0x0, v0  }
0xf: {  	v0 =	vmin.u32 v0, $0x1869F  }
0x10: {  	[tilespmem:s18], [sflag:$0x1] =	stream.indirect_vreg.gather [hbm4b:s2+s10], $0x1, v1, vm0, $0x4038;
	[tilespmem:$0x1F40] =	vst v63  }
0x11: {  	(ifvalue) =	ssetifvalue $0x7FFFFFFF  }
0x12: {  	[tilespmem:s15], [sflag:$0x1] =	stream.indirect_vreg.gather [hbm4b:s2+s10], $0x1, v2, vm0, $0x4038;
	[tilespmem:$0x1F40] =	vst v63  }
0x13: {  	s29 =	sadd.s32 $0x10, s15;
	(ifvalue) =	ssetifvalue $0x7FFFFFFF  }
0x14: {  	[tilespmem:s29], [sflag:$0x1] =	stream.indirect_vreg.gather [hbm4b:s2+s10], $0x1, v0, vm0, $0x4038;
	[tilespmem:$0x1F40] =	vst v63  }
0x15: {  	_ =	swait.ge [sflag:s4], $0x7D0  }
0x16: {  	s30 =	sshrl.u32 s13, $0x3;
	[sflag:s4] =	ssyncset.done $0x0  }
0x17: {  	s31 =	sand.u32 $0x7, s13;
	s15 =	sadd.s32 s8, s30;
	[sflag:s4] =	ssyncadd.s32 $0xFFFFF830  }
0x18: {  	[hbm4b:s15+s31] =	stream.linear.scatter [tilespmem:s14], [sflag:$0x3], $0x7D0, $0x38;
	[tilespmem:$0x1F40] =	vst v63  }
.LBB2_5:
0x19: {  	s15 =	sadd.s32 $0xFA00, s11  }
0x1a: {  	p1 =	sgt.s32 s15, $0x1869F  }
0x1b: {  	s15 =	smov.u32 @p1 s5;
	p1 =	sne.s32 s12, s9  }
.Ltmp1:
0x1c: {  	p0 =	slt.u32 s12, $0x2;
	(pc) =	sbr.rel @!p1 .LBB2_6-.Ltmp1, $4  }
0x1d: {  	s14 =	simm.s32 @!p0 $0x3  }
0x1e: {  	_ =	swait.ge @!p0 [sflag:s14], $0x7D0  }
0x1f: {  	s16 =	sadd.s32 $0x1, s12;
	s13 =	smov.u32 s11;
	[sflag:s14] =	ssyncset.done @!p0 $0x0  }
0x20: {  	s12 =	smov.u32 s16;
	s11 =	smov.u32 s15;
	[sflag:s14] =	ssyncadd.s32 @!p0 $0xFFFFF830  }
.LBB2_1:
0x21: {  	p0 =	sge.u32 s12, s7  }
0x22: {  	s14 =	sxor.u32 @!p0 $0x1, s12  }
0x23: {  	s14 =	smul.u32 @!p0 $0x1F40, s14  }
0x24: {  	s31 =	sadd.s32 $0xFFFFFFFF, s12;
	s15 =	sshrl.u32 @!p0 s11, $0x3  }
0x25: {  	s16 =	sand.u32 @!p0 $0x7, s11;
	s15 =	sadd.s32 @!p0 s3, s15;
	s14 =	sshra.s32 @!p0 s14, $0x2  }
0x26: {  	[tilespmem:s14], [sflag:$0x2] =	stream.linear.gather @!p0 [hbm4b:s15+s16], $0x7D0, $0x38;
	[tilespmem:$0x1F40] =	vst v63  }
0x27: {  	p0 =	sge.u32 s31, s7  }
.Ltmp2:
0x28: {  	_ = 	snop;
	(pc) =	sbr.rel @p0 .LBB2_5-.Ltmp2, $1  }
0x29: {  	_ =	sdelay $0x3  }
0x2a: {  	s14 =	sand.u32 $0x1, s12  }
0x2b: {  	_ =	swait.ge [sflag:s6], $0x7D0;
	p0 =	seq.s32 s14, $0x1;
	s14 =	simm.s32 $0x7D0  }
0x2c: {  	[sflag:s6] =	ssyncset.done $0x0;
	s14 =	simm.s32 @!p0 $0x0  }
0x2d: {  	[sflag:s6] =	ssyncadd.s32 $0xFFFFF830;
	(ifvalue) =	ssetifvalue $0x7FFFFFFF;
	v0 =	vld.msk [tilespmem:s14+$0x0 ss:$0x1], $0xffff;
	_ =	sdelay $0x4  }
0x2e: {  	s15 =	sadd.s32 $0x10, s14;
	vm1 =	vgt.s32 v0, $0x0  }
0x2f: {  	v2 =	vld.msk [tilespmem:s15+$0x0 ss:$0x1], $0xffff;
	v1 =	vnsel vm1, $0x0, v0  }
0x30: {  	v1 =	vmin.u32 v1, $0x1869F;
	_ =	sdelay $0x2  }
0x31: {  	s17 =	simm.s32 $0x20;
	s14 =	sadd.s32 $0xFA0, s14;
	s16 =	sadd.s32 $0x10, s15  }
0x32: {  	s15 =	sadd.s32 $0x10, s14;
	s18 =	smov.u32 s14;
	v0 =	vld.msk [tilespmem:s16+$0x0 ss:$0x1], $0xffff;
	vm1 =	vgt.s32 v2, $0x0;
	(ifvalue) =	ssetifvalue $0x7FFFFFFF  }
.LBB2_3:
0x33: {  	[tilespmem:s18], [sflag:$0x1] =	stream.indirect_vreg.gather [hbm4b:s2+s10], $0x1, v1, vm0, $0x4038;
	[tilespmem:$0x1F40] =	vst v63  }
0x34: {  	s17 =	sadd.s32 $0x10, s17  }
0x35: {  	v2 =	vnsel vm1, $0x0, v2;
	p0 =	slt.u32 s17, $0x7C0  }
.Ltmp3:
0x36: {  	s18 =	smov.u32 s15;
	v1 =	vmin.u32 v2, $0x1869F;
	(pc) =	sbr.rel @p0 .LBB2_3-.Ltmp3, $3  }
0x37: {  	_ =	sdelay $0x1  }
0x38: {  	s16 =	sadd.s32 $0x10, s16  }
0x39: {  	vm1 =	vgt.s32 v0, $0x0;
	s15 =	sadd.s32 $0x10, s15;
	v2 =	vmov v0;
	(ifvalue) =	ssetifvalue $0x7FFFFFFF;
	v0 =	vld.msk [tilespmem:s16+$0x0 ss:$0x1], $0xffff  }
.Ltmp4:
0x3a: {  	_ = 	snop;
	(pc) =	sbr.rel .LBB2_4-.Ltmp4, $1  }
0x3b: {  	_ =	sdelay $0x3  }
.LBB2_6:
0x3c: {  	_ =	sfence.sel $0x180000  }
0x3d: {  	s2 =	simm.s32 $0x2;
	[bflag:$0x0] =	sbarrier.arrive $0xFFFF  }
0x3e: {  	s30 =	simm.s32 $0x3;
	[sflag:s2] =	ssyncpa.u1 $0x1  }
0x3f: {  	s31 =	simm.s32 $0x1;
	[sflag:s30] =	ssyncpa.u1 $0x1  }
0x40: {  	[sflag:s31] =	ssyncpa.u1 $0x1  }
0x41: {  	p0 =	sne.s32 s1, $0x0;
	_ =	strace $0x90000047  }
0x42: {  	s0 =	sadd.s32 @!p0 $0x100000, s0;
	[bflag:$0x2] =	sbarrier.arrive $0xFFFF  }
0x43: {  	[sflag:s0] =	ssyncadd.tile.s32 @!p0 $0x1;
	_ =	shalt  }
.Lfunc_end2:
_tile_overlayer_lowered:
.L_overlay_start_2:
0x44: {  	(tag) =	ssettag $0x2  }
0x45: {  	s0 =	rddreg [dreg:$0x0];
	s2 =	stileid.u32  }
0x46: {  	s1 =	rddreg [dreg:$0x1];
	p0 =	sne.s32 s2, $0x0  }
0x47: {  	s3 =	rddreg [dreg:$0x2];
	[bflag:$0x3] =	sbarrier.arrive $0xFFFF;
	s2 =	simm.s32 @!p0 $0x1C01  }
0x48: {  	[timem:s3], [sflag:s2] =	dma.local @!p0 [hbm:s0], s1  }
0x49: {  	s0 =	simm.s32 @!p0 $0x1  }
0x4a: {  	_ =	swait.ge @!p0 [sflag:s0], s1  }
0x4b: {  	s1 =	ssub.s32 @!p0 $0x0, s1;
	[sflag:s0] =	ssyncset.done @!p0 $0x0  }
0x4c: {  	[sflag:s0] =	ssyncadd.s32 @!p0 s1  }
0x4d: {  	[bflag:$0x3] =	sbarrier.arrive $0xFFFF  }
0x4e: {  	_ =	shalt  }

// kernel: kernel.12.cloned.1.call-start
scs
__scs_entry_jumppad:
0x0: {  	(pc) =	sbr.rel $0x88, $3  }
0x1: {  	(tag) =	ssettag $0x0;
	lr =	simm.s32 $0x1  }
0x2: {  	[smem:$0x3F99] =	sst lr;
	_ =	strace $0xD0000000  }
0x3: {  	_ = 	snop  }
0x4: {  	_ = 	snop  }
0x5: {  	_ = 	snop  }
0x6: {  	_ = 	snop  }
0x7: {  	_ = 	snop  }
__scs_overlays_trampoline_lowered:
0x8: {  	[smem:$0x3FA8] =	sst s0  }
0x9: {  	[smem:$0x3FA9] =	sst s1  }
0xa: {  	[smem:$0x3FAA] =	sst s2  }
0xb: {  	[smem:$0x3FAB] =	sst s3  }
0xc: {  	[smem:$0x3FAC] =	sst s4  }
0xd: {  	[smem:$0x3FAD] =	sst s5  }
0xe: {  	[smem:$0x3FAE] =	sst s6  }
0xf: {  	[smem:$0x3FAF] =	sst s7  }
0x10: {  	[smem:$0x3FB0] =	sst s8  }
0x11: {  	[smem:$0x3FB1] =	sst s9;
	s0 =	simm.s32 @!p0 $0x0  }
0x12: {  	s1 =	sld [smem:$0x3F97];
	s0 =	simm.s32 @p0 $0x1  }
0x13: {  	[smem:$0x3FB2] =	sst s0;
	s0 =	simm.s32 @!p1 $0x0  }
0x14: {  	s2 =	sld [smem:$0x3F96];
	s0 =	simm.s32 @p1 $0x1  }
0x15: {  	[smem:$0x3FB3] =	sst s0;
	s0 =	simm.s32 @!p2 $0x0  }
0x16: {  	s3 =	sld [smem:$0x3FDB];
	s0 =	simm.s32 @p2 $0x1  }
0x17: {  	s4 =	simm.s32 $0x1BF5;
	[smem:$0x3FB5] =	sst s0  }
0x18: {  	s0 =	sld [smem:$0x3F98];
	_ =	swait.ge [sflag:s4], $0x0  }
0x19: {  	s7 =	sld [smem:$0x3F99]  }
0x1a: {  	s8 =	sadd.s32 $0xFFFFE003, lr  }
0x1b: {  	s9 =	sadd.s32 $0xFFFFFEF7, lr;
	s5 =	simm.s32 $0xFFFFFFFF;
	p2 =	slt.u32 s8, $0xFFFFF086  }
0x1c: {  	p1 =	slt.u32 s9, $0xF7A;
	s5 =	simm.s32 @!p2 $0x0  }
0x1d: {  	s5 =	simm.s32 @p1 $0x1;
	p0 =	seq.s32 s7, s2  }
0x1e: {  	s7 =	smul.u32 @!p0 $0xF7A, s2;
	p2 =	seq.s32 @!p0 s5, $0x0  }
0x1f: {  	s9 =	smul.u32 $0xF7A, s1;
	s8 =	simm.s32 @!p0 $0x1BF5;
	p2 =	por !p2, p0  }
0x20: {  	[sflag:s8] =	ssyncset.s32 @!p0 $0xFFFFF086;
	s6 =	sadd.s32 @!p0 s3, s7;
	s7 =	simm.s32 @!p0 $0x108  }
0x21: {  	s3 =	sadd.s32 s3, s9;
	s6 =	sadd.s32 @!p0 $0x88, s6;
	s7 =	simm.s32 @p2 $0x1082  }
0x22: {  	[simem:s7], [sflag:s8] =	dma.local @!p0 [hbm:s6], $0xF7A  }
0x23: {  	s9 =	sor.u32 $0xD0000000, s2;
	s6 =	simm.s32 $0x108;
	_ =	swait.ge @!p0 [sflag:s8], $0x0  }
0x24: {  	s3 =	sadd.s32 $0x88, s3;
	s6 =	simm.s32 @!p1 $0x1082;
	[sflag:s4] =	ssyncset.s32 $0xFFFFF086  }
0x25: {  	[simem:s6], [sflag:s4] =	dma.local [hbm:s3], $0xF7A  }
0x26: {  	[smem:$0x3F99] =	sst s1;
	(tag) =	ssettag s2;
	_ =	strace s9  }
0x27: {  	s1 =	sld [smem:$0x3FA9]  }
0x28: {  	s2 =	sld [smem:$0x3FAA]  }
0x29: {  	s4 =	sld [smem:$0x3FAC]  }
0x2a: {  	p0 =	seq.s32 s5, $0x0;
	s5 =	sld [smem:$0x3FAD]  }
0x2b: {  	s6 =	sld [smem:$0x3FAE]  }
0x2c: {  	s7 =	sld [smem:$0x3FAF]  }
0x2d: {  	s3 =	simm.s32 $0x108;
	s8 =	sld [smem:$0x3FB0]  }
0x2e: {  	s3 =	simm.s32 @!p0 $0x1082;
	s9 =	sld [smem:$0x3FB1]  }
0x2f: {  	lr =	sadd.s32 s0, s3;
	s0 =	sld [smem:$0x3FA8]  }
0x30: {  	s3 =	sld [smem:$0x3FAB]  }
0x31: {  	[smem:$0x3FB4] =	sst s10  }
0x32: {  	s10 =	sld [smem:$0x3FB2];
	_ =	sdelay $0x3  }
0x33: {  	p0 =	seq.s32 s10, $0x1;
	s10 =	sld [smem:$0x3FB4];
	_ =	sdelay $0x3  }
0x34: {  	[smem:$0x3FB4] =	sst s10  }
0x35: {  	s10 =	sld [smem:$0x3FB3];
	_ =	sdelay $0x3  }
0x36: {  	p1 =	seq.s32 s10, $0x1;
	s10 =	sld [smem:$0x3FB4];
	_ =	sdelay $0x3  }
0x37: {  	[smem:$0x3FB4] =	sst s10  }
0x38: {  	s10 =	sld [smem:$0x3FB5]  }
0x39: {  	_ = 	snop;
	(pc) =	sbr.ind lr, $3  }
0x3a: {  	_ = 	snop  }
0x3b: {  	_ = 	snop  }
0x3c: {  	p2 =	seq.s32 s10, $0x1;
	s10 =	sld [smem:$0x3FB4]  }
0x3d: {  	_ =	shalt  }
0x3e: {  	_ =	shalt  }
0x3f: {  	_ =	shalt  }
0x40: {  	_ =	shalt  }
0x41: {  	_ =	shalt  }
0x42: {  	_ =	shalt  }
0x43: {  	_ =	shalt  }
0x44: {  	_ =	shalt  }
0x45: {  	_ =	shalt  }
0x46: {  	_ =	shalt  }
0x47: {  	_ =	shalt  }
0x48: {  	_ =	shalt  }
0x49: {  	_ =	shalt  }
0x4a: {  	_ =	shalt  }
0x4b: {  	_ =	shalt  }
0x4c: {  	_ =	shalt  }
0x4d: {  	_ =	shalt  }
0x4e: {  	_ =	shalt  }
0x4f: {  	_ =	shalt  }
0x50: {  	_ =	shalt  }
0x51: {  	_ =	shalt  }
0x52: {  	_ =	shalt  }
0x53: {  	_ =	shalt  }
0x54: {  	_ =	shalt  }
0x55: {  	_ =	shalt  }
0x56: {  	_ =	shalt  }
0x57: {  	_ =	shalt  }
0x58: {  	_ =	shalt  }
0x59: {  	_ =	shalt  }
0x5a: {  	_ =	shalt  }
0x5b: {  	_ =	shalt  }
0x5c: {  	_ =	shalt  }
0x5d: {  	_ =	shalt  }
0x5e: {  	_ =	shalt  }
0x5f: {  	_ =	shalt  }
0x60: {  	_ =	shalt  }
0x61: {  	_ =	shalt  }
0x62: {  	_ =	shalt  }
0x63: {  	_ =	shalt  }
0x64: {  	_ =	shalt  }
0x65: {  	_ =	shalt  }
0x66: {  	_ =	shalt  }
0x67: {  	_ =	shalt  }
0x68: {  	_ =	shalt  }
0x69: {  	_ =	shalt  }
0x6a: {  	_ =	shalt  }
0x6b: {  	_ =	shalt  }
0x6c: {  	_ =	shalt  }
0x6d: {  	_ =	shalt  }
0x6e: {  	_ =	shalt  }
0x6f: {  	_ =	shalt  }
0x70: {  	_ =	shalt  }
0x71: {  	_ =	shalt  }
0x72: {  	_ =	shalt  }
0x73: {  	_ =	shalt  }
0x74: {  	_ =	shalt  }
0x75: {  	_ =	shalt  }
0x76: {  	_ =	shalt  }
0x77: {  	_ =	shalt  }
0x78: {  	_ =	shalt  }
0x79: {  	_ =	shalt  }
0x7a: {  	_ =	shalt  }
0x7b: {  	_ =	shalt  }
0x7c: {  	_ =	shalt  }
0x7d: {  	_ =	shalt  }
0x7e: {  	_ =	shalt  }
0x7f: {  	_ =	shalt  }
0x80: {  	_ =	shalt  }
0x81: {  	_ =	shalt  }
0x82: {  	_ =	shalt  }
0x83: {  	_ =	shalt  }
0x84: {  	_ =	shalt  }
0x85: {  	_ =	shalt  }
0x86: {  	_ =	shalt  }
0x87: {  	_ =	shalt  }
.Lfunc_end0:
.L_simem_size_0:
called_computation.6_lowered:
.L_overlay_start_0:
0x88: {  	s2 =	sld [smem:$0x3FD9]  }
0x89: {  	s3 =	sld [smem:$0x3FFE];
	_ =	sdelay $0x1  }
0x8a: {  	s1 =	srdreg.scid  }
0x8b: {  	s0 =	sand.u32 $0x1, s1  }
0x8c: {  	s16 =	sshll.u32 s0, $0xA;
	s2 =	sadd.s32 s3, s2  }
0x8d: {  	s2 =	sadd.s32 s2, s16  }
0x8e: {  	[smem:$0x3FC0] =	sst s2  }
0x8f: {  	_ = 	snop  }
0x90: {  	(tm) =	ssettm $0x1  }
0x91: {  	s17 =	sld [smem:$0x3FFB];
	_ =	sdelay $0x3  }
0x92: {  	_ =	strace s17  }
0x93: {  	s2 =	sld [smem:$0x3FFC];
	_ =	sdelay $0x3  }
0x94: {  	_ =	strace s2  }
0x95: {  	s2 =	sld [smem:$0x3FFD];
	_ =	sdelay $0x3  }
0x96: {  	_ =	strace s2  }
0x97: {  	_ =	strace $0x8FFFFFFF  }
0x98: {  	s18 =	sld [smem:$0x3FDB];
	_ =	sdelay $0x1  }
0x99: {  	s19 =	simm.s32 $_scs_section_size  }
0x9a: {  	s4 =	simm.s32 $_size__tile_overlayer_lowered;
	s5 =	simm.s32 $_tile_overlayer_lowered  }
0x9b: {  	s22 =	simm.s32 $0x1BFF;
	s21 =	sshll.u32 s5, $0x1;
	s2 =	sadd.s32 s19, s18  }
0x9c: {  	s6 =	simm.s32 $0x0;
	s20 =	sshll.u32 s4, $0x1;
	s4 =	sadd.s32 s21, s2  }
0x9d: {  	[timem:s6], [sflag:s22] =	dma.local [hbm:s4], s20  }
0x9e: {  	_ =	swait.ge [sflag:s22], s20  }
0x9f: {  	s3 =	ssub.s32 $0x0, s20;
	[sflag:s22] =	ssyncset.done $0x0  }
0xa0: {  	[sflag:s22] =	ssyncadd.s32 s3;
	_ =	sdelay $0x1  }
0xa1: {  	s23 =	simm.s32 $0x1B8B  }
0xa2: {  	_ =	swait.ge [sflag:s23], $0x1  }
0xa3: {  	[sflag:s23] =	ssyncset.done $0x0  }
0xa4: {  	s25 =	simm.s32 $0x1B8E;
	s24 =	sld [smem:$0x3FFE];
	[sflag:s23] =	ssyncadd.s32 $0xFFFFFFFF  }
0xa5: {  	s26 =	simm.s32 $execute0_lowered;
	[smem:$0x3FD2] =	sst s25  }
0xa6: {  	s4 =	sshll.u32 s26, $0x1;
	_ =	strace $0x80000052;
	[dreg:$0x1] =	wrdreg $0xFFFFFFFF  }
0xa7: {  	s28 =	simm.s32 $_size_execute0_lowered;
	s2 =	sadd.s32 s2, s4;
	[dreg:$0x0] =	wrdreg $0x0  }
0xa8: {  	s4 =	sshll.u32 s28, $0x1;
	[dreg:$0x2] =	wrdreg s2  }
0xa9: {  	[dreg:$0x3] =	wrdreg s4  }
0xaa: {  	[dreg:$0x4] =	wrdreg $0xC0  }
0xab: {  	_ =	task [dreg:s6], $0x5FFFF  }
0xac: {  	[dreg:$0x1] =	wrdreg $0xFFFFFFFF  }
0xad: {  	[dreg:$0x0] =	wrdreg $0x60  }
0xae: {  	[dreg:$0x2] =	wrdreg s24  }
0xaf: {  	[dreg:$0x3] =	wrdreg $0x9  }
0xb0: {  	_ =	task.clear_ibuf [dreg:s6], $0x4FFFF;
	_ =	strace $0x90000052  }
0xb1: {  	s29 =	simm.s32 $0x9;
	_ =	strace $0x80000054  }
0xb2: {  	_ =	swait.ge [sflag:s29], $0x1  }
0xb3: {  	[sflag:s29] =	ssyncadd.s32 $0xFFFFFFFF  }
0xb4: {  	_ =	strace $0x90000054  }
0xb5: {  	_ =	sfence  }
0xb6: {  	s30 =	sld [smem:$0x0];
	_ =	sdelay $0x2  }
0xb7: {  	s31 =	sshll.u32 s1, $0xD;
	s1 =	sshrl.u32 s1, $0x2  }
0xb8: {  	s3 =	sand.u32 $0x4000, s31;
	s1 =	sadd.s32 s1, s30  }
0xb9: {  	s0 =	sor.u32 s3, s0;
	s1 =	sshll.u32 s1, $0x11  }
0xba: {  	s0 =	sor.u32 s1, s0  }
0xbb: {  	s0 =	sadd.s32 $0x8F2B, s0  }
0xbc: {  	[sflag:s0] =	ssyncadd.remote.s32 $0x1  }
0xbd: {  	_ =	sfence.sel $0xFFFF  }
0xbe: {  	[dreg:$0x0] =	wrdreg $0xFFFFFFFF;
	(pc) =	sbr.abs _section_cstart, $3  }
0xbf: {  	[dreg:$0x1] =	wrdreg $0xFFFFFFFF  }
0xc0: {  	_ =	task.clear_ibuf [dreg:s6], $0x2FFFF;
	_ =	strace $0x9FFFFFFF  }
0xc1: {  	(tm) =	ssettm $0x7FFFFFFF  }
tec
execute0_lowered:
.L_overlay_start_1:
0x0: {  	(tag) =	ssettag $0x1  }
0x1: {  	s1 =	srdreg.scid;
	s0 =	stileid.u32  }
0x2: {  	s21 =	sand.u32 $0x1, s1;
	s26 =	sshll.u32 s0, $0x1  }
0x3: {  	s9 =	sor.u32 s21, s26  }
0x4: {  	s10 =	rddreg [dreg:$0x0];
	s22 =	smul.u32 $0xC40, s9  }
0x5: {  	s2 =	simm.s32 $0x0;
	s1 =	rddreg [dreg:$0x1]  }
0x6: {  	[smem:$0x7FF] =	sst s2;
	s20 =	sadd.s32 $0x6E00, s10;
	s3 =	sshrl.u32 s22, $0x3  }
0x7: {  	_ =	strace $0x80000053;
	s4 =	sadd.s32 s20, s3;
	s3 =	simm.s32 $0x2  }
0x8: {  	[tilespmem:s2], [sflag:$0x2] =	stream.linear.gather [hbm4b:s4+s2], $0x1C0, $0x38;
	[tilespmem:$0xE200] =	vst v63  }
0x9: {  	_ =	swait.ge [sflag:s3], $0x1C0  }
0xa: {  	s6 =	simm.s32 $0x1C0;
	s7 =	simm.s32 $0x200;
	[sflag:s3] =	ssyncset.done $0x0  }
0xb: {  	s8 =	simm.s32 $0x1;
	s5 =	sadd.s32 $0x4ADC00, s10;
	[sflag:s3] =	ssyncadd.s32 $0xFFFFFE40  }
0xc: {  	[tilespmem:s7], [sflag:$0x1] =	stream.indirect.gather [hbm4b:s5+s6], $0x80, s2, s6, $0xb8;
	[tilespmem:$0xE200] =	vst v63  }
0xd: {  	s9 =	smul.u32 $0xC400, s9;
	_ =	swait.ge [sflag:s8], $0xE000  }
0xe: {  	s23 =	sadd.s32 $0xA000, s10;
	[sflag:s8] =	ssyncset.done $0x0  }
0xf: {  	s9 =	sadd.s32 s23, s9;
	[sflag:s8] =	ssyncadd.s32 $0xFFFF2000  }
0x10: {  	[hbm4b:s9+s2] =	stream.linear.scatter [tilespmem:s7], [sflag:$0x2], $0xE000, $0x38;
	[tilespmem:$0xE200] =	vst v63  }
0x11: {  	s11 =	sadd.s32 $0x1C0, s22;
	_ =	swait.ge [sflag:s3], $0xE000  }
0x12: {  	s28 =	sshrl.u32 s11, $0x3;
	[sflag:s3] =	ssyncset.done $0x0  }
0x13: {  	s10 =	sadd.s32 s20, s28;
	[sflag:s3] =	ssyncadd.s32 $0xFFFF2000  }
0x14: {  	[tilespmem:s2], [sflag:$0x2] =	stream.linear.gather [hbm4b:s10+s2], $0x1C0, $0x38;
	[tilespmem:$0xE200] =	vst v63  }
0x15: {  	_ =	swait.ge [sflag:s3], $0x1C0  }
0x16: {  	[sflag:s3] =	ssyncset.done $0x0  }
0x17: {  	[sflag:s3] =	ssyncadd.s32 $0xFFFFFE40  }
0x18: {  	[tilespmem:s7], [sflag:$0x1] =	stream.indirect.gather [hbm4b:s5+s6], $0x80, s2, s6, $0xb8;
	[tilespmem:$0xE200] =	vst v63  }
0x19: {  	_ =	swait.ge [sflag:s8], $0xE000  }
0x1a: {  	s11 =	sshll.u32 s11, $0x4;
	[sflag:s8] =	ssyncset.done $0x0  }
0x1b: {  	s11 =	sadd.s32 s23, s11;
	[sflag:s8] =	ssyncadd.s32 $0xFFFF2000  }
0x1c: {  	[hbm4b:s11+s2] =	stream.linear.scatter [tilespmem:s7], [sflag:$0x2], $0xE000, $0x38;
	[tilespmem:$0xE200] =	vst v63  }
0x1d: {  	s13 =	sadd.s32 $0x380, s22;
	_ =	swait.ge [sflag:s3], $0xE000  }
0x1e: {  	s12 =	sshrl.u32 s13, $0x3;
	[sflag:s3] =	ssyncset.done $0x0  }
0x1f: {  	s12 =	sadd.s32 s20, s12;
	[sflag:s3] =	ssyncadd.s32 $0xFFFF2000  }
0x20: {  	[tilespmem:s2], [sflag:$0x2] =	stream.linear.gather [hbm4b:s12+s2], $0x1C0, $0x38;
	[tilespmem:$0xE200] =	vst v63  }
0x21: {  	_ =	swait.ge [sflag:s3], $0x1C0  }
0x22: {  	[sflag:s3] =	ssyncset.done $0x0  }
0x23: {  	[sflag:s3] =	ssyncadd.s32 $0xFFFFFE40  }
0x24: {  	[tilespmem:s7], [sflag:$0x1] =	stream.indirect.gather [hbm4b:s5+s6], $0x80, s2, s6, $0xb8;
	[tilespmem:$0xE200] =	vst v63  }
0x25: {  	_ =	swait.ge [sflag:s8], $0xE000  }
0x26: {  	s13 =	sshll.u32 s13, $0x4;
	[sflag:s8] =	ssyncset.done $0x0  }
0x27: {  	s13 =	sadd.s32 s23, s13;
	[sflag:s8] =	ssyncadd.s32 $0xFFFF2000  }
0x28: {  	[hbm4b:s13+s2] =	stream.linear.scatter [tilespmem:s7], [sflag:$0x2], $0xE000, $0x38;
	[tilespmem:$0xE200] =	vst v63  }
0x29: {  	s15 =	sadd.s32 $0x540, s22;
	_ =	swait.ge [sflag:s3], $0xE000  }
0x2a: {  	s14 =	sshrl.u32 s15, $0x3;
	[sflag:s3] =	ssyncset.done $0x0  }
0x2b: {  	s14 =	sadd.s32 s20, s14;
	[sflag:s3] =	ssyncadd.s32 $0xFFFF2000  }
0x2c: {  	[tilespmem:s2], [sflag:$0x2] =	stream.linear.gather [hbm4b:s14+s2], $0x1C0, $0x38;
	[tilespmem:$0xE200] =	vst v63  }
0x2d: {  	_ =	swait.ge [sflag:s3], $0x1C0  }
0x2e: {  	[sflag:s3] =	ssyncset.done $0x0  }
0x2f: {  	[sflag:s3] =	ssyncadd.s32 $0xFFFFFE40  }
0x30: {  	[tilespmem:s7], [sflag:$0x1] =	stream.indirect.gather [hbm4b:s5+s6], $0x80, s2, s6, $0xb8;
	[tilespmem:$0xE200] =	vst v63  }
0x31: {  	_ =	swait.ge [sflag:s8], $0xE000  }
0x32: {  	s15 =	sshll.u32 s15, $0x4;
	[sflag:s8] =	ssyncset.done $0x0  }
0x33: {  	s15 =	sadd.s32 s23, s15;
	[sflag:s8] =	ssyncadd.s32 $0xFFFF2000  }
0x34: {  	[hbm4b:s15+s2] =	stream.linear.scatter [tilespmem:s7], [sflag:$0x2], $0xE000, $0x38;
	[tilespmem:$0xE200] =	vst v63  }
0x35: {  	s17 =	sadd.s32 $0x700, s22;
	_ =	swait.ge [sflag:s3], $0xE000  }
0x36: {  	s16 =	sshrl.u32 s17, $0x3;
	[sflag:s3] =	ssyncset.done $0x0  }
0x37: {  	s16 =	sadd.s32 s20, s16;
	[sflag:s3] =	ssyncadd.s32 $0xFFFF2000  }
0x38: {  	[tilespmem:s2], [sflag:$0x2] =	stream.linear.gather [hbm4b:s16+s2], $0x1C0, $0x38;
	[tilespmem:$0xE200] =	vst v63  }
0x39: {  	_ =	swait.ge [sflag:s3], $0x1C0  }
0x3a: {  	[sflag:s3] =	ssyncset.done $0x0  }
0x3b: {  	[sflag:s3] =	ssyncadd.s32 $0xFFFFFE40  }
0x3c: {  	[tilespmem:s7], [sflag:$0x1] =	stream.indirect.gather [hbm4b:s5+s6], $0x80, s2, s6, $0xb8;
	[tilespmem:$0xE200] =	vst v63  }
0x3d: {  	_ =	swait.ge [sflag:s8], $0xE000  }
0x3e: {  	s17 =	sshll.u32 s17, $0x4;
	[sflag:s8] =	ssyncset.done $0x0  }
0x3f: {  	s17 =	sadd.s32 s23, s17;
	[sflag:s8] =	ssyncadd.s32 $0xFFFF2000  }
0x40: {  	[hbm4b:s17+s2] =	stream.linear.scatter [tilespmem:s7], [sflag:$0x2], $0xE000, $0x38;
	[tilespmem:$0xE200] =	vst v63  }
0x41: {  	s19 =	sadd.s32 $0x8C0, s22;
	_ =	swait.ge [sflag:s3], $0xE000  }
0x42: {  	s18 =	sshrl.u32 s19, $0x3;
	[sflag:s3] =	ssyncset.done $0x0  }
0x43: {  	s18 =	sadd.s32 s20, s18;
	[sflag:s3] =	ssyncadd.s32 $0xFFFF2000  }
0x44: {  	[tilespmem:s2], [sflag:$0x2] =	stream.linear.gather [hbm4b:s18+s2], $0x1C0, $0x38;
	[tilespmem:$0xE200] =	vst v63  }
0x45: {  	_ =	swait.ge [sflag:s3], $0x1C0  }
0x46: {  	[sflag:s3] =	ssyncset.done $0x0  }
0x47: {  	[sflag:s3] =	ssyncadd.s32 $0xFFFFFE40  }
0x48: {  	[tilespmem:s7], [sflag:$0x1] =	stream.indirect.gather [hbm4b:s5+s6], $0x80, s2, s6, $0xb8;
	[tilespmem:$0xE200] =	vst v63  }
0x49: {  	_ =	swait.ge [sflag:s8], $0xE000  }
0x4a: {  	s19 =	sshll.u32 s19, $0x4;
	[sflag:s8] =	ssyncset.done $0x0  }
0x4b: {  	s19 =	sadd.s32 s23, s19;
	[sflag:s8] =	ssyncadd.s32 $0xFFFF2000  }
0x4c: {  	[hbm4b:s19+s2] =	stream.linear.scatter [tilespmem:s7], [sflag:$0x2], $0xE000, $0x38;
	[tilespmem:$0xE200] =	vst v63  }
0x4d: {  	s22 =	sadd.s32 $0xA80, s22;
	_ =	swait.ge [sflag:s3], $0xE000  }
0x4e: {  	s24 =	sshrl.u32 s22, $0x3;
	[sflag:s3] =	ssyncset.done $0x0  }
0x4f: {  	s21 =	ssub.s32 $0x2, s21;
	s20 =	sadd.s32 s20, s24;
	[sflag:s3] =	ssyncadd.s32 $0xFFFF2000  }
0x50: {  	[tilespmem:s2], [sflag:$0x2] =	stream.linear.gather [hbm4b:s20+s2], $0x1C0, $0x38;
	[tilespmem:$0xE200] =	vst v63  }
0x51: {  	s29 =	sshrl.u32 s21, $0x1;
	_ =	swait.ge [sflag:s3], $0x1C0  }
0x52: {  	s24 =	ssub.s32 s21, s29;
	[sflag:s3] =	ssyncset.done $0x0  }
0x53: {  	s31 =	smax.u32 s24, $0x1;
	[sflag:s3] =	ssyncadd.s32 $0xFFFFFE40  }
0x54: {  	[tilespmem:s7], [sflag:$0x1] =	stream.indirect.gather [hbm4b:s5+s6], $0x80, s2, s6, $0xb8;
	[tilespmem:$0xE200] =	vst v63  }
0x55: {  	p0 =	sne.s32 s31, $0x1;
	_ =	swait.ge [sflag:s8], $0xE000  }
.Ltmp0:
0x56: {  	s30 =	sshll.u32 s22, $0x4;
	[sflag:s8] =	ssyncset.done $0x0;
	(pc) =	sbr.rel @!p0 .LBB2_2-.Ltmp0, $4  }
0x57: {  	s21 =	sadd.s32 s23, s30;
	[sflag:s8] =	ssyncadd.s32 $0xFFFF2000  }
0x58: {  	[hbm4b:s21+s2] =	stream.linear.scatter [tilespmem:s7], [sflag:$0x2], $0xE000, $0x38;
	[tilespmem:$0xE200] =	vst v63  }
0x59: {  	_ =	swait.ge [sflag:s3], $0xE000  }
0x5a: {  	s22 =	sadd.s32 $0xFFFFFFFF, s31;
	[sflag:s3] =	ssyncset.done $0x0  }
.LBB2_1:
0x5b: {  	p0 =	sne.s32 s22, $0x1;
	s22 =	sadd.s32 $0xFFFFFFFF, s22;
	[sflag:s3] =	ssyncadd.s32 $0xFFFF2000  }
0x5c: {  	[tilespmem:s2], [sflag:$0x2] =	stream.linear.gather [hbm4b:s4+s2], $0x1C0, $0x38;
	[tilespmem:$0xE200] =	vst v63  }
0x5d: {  	_ =	swait.ge [sflag:s3], $0x1C0  }
0x5e: {  	[sflag:s3] =	ssyncset.done $0x0  }
0x5f: {  	[sflag:s3] =	ssyncadd.s32 $0xFFFFFE40  }
0x60: {  	[tilespmem:s7], [sflag:$0x1] =	stream.indirect.gather [hbm4b:s5+s6], $0x80, s2, s6, $0xb8;
	[tilespmem:$0xE200] =	vst v63  }
0x61: {  	_ =	swait.ge [sflag:s8], $0xE000  }
0x62: {  	[sflag:s8] =	ssyncset.done $0x0  }
0x63: {  	[sflag:s8] =	ssyncadd.s32 $0xFFFF2000  }
0x64: {  	[hbm4b:s9+s2] =	stream.linear.scatter [tilespmem:s7], [sflag:$0x2], $0xE000, $0x38;
	[tilespmem:$0xE200] =	vst v63  }
0x65: {  	_ =	swait.ge [sflag:s3], $0xE000  }
0x66: {  	[sflag:s3] =	ssyncset.done $0x0  }
0x67: {  	[sflag:s3] =	ssyncadd.s32 $0xFFFF2000  }
0x68: {  	[tilespmem:s2], [sflag:$0x2] =	stream.linear.gather [hbm4b:s10+s2], $0x1C0, $0x38;
	[tilespmem:$0xE200] =	vst v63  }
0x69: {  	_ =	swait.ge [sflag:s3], $0x1C0  }
0x6a: {  	[sflag:s3] =	ssyncset.done $0x0  }
0x6b: {  	[sflag:s3] =	ssyncadd.s32 $0xFFFFFE40  }
0x6c: {  	[tilespmem:s7], [sflag:$0x1] =	stream.indirect.gather [hbm4b:s5+s6], $0x80, s2, s6, $0xb8;
	[tilespmem:$0xE200] =	vst v63  }
0x6d: {  	_ =	swait.ge [sflag:s8], $0xE000  }
0x6e: {  	[sflag:s8] =	ssyncset.done $0x0  }
0x6f: {  	[sflag:s8] =	ssyncadd.s32 $0xFFFF2000  }
0x70: {  	[hbm4b:s11+s2] =	stream.linear.scatter [tilespmem:s7], [sflag:$0x2], $0xE000, $0x38;
	[tilespmem:$0xE200] =	vst v63  }
0x71: {  	_ =	swait.ge [sflag:s3], $0xE000  }
0x72: {  	[sflag:s3] =	ssyncset.done $0x0  }
0x73: {  	[sflag:s3] =	ssyncadd.s32 $0xFFFF2000  }
0x74: {  	[tilespmem:s2], [sflag:$0x2] =	stream.linear.gather [hbm4b:s12+s2], $0x1C0, $0x38;
	[tilespmem:$0xE200] =	vst v63  }
0x75: {  	_ =	swait.ge [sflag:s3], $0x1C0  }
0x76: {  	[sflag:s3] =	ssyncset.done $0x0  }
0x77: {  	[sflag:s3] =	ssyncadd.s32 $0xFFFFFE40  }
0x78: {  	[tilespmem:s7], [sflag:$0x1] =	stream.indirect.gather [hbm4b:s5+s6], $0x80, s2, s6, $0xb8;
	[tilespmem:$0xE200] =	vst v63  }
0x79: {  	_ =	swait.ge [sflag:s8], $0xE000  }
0x7a: {  	[sflag:s8] =	ssyncset.done $0x0  }
0x7b: {  	[sflag:s8] =	ssyncadd.s32 $0xFFFF2000  }
0x7c: {  	[hbm4b:s13+s2] =	stream.linear.scatter [tilespmem:s7], [sflag:$0x2], $0xE000, $0x38;
	[tilespmem:$0xE200] =	vst v63  }
0x7d: {  	_ =	swait.ge [sflag:s3], $0xE000  }
0x7e: {  	[sflag:s3] =	ssyncset.done $0x0  }
0x7f: {  	[sflag:s3] =	ssyncadd.s32 $0xFFFF2000  }
0x80: {  	[tilespmem:s2], [sflag:$0x2] =	stream.linear.gather [hbm4b:s14+s2], $0x1C0, $0x38;
	[tilespmem:$0xE200] =	vst v63  }
0x81: {  	_ =	swait.ge [sflag:s3], $0x1C0  }
0x82: {  	[sflag:s3] =	ssyncset.done $0x0  }
0x83: {  	[sflag:s3] =	ssyncadd.s32 $0xFFFFFE40  }
0x84: {  	[tilespmem:s7], [sflag:$0x1] =	stream.indirect.gather [hbm4b:s5+s6], $0x80, s2, s6, $0xb8;
	[tilespmem:$0xE200] =	vst v63  }
0x85: {  	_ =	swait.ge [sflag:s8], $0xE000  }
0x86: {  	[sflag:s8] =	ssyncset.done $0x0  }
0x87: {  	[sflag:s8] =	ssyncadd.s32 $0xFFFF2000  }
0x88: {  	[hbm4b:s15+s2] =	stream.linear.scatter [tilespmem:s7], [sflag:$0x2], $0xE000, $0x38;
	[tilespmem:$0xE200] =	vst v63  }
0x89: {  	_ =	swait.ge [sflag:s3], $0xE000  }
0x8a: {  	[sflag:s3] =	ssyncset.done $0x0  }
0x8b: {  	[sflag:s3] =	ssyncadd.s32 $0xFFFF2000  }
0x8c: {  	[tilespmem:s2], [sflag:$0x2] =	stream.linear.gather [hbm4b:s16+s2], $0x1C0, $0x38;
	[tilespmem:$0xE200] =	vst v63  }
0x8d: {  	_ =	swait.ge [sflag:s3], $0x1C0  }
0x8e: {  	[sflag:s3] =	ssyncset.done $0x0  }
0x8f: {  	[sflag:s3] =	ssyncadd.s32 $0xFFFFFE40  }
0x90: {  	[tilespmem:s7], [sflag:$0x1] =	stream.indirect.gather [hbm4b:s5+s6], $0x80, s2, s6, $0xb8;
	[tilespmem:$0xE200] =	vst v63  }
0x91: {  	_ =	swait.ge [sflag:s8], $0xE000  }
0x92: {  	[sflag:s8] =	ssyncset.done $0x0  }
0x93: {  	[sflag:s8] =	ssyncadd.s32 $0xFFFF2000  }
0x94: {  	[hbm4b:s17+s2] =	stream.linear.scatter [tilespmem:s7], [sflag:$0x2], $0xE000, $0x38;
	[tilespmem:$0xE200] =	vst v63  }
0x95: {  	_ =	swait.ge [sflag:s3], $0xE000  }
0x96: {  	[sflag:s3] =	ssyncset.done $0x0  }
0x97: {  	[sflag:s3] =	ssyncadd.s32 $0xFFFF2000  }
0x98: {  	[tilespmem:s2], [sflag:$0x2] =	stream.linear.gather [hbm4b:s18+s2], $0x1C0, $0x38;
	[tilespmem:$0xE200] =	vst v63  }
0x99: {  	_ =	swait.ge [sflag:s3], $0x1C0  }
0x9a: {  	[sflag:s3] =	ssyncset.done $0x0  }
0x9b: {  	[sflag:s3] =	ssyncadd.s32 $0xFFFFFE40  }
0x9c: {  	[tilespmem:s7], [sflag:$0x1] =	stream.indirect.gather [hbm4b:s5+s6], $0x80, s2, s6, $0xb8;
	[tilespmem:$0xE200] =	vst v63  }
0x9d: {  	_ =	swait.ge [sflag:s8], $0xE000  }
0x9e: {  	[sflag:s8] =	ssyncset.done $0x0  }
0x9f: {  	[sflag:s8] =	ssyncadd.s32 $0xFFFF2000  }
0xa0: {  	[hbm4b:s19+s2] =	stream.linear.scatter [tilespmem:s7], [sflag:$0x2], $0xE000, $0x38;
	[tilespmem:$0xE200] =	vst v63  }
0xa1: {  	_ =	swait.ge [sflag:s3], $0xE000  }
0xa2: {  	[sflag:s3] =	ssyncset.done $0x0  }
0xa3: {  	[sflag:s3] =	ssyncadd.s32 $0xFFFF2000  }
0xa4: {  	[tilespmem:s2], [sflag:$0x2] =	stream.linear.gather [hbm4b:s20+s2], $0x1C0, $0x38;
	[tilespmem:$0xE200] =	vst v63  }
0xa5: {  	_ =	swait.ge [sflag:s3], $0x1C0  }
0xa6: {  	[sflag:s3] =	ssyncset.done $0x0  }
0xa7: {  	[sflag:s3] =	ssyncadd.s32 $0xFFFFFE40  }
0xa8: {  	[tilespmem:s7], [sflag:$0x1] =	stream.indirect.gather [hbm4b:s5+s6], $0x80, s2, s6, $0xb8;
	[tilespmem:$0xE200] =	vst v63  }
0xa9: {  	_ =	swait.ge [sflag:s8], $0xE000  }
.Ltmp1:
0xaa: {  	[sflag:s8] =	ssyncset.done $0x0;
	(pc) =	sbr.rel @p0 .LBB2_1-.Ltmp1, $4  }
0xab: {  	[sflag:s8] =	ssyncadd.s32 $0xFFFF2000  }
0xac: {  	[hbm4b:s21+s2] =	stream.linear.scatter [tilespmem:s7], [sflag:$0x2], $0xE000, $0x38;
	[tilespmem:$0xE200] =	vst v63  }
0xad: {  	_ =	swait.ge [sflag:s3], $0xE000  }
0xae: {  	[sflag:s3] =	ssyncset.done $0x0  }
.LBB2_2:
0xaf: {  	[sflag:s3] =	ssyncadd.s32 $0xFFFF2000  }
0xb0: {  	_ =	sfence.sel $0x180000  }
0xb1: {  	[bflag:$0x0] =	sbarrier.arrive $0xFFFF  }
0xb2: {  	p0 =	sne.s32 s0, $0x0;
	_ =	strace $0x90000053  }
0xb3: {  	s0 =	sadd.s32 @!p0 $0x100000, s1;
	[bflag:$0x2] =	sbarrier.arrive $0xFFFF  }
0xb4: {  	[sflag:s0] =	ssyncadd.tile.s32 @!p0 $0x1;
	_ =	shalt  }
.Lfunc_end2:
_tile_overlayer_lowered:
.L_overlay_start_2:
0xb5: {  	(tag) =	ssettag $0x2  }
0xb6: {  	s0 =	rddreg [dreg:$0x0];
	s2 =	stileid.u32  }
0xb7: {  	s1 =	rddreg [dreg:$0x1];
	p0 =	sne.s32 s2, $0x0  }
0xb8: {  	s3 =	rddreg [dreg:$0x2];
	[bflag:$0x3] =	sbarrier.arrive $0xFFFF;
	s2 =	simm.s32 @!p0 $0x1C02  }
0xb9: {  	[timem:s3], [sflag:s2] =	dma.local @!p0 [hbm:s0], s1  }
0xba: {  	s0 =	simm.s32 @!p0 $0x2  }
0xbb: {  	_ =	swait.ge @!p0 [sflag:s0], s1  }
0xbc: {  	s1 =	ssub.s32 @!p0 $0x0, s1;
	[sflag:s0] =	ssyncset.done @!p0 $0x0  }
0xbd: {  	[sflag:s0] =	ssyncadd.s32 @!p0 s1  }
0xbe: {  	[bflag:$0x3] =	sbarrier.arrive $0xFFFF  }
0xbf: {  	_ =	shalt  }

// kernel: kernel.6.cloned.1.call-start
scs
__scs_entry_jumppad:
0x0: {  	(pc) =	sbr.rel $0x88, $3  }
0x1: {  	(tag) =	ssettag $0x0;
	lr =	simm.s32 $0x1  }
0x2: {  	[smem:$0x3F99] =	sst lr;
	_ =	strace $0xD0000000  }
0x3: {  	_ = 	snop  }
0x4: {  	_ = 	snop  }
0x5: {  	_ = 	snop  }
0x6: {  	_ = 	snop  }
0x7: {  	_ = 	snop  }
__scs_overlays_trampoline_lowered:
0x8: {  	[smem:$0x3FA8] =	sst s0  }
0x9: {  	[smem:$0x3FA9] =	sst s1  }
0xa: {  	[smem:$0x3FAA] =	sst s2  }
0xb: {  	[smem:$0x3FAB] =	sst s3  }
0xc: {  	[smem:$0x3FAC] =	sst s4  }
0xd: {  	[smem:$0x3FAD] =	sst s5  }
0xe: {  	[smem:$0x3FAE] =	sst s6  }
0xf: {  	[smem:$0x3FAF] =	sst s7  }
0x10: {  	[smem:$0x3FB0] =	sst s8  }
0x11: {  	[smem:$0x3FB1] =	sst s9;
	s0 =	simm.s32 @!p0 $0x0  }
0x12: {  	s1 =	sld [smem:$0x3F97];
	s0 =	simm.s32 @p0 $0x1  }
0x13: {  	[smem:$0x3FB2] =	sst s0;
	s0 =	simm.s32 @!p1 $0x0  }
0x14: {  	s2 =	sld [smem:$0x3F96];
	s0 =	simm.s32 @p1 $0x1  }
0x15: {  	[smem:$0x3FB3] =	sst s0;
	s0 =	simm.s32 @!p2 $0x0  }
0x16: {  	s3 =	sld [smem:$0x3FDB];
	s0 =	simm.s32 @p2 $0x1  }
0x17: {  	s4 =	simm.s32 $0x1BF5;
	[smem:$0x3FB5] =	sst s0  }
0x18: {  	s0 =	sld [smem:$0x3F98];
	_ =	swait.ge [sflag:s4], $0x0  }
0x19: {  	s7 =	sld [smem:$0x3F99]  }
0x1a: {  	s8 =	sadd.s32 $0xFFFFE003, lr  }
0x1b: {  	s9 =	sadd.s32 $0xFFFFFEF7, lr;
	s5 =	simm.s32 $0xFFFFFFFF;
	p2 =	slt.u32 s8, $0xFFFFF086  }
0x1c: {  	p1 =	slt.u32 s9, $0xF7A;
	s5 =	simm.s32 @!p2 $0x0  }
0x1d: {  	s5 =	simm.s32 @p1 $0x1;
	p0 =	seq.s32 s7, s2  }
0x1e: {  	s7 =	smul.u32 @!p0 $0xF7A, s2;
	p2 =	seq.s32 @!p0 s5, $0x0  }
0x1f: {  	s9 =	smul.u32 $0xF7A, s1;
	s8 =	simm.s32 @!p0 $0x1BF5;
	p2 =	por !p2, p0  }
0x20: {  	[sflag:s8] =	ssyncset.s32 @!p0 $0xFFFFF086;
	s6 =	sadd.s32 @!p0 s3, s7;
	s7 =	simm.s32 @!p0 $0x108  }
0x21: {  	s3 =	sadd.s32 s3, s9;
	s6 =	sadd.s32 @!p0 $0x88, s6;
	s7 =	simm.s32 @p2 $0x1082  }
0x22: {  	[simem:s7], [sflag:s8] =	dma.local @!p0 [hbm:s6], $0xF7A  }
0x23: {  	s9 =	sor.u32 $0xD0000000, s2;
	s6 =	simm.s32 $0x108;
	_ =	swait.ge @!p0 [sflag:s8], $0x0  }
0x24: {  	s3 =	sadd.s32 $0x88, s3;
	s6 =	simm.s32 @!p1 $0x1082;
	[sflag:s4] =	ssyncset.s32 $0xFFFFF086  }
0x25: {  	[simem:s6], [sflag:s4] =	dma.local [hbm:s3], $0xF7A  }
0x26: {  	[smem:$0x3F99] =	sst s1;
	(tag) =	ssettag s2;
	_ =	strace s9  }
0x27: {  	s1 =	sld [smem:$0x3FA9]  }
0x28: {  	s2 =	sld [smem:$0x3FAA]  }
0x29: {  	s4 =	sld [smem:$0x3FAC]  }
0x2a: {  	p0 =	seq.s32 s5, $0x0;
	s5 =	sld [smem:$0x3FAD]  }
0x2b: {  	s6 =	sld [smem:$0x3FAE]  }
0x2c: {  	s7 =	sld [smem:$0x3FAF]  }
0x2d: {  	s3 =	simm.s32 $0x108;
	s8 =	sld [smem:$0x3FB0]  }
0x2e: {  	s3 =	simm.s32 @!p0 $0x1082;
	s9 =	sld [smem:$0x3FB1]  }
0x2f: {  	lr =	sadd.s32 s0, s3;
	s0 =	sld [smem:$0x3FA8]  }
0x30: {  	s3 =	sld [smem:$0x3FAB]  }
0x31: {  	[smem:$0x3FB4] =	sst s10  }
0x32: {  	s10 =	sld [smem:$0x3FB2];
	_ =	sdelay $0x3  }
0x33: {  	p0 =	seq.s32 s10, $0x1;
	s10 =	sld [smem:$0x3FB4];
	_ =	sdelay $0x3  }
0x34: {  	[smem:$0x3FB4] =	sst s10  }
0x35: {  	s10 =	sld [smem:$0x3FB3];
	_ =	sdelay $0x3  }
0x36: {  	p1 =	seq.s32 s10, $0x1;
	s10 =	sld [smem:$0x3FB4];
	_ =	sdelay $0x3  }
0x37: {  	[smem:$0x3FB4] =	sst s10  }
0x38: {  	s10 =	sld [smem:$0x3FB5]  }
0x39: {  	_ = 	snop;
	(pc) =	sbr.ind lr, $3  }
0x3a: {  	_ = 	snop  }
0x3b: {  	_ = 	snop  }
0x3c: {  	p2 =	seq.s32 s10, $0x1;
	s10 =	sld [smem:$0x3FB4]  }
0x3d: {  	_ =	shalt  }
0x3e: {  	_ =	shalt  }
0x3f: {  	_ =	shalt  }
0x40: {  	_ =	shalt  }
0x41: {  	_ =	shalt  }
0x42: {  	_ =	shalt  }
0x43: {  	_ =	shalt  }
0x44: {  	_ =	shalt  }
0x45: {  	_ =	shalt  }
0x46: {  	_ =	shalt  }
0x47: {  	_ =	shalt  }
0x48: {  	_ =	shalt  }
0x49: {  	_ =	shalt  }
0x4a: {  	_ =	shalt  }
0x4b: {  	_ =	shalt  }
0x4c: {  	_ =	shalt  }
0x4d: {  	_ =	shalt  }
0x4e: {  	_ =	shalt  }
0x4f: {  	_ =	shalt  }
0x50: {  	_ =	shalt  }
0x51: {  	_ =	shalt  }
0x52: {  	_ =	shalt  }
0x53: {  	_ =	shalt  }
0x54: {  	_ =	shalt  }
0x55: {  	_ =	shalt  }
0x56: {  	_ =	shalt  }
0x57: {  	_ =	shalt  }
0x58: {  	_ =	shalt  }
0x59: {  	_ =	shalt  }
0x5a: {  	_ =	shalt  }
0x5b: {  	_ =	shalt  }
0x5c: {  	_ =	shalt  }
0x5d: {  	_ =	shalt  }
0x5e: {  	_ =	shalt  }
0x5f: {  	_ =	shalt  }
0x60: {  	_ =	shalt  }
0x61: {  	_ =	shalt  }
0x62: {  	_ =	shalt  }
0x63: {  	_ =	shalt  }
0x64: {  	_ =	shalt  }
0x65: {  	_ =	shalt  }
0x66: {  	_ =	shalt  }
0x67: {  	_ =	shalt  }
0x68: {  	_ =	shalt  }
0x69: {  	_ =	shalt  }
0x6a: {  	_ =	shalt  }
0x6b: {  	_ =	shalt  }
0x6c: {  	_ =	shalt  }
0x6d: {  	_ =	shalt  }
0x6e: {  	_ =	shalt  }
0x6f: {  	_ =	shalt  }
0x70: {  	_ =	shalt  }
0x71: {  	_ =	shalt  }
0x72: {  	_ =	shalt  }
0x73: {  	_ =	shalt  }
0x74: {  	_ =	shalt  }
0x75: {  	_ =	shalt  }
0x76: {  	_ =	shalt  }
0x77: {  	_ =	shalt  }
0x78: {  	_ =	shalt  }
0x79: {  	_ =	shalt  }
0x7a: {  	_ =	shalt  }
0x7b: {  	_ =	shalt  }
0x7c: {  	_ =	shalt  }
0x7d: {  	_ =	shalt  }
0x7e: {  	_ =	shalt  }
0x7f: {  	_ =	shalt  }
0x80: {  	_ =	shalt  }
0x81: {  	_ =	shalt  }
0x82: {  	_ =	shalt  }
0x83: {  	_ =	shalt  }
0x84: {  	_ =	shalt  }
0x85: {  	_ =	shalt  }
0x86: {  	_ =	shalt  }
0x87: {  	_ =	shalt  }
.Lfunc_end0:
.L_simem_size_0:
called_computation.4_lowered:
.L_overlay_start_0:
0x88: {  	s2 =	sld [smem:$0x3FD9]  }
0x89: {  	s3 =	sld [smem:$0x3FFE];
	_ =	sdelay $0x1  }
0x8a: {  	s1 =	srdreg.scid  }
0x8b: {  	s0 =	sand.u32 $0x1, s1  }
0x8c: {  	s17 =	sshll.u32 s0, $0xA;
	s2 =	sadd.s32 s3, s2  }
0x8d: {  	s2 =	sadd.s32 s2, s17  }
0x8e: {  	[smem:$0x3FC0] =	sst s2  }
0x8f: {  	_ = 	snop  }
0x90: {  	s18 =	sld [smem:$0x3FC9];
	(tm) =	ssettm $0x1  }
0x91: {  	s19 =	sld [smem:$0x3FFB];
	_ =	sdelay $0x3  }
0x92: {  	_ =	strace s19  }
0x93: {  	s2 =	sld [smem:$0x3FFC];
	_ =	sdelay $0x3  }
0x94: {  	_ =	strace s2  }
0x95: {  	s2 =	sld [smem:$0x3FFD];
	_ =	sdelay $0x3  }
0x96: {  	_ =	strace s2  }
0x97: {  	_ =	strace $0x8FFFFFFF  }
0x98: {  	s20 =	sld [smem:$0x3FDB];
	_ =	sdelay $0x1  }
0x99: {  	s4 =	simm.s32 $_scs_section_size  }
0x9a: {  	s5 =	simm.s32 $_size__tile_overlayer_lowered;
	s6 =	simm.s32 $_tile_overlayer_lowered  }
0x9b: {  	s7 =	simm.s32 $0x1BFF;
	s21 =	sshll.u32 s6, $0x1;
	s4 =	sadd.s32 s4, s20  }
0x9c: {  	s22 =	simm.s32 $0x0;
	s5 =	sshll.u32 s5, $0x1;
	s6 =	sadd.s32 s21, s4  }
0x9d: {  	[timem:s22], [sflag:s7] =	dma.local [hbm:s6], s5  }
0x9e: {  	_ =	swait.ge [sflag:s7], s5  }
0x9f: {  	s5 =	ssub.s32 $0x0, s5;
	[sflag:s7] =	ssyncset.done $0x0  }
0xa0: {  	[sflag:s7] =	ssyncadd.s32 s5;
	_ =	sdelay $0x1  }
0xa1: {  	s23 =	simm.s32 $0x1B8B  }
0xa2: {  	_ =	swait.ge [sflag:s23], $0x1  }
0xa3: {  	[sflag:s23] =	ssyncset.done $0x0  }
0xa4: {  	[sflag:s23] =	ssyncadd.s32 $0xFFFFFFFF  }
0xa5: {  	s5 =	sld [smem:$0x0]  }
0xa6: {  	s6 =	sand.u32 $0xFFFFFFFE, s1  }
0xa7: {  	p0 =	sne.s32 s1, s6  }
0xa8: {  	s6 =	sshll.u32 @p0 s6, $0xE  }
0xa9: {  	s6 =	sadd.s32 @p0 $0x11B8D, s6;
	s7 =	sshll.u32 @p0 s5, $0x11  }
0xaa: {  	s6 =	sor.u32 @p0 s7, s6  }
0xab: {  	[sflag:s6] =	ssyncadd.remote.s32 @p0 $0x1;
	_ =	sdelay $0x1  }
0xac: {  	s6 =	simm.s32 @p0 $0x1B8D  }
0xad: {  	_ =	swait.eq @p0 [sflag:s6], $0x1  }
0xae: {  	[sflag:s6] =	ssyncadd.s32 @p0 $0xFFFFFFFF  }
0xaf: {  	s7 =	sshll.u32 @!p0 s1, $0xE  }
0xb0: {  	s7 =	sor.u32 @!p0 $0x4000, s7;
	s6 =	simm.s32 @!p0 $0x1B8D  }
0xb1: {  	s5 =	sshll.u32 @!p0 s5, $0x11;
	s7 =	sadd.s32 @!p0 $0x11B8D, s7;
	_ =	swait.eq @!p0 [sflag:s6], $0x1  }
0xb2: {  	s5 =	sor.u32 @!p0 s5, s7;
	[sflag:s6] =	ssyncadd.s32 @!p0 $0xFFFFFFFF  }
0xb3: {  	s25 =	simm.s32 $0x1B8E;
	s24 =	sld [smem:$0x3FFE];
	[sflag:s5] =	ssyncadd.remote.s32 @!p0 $0x1  }
0xb4: {  	s26 =	simm.s32 $execute0_lowered;
	[smem:$0x3FD2] =	sst s25  }
0xb5: {  	s6 =	sshll.u32 s26, $0x1;
	_ =	strace $0x8000004C;
	[dreg:$0x1] =	wrdreg $0xFFFFFFFF  }
0xb6: {  	s28 =	simm.s32 $_size_execute0_lowered;
	s4 =	sadd.s32 s4, s6;
	[dreg:$0x0] =	wrdreg $0x0  }
0xb7: {  	s6 =	sshll.u32 s28, $0x1;
	[dreg:$0x2] =	wrdreg s4  }
0xb8: {  	[dreg:$0x3] =	wrdreg s6  }
0xb9: {  	[dreg:$0x4] =	wrdreg $0xC0  }
0xba: {  	_ =	task [dreg:s22], $0x5FFFF  }
0xbb: {  	[dreg:$0x1] =	wrdreg $0xFFFFFFFF  }
0xbc: {  	[dreg:$0x0] =	wrdreg $0x60  }
0xbd: {  	[dreg:$0x2] =	wrdreg s18  }
0xbe: {  	[dreg:$0x3] =	wrdreg s24  }
0xbf: {  	[dreg:$0x4] =	wrdreg $0xA  }
0xc0: {  	_ =	task.clear_ibuf [dreg:s22], $0x5FFFF;
	_ =	strace $0x9000004C  }
0xc1: {  	s29 =	simm.s32 $0xA;
	_ =	strace $0x8000004E  }
0xc2: {  	_ =	swait.ge [sflag:s29], $0x1  }
0xc3: {  	[sflag:s29] =	ssyncadd.s32 $0xFFFFFFFF  }
0xc4: {  	_ =	strace $0x9000004E  }
0xc5: {  	_ =	sfence  }
0xc6: {  	s30 =	sld [smem:$0x0];
	_ =	sdelay $0x2  }
0xc7: {  	s31 =	sshll.u32 s1, $0xD;
	s1 =	sshrl.u32 s1, $0x2  }
0xc8: {  	s4 =	sand.u32 $0x4000, s31;
	s1 =	sadd.s32 s1, s30  }
0xc9: {  	s0 =	sor.u32 s4, s0;
	s1 =	sshll.u32 s1, $0x11  }
0xca: {  	s0 =	sor.u32 s1, s0  }
0xcb: {  	s0 =	sadd.s32 $0x8F2B, s0  }
0xcc: {  	[sflag:s0] =	ssyncadd.remote.s32 $0x1  }
0xcd: {  	_ =	sfence.sel $0xFFFF  }
0xce: {  	[dreg:$0x0] =	wrdreg $0xFFFFFFFF;
	(pc) =	sbr.abs _section_cstart, $3  }
0xcf: {  	[dreg:$0x1] =	wrdreg $0xFFFFFFFF  }
0xd0: {  	_ =	task.clear_ibuf [dreg:s22], $0x2FFFF;
	_ =	strace $0x9FFFFFFF  }
0xd1: {  	(tm) =	ssettm $0x7FFFFFFF  }
tec
execute0_lowered:
.L_overlay_start_1:
0x0: {  	(tag) =	ssettag $0x1  }
0x1: {  	s1 =	srdreg.scid;
	s0 =	stileid.u32  }
0x2: {  	s21 =	sand.u32 $0x1, s1;
	s26 =	sshll.u32 s0, $0x1  }
0x3: {  	s2 =	rddreg [dreg:$0x0];
	s9 =	sor.u32 s21, s26  }
0x4: {  	s10 =	rddreg [dreg:$0x1];
	s22 =	smul.u32 $0xC40, s9  }
0x5: {  	s3 =	simm.s32 $0x0;
	s1 =	rddreg [dreg:$0x2]  }
0x6: {  	[smem:$0x7FF] =	sst s3;
	s20 =	sadd.s32 $0x13600, s10;
	s4 =	sshrl.u32 s22, $0x3  }
0x7: {  	_ =	strace $0x8000004D;
	s5 =	sadd.s32 s20, s4;
	s4 =	simm.s32 $0x2  }
0x8: {  	[tilespmem:s3], [sflag:$0x2] =	stream.linear.gather [hbm4b:s5+s3], $0x1C0, $0x38;
	[tilespmem:$0xE200] =	vst v63  }
0x9: {  	_ =	swait.ge [sflag:s4], $0x1C0  }
0xa: {  	s6 =	simm.s32 $0x1C0;
	[sflag:s4] =	ssyncset.done $0x0  }
0xb: {  	s7 =	simm.s32 $0x200;
	s8 =	simm.s32 $0x1;
	[sflag:s4] =	ssyncadd.s32 $0xFFFFFE40  }
0xc: {  	[tilespmem:s7], [sflag:$0x1] =	stream.indirect.gather [hbm4b:s2+s6], $0x80, s3, s6, $0xb8;
	[tilespmem:$0xE200] =	vst v63  }
0xd: {  	s9 =	smul.u32 $0xC400, s9;
	_ =	swait.ge [sflag:s8], $0xE000  }
0xe: {  	s23 =	sadd.s32 $0x16800, s10;
	[sflag:s8] =	ssyncset.done $0x0  }
0xf: {  	s9 =	sadd.s32 s23, s9;
	[sflag:s8] =	ssyncadd.s32 $0xFFFF2000  }
0x10: {  	[hbm4b:s9+s3] =	stream.linear.scatter [tilespmem:s7], [sflag:$0x2], $0xE000, $0x38;
	[tilespmem:$0xE200] =	vst v63  }
0x11: {  	s11 =	sadd.s32 $0x1C0, s22;
	_ =	swait.ge [sflag:s4], $0xE000  }
0x12: {  	s28 =	sshrl.u32 s11, $0x3;
	[sflag:s4] =	ssyncset.done $0x0  }
0x13: {  	s10 =	sadd.s32 s20, s28;
	[sflag:s4] =	ssyncadd.s32 $0xFFFF2000  }
0x14: {  	[tilespmem:s3], [sflag:$0x2] =	stream.linear.gather [hbm4b:s10+s3], $0x1C0, $0x38;
	[tilespmem:$0xE200] =	vst v63  }
0x15: {  	_ =	swait.ge [sflag:s4], $0x1C0  }
0x16: {  	[sflag:s4] =	ssyncset.done $0x0  }
0x17: {  	[sflag:s4] =	ssyncadd.s32 $0xFFFFFE40  }
0x18: {  	[tilespmem:s7], [sflag:$0x1] =	stream.indirect.gather [hbm4b:s2+s6], $0x80, s3, s6, $0xb8;
	[tilespmem:$0xE200] =	vst v63  }
0x19: {  	_ =	swait.ge [sflag:s8], $0xE000  }
0x1a: {  	s11 =	sshll.u32 s11, $0x4;
	[sflag:s8] =	ssyncset.done $0x0  }
0x1b: {  	s11 =	sadd.s32 s23, s11;
	[sflag:s8] =	ssyncadd.s32 $0xFFFF2000  }
0x1c: {  	[hbm4b:s11+s3] =	stream.linear.scatter [tilespmem:s7], [sflag:$0x2], $0xE000, $0x38;
	[tilespmem:$0xE200] =	vst v63  }
0x1d: {  	s13 =	sadd.s32 $0x380, s22;
	_ =	swait.ge [sflag:s4], $0xE000  }
0x1e: {  	s12 =	sshrl.u32 s13, $0x3;
	[sflag:s4] =	ssyncset.done $0x0  }
0x1f: {  	s12 =	sadd.s32 s20, s12;
	[sflag:s4] =	ssyncadd.s32 $0xFFFF2000  }
0x20: {  	[tilespmem:s3], [sflag:$0x2] =	stream.linear.gather [hbm4b:s12+s3], $0x1C0, $0x38;
	[tilespmem:$0xE200] =	vst v63  }
0x21: {  	_ =	swait.ge [sflag:s4], $0x1C0  }
0x22: {  	[sflag:s4] =	ssyncset.done $0x0  }
0x23: {  	[sflag:s4] =	ssyncadd.s32 $0xFFFFFE40  }
0x24: {  	[tilespmem:s7], [sflag:$0x1] =	stream.indirect.gather [hbm4b:s2+s6], $0x80, s3, s6, $0xb8;
	[tilespmem:$0xE200] =	vst v63  }
0x25: {  	_ =	swait.ge [sflag:s8], $0xE000  }
0x26: {  	s13 =	sshll.u32 s13, $0x4;
	[sflag:s8] =	ssyncset.done $0x0  }
0x27: {  	s13 =	sadd.s32 s23, s13;
	[sflag:s8] =	ssyncadd.s32 $0xFFFF2000  }
0x28: {  	[hbm4b:s13+s3] =	stream.linear.scatter [tilespmem:s7], [sflag:$0x2], $0xE000, $0x38;
	[tilespmem:$0xE200] =	vst v63  }
0x29: {  	s15 =	sadd.s32 $0x540, s22;
	_ =	swait.ge [sflag:s4], $0xE000  }
0x2a: {  	s14 =	sshrl.u32 s15, $0x3;
	[sflag:s4] =	ssyncset.done $0x0  }
0x2b: {  	s14 =	sadd.s32 s20, s14;
	[sflag:s4] =	ssyncadd.s32 $0xFFFF2000  }
0x2c: {  	[tilespmem:s3], [sflag:$0x2] =	stream.linear.gather [hbm4b:s14+s3], $0x1C0, $0x38;
	[tilespmem:$0xE200] =	vst v63  }
0x2d: {  	_ =	swait.ge [sflag:s4], $0x1C0  }
0x2e: {  	[sflag:s4] =	ssyncset.done $0x0  }
0x2f: {  	[sflag:s4] =	ssyncadd.s32 $0xFFFFFE40  }
0x30: {  	[tilespmem:s7], [sflag:$0x1] =	stream.indirect.gather [hbm4b:s2+s6], $0x80, s3, s6, $0xb8;
	[tilespmem:$0xE200] =	vst v63  }
0x31: {  	_ =	swait.ge [sflag:s8], $0xE000  }
0x32: {  	s15 =	sshll.u32 s15, $0x4;
	[sflag:s8] =	ssyncset.done $0x0  }
0x33: {  	s15 =	sadd.s32 s23, s15;
	[sflag:s8] =	ssyncadd.s32 $0xFFFF2000  }
0x34: {  	[hbm4b:s15+s3] =	stream.linear.scatter [tilespmem:s7], [sflag:$0x2], $0xE000, $0x38;
	[tilespmem:$0xE200] =	vst v63  }
0x35: {  	s17 =	sadd.s32 $0x700, s22;
	_ =	swait.ge [sflag:s4], $0xE000  }
0x36: {  	s16 =	sshrl.u32 s17, $0x3;
	[sflag:s4] =	ssyncset.done $0x0  }
0x37: {  	s16 =	sadd.s32 s20, s16;
	[sflag:s4] =	ssyncadd.s32 $0xFFFF2000  }
0x38: {  	[tilespmem:s3], [sflag:$0x2] =	stream.linear.gather [hbm4b:s16+s3], $0x1C0, $0x38;
	[tilespmem:$0xE200] =	vst v63  }
0x39: {  	_ =	swait.ge [sflag:s4], $0x1C0  }
0x3a: {  	[sflag:s4] =	ssyncset.done $0x0  }
0x3b: {  	[sflag:s4] =	ssyncadd.s32 $0xFFFFFE40  }
0x3c: {  	[tilespmem:s7], [sflag:$0x1] =	stream.indirect.gather [hbm4b:s2+s6], $0x80, s3, s6, $0xb8;
	[tilespmem:$0xE200] =	vst v63  }
0x3d: {  	_ =	swait.ge [sflag:s8], $0xE000  }
0x3e: {  	s17 =	sshll.u32 s17, $0x4;
	[sflag:s8] =	ssyncset.done $0x0  }
0x3f: {  	s17 =	sadd.s32 s23, s17;
	[sflag:s8] =	ssyncadd.s32 $0xFFFF2000  }
0x40: {  	[hbm4b:s17+s3] =	stream.linear.scatter [tilespmem:s7], [sflag:$0x2], $0xE000, $0x38;
	[tilespmem:$0xE200] =	vst v63  }
0x41: {  	s19 =	sadd.s32 $0x8C0, s22;
	_ =	swait.ge [sflag:s4], $0xE000  }
0x42: {  	s18 =	sshrl.u32 s19, $0x3;
	[sflag:s4] =	ssyncset.done $0x0  }
0x43: {  	s18 =	sadd.s32 s20, s18;
	[sflag:s4] =	ssyncadd.s32 $0xFFFF2000  }
0x44: {  	[tilespmem:s3], [sflag:$0x2] =	stream.linear.gather [hbm4b:s18+s3], $0x1C0, $0x38;
	[tilespmem:$0xE200] =	vst v63  }
0x45: {  	_ =	swait.ge [sflag:s4], $0x1C0  }
0x46: {  	[sflag:s4] =	ssyncset.done $0x0  }
0x47: {  	[sflag:s4] =	ssyncadd.s32 $0xFFFFFE40  }
0x48: {  	[tilespmem:s7], [sflag:$0x1] =	stream.indirect.gather [hbm4b:s2+s6], $0x80, s3, s6, $0xb8;
	[tilespmem:$0xE200] =	vst v63  }
0x49: {  	_ =	swait.ge [sflag:s8], $0xE000  }
0x4a: {  	s19 =	sshll.u32 s19, $0x4;
	[sflag:s8] =	ssyncset.done $0x0  }
0x4b: {  	s19 =	sadd.s32 s23, s19;
	[sflag:s8] =	ssyncadd.s32 $0xFFFF2000  }
0x4c: {  	[hbm4b:s19+s3] =	stream.linear.scatter [tilespmem:s7], [sflag:$0x2], $0xE000, $0x38;
	[tilespmem:$0xE200] =	vst v63  }
0x4d: {  	s22 =	sadd.s32 $0xA80, s22;
	_ =	swait.ge [sflag:s4], $0xE000  }
0x4e: {  	s24 =	sshrl.u32 s22, $0x3;
	[sflag:s4] =	ssyncset.done $0x0  }
0x4f: {  	s21 =	ssub.s32 $0x2, s21;
	s20 =	sadd.s32 s20, s24;
	[sflag:s4] =	ssyncadd.s32 $0xFFFF2000  }
0x50: {  	[tilespmem:s3], [sflag:$0x2] =	stream.linear.gather [hbm4b:s20+s3], $0x1C0, $0x38;
	[tilespmem:$0xE200] =	vst v63  }
0x51: {  	s29 =	sshrl.u32 s21, $0x1;
	_ =	swait.ge [sflag:s4], $0x1C0  }
0x52: {  	s24 =	ssub.s32 s21, s29;
	[sflag:s4] =	ssyncset.done $0x0  }
0x53: {  	s31 =	smax.u32 s24, $0x1;
	[sflag:s4] =	ssyncadd.s32 $0xFFFFFE40  }
0x54: {  	[tilespmem:s7], [sflag:$0x1] =	stream.indirect.gather [hbm4b:s2+s6], $0x80, s3, s6, $0xb8;
	[tilespmem:$0xE200] =	vst v63  }
0x55: {  	p0 =	sne.s32 s31, $0x1;
	_ =	swait.ge [sflag:s8], $0xE000  }
.Ltmp0:
0x56: {  	s30 =	sshll.u32 s22, $0x4;
	[sflag:s8] =	ssyncset.done $0x0;
	(pc) =	sbr.rel @!p0 .LBB2_2-.Ltmp0, $4  }
0x57: {  	s21 =	sadd.s32 s23, s30;
	[sflag:s8] =	ssyncadd.s32 $0xFFFF2000  }
0x58: {  	[hbm4b:s21+s3] =	stream.linear.scatter [tilespmem:s7], [sflag:$0x2], $0xE000, $0x38;
	[tilespmem:$0xE200] =	vst v63  }
0x59: {  	_ =	swait.ge [sflag:s4], $0xE000  }
0x5a: {  	s22 =	sadd.s32 $0xFFFFFFFF, s31;
	[sflag:s4] =	ssyncset.done $0x0  }
.LBB2_1:
0x5b: {  	p0 =	sne.s32 s22, $0x1;
	s22 =	sadd.s32 $0xFFFFFFFF, s22;
	[sflag:s4] =	ssyncadd.s32 $0xFFFF2000  }
0x5c: {  	[tilespmem:s3], [sflag:$0x2] =	stream.linear.gather [hbm4b:s5+s3], $0x1C0, $0x38;
	[tilespmem:$0xE200] =	vst v63  }
0x5d: {  	_ =	swait.ge [sflag:s4], $0x1C0  }
0x5e: {  	[sflag:s4] =	ssyncset.done $0x0  }
0x5f: {  	[sflag:s4] =	ssyncadd.s32 $0xFFFFFE40  }
0x60: {  	[tilespmem:s7], [sflag:$0x1] =	stream.indirect.gather [hbm4b:s2+s6], $0x80, s3, s6, $0xb8;
	[tilespmem:$0xE200] =	vst v63  }
0x61: {  	_ =	swait.ge [sflag:s8], $0xE000  }
0x62: {  	[sflag:s8] =	ssyncset.done $0x0  }
0x63: {  	[sflag:s8] =	ssyncadd.s32 $0xFFFF2000  }
0x64: {  	[hbm4b:s9+s3] =	stream.linear.scatter [tilespmem:s7], [sflag:$0x2], $0xE000, $0x38;
	[tilespmem:$0xE200] =	vst v63  }
0x65: {  	_ =	swait.ge [sflag:s4], $0xE000  }
0x66: {  	[sflag:s4] =	ssyncset.done $0x0  }
0x67: {  	[sflag:s4] =	ssyncadd.s32 $0xFFFF2000  }
0x68: {  	[tilespmem:s3], [sflag:$0x2] =	stream.linear.gather [hbm4b:s10+s3], $0x1C0, $0x38;
	[tilespmem:$0xE200] =	vst v63  }
0x69: {  	_ =	swait.ge [sflag:s4], $0x1C0  }
0x6a: {  	[sflag:s4] =	ssyncset.done $0x0  }
0x6b: {  	[sflag:s4] =	ssyncadd.s32 $0xFFFFFE40  }
0x6c: {  	[tilespmem:s7], [sflag:$0x1] =	stream.indirect.gather [hbm4b:s2+s6], $0x80, s3, s6, $0xb8;
	[tilespmem:$0xE200] =	vst v63  }
0x6d: {  	_ =	swait.ge [sflag:s8], $0xE000  }
0x6e: {  	[sflag:s8] =	ssyncset.done $0x0  }
0x6f: {  	[sflag:s8] =	ssyncadd.s32 $0xFFFF2000  }
0x70: {  	[hbm4b:s11+s3] =	stream.linear.scatter [tilespmem:s7], [sflag:$0x2], $0xE000, $0x38;
	[tilespmem:$0xE200] =	vst v63  }
0x71: {  	_ =	swait.ge [sflag:s4], $0xE000  }
0x72: {  	[sflag:s4] =	ssyncset.done $0x0  }
0x73: {  	[sflag:s4] =	ssyncadd.s32 $0xFFFF2000  }
0x74: {  	[tilespmem:s3], [sflag:$0x2] =	stream.linear.gather [hbm4b:s12+s3], $0x1C0, $0x38;
	[tilespmem:$0xE200] =	vst v63  }
0x75: {  	_ =	swait.ge [sflag:s4], $0x1C0  }
0x76: {  	[sflag:s4] =	ssyncset.done $0x0  }
0x77: {  	[sflag:s4] =	ssyncadd.s32 $0xFFFFFE40  }
0x78: {  	[tilespmem:s7], [sflag:$0x1] =	stream.indirect.gather [hbm4b:s2+s6], $0x80, s3, s6, $0xb8;
	[tilespmem:$0xE200] =	vst v63  }
0x79: {  	_ =	swait.ge [sflag:s8], $0xE000  }
0x7a: {  	[sflag:s8] =	ssyncset.done $0x0  }
0x7b: {  	[sflag:s8] =	ssyncadd.s32 $0xFFFF2000  }
0x7c: {  	[hbm4b:s13+s3] =	stream.linear.scatter [tilespmem:s7], [sflag:$0x2], $0xE000, $0x38;
	[tilespmem:$0xE200] =	vst v63  }
0x7d: {  	_ =	swait.ge [sflag:s4], $0xE000  }
0x7e: {  	[sflag:s4] =	ssyncset.done $0x0  }
0x7f: {  	[sflag:s4] =	ssyncadd.s32 $0xFFFF2000  }
0x80: {  	[tilespmem:s3], [sflag:$0x2] =	stream.linear.gather [hbm4b:s14+s3], $0x1C0, $0x38;
	[tilespmem:$0xE200] =	vst v63  }
0x81: {  	_ =	swait.ge [sflag:s4], $0x1C0  }
0x82: {  	[sflag:s4] =	ssyncset.done $0x0  }
0x83: {  	[sflag:s4] =	ssyncadd.s32 $0xFFFFFE40  }
0x84: {  	[tilespmem:s7], [sflag:$0x1] =	stream.indirect.gather [hbm4b:s2+s6], $0x80, s3, s6, $0xb8;
	[tilespmem:$0xE200] =	vst v63  }
0x85: {  	_ =	swait.ge [sflag:s8], $0xE000  }
0x86: {  	[sflag:s8] =	ssyncset.done $0x0  }
0x87: {  	[sflag:s8] =	ssyncadd.s32 $0xFFFF2000  }
0x88: {  	[hbm4b:s15+s3] =	stream.linear.scatter [tilespmem:s7], [sflag:$0x2], $0xE000, $0x38;
	[tilespmem:$0xE200] =	vst v63  }
0x89: {  	_ =	swait.ge [sflag:s4], $0xE000  }
0x8a: {  	[sflag:s4] =	ssyncset.done $0x0  }
0x8b: {  	[sflag:s4] =	ssyncadd.s32 $0xFFFF2000  }
0x8c: {  	[tilespmem:s3], [sflag:$0x2] =	stream.linear.gather [hbm4b:s16+s3], $0x1C0, $0x38;
	[tilespmem:$0xE200] =	vst v63  }
0x8d: {  	_ =	swait.ge [sflag:s4], $0x1C0  }
0x8e: {  	[sflag:s4] =	ssyncset.done $0x0  }
0x8f: {  	[sflag:s4] =	ssyncadd.s32 $0xFFFFFE40  }
0x90: {  	[tilespmem:s7], [sflag:$0x1] =	stream.indirect.gather [hbm4b:s2+s6], $0x80, s3, s6, $0xb8;
	[tilespmem:$0xE200] =	vst v63  }
0x91: {  	_ =	swait.ge [sflag:s8], $0xE000  }
0x92: {  	[sflag:s8] =	ssyncset.done $0x0  }
0x93: {  	[sflag:s8] =	ssyncadd.s32 $0xFFFF2000  }
0x94: {  	[hbm4b:s17+s3] =	stream.linear.scatter [tilespmem:s7], [sflag:$0x2], $0xE000, $0x38;
	[tilespmem:$0xE200] =	vst v63  }
0x95: {  	_ =	swait.ge [sflag:s4], $0xE000  }
0x96: {  	[sflag:s4] =	ssyncset.done $0x0  }
0x97: {  	[sflag:s4] =	ssyncadd.s32 $0xFFFF2000  }
0x98: {  	[tilespmem:s3], [sflag:$0x2] =	stream.linear.gather [hbm4b:s18+s3], $0x1C0, $0x38;
	[tilespmem:$0xE200] =	vst v63  }
0x99: {  	_ =	swait.ge [sflag:s4], $0x1C0  }
0x9a: {  	[sflag:s4] =	ssyncset.done $0x0  }
0x9b: {  	[sflag:s4] =	ssyncadd.s32 $0xFFFFFE40  }
0x9c: {  	[tilespmem:s7], [sflag:$0x1] =	stream.indirect.gather [hbm4b:s2+s6], $0x80, s3, s6, $0xb8;
	[tilespmem:$0xE200] =	vst v63  }
0x9d: {  	_ =	swait.ge [sflag:s8], $0xE000  }
0x9e: {  	[sflag:s8] =	ssyncset.done $0x0  }
0x9f: {  	[sflag:s8] =	ssyncadd.s32 $0xFFFF2000  }
0xa0: {  	[hbm4b:s19+s3] =	stream.linear.scatter [tilespmem:s7], [sflag:$0x2], $0xE000, $0x38;
	[tilespmem:$0xE200] =	vst v63  }
0xa1: {  	_ =	swait.ge [sflag:s4], $0xE000  }
0xa2: {  	[sflag:s4] =	ssyncset.done $0x0  }
0xa3: {  	[sflag:s4] =	ssyncadd.s32 $0xFFFF2000  }
0xa4: {  	[tilespmem:s3], [sflag:$0x2] =	stream.linear.gather [hbm4b:s20+s3], $0x1C0, $0x38;
	[tilespmem:$0xE200] =	vst v63  }
0xa5: {  	_ =	swait.ge [sflag:s4], $0x1C0  }
0xa6: {  	[sflag:s4] =	ssyncset.done $0x0  }
0xa7: {  	[sflag:s4] =	ssyncadd.s32 $0xFFFFFE40  }
0xa8: {  	[tilespmem:s7], [sflag:$0x1] =	stream.indirect.gather [hbm4b:s2+s6], $0x80, s3, s6, $0xb8;
	[tilespmem:$0xE200] =	vst v63  }
0xa9: {  	_ =	swait.ge [sflag:s8], $0xE000  }
.Ltmp1:
0xaa: {  	[sflag:s8] =	ssyncset.done $0x0;
	(pc) =	sbr.rel @p0 .LBB2_1-.Ltmp1, $4  }
0xab: {  	[sflag:s8] =	ssyncadd.s32 $0xFFFF2000  }
0xac: {  	[hbm4b:s21+s3] =	stream.linear.scatter [tilespmem:s7], [sflag:$0x2], $0xE000, $0x38;
	[tilespmem:$0xE200] =	vst v63  }
0xad: {  	_ =	swait.ge [sflag:s4], $0xE000  }
0xae: {  	[sflag:s4] =	ssyncset.done $0x0  }
.LBB2_2:
0xaf: {  	[sflag:s4] =	ssyncadd.s32 $0xFFFF2000  }
0xb0: {  	_ =	sfence.sel $0x180000  }
0xb1: {  	[bflag:$0x0] =	sbarrier.arrive $0xFFFF  }
0xb2: {  	p0 =	sne.s32 s0, $0x0;
	_ =	strace $0x9000004D  }
0xb3: {  	s0 =	sadd.s32 @!p0 $0x100000, s1;
	[bflag:$0x2] =	sbarrier.arrive $0xFFFF  }
0xb4: {  	[sflag:s0] =	ssyncadd.tile.s32 @!p0 $0x1;
	_ =	shalt  }
.Lfunc_end2:
_tile_overlayer_lowered:
.L_overlay_start_2:
0xb5: {  	(tag) =	ssettag $0x2  }
0xb6: {  	s0 =	rddreg [dreg:$0x0];
	s2 =	stileid.u32  }
0xb7: {  	s1 =	rddreg [dreg:$0x1];
	p0 =	sne.s32 s2, $0x0  }
0xb8: {  	s3 =	rddreg [dreg:$0x2];
	[bflag:$0x3] =	sbarrier.arrive $0xFFFF;
	s2 =	simm.s32 @!p0 $0x1C02  }
0xb9: {  	[timem:s3], [sflag:s2] =	dma.local @!p0 [hbm:s0], s1  }
0xba: {  	s0 =	simm.s32 @!p0 $0x2  }
0xbb: {  	_ =	swait.ge @!p0 [sflag:s0], s1  }
0xbc: {  	s1 =	ssub.s32 @!p0 $0x0, s1;
	[sflag:s0] =	ssyncset.done @!p0 $0x0  }
0xbd: {  	[sflag:s0] =	ssyncadd.s32 @!p0 s1  }
0xbe: {  	[bflag:$0x3] =	sbarrier.arrive $0xFFFF  }
0xbf: {  	_ =	shalt  }

// kernel: kernel.9.cloned.1.call-start
scs
__scs_entry_jumppad:
0x0: {  	(pc) =	sbr.rel $0x88, $3  }
0x1: {  	(tag) =	ssettag $0x0;
	lr =	simm.s32 $0x1  }
0x2: {  	[smem:$0x3F99] =	sst lr;
	_ =	strace $0xD0000000  }
0x3: {  	_ = 	snop  }
0x4: {  	_ = 	snop  }
0x5: {  	_ = 	snop  }
0x6: {  	_ = 	snop  }
0x7: {  	_ = 	snop  }
__scs_overlays_trampoline_lowered:
0x8: {  	[smem:$0x3FA8] =	sst s0  }
0x9: {  	[smem:$0x3FA9] =	sst s1  }
0xa: {  	[smem:$0x3FAA] =	sst s2  }
0xb: {  	[smem:$0x3FAB] =	sst s3  }
0xc: {  	[smem:$0x3FAC] =	sst s4  }
0xd: {  	[smem:$0x3FAD] =	sst s5  }
0xe: {  	[smem:$0x3FAE] =	sst s6  }
0xf: {  	[smem:$0x3FAF] =	sst s7  }
0x10: {  	[smem:$0x3FB0] =	sst s8  }
0x11: {  	[smem:$0x3FB1] =	sst s9;
	s0 =	simm.s32 @!p0 $0x0  }
0x12: {  	s1 =	sld [smem:$0x3F97];
	s0 =	simm.s32 @p0 $0x1  }
0x13: {  	[smem:$0x3FB2] =	sst s0;
	s0 =	simm.s32 @!p1 $0x0  }
0x14: {  	s2 =	sld [smem:$0x3F96];
	s0 =	simm.s32 @p1 $0x1  }
0x15: {  	[smem:$0x3FB3] =	sst s0;
	s0 =	simm.s32 @!p2 $0x0  }
0x16: {  	s3 =	sld [smem:$0x3FDB];
	s0 =	simm.s32 @p2 $0x1  }
0x17: {  	s4 =	simm.s32 $0x1BF5;
	[smem:$0x3FB5] =	sst s0  }
0x18: {  	s0 =	sld [smem:$0x3F98];
	_ =	swait.ge [sflag:s4], $0x0  }
0x19: {  	s7 =	sld [smem:$0x3F99]  }
0x1a: {  	s8 =	sadd.s32 $0xFFFFE003, lr  }
0x1b: {  	s9 =	sadd.s32 $0xFFFFFEF7, lr;
	s5 =	simm.s32 $0xFFFFFFFF;
	p2 =	slt.u32 s8, $0xFFFFF086  }
0x1c: {  	p1 =	slt.u32 s9, $0xF7A;
	s5 =	simm.s32 @!p2 $0x0  }
0x1d: {  	s5 =	simm.s32 @p1 $0x1;
	p0 =	seq.s32 s7, s2  }
0x1e: {  	s7 =	smul.u32 @!p0 $0xF7A, s2;
	p2 =	seq.s32 @!p0 s5, $0x0  }
0x1f: {  	s9 =	smul.u32 $0xF7A, s1;
	s8 =	simm.s32 @!p0 $0x1BF5;
	p2 =	por !p2, p0  }
0x20: {  	[sflag:s8] =	ssyncset.s32 @!p0 $0xFFFFF086;
	s6 =	sadd.s32 @!p0 s3, s7;
	s7 =	simm.s32 @!p0 $0x108  }
0x21: {  	s3 =	sadd.s32 s3, s9;
	s6 =	sadd.s32 @!p0 $0x88, s6;
	s7 =	simm.s32 @p2 $0x1082  }
0x22: {  	[simem:s7], [sflag:s8] =	dma.local @!p0 [hbm:s6], $0xF7A  }
0x23: {  	s9 =	sor.u32 $0xD0000000, s2;
	s6 =	simm.s32 $0x108;
	_ =	swait.ge @!p0 [sflag:s8], $0x0  }
0x24: {  	s3 =	sadd.s32 $0x88, s3;
	s6 =	simm.s32 @!p1 $0x1082;
	[sflag:s4] =	ssyncset.s32 $0xFFFFF086  }
0x25: {  	[simem:s6], [sflag:s4] =	dma.local [hbm:s3], $0xF7A  }
0x26: {  	[smem:$0x3F99] =	sst s1;
	(tag) =	ssettag s2;
	_ =	strace s9  }
0x27: {  	s1 =	sld [smem:$0x3FA9]  }
0x28: {  	s2 =	sld [smem:$0x3FAA]  }
0x29: {  	s4 =	sld [smem:$0x3FAC]  }
0x2a: {  	p0 =	seq.s32 s5, $0x0;
	s5 =	sld [smem:$0x3FAD]  }
0x2b: {  	s6 =	sld [smem:$0x3FAE]  }
0x2c: {  	s7 =	sld [smem:$0x3FAF]  }
0x2d: {  	s3 =	simm.s32 $0x108;
	s8 =	sld [smem:$0x3FB0]  }
0x2e: {  	s3 =	simm.s32 @!p0 $0x1082;
	s9 =	sld [smem:$0x3FB1]  }
0x2f: {  	lr =	sadd.s32 s0, s3;
	s0 =	sld [smem:$0x3FA8]  }
0x30: {  	s3 =	sld [smem:$0x3FAB]  }
0x31: {  	[smem:$0x3FB4] =	sst s10  }
0x32: {  	s10 =	sld [smem:$0x3FB2];
	_ =	sdelay $0x3  }
0x33: {  	p0 =	seq.s32 s10, $0x1;
	s10 =	sld [smem:$0x3FB4];
	_ =	sdelay $0x3  }
0x34: {  	[smem:$0x3FB4] =	sst s10  }
0x35: {  	s10 =	sld [smem:$0x3FB3];
	_ =	sdelay $0x3  }
0x36: {  	p1 =	seq.s32 s10, $0x1;
	s10 =	sld [smem:$0x3FB4];
	_ =	sdelay $0x3  }
0x37: {  	[smem:$0x3FB4] =	sst s10  }
0x38: {  	s10 =	sld [smem:$0x3FB5]  }
0x39: {  	_ = 	snop;
	(pc) =	sbr.ind lr, $3  }
0x3a: {  	_ = 	snop  }
0x3b: {  	_ = 	snop  }
0x3c: {  	p2 =	seq.s32 s10, $0x1;
	s10 =	sld [smem:$0x3FB4]  }
0x3d: {  	_ =	shalt  }
0x3e: {  	_ =	shalt  }
0x3f: {  	_ =	shalt  }
0x40: {  	_ =	shalt  }
0x41: {  	_ =	shalt  }
0x42: {  	_ =	shalt  }
0x43: {  	_ =	shalt  }
0x44: {  	_ =	shalt  }
0x45: {  	_ =	shalt  }
0x46: {  	_ =	shalt  }
0x47: {  	_ =	shalt  }
0x48: {  	_ =	shalt  }
0x49: {  	_ =	shalt  }
0x4a: {  	_ =	shalt  }
0x4b: {  	_ =	shalt  }
0x4c: {  	_ =	shalt  }
0x4d: {  	_ =	shalt  }
0x4e: {  	_ =	shalt  }
0x4f: {  	_ =	shalt  }
0x50: {  	_ =	shalt  }
0x51: {  	_ =	shalt  }
0x52: {  	_ =	shalt  }
0x53: {  	_ =	shalt  }
0x54: {  	_ =	shalt  }
0x55: {  	_ =	shalt  }
0x56: {  	_ =	shalt  }
0x57: {  	_ =	shalt  }
0x58: {  	_ =	shalt  }
0x59: {  	_ =	shalt  }
0x5a: {  	_ =	shalt  }
0x5b: {  	_ =	shalt  }
0x5c: {  	_ =	shalt  }
0x5d: {  	_ =	shalt  }
0x5e: {  	_ =	shalt  }
0x5f: {  	_ =	shalt  }
0x60: {  	_ =	shalt  }
0x61: {  	_ =	shalt  }
0x62: {  	_ =	shalt  }
0x63: {  	_ =	shalt  }
0x64: {  	_ =	shalt  }
0x65: {  	_ =	shalt  }
0x66: {  	_ =	shalt  }
0x67: {  	_ =	shalt  }
0x68: {  	_ =	shalt  }
0x69: {  	_ =	shalt  }
0x6a: {  	_ =	shalt  }
0x6b: {  	_ =	shalt  }
0x6c: {  	_ =	shalt  }
0x6d: {  	_ =	shalt  }
0x6e: {  	_ =	shalt  }
0x6f: {  	_ =	shalt  }
0x70: {  	_ =	shalt  }
0x71: {  	_ =	shalt  }
0x72: {  	_ =	shalt  }
0x73: {  	_ =	shalt  }
0x74: {  	_ =	shalt  }
0x75: {  	_ =	shalt  }
0x76: {  	_ =	shalt  }
0x77: {  	_ =	shalt  }
0x78: {  	_ =	shalt  }
0x79: {  	_ =	shalt  }
0x7a: {  	_ =	shalt  }
0x7b: {  	_ =	shalt  }
0x7c: {  	_ =	shalt  }
0x7d: {  	_ =	shalt  }
0x7e: {  	_ =	shalt  }
0x7f: {  	_ =	shalt  }
0x80: {  	_ =	shalt  }
0x81: {  	_ =	shalt  }
0x82: {  	_ =	shalt  }
0x83: {  	_ =	shalt  }
0x84: {  	_ =	shalt  }
0x85: {  	_ =	shalt  }
0x86: {  	_ =	shalt  }
0x87: {  	_ =	shalt  }
.Lfunc_end0:
.L_simem_size_0:
called_computation.5_lowered:
.L_overlay_start_0:
0x88: {  	s2 =	sld [smem:$0x3FD9]  }
0x89: {  	s3 =	sld [smem:$0x3FFE];
	_ =	sdelay $0x1  }
0x8a: {  	s1 =	srdreg.scid  }
0x8b: {  	s0 =	sand.u32 $0x1, s1  }
0x8c: {  	s16 =	sshll.u32 s0, $0xA;
	s2 =	sadd.s32 s3, s2  }
0x8d: {  	s2 =	sadd.s32 s2, s16  }
0x8e: {  	[smem:$0x3FC0] =	sst s2  }
0x8f: {  	_ = 	snop  }
0x90: {  	(tm) =	ssettm $0x1  }
0x91: {  	s17 =	sld [smem:$0x3FFB];
	_ =	sdelay $0x3  }
0x92: {  	_ =	strace s17  }
0x93: {  	s2 =	sld [smem:$0x3FFC];
	_ =	sdelay $0x3  }
0x94: {  	_ =	strace s2  }
0x95: {  	s2 =	sld [smem:$0x3FFD];
	_ =	sdelay $0x3  }
0x96: {  	_ =	strace s2  }
0x97: {  	_ =	strace $0x8FFFFFFF  }
0x98: {  	s18 =	sld [smem:$0x3FDB];
	_ =	sdelay $0x1  }
0x99: {  	s19 =	simm.s32 $_scs_section_size  }
0x9a: {  	s4 =	simm.s32 $_size__tile_overlayer_lowered;
	s5 =	simm.s32 $_tile_overlayer_lowered  }
0x9b: {  	s22 =	simm.s32 $0x1BFF;
	s21 =	sshll.u32 s5, $0x1;
	s2 =	sadd.s32 s19, s18  }
0x9c: {  	s6 =	simm.s32 $0x0;
	s20 =	sshll.u32 s4, $0x1;
	s4 =	sadd.s32 s21, s2  }
0x9d: {  	[timem:s6], [sflag:s22] =	dma.local [hbm:s4], s20  }
0x9e: {  	_ =	swait.ge [sflag:s22], s20  }
0x9f: {  	s3 =	ssub.s32 $0x0, s20;
	[sflag:s22] =	ssyncset.done $0x0  }
0xa0: {  	[sflag:s22] =	ssyncadd.s32 s3;
	_ =	sdelay $0x1  }
0xa1: {  	s23 =	simm.s32 $0x1B8B  }
0xa2: {  	_ =	swait.ge [sflag:s23], $0x1  }
0xa3: {  	[sflag:s23] =	ssyncset.done $0x0  }
0xa4: {  	s25 =	simm.s32 $0x1B8E;
	s24 =	sld [smem:$0x3FFE];
	[sflag:s23] =	ssyncadd.s32 $0xFFFFFFFF  }
0xa5: {  	s26 =	simm.s32 $execute0_lowered;
	[smem:$0x3FD2] =	sst s25  }
0xa6: {  	s4 =	sshll.u32 s26, $0x1;
	_ =	strace $0x8000004F;
	[dreg:$0x1] =	wrdreg $0xFFFFFFFF  }
0xa7: {  	s28 =	simm.s32 $_size_execute0_lowered;
	s2 =	sadd.s32 s2, s4;
	[dreg:$0x0] =	wrdreg $0x0  }
0xa8: {  	s4 =	sshll.u32 s28, $0x1;
	[dreg:$0x2] =	wrdreg s2  }
0xa9: {  	[dreg:$0x3] =	wrdreg s4  }
0xaa: {  	[dreg:$0x4] =	wrdreg $0xC0  }
0xab: {  	_ =	task [dreg:s6], $0x5FFFF  }
0xac: {  	[dreg:$0x1] =	wrdreg $0xFFFFFFFF  }
0xad: {  	[dreg:$0x0] =	wrdreg $0x60  }
0xae: {  	[dreg:$0x2] =	wrdreg s24  }
0xaf: {  	[dreg:$0x3] =	wrdreg $0x9  }
0xb0: {  	_ =	task.clear_ibuf [dreg:s6], $0x4FFFF;
	_ =	strace $0x9000004F  }
0xb1: {  	s29 =	simm.s32 $0x9;
	_ =	strace $0x80000051  }
0xb2: {  	_ =	swait.ge [sflag:s29], $0x1  }
0xb3: {  	[sflag:s29] =	ssyncadd.s32 $0xFFFFFFFF  }
0xb4: {  	_ =	strace $0x90000051  }
0xb5: {  	_ =	sfence  }
0xb6: {  	s30 =	sld [smem:$0x0];
	_ =	sdelay $0x2  }
0xb7: {  	s31 =	sshll.u32 s1, $0xD;
	s1 =	sshrl.u32 s1, $0x2  }
0xb8: {  	s3 =	sand.u32 $0x4000, s31;
	s1 =	sadd.s32 s1, s30  }
0xb9: {  	s0 =	sor.u32 s3, s0;
	s1 =	sshll.u32 s1, $0x11  }
0xba: {  	s0 =	sor.u32 s1, s0  }
0xbb: {  	s0 =	sadd.s32 $0x8F2B, s0  }
0xbc: {  	[sflag:s0] =	ssyncadd.remote.s32 $0x1  }
0xbd: {  	_ =	sfence.sel $0xFFFF  }
0xbe: {  	[dreg:$0x0] =	wrdreg $0xFFFFFFFF;
	(pc) =	sbr.abs _section_cstart, $3  }
0xbf: {  	[dreg:$0x1] =	wrdreg $0xFFFFFFFF  }
0xc0: {  	_ =	task.clear_ibuf [dreg:s6], $0x2FFFF;
	_ =	strace $0x9FFFFFFF  }
0xc1: {  	(tm) =	ssettm $0x7FFFFFFF  }
tec
execute0_lowered:
.L_overlay_start_1:
0x0: {  	(tag) =	ssettag $0x1  }
0x1: {  	s1 =	srdreg.scid;
	s0 =	stileid.u32  }
0x2: {  	s21 =	sand.u32 $0x1, s1;
	s26 =	sshll.u32 s0, $0x1  }
0x3: {  	s9 =	sor.u32 s21, s26  }
0x4: {  	s10 =	rddreg [dreg:$0x0];
	s22 =	smul.u32 $0xC40, s9  }
0x5: {  	s2 =	simm.s32 $0x0;
	s1 =	rddreg [dreg:$0x1]  }
0x6: {  	[smem:$0x7FF] =	sst s2;
	s20 =	sadd.s32 $0xA00, s10;
	s3 =	sshrl.u32 s22, $0x3  }
0x7: {  	_ =	strace $0x80000050;
	s4 =	sadd.s32 s20, s3;
	s3 =	simm.s32 $0x2  }
0x8: {  	[tilespmem:s2], [sflag:$0x2] =	stream.linear.gather [hbm4b:s4+s2], $0x1C0, $0x38;
	[tilespmem:$0xE200] =	vst v63  }
0x9: {  	_ =	swait.ge [sflag:s3], $0x1C0  }
0xa: {  	s6 =	simm.s32 $0x1C0;
	s7 =	simm.s32 $0x200;
	[sflag:s3] =	ssyncset.done $0x0  }
0xb: {  	s8 =	simm.s32 $0x1;
	s5 =	sadd.s32 $0x13600, s10;
	[sflag:s3] =	ssyncadd.s32 $0xFFFFFE40  }
0xc: {  	[tilespmem:s7], [sflag:$0x1] =	stream.indirect.gather [hbm4b:s5+s6], $0x80, s2, s6, $0xb8;
	[tilespmem:$0xE200] =	vst v63  }
0xd: {  	s9 =	smul.u32 $0xC400, s9;
	_ =	swait.ge [sflag:s8], $0xE000  }
0xe: {  	s23 =	sadd.s32 $0x7BE800, s10;
	[sflag:s8] =	ssyncset.done $0x0  }
0xf: {  	s9 =	sadd.s32 s23, s9;
	[sflag:s8] =	ssyncadd.s32 $0xFFFF2000  }
0x10: {  	[hbm4b:s9+s2] =	stream.linear.scatter [tilespmem:s7], [sflag:$0x2], $0xE000, $0x38;
	[tilespmem:$0xE200] =	vst v63  }
0x11: {  	s11 =	sadd.s32 $0x1C0, s22;
	_ =	swait.ge [sflag:s3], $0xE000  }
0x12: {  	s28 =	sshrl.u32 s11, $0x3;
	[sflag:s3] =	ssyncset.done $0x0  }
0x13: {  	s10 =	sadd.s32 s20, s28;
	[sflag:s3] =	ssyncadd.s32 $0xFFFF2000  }
0x14: {  	[tilespmem:s2], [sflag:$0x2] =	stream.linear.gather [hbm4b:s10+s2], $0x1C0, $0x38;
	[tilespmem:$0xE200] =	vst v63  }
0x15: {  	_ =	swait.ge [sflag:s3], $0x1C0  }
0x16: {  	[sflag:s3] =	ssyncset.done $0x0  }
0x17: {  	[sflag:s3] =	ssyncadd.s32 $0xFFFFFE40  }
0x18: {  	[tilespmem:s7], [sflag:$0x1] =	stream.indirect.gather [hbm4b:s5+s6], $0x80, s2, s6, $0xb8;
	[tilespmem:$0xE200] =	vst v63  }
0x19: {  	_ =	swait.ge [sflag:s8], $0xE000  }
0x1a: {  	s11 =	sshll.u32 s11, $0x4;
	[sflag:s8] =	ssyncset.done $0x0  }
0x1b: {  	s11 =	sadd.s32 s23, s11;
	[sflag:s8] =	ssyncadd.s32 $0xFFFF2000  }
0x1c: {  	[hbm4b:s11+s2] =	stream.linear.scatter [tilespmem:s7], [sflag:$0x2], $0xE000, $0x38;
	[tilespmem:$0xE200] =	vst v63  }
0x1d: {  	s13 =	sadd.s32 $0x380, s22;
	_ =	swait.ge [sflag:s3], $0xE000  }
0x1e: {  	s12 =	sshrl.u32 s13, $0x3;
	[sflag:s3] =	ssyncset.done $0x0  }
0x1f: {  	s12 =	sadd.s32 s20, s12;
	[sflag:s3] =	ssyncadd.s32 $0xFFFF2000  }
0x20: {  	[tilespmem:s2], [sflag:$0x2] =	stream.linear.gather [hbm4b:s12+s2], $0x1C0, $0x38;
	[tilespmem:$0xE200] =	vst v63  }
0x21: {  	_ =	swait.ge [sflag:s3], $0x1C0  }
0x22: {  	[sflag:s3] =	ssyncset.done $0x0  }
0x23: {  	[sflag:s3] =	ssyncadd.s32 $0xFFFFFE40  }
0x24: {  	[tilespmem:s7], [sflag:$0x1] =	stream.indirect.gather [hbm4b:s5+s6], $0x80, s2, s6, $0xb8;
	[tilespmem:$0xE200] =	vst v63  }
0x25: {  	_ =	swait.ge [sflag:s8], $0xE000  }
0x26: {  	s13 =	sshll.u32 s13, $0x4;
	[sflag:s8] =	ssyncset.done $0x0  }
0x27: {  	s13 =	sadd.s32 s23, s13;
	[sflag:s8] =	ssyncadd.s32 $0xFFFF2000  }
0x28: {  	[hbm4b:s13+s2] =	stream.linear.scatter [tilespmem:s7], [sflag:$0x2], $0xE000, $0x38;
	[tilespmem:$0xE200] =	vst v63  }
0x29: {  	s15 =	sadd.s32 $0x540, s22;
	_ =	swait.ge [sflag:s3], $0xE000  }
0x2a: {  	s14 =	sshrl.u32 s15, $0x3;
	[sflag:s3] =	ssyncset.done $0x0  }
0x2b: {  	s14 =	sadd.s32 s20, s14;
	[sflag:s3] =	ssyncadd.s32 $0xFFFF2000  }
0x2c: {  	[tilespmem:s2], [sflag:$0x2] =	stream.linear.gather [hbm4b:s14+s2], $0x1C0, $0x38;
	[tilespmem:$0xE200] =	vst v63  }
0x2d: {  	_ =	swait.ge [sflag:s3], $0x1C0  }
0x2e: {  	[sflag:s3] =	ssyncset.done $0x0  }
0x2f: {  	[sflag:s3] =	ssyncadd.s32 $0xFFFFFE40  }
0x30: {  	[tilespmem:s7], [sflag:$0x1] =	stream.indirect.gather [hbm4b:s5+s6], $0x80, s2, s6, $0xb8;
	[tilespmem:$0xE200] =	vst v63  }
0x31: {  	_ =	swait.ge [sflag:s8], $0xE000  }
0x32: {  	s15 =	sshll.u32 s15, $0x4;
	[sflag:s8] =	ssyncset.done $0x0  }
0x33: {  	s15 =	sadd.s32 s23, s15;
	[sflag:s8] =	ssyncadd.s32 $0xFFFF2000  }
0x34: {  	[hbm4b:s15+s2] =	stream.linear.scatter [tilespmem:s7], [sflag:$0x2], $0xE000, $0x38;
	[tilespmem:$0xE200] =	vst v63  }
0x35: {  	s17 =	sadd.s32 $0x700, s22;
	_ =	swait.ge [sflag:s3], $0xE000  }
0x36: {  	s16 =	sshrl.u32 s17, $0x3;
	[sflag:s3] =	ssyncset.done $0x0  }
0x37: {  	s16 =	sadd.s32 s20, s16;
	[sflag:s3] =	ssyncadd.s32 $0xFFFF2000  }
0x38: {  	[tilespmem:s2], [sflag:$0x2] =	stream.linear.gather [hbm4b:s16+s2], $0x1C0, $0x38;
	[tilespmem:$0xE200] =	vst v63  }
0x39: {  	_ =	swait.ge [sflag:s3], $0x1C0  }
0x3a: {  	[sflag:s3] =	ssyncset.done $0x0  }
0x3b: {  	[sflag:s3] =	ssyncadd.s32 $0xFFFFFE40  }
0x3c: {  	[tilespmem:s7], [sflag:$0x1] =	stream.indirect.gather [hbm4b:s5+s6], $0x80, s2, s6, $0xb8;
	[tilespmem:$0xE200] =	vst v63  }
0x3d: {  	_ =	swait.ge [sflag:s8], $0xE000  }
0x3e: {  	s17 =	sshll.u32 s17, $0x4;
	[sflag:s8] =	ssyncset.done $0x0  }
0x3f: {  	s17 =	sadd.s32 s23, s17;
	[sflag:s8] =	ssyncadd.s32 $0xFFFF2000  }
0x40: {  	[hbm4b:s17+s2] =	stream.linear.scatter [tilespmem:s7], [sflag:$0x2], $0xE000, $0x38;
	[tilespmem:$0xE200] =	vst v63  }
0x41: {  	s19 =	sadd.s32 $0x8C0, s22;
	_ =	swait.ge [sflag:s3], $0xE000  }
0x42: {  	s18 =	sshrl.u32 s19, $0x3;
	[sflag:s3] =	ssyncset.done $0x0  }
0x43: {  	s18 =	sadd.s32 s20, s18;
	[sflag:s3] =	ssyncadd.s32 $0xFFFF2000  }
0x44: {  	[tilespmem:s2], [sflag:$0x2] =	stream.linear.gather [hbm4b:s18+s2], $0x1C0, $0x38;
	[tilespmem:$0xE200] =	vst v63  }
0x45: {  	_ =	swait.ge [sflag:s3], $0x1C0  }
0x46: {  	[sflag:s3] =	ssyncset.done $0x0  }
0x47: {  	[sflag:s3] =	ssyncadd.s32 $0xFFFFFE40  }
0x48: {  	[tilespmem:s7], [sflag:$0x1] =	stream.indirect.gather [hbm4b:s5+s6], $0x80, s2, s6, $0xb8;
	[tilespmem:$0xE200] =	vst v63  }
0x49: {  	_ =	swait.ge [sflag:s8], $0xE000  }
0x4a: {  	s19 =	sshll.u32 s19, $0x4;
	[sflag:s8] =	ssyncset.done $0x0  }
0x4b: {  	s19 =	sadd.s32 s23, s19;
	[sflag:s8] =	ssyncadd.s32 $0xFFFF2000  }
0x4c: {  	[hbm4b:s19+s2] =	stream.linear.scatter [tilespmem:s7], [sflag:$0x2], $0xE000, $0x38;
	[tilespmem:$0xE200] =	vst v63  }
0x4d: {  	s22 =	sadd.s32 $0xA80, s22;
	_ =	swait.ge [sflag:s3], $0xE000  }
0x4e: {  	s24 =	sshrl.u32 s22, $0x3;
	[sflag:s3] =	ssyncset.done $0x0  }
0x4f: {  	s21 =	ssub.s32 $0x2, s21;
	s20 =	sadd.s32 s20, s24;
	[sflag:s3] =	ssyncadd.s32 $0xFFFF2000  }
0x50: {  	[tilespmem:s2], [sflag:$0x2] =	stream.linear.gather [hbm4b:s20+s2], $0x1C0, $0x38;
	[tilespmem:$0xE200] =	vst v63  }
0x51: {  	s29 =	sshrl.u32 s21, $0x1;
	_ =	swait.ge [sflag:s3], $0x1C0  }
0x52: {  	s24 =	ssub.s32 s21, s29;
	[sflag:s3] =	ssyncset.done $0x0  }
0x53: {  	s31 =	smax.u32 s24, $0x1;
	[sflag:s3] =	ssyncadd.s32 $0xFFFFFE40  }
0x54: {  	[tilespmem:s7], [sflag:$0x1] =	stream.indirect.gather [hbm4b:s5+s6], $0x80, s2, s6, $0xb8;
	[tilespmem:$0xE200] =	vst v63  }
0x55: {  	p0 =	sne.s32 s31, $0x1;
	_ =	swait.ge [sflag:s8], $0xE000  }
.Ltmp0:
0x56: {  	s30 =	sshll.u32 s22, $0x4;
	[sflag:s8] =	ssyncset.done $0x0;
	(pc) =	sbr.rel @!p0 .LBB2_2-.Ltmp0, $4  }
0x57: {  	s21 =	sadd.s32 s23, s30;
	[sflag:s8] =	ssyncadd.s32 $0xFFFF2000  }
0x58: {  	[hbm4b:s21+s2] =	stream.linear.scatter [tilespmem:s7], [sflag:$0x2], $0xE000, $0x38;
	[tilespmem:$0xE200] =	vst v63  }
0x59: {  	_ =	swait.ge [sflag:s3], $0xE000  }
0x5a: {  	s22 =	sadd.s32 $0xFFFFFFFF, s31;
	[sflag:s3] =	ssyncset.done $0x0  }
.LBB2_1:
0x5b: {  	p0 =	sne.s32 s22, $0x1;
	s22 =	sadd.s32 $0xFFFFFFFF, s22;
	[sflag:s3] =	ssyncadd.s32 $0xFFFF2000  }
0x5c: {  	[tilespmem:s2], [sflag:$0x2] =	stream.linear.gather [hbm4b:s4+s2], $0x1C0, $0x38;
	[tilespmem:$0xE200] =	vst v63  }
0x5d: {  	_ =	swait.ge [sflag:s3], $0x1C0  }
0x5e: {  	[sflag:s3] =	ssyncset.done $0x0  }
0x5f: {  	[sflag:s3] =	ssyncadd.s32 $0xFFFFFE40  }
0x60: {  	[tilespmem:s7], [sflag:$0x1] =	stream.indirect.gather [hbm4b:s5+s6], $0x80, s2, s6, $0xb8;
	[tilespmem:$0xE200] =	vst v63  }
0x61: {  	_ =	swait.ge [sflag:s8], $0xE000  }
0x62: {  	[sflag:s8] =	ssyncset.done $0x0  }
0x63: {  	[sflag:s8] =	ssyncadd.s32 $0xFFFF2000  }
0x64: {  	[hbm4b:s9+s2] =	stream.linear.scatter [tilespmem:s7], [sflag:$0x2], $0xE000, $0x38;
	[tilespmem:$0xE200] =	vst v63  }
0x65: {  	_ =	swait.ge [sflag:s3], $0xE000  }
0x66: {  	[sflag:s3] =	ssyncset.done $0x0  }
0x67: {  	[sflag:s3] =	ssyncadd.s32 $0xFFFF2000  }
0x68: {  	[tilespmem:s2], [sflag:$0x2] =	stream.linear.gather [hbm4b:s10+s2], $0x1C0, $0x38;
	[tilespmem:$0xE200] =	vst v63  }
0x69: {  	_ =	swait.ge [sflag:s3], $0x1C0  }
0x6a: {  	[sflag:s3] =	ssyncset.done $0x0  }
0x6b: {  	[sflag:s3] =	ssyncadd.s32 $0xFFFFFE40  }
0x6c: {  	[tilespmem:s7], [sflag:$0x1] =	stream.indirect.gather [hbm4b:s5+s6], $0x80, s2, s6, $0xb8;
	[tilespmem:$0xE200] =	vst v63  }
0x6d: {  	_ =	swait.ge [sflag:s8], $0xE000  }
0x6e: {  	[sflag:s8] =	ssyncset.done $0x0  }
0x6f: {  	[sflag:s8] =	ssyncadd.s32 $0xFFFF2000  }
0x70: {  	[hbm4b:s11+s2] =	stream.linear.scatter [tilespmem:s7], [sflag:$0x2], $0xE000, $0x38;
	[tilespmem:$0xE200] =	vst v63  }
0x71: {  	_ =	swait.ge [sflag:s3], $0xE000  }
0x72: {  	[sflag:s3] =	ssyncset.done $0x0  }
0x73: {  	[sflag:s3] =	ssyncadd.s32 $0xFFFF2000  }
0x74: {  	[tilespmem:s2], [sflag:$0x2] =	stream.linear.gather [hbm4b:s12+s2], $0x1C0, $0x38;
	[tilespmem:$0xE200] =	vst v63  }
0x75: {  	_ =	swait.ge [sflag:s3], $0x1C0  }
0x76: {  	[sflag:s3] =	ssyncset.done $0x0  }
0x77: {  	[sflag:s3] =	ssyncadd.s32 $0xFFFFFE40  }
0x78: {  	[tilespmem:s7], [sflag:$0x1] =	stream.indirect.gather [hbm4b:s5+s6], $0x80, s2, s6, $0xb8;
	[tilespmem:$0xE200] =	vst v63  }
0x79: {  	_ =	swait.ge [sflag:s8], $0xE000  }
0x7a: {  	[sflag:s8] =	ssyncset.done $0x0  }
0x7b: {  	[sflag:s8] =	ssyncadd.s32 $0xFFFF2000  }
0x7c: {  	[hbm4b:s13+s2] =	stream.linear.scatter [tilespmem:s7], [sflag:$0x2], $0xE000, $0x38;
	[tilespmem:$0xE200] =	vst v63  }
0x7d: {  	_ =	swait.ge [sflag:s3], $0xE000  }
0x7e: {  	[sflag:s3] =	ssyncset.done $0x0  }
0x7f: {  	[sflag:s3] =	ssyncadd.s32 $0xFFFF2000  }
0x80: {  	[tilespmem:s2], [sflag:$0x2] =	stream.linear.gather [hbm4b:s14+s2], $0x1C0, $0x38;
	[tilespmem:$0xE200] =	vst v63  }
0x81: {  	_ =	swait.ge [sflag:s3], $0x1C0  }
0x82: {  	[sflag:s3] =	ssyncset.done $0x0  }
0x83: {  	[sflag:s3] =	ssyncadd.s32 $0xFFFFFE40  }
0x84: {  	[tilespmem:s7], [sflag:$0x1] =	stream.indirect.gather [hbm4b:s5+s6], $0x80, s2, s6, $0xb8;
	[tilespmem:$0xE200] =	vst v63  }
0x85: {  	_ =	swait.ge [sflag:s8], $0xE000  }
0x86: {  	[sflag:s8] =	ssyncset.done $0x0  }
0x87: {  	[sflag:s8] =	ssyncadd.s32 $0xFFFF2000  }
0x88: {  	[hbm4b:s15+s2] =	stream.linear.scatter [tilespmem:s7], [sflag:$0x2], $0xE000, $0x38;
	[tilespmem:$0xE200] =	vst v63  }
0x89: {  	_ =	swait.ge [sflag:s3], $0xE000  }
0x8a: {  	[sflag:s3] =	ssyncset.done $0x0  }
0x8b: {  	[sflag:s3] =	ssyncadd.s32 $0xFFFF2000  }
0x8c: {  	[tilespmem:s2], [sflag:$0x2] =	stream.linear.gather [hbm4b:s16+s2], $0x1C0, $0x38;
	[tilespmem:$0xE200] =	vst v63  }
0x8d: {  	_ =	swait.ge [sflag:s3], $0x1C0  }
0x8e: {  	[sflag:s3] =	ssyncset.done $0x0  }
0x8f: {  	[sflag:s3] =	ssyncadd.s32 $0xFFFFFE40  }
0x90: {  	[tilespmem:s7], [sflag:$0x1] =	stream.indirect.gather [hbm4b:s5+s6], $0x80, s2, s6, $0xb8;
	[tilespmem:$0xE200] =	vst v63  }
0x91: {  	_ =	swait.ge [sflag:s8], $0xE000  }
0x92: {  	[sflag:s8] =	ssyncset.done $0x0  }
0x93: {  	[sflag:s8] =	ssyncadd.s32 $0xFFFF2000  }
0x94: {  	[hbm4b:s17+s2] =	stream.linear.scatter [tilespmem:s7], [sflag:$0x2], $0xE000, $0x38;
	[tilespmem:$0xE200] =	vst v63  }
0x95: {  	_ =	swait.ge [sflag:s3], $0xE000  }
0x96: {  	[sflag:s3] =	ssyncset.done $0x0  }
0x97: {  	[sflag:s3] =	ssyncadd.s32 $0xFFFF2000  }
0x98: {  	[tilespmem:s2], [sflag:$0x2] =	stream.linear.gather [hbm4b:s18+s2], $0x1C0, $0x38;
	[tilespmem:$0xE200] =	vst v63  }
0x99: {  	_ =	swait.ge [sflag:s3], $0x1C0  }
0x9a: {  	[sflag:s3] =	ssyncset.done $0x0  }
0x9b: {  	[sflag:s3] =	ssyncadd.s32 $0xFFFFFE40  }
0x9c: {  	[tilespmem:s7], [sflag:$0x1] =	stream.indirect.gather [hbm4b:s5+s6], $0x80, s2, s6, $0xb8;
	[tilespmem:$0xE200] =	vst v63  }
0x9d: {  	_ =	swait.ge [sflag:s8], $0xE000  }
0x9e: {  	[sflag:s8] =	ssyncset.done $0x0  }
0x9f: {  	[sflag:s8] =	ssyncadd.s32 $0xFFFF2000  }
0xa0: {  	[hbm4b:s19+s2] =	stream.linear.scatter [tilespmem:s7], [sflag:$0x2], $0xE000, $0x38;
	[tilespmem:$0xE200] =	vst v63  }
0xa1: {  	_ =	swait.ge [sflag:s3], $0xE000  }
0xa2: {  	[sflag:s3] =	ssyncset.done $0x0  }
0xa3: {  	[sflag:s3] =	ssyncadd.s32 $0xFFFF2000  }
0xa4: {  	[tilespmem:s2], [sflag:$0x2] =	stream.linear.gather [hbm4b:s20+s2], $0x1C0, $0x38;
	[tilespmem:$0xE200] =	vst v63  }
0xa5: {  	_ =	swait.ge [sflag:s3], $0x1C0  }
0xa6: {  	[sflag:s3] =	ssyncset.done $0x0  }
0xa7: {  	[sflag:s3] =	ssyncadd.s32 $0xFFFFFE40  }
0xa8: {  	[tilespmem:s7], [sflag:$0x1] =	stream.indirect.gather [hbm4b:s5+s6], $0x80, s2, s6, $0xb8;
	[tilespmem:$0xE200] =	vst v63  }
0xa9: {  	_ =	swait.ge [sflag:s8], $0xE000  }
.Ltmp1:
0xaa: {  	[sflag:s8] =	ssyncset.done $0x0;
	(pc) =	sbr.rel @p0 .LBB2_1-.Ltmp1, $4  }
0xab: {  	[sflag:s8] =	ssyncadd.s32 $0xFFFF2000  }
0xac: {  	[hbm4b:s21+s2] =	stream.linear.scatter [tilespmem:s7], [sflag:$0x2], $0xE000, $0x38;
	[tilespmem:$0xE200] =	vst v63  }
0xad: {  	_ =	swait.ge [sflag:s3], $0xE000  }
0xae: {  	[sflag:s3] =	ssyncset.done $0x0  }
.LBB2_2:
0xaf: {  	[sflag:s3] =	ssyncadd.s32 $0xFFFF2000  }
0xb0: {  	_ =	sfence.sel $0x180000  }
0xb1: {  	[bflag:$0x0] =	sbarrier.arrive $0xFFFF  }
0xb2: {  	p0 =	sne.s32 s0, $0x0;
	_ =	strace $0x90000050  }
0xb3: {  	s0 =	sadd.s32 @!p0 $0x100000, s1;
	[bflag:$0x2] =	sbarrier.arrive $0xFFFF  }
0xb4: {  	[sflag:s0] =	ssyncadd.tile.s32 @!p0 $0x1;
	_ =	shalt  }
.Lfunc_end2:
_tile_overlayer_lowered:
.L_overlay_start_2:
0xb5: {  	(tag) =	ssettag $0x2  }
0xb6: {  	s0 =	rddreg [dreg:$0x0];
	s2 =	stileid.u32  }
0xb7: {  	s1 =	rddreg [dreg:$0x1];
	p0 =	sne.s32 s2, $0x0  }
0xb8: {  	s3 =	rddreg [dreg:$0x2];
	[bflag:$0x3] =	sbarrier.arrive $0xFFFF;
	s2 =	simm.s32 @!p0 $0x1C02  }
0xb9: {  	[timem:s3], [sflag:s2] =	dma.local @!p0 [hbm:s0], s1  }
0xba: {  	s0 =	simm.s32 @!p0 $0x2  }
0xbb: {  	_ =	swait.ge @!p0 [sflag:s0], s1  }
0xbc: {  	s1 =	ssub.s32 @!p0 $0x0, s1;
	[sflag:s0] =	ssyncset.done @!p0 $0x0  }
0xbd: {  	[sflag:s0] =	ssyncadd.s32 @!p0 s1  }
0xbe: {  	[bflag:$0x3] =	sbarrier.arrive $0xFFFF  }
0xbf: {  	_ =	shalt  }

// kernel: scatter_offload_async_start.2
scs
__scs_entry_jumppad:
0x0: {  	(pc) =	sbr.rel $0x88, $3  }
0x1: {  	(tag) =	ssettag $0x0;
	lr =	simm.s32 $0x1  }
0x2: {  	[smem:$0x3F99] =	sst lr;
	_ =	strace $0xD0000000  }
0x3: {  	_ = 	snop  }
0x4: {  	_ = 	snop  }
0x5: {  	_ = 	snop  }
0x6: {  	_ = 	snop  }
0x7: {  	_ = 	snop  }
__scs_overlays_trampoline_lowered:
0x8: {  	[smem:$0x3FA8] =	sst s0  }
0x9: {  	[smem:$0x3FA9] =	sst s1  }
0xa: {  	[smem:$0x3FAA] =	sst s2  }
0xb: {  	[smem:$0x3FAB] =	sst s3  }
0xc: {  	[smem:$0x3FAC] =	sst s4  }
0xd: {  	[smem:$0x3FAD] =	sst s5  }
0xe: {  	[smem:$0x3FAE] =	sst s6  }
0xf: {  	[smem:$0x3FAF] =	sst s7  }
0x10: {  	[smem:$0x3FB0] =	sst s8  }
0x11: {  	[smem:$0x3FB1] =	sst s9;
	s0 =	simm.s32 @!p0 $0x0  }
0x12: {  	s1 =	sld [smem:$0x3F97];
	s0 =	simm.s32 @p0 $0x1  }
0x13: {  	[smem:$0x3FB2] =	sst s0;
	s0 =	simm.s32 @!p1 $0x0  }
0x14: {  	s2 =	sld [smem:$0x3F96];
	s0 =	simm.s32 @p1 $0x1  }
0x15: {  	[smem:$0x3FB3] =	sst s0;
	s0 =	simm.s32 @!p2 $0x0  }
0x16: {  	s3 =	sld [smem:$0x3FDB];
	s0 =	simm.s32 @p2 $0x1  }
0x17: {  	s4 =	simm.s32 $0x1BF5;
	[smem:$0x3FB5] =	sst s0  }
0x18: {  	s0 =	sld [smem:$0x3F98];
	_ =	swait.ge [sflag:s4], $0x0  }
0x19: {  	s7 =	sld [smem:$0x3F99]  }
0x1a: {  	s8 =	sadd.s32 $0xFFFFE003, lr  }
0x1b: {  	s9 =	sadd.s32 $0xFFFFFEF7, lr;
	s5 =	simm.s32 $0xFFFFFFFF;
	p2 =	slt.u32 s8, $0xFFFFF086  }
0x1c: {  	p1 =	slt.u32 s9, $0xF7A;
	s5 =	simm.s32 @!p2 $0x0  }
0x1d: {  	s5 =	simm.s32 @p1 $0x1;
	p0 =	seq.s32 s7, s2  }
0x1e: {  	s7 =	smul.u32 @!p0 $0xF7A, s2;
	p2 =	seq.s32 @!p0 s5, $0x0  }
0x1f: {  	s9 =	smul.u32 $0xF7A, s1;
	s8 =	simm.s32 @!p0 $0x1BF5;
	p2 =	por !p2, p0  }
0x20: {  	[sflag:s8] =	ssyncset.s32 @!p0 $0xFFFFF086;
	s6 =	sadd.s32 @!p0 s3, s7;
	s7 =	simm.s32 @!p0 $0x108  }
0x21: {  	s3 =	sadd.s32 s3, s9;
	s6 =	sadd.s32 @!p0 $0x88, s6;
	s7 =	simm.s32 @p2 $0x1082  }
0x22: {  	[simem:s7], [sflag:s8] =	dma.local @!p0 [hbm:s6], $0xF7A  }
0x23: {  	s9 =	sor.u32 $0xD0000000, s2;
	s6 =	simm.s32 $0x108;
	_ =	swait.ge @!p0 [sflag:s8], $0x0  }
0x24: {  	s3 =	sadd.s32 $0x88, s3;
	s6 =	simm.s32 @!p1 $0x1082;
	[sflag:s4] =	ssyncset.s32 $0xFFFFF086  }
0x25: {  	[simem:s6], [sflag:s4] =	dma.local [hbm:s3], $0xF7A  }
0x26: {  	[smem:$0x3F99] =	sst s1;
	(tag) =	ssettag s2;
	_ =	strace s9  }
0x27: {  	s1 =	sld [smem:$0x3FA9]  }
0x28: {  	s2 =	sld [smem:$0x3FAA]  }
0x29: {  	s4 =	sld [smem:$0x3FAC]  }
0x2a: {  	p0 =	seq.s32 s5, $0x0;
	s5 =	sld [smem:$0x3FAD]  }
0x2b: {  	s6 =	sld [smem:$0x3FAE]  }
0x2c: {  	s7 =	sld [smem:$0x3FAF]  }
0x2d: {  	s3 =	simm.s32 $0x108;
	s8 =	sld [smem:$0x3FB0]  }
0x2e: {  	s3 =	simm.s32 @!p0 $0x1082;
	s9 =	sld [smem:$0x3FB1]  }
0x2f: {  	lr =	sadd.s32 s0, s3;
	s0 =	sld [smem:$0x3FA8]  }
0x30: {  	s3 =	sld [smem:$0x3FAB]  }
0x31: {  	[smem:$0x3FB4] =	sst s10  }
0x32: {  	s10 =	sld [smem:$0x3FB2];
	_ =	sdelay $0x3  }
0x33: {  	p0 =	seq.s32 s10, $0x1;
	s10 =	sld [smem:$0x3FB4];
	_ =	sdelay $0x3  }
0x34: {  	[smem:$0x3FB4] =	sst s10  }
0x35: {  	s10 =	sld [smem:$0x3FB3];
	_ =	sdelay $0x3  }
0x36: {  	p1 =	seq.s32 s10, $0x1;
	s10 =	sld [smem:$0x3FB4];
	_ =	sdelay $0x3  }
0x37: {  	[smem:$0x3FB4] =	sst s10  }
0x38: {  	s10 =	sld [smem:$0x3FB5]  }
0x39: {  	_ = 	snop;
	(pc) =	sbr.ind lr, $3  }
0x3a: {  	_ = 	snop  }
0x3b: {  	_ = 	snop  }
0x3c: {  	p2 =	seq.s32 s10, $0x1;
	s10 =	sld [smem:$0x3FB4]  }
0x3d: {  	_ =	shalt  }
0x3e: {  	_ =	shalt  }
0x3f: {  	_ =	shalt  }
0x40: {  	_ =	shalt  }
0x41: {  	_ =	shalt  }
0x42: {  	_ =	shalt  }
0x43: {  	_ =	shalt  }
0x44: {  	_ =	shalt  }
0x45: {  	_ =	shalt  }
0x46: {  	_ =	shalt  }
0x47: {  	_ =	shalt  }
0x48: {  	_ =	shalt  }
0x49: {  	_ =	shalt  }
0x4a: {  	_ =	shalt  }
0x4b: {  	_ =	shalt  }
0x4c: {  	_ =	shalt  }
0x4d: {  	_ =	shalt  }
0x4e: {  	_ =	shalt  }
0x4f: {  	_ =	shalt  }
0x50: {  	_ =	shalt  }
0x51: {  	_ =	shalt  }
0x52: {  	_ =	shalt  }
0x53: {  	_ =	shalt  }
0x54: {  	_ =	shalt  }
0x55: {  	_ =	shalt  }
0x56: {  	_ =	shalt  }
0x57: {  	_ =	shalt  }
0x58: {  	_ =	shalt  }
0x59: {  	_ =	shalt  }
0x5a: {  	_ =	shalt  }
0x5b: {  	_ =	shalt  }
0x5c: {  	_ =	shalt  }
0x5d: {  	_ =	shalt  }
0x5e: {  	_ =	shalt  }
0x5f: {  	_ =	shalt  }
0x60: {  	_ =	shalt  }
0x61: {  	_ =	shalt  }
0x62: {  	_ =	shalt  }
0x63: {  	_ =	shalt  }
0x64: {  	_ =	shalt  }
0x65: {  	_ =	shalt  }
0x66: {  	_ =	shalt  }
0x67: {  	_ =	shalt  }
0x68: {  	_ =	shalt  }
0x69: {  	_ =	shalt  }
0x6a: {  	_ =	shalt  }
0x6b: {  	_ =	shalt  }
0x6c: {  	_ =	shalt  }
0x6d: {  	_ =	shalt  }
0x6e: {  	_ =	shalt  }
0x6f: {  	_ =	shalt  }
0x70: {  	_ =	shalt  }
0x71: {  	_ =	shalt  }
0x72: {  	_ =	shalt  }
0x73: {  	_ =	shalt  }
0x74: {  	_ =	shalt  }
0x75: {  	_ =	shalt  }
0x76: {  	_ =	shalt  }
0x77: {  	_ =	shalt  }
0x78: {  	_ =	shalt  }
0x79: {  	_ =	shalt  }
0x7a: {  	_ =	shalt  }
0x7b: {  	_ =	shalt  }
0x7c: {  	_ =	shalt  }
0x7d: {  	_ =	shalt  }
0x7e: {  	_ =	shalt  }
0x7f: {  	_ =	shalt  }
0x80: {  	_ =	shalt  }
0x81: {  	_ =	shalt  }
0x82: {  	_ =	shalt  }
0x83: {  	_ =	shalt  }
0x84: {  	_ =	shalt  }
0x85: {  	_ =	shalt  }
0x86: {  	_ =	shalt  }
0x87: {  	_ =	shalt  }
.Lfunc_end0:
.L_simem_size_0:
called_computation_lowered:
.L_overlay_start_0:
0x88: {  	s2 =	sld [smem:$0x3FD9]  }
0x89: {  	s3 =	sld [smem:$0x3FFE];
	_ =	sdelay $0x1  }
0x8a: {  	s1 =	srdreg.scid  }
0x8b: {  	s0 =	sand.u32 $0x1, s1  }
0x8c: {  	s16 =	sshll.u32 s0, $0xA;
	s2 =	sadd.s32 s3, s2  }
0x8d: {  	s2 =	sadd.s32 s2, s16  }
0x8e: {  	[smem:$0x3FC0] =	sst s2  }
0x8f: {  	_ = 	snop  }
0x90: {  	s2 =	sld [smem:$0x3FD0];
	(tm) =	ssettm $0x1  }
0x91: {  	s17 =	sld [smem:$0x3FFB];
	_ =	sdelay $0x3  }
0x92: {  	_ =	strace s17  }
0x93: {  	s3 =	sld [smem:$0x3FFC];
	_ =	sdelay $0x3  }
0x94: {  	_ =	strace s3  }
0x95: {  	s3 =	sld [smem:$0x3FFD];
	_ =	sdelay $0x3  }
0x96: {  	_ =	strace s3  }
0x97: {  	_ =	strace $0x8FFFFFFF  }
0x98: {  	s18 =	sld [smem:$0x3FDB];
	_ =	sdelay $0x1  }
0x99: {  	s4 =	simm.s32 $_scs_section_size  }
0x9a: {  	s5 =	simm.s32 $_size__tile_overlayer_lowered;
	s6 =	simm.s32 $_tile_overlayer_lowered  }
0x9b: {  	s21 =	simm.s32 $0x1BFF;
	s20 =	sshll.u32 s6, $0x1;
	s3 =	sadd.s32 s4, s18  }
0x9c: {  	s7 =	simm.s32 $0x0;
	s19 =	sshll.u32 s5, $0x1;
	s5 =	sadd.s32 s20, s3  }
0x9d: {  	[timem:s7], [sflag:s21] =	dma.local [hbm:s5], s19  }
0x9e: {  	_ =	swait.ge [sflag:s21], s19  }
0x9f: {  	s4 =	ssub.s32 $0x0, s19;
	[sflag:s21] =	ssyncset.done $0x0  }
0xa0: {  	[sflag:s21] =	ssyncadd.s32 s4;
	_ =	sdelay $0x1  }
0xa1: {  	s22 =	simm.s32 $0x1B8B  }
0xa2: {  	_ =	swait.ge [sflag:s22], $0x1  }
0xa3: {  	[sflag:s22] =	ssyncset.done $0x0  }
0xa4: {  	s23 =	sld [smem:$0x3FFE];
	[sflag:s22] =	ssyncadd.s32 $0xFFFFFFFF  }
0xa5: {  	s25 =	simm.s32 $0x1B8E;
	s24 =	sld [smem:$0x0]  }
0xa6: {  	s26 =	simm.s32 $execute0_lowered;
	[smem:$0x3FD2] =	sst s25  }
0xa7: {  	s6 =	sshll.u32 s26, $0x1;
	_ =	strace $0x80000058;
	[dreg:$0x1] =	wrdreg $0xFFFFFFFF  }
0xa8: {  	s28 =	simm.s32 $_size_execute0_lowered;
	s3 =	sadd.s32 s3, s6;
	[dreg:$0x0] =	wrdreg $0x0  }
0xa9: {  	s6 =	sshll.u32 s28, $0x1;
	[dreg:$0x2] =	wrdreg s3  }
0xaa: {  	[dreg:$0x3] =	wrdreg s6  }
0xab: {  	[dreg:$0x4] =	wrdreg $0xC0  }
0xac: {  	_ =	task [dreg:s7], $0x5FFFF  }
0xad: {  	[dreg:$0x1] =	wrdreg $0xFFFFFFFF  }
0xae: {  	[dreg:$0x0] =	wrdreg $0x60  }
0xaf: {  	[dreg:$0x2] =	wrdreg s23  }
0xb0: {  	[dreg:$0x3] =	wrdreg s2  }
0xb1: {  	[dreg:$0x4] =	wrdreg s1  }
0xb2: {  	[dreg:$0x5] =	wrdreg s24  }
0xb3: {  	[dreg:$0x6] =	wrdreg $0x9  }
0xb4: {  	_ =	task.clear_ibuf [dreg:s7], $0x7FFFF;
	_ =	strace $0x90000058  }
0xb5: {  	s29 =	simm.s32 $0x9;
	_ =	strace $0x8000005A  }
0xb6: {  	_ =	swait.ge [sflag:s29], $0x1  }
0xb7: {  	[sflag:s29] =	ssyncadd.s32 $0xFFFFFFFF  }
0xb8: {  	_ =	strace $0x9000005A  }
0xb9: {  	_ =	sfence  }
0xba: {  	s30 =	sld [smem:$0x0];
	_ =	sdelay $0x2  }
0xbb: {  	s31 =	sshll.u32 s1, $0xD;
	s1 =	sshrl.u32 s1, $0x2  }
0xbc: {  	s3 =	sand.u32 $0x4000, s31;
	s1 =	sadd.s32 s1, s30  }
0xbd: {  	s0 =	sor.u32 s3, s0;
	s1 =	sshll.u32 s1, $0x11  }
0xbe: {  	s0 =	sor.u32 s1, s0  }
0xbf: {  	s0 =	sadd.s32 $0x8F2B, s0  }
0xc0: {  	[sflag:s0] =	ssyncadd.remote.s32 $0x1  }
0xc1: {  	_ =	sfence.sel $0xFFFF  }
0xc2: {  	[dreg:$0x0] =	wrdreg $0xFFFFFFFF;
	(pc) =	sbr.abs _section_cstart, $3  }
0xc3: {  	[dreg:$0x1] =	wrdreg $0xFFFFFFFF  }
0xc4: {  	_ =	task.clear_ibuf [dreg:s7], $0x2FFFF;
	_ =	strace $0x9FFFFFFF  }
0xc5: {  	(tm) =	ssettm $0x7FFFFFFF  }
tec
execute0_lowered:
.L_overlay_start_1:
0x0: {  	(tag) =	ssettag $0x1  }
0x1: {  	s2 =	rddreg [dreg:$0x0]  }
0x2: {  	s6 =	rddreg [dreg:$0x1]  }
0x3: {  	s3 =	rddreg [dreg:$0x2];
	_ =	strace $0x80000059;
	s0 =	simm.s32 $0x1  }
0x4: {  	s5 =	simm.s32 $0x208;
	v0 =	vimm.s32 $0x0;
	[sflag:s0] =	ssyncpa.u1 $0x0  }
0x5: {  	[tilespmem:s5+$0x70] =	vst v0  }
0x6: {  	[tilespmem:s5+$0x60] =	vst v0  }
0x7: {  	[tilespmem:s5+$0x50] =	vst v0  }
0x8: {  	[tilespmem:s5+$0x40] =	vst v0  }
0x9: {  	s1 =	sadd.s32 $0x19DC00, s2;
	[tilespmem:s5+$0x30] =	vst v0  }
0xa: {  	s0 =	sadd.s32 $0x196800, s2;
	s3 =	sand.u32 $0x1, s3;
	s2 =	sadd.s32 $0x196C00, s2;
	[tilespmem:s5+$0x20] =	vst v0  }
0xb: {  	[dreg:$0x5] =	wrdreg s3;
	s4 =	sshll.u32 s3, $0x9;
	s3 =	simm.s32 $0x40;
	[tilespmem:s5+$0x10] =	vst v0  }
.LBB2_1:
0xc: {  	s3 =	sadd.s32 $0x40, s3;
	[tilespmem:s5+$0x0] =	vst v0;
	s5 =	sadd.s32 $0x80, s5  }
0xd: {  	p0 =	slt.u32 s3, $0x3880;
	[tilespmem:s5+$0x70] =	vst v0  }
0xe: {  	[tilespmem:s5+$0x60] =	vst v0  }
.Ltmp0:
0xf: {  	[tilespmem:s5+$0x50] =	vst v0;
	(pc) =	sbr.rel @p0 .LBB2_1-.Ltmp0, $4  }
0x10: {  	[tilespmem:s5+$0x40] =	vst v0  }
0x11: {  	[tilespmem:s5+$0x30] =	vst v0  }
0x12: {  	[tilespmem:s5+$0x20] =	vst v0  }
0x13: {  	[tilespmem:s5+$0x10] =	vst v0  }
0x14: {  	s11 =	stileid.u32  }
0x15: {  	s7 =	sshll.u32 s11, $0x1;
	s3 =	smin.u32 s11, $0x5  }
0x16: {  	s3 =	sadd.s32 s3, s7  }
0x17: {  	p0 =	slt.u32 s11, $0x5;
	s21 =	smul.u32 $0x70, s3;
	s3 =	simm.s32 $0x150  }
0x18: {  	s3 =	simm.s32 @!p0 $0xE0  }
0x19: {  	s3 =	sadd.s32 s3, s21  }
0x1a: {  	s9 =	smin.u32 s3, $0x1000  }
0x1b: {  	s3 =	ssub.s32 s9, s21  }
0x1c: {  	p0 =	sgt.s32 s3, $0x0  }
0x1d: {  	s3 =	simm.s32 @!p0 $0x0  }
0x1e: {  	s28 =	simm.s32 $0x2;
	s10 =	simm.s32 $0x9;
	s26 =	sand.u32 $0xFFF0, s3  }
0x1f: {  	s30 =	simm.s32 $0xA;
	[dreg:$0x6] =	wrdreg s7;
	s7 =	sshrl.u32 s26, $0x4  }
0x20: {  	s31 =	simm.s32 $0xB;
	s13 =	simm.s32 $0x1;
	s7 =	smul.u32 $0x2493, s7  }
0x21: {  	s12 =	sadd.s32 s4, s2;
	s15 =	sadd.s32 s4, s0;
	s25 =	simm.s32 $0x0  }
0x22: {  	p1 =	por $0x0, $0x0;
	s19 =	simm.s32 $0x80;
	s29 =	sshrl.u32 s7, $0x10  }
0x23: {  	s20 =	simm.s32 $0x400;
	s18 =	simm.s32 $0xC;
	s7 =	smul.u32 $0x70, s29  }
.Ltmp1:
0x24: {  	[tilespmem:s5+$0x0] =	vst v0;
	v0 =	vimm.s32 $0xFFFFFFFF;
	s22 =	simm.s32 $0x0;
	[sflag:s28] =	ssyncpa.u1 $0x0;
	(pc) =	sbr.rel .LBB2_3-.Ltmp1, $4  }
0x25: {  	[tilespmem:$0xE408] =	vst v0;
	[sflag:s10] =	ssyncpa.u1 $0x0;
	p0 =	sne.s32 s3, s7;
	s3 =	simm.s32 $0x1  }
0x26: {  	s24 =	simm.s32 $0x0;
	[sflag:s30] =	ssyncpa.u1 $0x0;
	s3 =	simm.s32 @!p0 $0x0  }
0x27: {  	s17 =	sshll.u32 s11, $0x9;
	[sflag:s31] =	ssyncpa.u1 $0x0;
	s14 =	sadd.s32 s29, s3  }
0x28: {  	v0 =	vlaneseq.u32;
	s23 =	smov.u32 s21;
	p0 =	por $0x1, $0x1;
	s16 =	sadd.s32 $0x1, s14  }
.LBB2_24:
0x29: {  	s2 =	sshrl.u32 s5, $0x2  }
.LBB2_26:
0x2a: {  	_ =	swait.ge [sflag:s18], s2  }
0x2b: {  	s31 =	ssub.s32 $0x0, s2;
	v1 =	vmov s0;
	vm0 =	veq.s32 v0, $0x0;
	[sflag:s18] =	ssyncset.done $0x0  }
0x2c: {  	vm15 =	veq.s32 v0, $0x2;
	v1 =	vsel vm0, s4, v1;
	[sflag:s18] =	ssyncadd.s32 s31  }
0x2d: {  	v1 =	vsel vm15, s25, v1;
	[sflag:s18] =	ssyncpa.u1 $0x1  }
0x2e: {  	[tilespmem:$0xE408] =	vst v1  }
.LBB2_27:
0x2f: {  	s0 =	sadd.s32 $0x70, s23  }
0x30: {  	s2 =	smov.u32 s21;
	p2 =	slt.s32 s0, s9  }
0x31: {  	s2 =	smov.u32 @p2 s0;
	p2 =	sne.s32 s24, s16  }
.Ltmp2:
0x32: {  	_ = 	snop;
	(pc) =	sbr.rel @!p2 .LBB2_28-.Ltmp2, $4  }
0x33: {  	_ = 	snop  }
0x34: {  	s25 =	smov.u32 s22  }
0x35: {  	s31 =	sadd.s32 $0x1, s24;
	s22 =	smov.u32 s23;
	p0 =	por !p0, !p0  }
0x36: {  	p1 =	por !p1, !p1;
	s24 =	smov.u32 s31;
	s23 =	smov.u32 s2  }
.LBB2_3:
0x37: {  	p2 =	sge.u32 s24, s14  }
0x38: {  	s0 =	smulhi.u32 @!p2 $0xAAAAAAAB, s24  }
0x39: {  	s2 =	smov.u32 s23;
	p3 =	sgt.s32 @!p2 s23, $0xF90  }
0x3a: {  	s3 =	sshra.s32 @!p2 s23, $0x1F;
	p3 =	por !p3, p2;
	s0 =	sshrl.u32 @!p2 s0, $0x1  }
0x3b: {  	s3 =	sand.u32 @!p2 s3, s23;
	s2 =	simm.s32 @p3 $0xF90;
	s0 =	smul.u32 @!p2 $0x3, s0  }
0x3c: {  	s2 =	ssub.s32 @!p2 s2, s3  }
0x3d: {  	s2 =	sadd.s32 @!p2 $0xFFFFF070, s2;
	s0 =	ssub.s32 @!p2 s24, s0  }
0x3e: {  	s3 =	sshll.u32 @!p2 s2, $0x2;
	p3 =	sgt.s32 @!p2 s2, $0x6F;
	s0 =	smul.u32 @!p2 $0x1C0, s0  }
0x3f: {  	s4 =	sand.u32 @!p2 $0x7, s23;
	s2 =	ssub.s32 @!p2 $0x1C0, s3;
	p3 =	por !p3, p2  }
0x40: {  	s3 =	sshrl.u32 @!p2 s23, $0x3;
	s2 =	sshrl.u32 @!p2 s2, $0x2;
	s0 =	sshrl.u32 @!p2 s0, $0x2  }
0x41: {  	s3 =	sadd.s32 @!p2 s3, s12;
	s2 =	simm.s32 @!p3 $0x0;
	s0 =	sadd.s32 @!p2 $0x10448, s0  }
0x42: {  	[tilespmem:s0], [sflag:$0xA] =	stream.linear.gather @!p2 [hbm4b:s3+s4], s2, $0x38;
	[tilespmem:$0x1E678] =	vst v63  }
0x43: {  	s2 =	sadd.s32 $0xFFFFFFFF, s24  }
0x44: {  	p2 =	sge.u32 s2, s14  }
0x45: {  	p3 =	sgt.s32 @!p2 s22, $0xF90  }
0x46: {  	s0 =	smov.u32 s22;
	s3 =	sshra.s32 @!p2 s22, $0x1F;
	p3 =	por !p3, p2  }
0x47: {  	s3 =	sand.u32 @!p2 s3, s22;
	s0 =	simm.s32 @p3 $0xF90  }
0x48: {  	s0 =	ssub.s32 @!p2 s0, s3  }
0x49: {  	s0 =	sadd.s32 @!p2 $0xFFFFF070, s0  }
0x4a: {  	s3 =	sshll.u32 @!p2 s0, $0x2  }
0x4b: {  	p3 =	sgt.s32 @!p2 s0, $0x6F;
	s0 =	ssub.s32 @!p2 $0x1C0, s3  }
0x4c: {  	p3 =	por !p3, p2;
	s0 =	sshrl.u32 @!p2 s0, $0x2  }
0x4d: {  	s4 =	simm.s32 @!p2 $0xA;
	s3 =	sand.u32 @!p2 $0x1, s2;
	s0 =	simm.s32 @!p3 $0x0  }
0x4e: {  	s3 =	smul.u32 @!p2 $0x1C0, s3;
	_ =	swait.ge @!p2 [sflag:s4], s0  }
0x4f: {  	s5 =	ssub.s32 @!p2 $0x0, s0;
	[sflag:s4] =	ssyncset.done @!p2 $0x0  }
0x50: {  	s3 =	sshrl.u32 @!p2 s3, $0x2;
	[sflag:s4] =	ssyncadd.s32 @!p2 s5;
	s4 =	sshrl.u32 @!p2 s22, $0x3  }
0x51: {  	s3 =	sadd.s32 @!p2 $0x10598, s3;
	s5 =	sand.u32 @!p2 $0x7, s22;
	s4 =	sadd.s32 @!p2 s4, s15  }
0x52: {  	[tilespmem:s3], [sflag:$0xB] =	stream.linear.gather @!p2 [hbm4b:s4+s5], s0, $0x38;
	[tilespmem:$0x1E678] =	vst v63  }
0x53: {  	s0 =	ssub.s32 @!p2 $0x1000, s22  }
0x54: {  	p3 =	slt.s32 @!p2 s0, $0x1  }
0x55: {  	p3 =	por p2, p3  }
.Ltmp3:
0x56: {  	_ = 	snop;
	(pc) =	sbr.rel @p3 .LBB2_9-.Ltmp3, $1  }
0x57: {  	_ =	sdelay $0x3  }
0x58: {  	s3 =	smulhi.u32 $0xAAAAAAAB, s2;
	_ =	sdelay $0x1  }
0x59: {  	s3 =	sshrl.u32 s3, $0x1  }
0x5a: {  	s3 =	smul.u32 $0x3, s3;
	_ =	sdelay $0x1  }
0x5b: {  	s29 =	ssub.s32 s2, s3  }
0x5c: {  	s4 =	simm.s32 $0x1;
	s2 =	smul.u32 $0x1C0, s29  }
.Ltmp4:
0x5d: {  	s4 =	simm.s32 @!p0 $0x0;
	(pc) =	sbr.rel .LBB2_6-.Ltmp4, $4  }
0x5e: {  	s30 =	smul.u32 $0x1C000, s4  }
0x5f: {  	p3 =	slt.s32 @!p2 s0, $0x70;
	s2 =	sshrl.u32 s2, $0x2  }
0x60: {  	p2 =	por !p3, p2;
	s3 =	sshrl.u32 s30, $0x2;
	s31 =	sadd.s32 $0x10448, s2  }
0x61: {  	s0 =	simm.s32 @p2 $0x70;
	s2 =	sor.u32 $0x10678, s3;
	s3 =	simm.s32 $0x0;
	v1 =	vmov s31  }
.LBB2_5:
0x62: {  	p2 =	sge.s32 s3, s0  }
.Ltmp5:
0x63: {  	_ = 	snop;
	(pc) =	sbr.rel @p2 .LBB2_9-.Ltmp5, $2  }
0x64: {  	_ =	sdelay $0x2  }
0x65: {  	s2 =	sadd.s32 $0x1000, s2  }
.LBB2_6:
0x66: {  	p2 =	sle.s32 s0, s3  }
.Ltmp6:
0x67: {  	_ = 	snop;
	(pc) =	sbr.rel @p2 .LBB2_5-.Ltmp6, $2  }
0x68: {  	_ =	sdelay $0x2  }
0x69: {  	s4 =	smov.u32 s3;
	s3 =	sadd.s32 $0x10, s3  }
0x6a: {  	s5 =	ssub.s32 s0, s4  }
0x6b: {  	p2 =	slt.s32 s5, $0x10  }
0x6c: {  	s5 =	simm.s32 @!p2 $0x10  }
0x6d: {  	v2 =	vmov s5  }
0x6e: {  	vm0 =	vgt.s32 v2, v0;
	_ =	sdelay $0x5  }
0x6f: {  	v2 =	vld.idx.msk [tilespmem:v1+s4+$0x0 ss:$0x1], vm0;
	_ =	sdelay $0x2  }
0x70: {  	p2 =	slt.s32 s3, s0;
	s5 =	smov.u32 s0  }
0x71: {  	s7 =	smov.u32 s2;
	s10 =	simm.s32 $0x0;
	s5 =	smov.u32 @p2 s3  }
.LBB2_8:
0x72: {  	(v2sf) =	vpush v2, s10;
	_ =	sdelay $0xe  }
0x73: {  	s10 =	sadd.s32 $0x1, s10;
	s11 =	spop (v2sf)  }
0x74: {  	s31 =	sadd.s32 s10, s4;
	s26 =	sshll.u32 s11, $0x8;
	s11 =	sshll.u32 s11, $0x7  }
0x75: {  	p2 =	slt.s32 s31, s5;
	s26 =	sand.u32 $0xFFFFF800, s26;
	s11 =	sand.u32 $0x380, s11  }
.Ltmp7:
0x76: {  	s11 =	sor.u32 s11, s26;
	(pc) =	sbr.rel @p2 .LBB2_8-.Ltmp7, $4  }
0x77: {  	s11 =	sshrl.u32 s11, $0x3  }
0x78: {  	s11 =	sadd.s32 s6, s11  }
0x79: {  	[tilespmem:s7], [sflag:$0x9] =	stream.strided.gather [hbm4b:s11+s19], $0x100, s20, s19, $0x38;
	[tilespmem:$0x1E678] =	vst v63  }
0x7a: {  	s7 =	sadd.s32 $0x100, s7  }
.Ltmp8:
0x7b: {  	_ = 	snop;
	(pc) =	sbr.rel .LBB2_5-.Ltmp8, $1  }
0x7c: {  	_ =	sdelay $0x3  }
.LBB2_9:
0x7d: {  	p2 =	slt.u32 s24, $0x2  }
.Ltmp9:
0x7e: {  	_ = 	snop;
	(pc) =	sbr.rel @p2 .LBB2_27-.Ltmp9, $1  }
0x7f: {  	_ =	sdelay $0x3  }
0x80: {  	p2 =	sgt.s32 s25, $0xF90  }
0x81: {  	s0 =	smov.u32 s25;
	s2 =	sshra.s32 s25, $0x1F;
	s3 =	ssub.s32 $0x1000, s25  }
0x82: {  	s0 =	simm.s32 @!p2 $0xF90;
	s2 =	sand.u32 s2, s25;
	p2 =	slt.s32 s3, $0x70  }
0x83: {  	s0 =	ssub.s32 s0, s2;
	s3 =	simm.s32 @!p2 $0x70  }
0x84: {  	s0 =	sadd.s32 $0xFFFFF070, s0;
	s10 =	sshll.u32 s3, $0x8  }
0x85: {  	s28 =	simm.s32 $0x9;
	s11 =	sshll.u32 s0, $0x2;
	s2 =	sand.u32 $0x3FFFFF00, s10  }
0x86: {  	p2 =	sgt.s32 s0, $0x6F;
	s26 =	ssub.s32 $0x1C0, s11;
	_ =	swait.ge [sflag:s28], s2  }
0x87: {  	s2 =	ssub.s32 $0x0, s2;
	[sflag:s28] =	ssyncset.done $0x0;
	s0 =	sshrl.u32 s26, $0x2  }
0x88: {  	s30 =	simm.s32 $0xB;
	[sflag:s28] =	ssyncadd.s32 s2;
	s0 =	simm.s32 @p2 $0x0  }
0x89: {  	_ =	swait.ge [sflag:s30], s0  }
0x8a: {  	s0 =	ssub.s32 $0x0, s0;
	[sflag:s30] =	ssyncset.done $0x0  }
0x8b: {  	[sflag:s30] =	ssyncadd.s32 s0  }
0x8c: {  	v1 =	vld [tilespmem:$0xE408];
	_ =	sdelay $0x4  }
0x8d: {  	(v2sf) =	vpush v1, $0x0  }
0x8e: {  	(v2sf) =	vpush v1, $0x1  }
0x8f: {  	(v2sf) =	vpush v1, $0x2;
	_ =	sdelay $0x3  }
0x90: {  	s0 =	sadd.s32 $0x70, s25  }
0x91: {  	s3 =	ssub.s32 $0x2000, s25;
	p2 =	slt.s32 s9, s0  }
0x92: {  	s0 =	smov.u32 @p2 s9;
	p2 =	sgt.s32 s3, $0x0  }
0x93: {  	s4 =	ssub.s32 s0, s25;
	s3 =	simm.s32 @!p2 $0x0  }
0x94: {  	p2 =	slt.s32 s3, s4  }
0x95: {  	s4 =	smov.u32 @p2 s3  }
0x96: {  	s2 =	simm.s32 $0x1;
	p2 =	slt.s32 s4, $0x1  }
.Ltmp10:
0x97: {  	s2 =	simm.s32 @!p1 $0x0;
	(pc) =	sbr.rel @p2 .LBB2_14-.Ltmp10, $4  }
0x98: {  	s31 =	smul.u32 $0x1C0, s2  }
0x99: {  	s5 =	spop (v2sf)  }
0x9a: {  	s0 =	sshrl.u32 s31, $0x2;
	s29 =	spop (v2sf)  }
0x9b: {  	s26 =	sadd.s32 $0x10598, s0;
	s25 =	spop (v2sf)  }
0x9c: {  	s0 =	smin.u32 s4, $0x10  }
0x9d: {  	v1 =	vmov s0  }
0x9e: {  	vm1 =	vgt.u32 v1, v0  }
0x9f: {  	p3 =	sgt.s32 s4, $0x10  }
.Ltmp11:
0xa0: {  	_ = 	snop;
	(pc) =	sbr.rel @!p3 .LBB2_13-.Ltmp11, $2  }
0xa1: {  	_ =	sdelay $0x2  }
0xa2: {  	s3 =	simm.s32 $0x10;
	s28 =	sadd.s32 $0xFFFFFFF0, s4;
	s0 =	smov.u32 s26;
	vm0 =	vmmov vm1;
	v1 =	vld.msk [tilespmem:s26+$0x0 ss:$0x1], vm1  }
.LBB2_12:
0xa3: {  	s7 =	smin.u32 s28, $0x10;
	s3 =	sadd.s32 $0x10, s3  }
0xa4: {  	v2 =	vmov s7;
	p3 =	slt.s32 s3, s4  }
0xa5: {  	vm1 =	vgt.u32 v2, v0;
	_ =	sdelay $0x1  }
0xa6: {  	v2 =	vshll.u32 v1, $0x5;
	v1 =	vshll.u32 v1, $0x4  }
.Ltmp12:
0xa7: {  	v2 =	vand.u32 $0xFFFFFF00, v2;
	v1 =	vand.u32 $0x70, v1;
	(pc) =	sbr.rel @p3 .LBB2_12-.Ltmp12, $4  }
0xa8: {  	v1 =	vor.u32 v1, v2  }
0xa9: {  	[tilespmem:s0+$0x0] =	vst.msk vm0, v1;
	s0 =	sadd.s32 $0x10, s0;
	vm0 =	vmmov vm1  }
0xaa: {  	v1 =	vld.msk [tilespmem:s0+$0x0 ss:$0x1], vm1  }
0xab: {  	s28 =	sadd.s32 $0xFFFFFFF0, s28  }
.LBB2_13:
0xac: {  	_ =	sdelay $0x3  }
0xad: {  	v2 =	vshll.u32 v1, $0x5;
	v1 =	vshll.u32 v1, $0x4  }
0xae: {  	v2 =	vand.u32 $0xFFFFFF00, v2;
	v1 =	vand.u32 $0x70, v1  }
0xaf: {  	v1 =	vor.u32 v1, v2  }
0xb0: {  	[tilespmem:s0+$0x0] =	vst.msk vm0, v1  }
.LBB2_14:
0xb1: {  	s0 =	sand.u32 $0x1, s24  }
0xb2: {  	s0 =	smul.u32 $0x70, s0  }
0xb3: {  	p3 =	sne.s32 s29, $0xFFFFFFFF  }
0xb4: {  	v1 =	vld.msk @!p3 [tilespmem:s0+$0x10598], $0x1;
	_ =	sdelay $0x4  }
0xb5: {  	(v2sf) =	vpush @!p3 v1, $0x0;
	_ =	sdelay $0xc  }
.Ltmp13:
0xb6: {  	_ = 	snop;
	(pc) =	sbr.rel @p2 .LBB2_25-.Ltmp13, $4  }
0xb7: {  	_ = 	snop  }
0xb8: {  	s28 =	spop @!p3 (v2sf)  }
0xb9: {  	s25 =	simm.s32 @!p3 $0x0;
	s0 =	smov.u32 s28  }
0xba: {  	[sflag:s18] =	ssyncpa.u1 $0x0;
	s28 =	smov.u32 @p3 s5;
	s0 =	smov.u32 @p3 s29  }
0xbb: {  	v1 =	vld.msk [tilespmem:s26+$0x0], $0x1;
	_ =	sdelay $0x4  }
0xbc: {  	(v2sf) =	vpush v1, $0x0;
	_ =	sdelay $0xd  }
0xbd: {  	s8 =	smov.u32 s16;
	s18 =	smov.u32 s15  }
0xbe: {  	s16 =	smov.u32 s12;
	s2 =	smul.u32 $0x1C000, s2;
	s5 =	spop (v2sf)  }
0xbf: {  	s3 =	smov.u32 s28;
	s30 =	ssub.s32 $0x0, s4;
	p2 =	seq.s32 s28, s5  }
0xc0: {  	s31 =	simm.s32 $0x0;
	s2 =	sshrl.u32 s2, $0x2;
	p3 =	sgt.s32 @!p2 s28, $0x0  }
0xc1: {  	s29 =	sor.u32 $0x106F8, s2;
	s2 =	sadd.s32 $0x1, s30;
	p3 =	por !p3, p2  }
0xc2: {  	s7 =	simm.s32 @!p2 $0x7308;
	s3 =	simm.s32 @p3 $0x0;
	p3 =	seq.s32 s2, $0x0  }
.Ltmp14:
0xc3: {  	s4 =	smin.u32 @!p2 s3, $0x30FF70;
	s3 =	simm.s32 @!p2 $0x1;
	(pc) =	sbr.rel @p3 .LBB2_17-.Ltmp14, $4  }
0xc4: {  	s10 =	sand.u32 @!p2 $0x3FFFF8, s4;
	s11 =	sadd.s32 @!p2 $0x80, s4;
	s3 =	smov.u32 @p2 s31  }
0xc5: {  	s12 =	sadd.s32 @!p2 s1, s10;
	s10 =	sand.u32 @!p2 $0x7, s4;
	s4 =	sand.u32 @!p2 $0x7FFFF8, s11  }
0xc6: {  	[tilespmem:s7], [sflag:$0x2] =	stream.linear.gather @!p2 [hbm4b:s12+s10], $0x80, $0x38;
	[tilespmem:$0x1E678] =	vst v63  }
0xc7: {  	s7 =	simm.s32 @!p2 $0x7388;
	s11 =	sadd.s32 @!p2 s1, s4;
	s4 =	sadd.s32 $0x1, s26  }
.LBB2_16:
0xc8: {  	s12 =	smov.u32 s3  }
0xc9: {  	[tilespmem:s7], [sflag:$0x2] =	stream.linear.gather @!p2 [hbm4b:s11+s10], $0x80, $0x38;
	[tilespmem:$0x1E678] =	vst v63  }
0xca: {  	s2 =	sadd.s32 $0x1, s2;
	s10 =	smov.u32 s5;
	v1 =	vld.msk [tilespmem:s4+$0x0], $0x1  }
0xcb: {  	p3 =	seq.s32 s2, $0x0;
	_ =	sdelay $0x3  }
0xcc: {  	(v2sf) =	vpush v1, $0x0;
	_ =	sdelay $0xe  }
0xcd: {  	s5 =	spop (v2sf)  }
0xce: {  	p2 =	seq.s32 s10, s5  }
0xcf: {  	p4 =	sgt.s32 @!p2 s10, $0x0;
	s7 =	sshll.u32 @!p2 s3, $0xA;
	s3 =	sadd.s32 @!p2 $0x1, s3  }
0xd0: {  	p4 =	por !p4, p2;
	s7 =	sshra.s32 @!p2 s7, $0x2;
	s3 =	smov.u32 @p2 s12  }
0xd1: {  	s10 =	simm.s32 @p4 $0x0;
	s11 =	sadd.s32 @!p2 $0x7308, s7;
	s7 =	sadd.s32 @!p2 $0x7388, s7  }
.Ltmp15:
0xd2: {  	s10 =	smin.u32 @!p2 s10, $0x30FF70;
	(pc) =	sbr.rel @!p3 .LBB2_16-.Ltmp15, $4  }
0xd3: {  	s12 =	sand.u32 @!p2 $0x3FFFF8, s10;
	s15 =	sadd.s32 @!p2 $0x80, s10  }
0xd4: {  	s10 =	sand.u32 @!p2 $0x7, s10;
	s12 =	sadd.s32 @!p2 s1, s12;
	s15 =	sand.u32 @!p2 $0x7FFFF8, s15  }
0xd5: {  	[tilespmem:s11], [sflag:$0x2] =	stream.linear.gather @!p2 [hbm4b:s12+s10], $0x80, $0x38;
	[tilespmem:$0x1E678] =	vst v63  }
0xd6: {  	s4 =	sadd.s32 $0x1, s4;
	s11 =	sadd.s32 @!p2 s1, s15  }
.LBB2_17:
0xd7: {  	[tilespmem:s7], [sflag:$0x2] =	stream.linear.gather @!p2 [hbm4b:s11+s10], $0x80, $0x38;
	[tilespmem:$0x1E678] =	vst v63  }
.Ltmp16:
0xd8: {  	s2 =	sshll.u32 s3, $0x8;
	(pc) =	sbr.rel .LBB2_18-.Ltmp16, $4  }
0xd9: {  	s15 =	simm.s32 $0x2;
	s2 =	sand.u32 $0x3FFFFF00, s2  }
0xda: {  	s5 =	simm.s32 $0x0;
	s12 =	smov.u32 s16;
	_ =	swait.ge [sflag:s15], s2  }
0xdb: {  	s16 =	smov.u32 s8;
	s2 =	ssub.s32 $0x0, s2;
	[sflag:s15] =	ssyncset.done $0x0  }
0xdc: {  	[sflag:s15] =	ssyncadd.s32 s2;
	s15 =	smov.u32 s18;
	s18 =	simm.s32 $0xC  }
.LBB2_19:
0xdd: {  	v1 =	vld [tilespmem:s29+$0xFFFFFF80];
	_ =	sdelay $0x4  }
0xde: {  	[tilespmem:s2+$0x208] =	vst.add.f32.msk $0xffff, v1  }
0xdf: {  	v1 =	vld [tilespmem:s29+$0xFFFFFF90];
	_ =	sdelay $0x4  }
0xe0: {  	[tilespmem:s2+$0x218] =	vst.add.f32.msk $0xffff, v1  }
0xe1: {  	v1 =	vld [tilespmem:s29+$0xFFFFFFA0];
	_ =	sdelay $0x4  }
0xe2: {  	[tilespmem:s2+$0x228] =	vst.add.f32.msk $0xffff, v1  }
0xe3: {  	v1 =	vld [tilespmem:s29+$0xFFFFFFB0];
	_ =	sdelay $0x4  }
0xe4: {  	[tilespmem:s2+$0x238] =	vst.add.f32.msk $0xffff, v1  }
0xe5: {  	v1 =	vld [tilespmem:s29+$0xFFFFFFC0];
	_ =	sdelay $0x4  }
0xe6: {  	[tilespmem:s2+$0x248] =	vst.add.f32.msk $0xffff, v1  }
0xe7: {  	v1 =	vld [tilespmem:s29+$0xFFFFFFD0];
	_ =	sdelay $0x4  }
0xe8: {  	[tilespmem:s2+$0x258] =	vst.add.f32.msk $0xffff, v1  }
0xe9: {  	v1 =	vld [tilespmem:s29+$0xFFFFFFE0];
	_ =	sdelay $0x4  }
0xea: {  	[tilespmem:s2+$0x268] =	vst.add.f32.msk $0xffff, v1  }
0xeb: {  	v1 =	vld [tilespmem:s29+$0xFFFFFFF0];
	_ =	sdelay $0x4  }
0xec: {  	[tilespmem:s2+$0x278] =	vst.add.f32.msk $0xffff, v1  }
0xed: {  	v1 =	vld [tilespmem:s29+$0x0];
	_ =	sdelay $0x4  }
0xee: {  	[tilespmem:s2+$0x288] =	vst.add.f32.msk $0xffff, v1  }
0xef: {  	v1 =	vld [tilespmem:s29+$0x10];
	_ =	sdelay $0x4  }
0xf0: {  	[tilespmem:s2+$0x298] =	vst.add.f32.msk $0xffff, v1  }
0xf1: {  	v1 =	vld [tilespmem:s29+$0x20];
	_ =	sdelay $0x4  }
0xf2: {  	[tilespmem:s2+$0x2A8] =	vst.add.f32.msk $0xffff, v1  }
0xf3: {  	v1 =	vld [tilespmem:s29+$0x30];
	_ =	sdelay $0x4  }
0xf4: {  	[tilespmem:s2+$0x2B8] =	vst.add.f32.msk $0xffff, v1  }
0xf5: {  	v1 =	vld [tilespmem:s29+$0x40];
	_ =	sdelay $0x4  }
0xf6: {  	[tilespmem:s2+$0x2C8] =	vst.add.f32.msk $0xffff, v1  }
0xf7: {  	v1 =	vld [tilespmem:s29+$0x50];
	_ =	sdelay $0x4  }
0xf8: {  	[tilespmem:s2+$0x2D8] =	vst.add.f32.msk $0xffff, v1  }
0xf9: {  	v1 =	vld [tilespmem:s29+$0x60];
	_ =	sdelay $0x4  }
0xfa: {  	[tilespmem:s2+$0x2E8] =	vst.add.f32.msk $0xffff, v1  }
0xfb: {  	v1 =	vld [tilespmem:s29+$0x70];
	_ =	sdelay $0x4  }
0xfc: {  	[tilespmem:s2+$0x2F8] =	vst.add.f32.msk $0xffff, v1  }
.LBB2_23:
0xfd: {  	s30 =	sadd.s32 $0x1, s30  }
0xfe: {  	p2 =	seq.s32 s30, $0x0  }
.Ltmp17:
0xff: {  	_ = 	snop;
	(pc) =	sbr.rel @p2 .LBB2_24-.Ltmp17, $2  }
0x100: {  	_ =	sdelay $0x2  }
0x101: {  	s26 =	sadd.s32 $0x1, s26;
	s29 =	sadd.s32 $0x100, s29;
	s28 =	smov.u32 s4  }
.LBB2_18:
0x102: {  	v1 =	vld.msk [tilespmem:s26+$0x0], $0x1;
	_ =	sdelay $0x4  }
0x103: {  	(v2sf) =	vpush v1, $0x0;
	_ =	sdelay $0xe  }
0x104: {  	s4 =	spop (v2sf)  }
0x105: {  	p2 =	sne.s32 s28, s4  }
.Ltmp18:
0x106: {  	_ = 	snop;
	(pc) =	sbr.rel @!p2 .LBB2_19-.Ltmp18, $3  }
0x107: {  	_ =	sdelay $0x1  }
0x108: {  	s2 =	sshll.u32 s25, $0xA  }
0x109: {  	s2 =	sshra.s32 s2, $0x2  }
0x10a: {  	p2 =	seq.s32 s28, s0  }
.Ltmp19:
0x10b: {  	_ = 	snop;
	(pc) =	sbr.rel @!p2 .LBB2_21-.Ltmp19, $1  }
0x10c: {  	_ =	sdelay $0x3  }
.Ltmp20:
0x10d: {  	s2 =	sadd.s32 $0x208, s2;
	(pc) =	sbr.rel .LBB2_22-.Ltmp20, $4  }
0x10e: {  	[spmem:s17] =	stream.linear.scatter [tilespmem:s2], [sflag:$0x1], $0x100, $0x38;
	[tilespmem:$0x1E678] =	vst v63  }
0x10f: {  	_ =	swait.ge [sflag:s13], $0x100  }
0x110: {  	[sflag:s13] =	ssyncset.done $0x0  }
0x111: {  	[sflag:s13] =	ssyncadd.s32 $0xFFFFFF00  }
.LBB2_21:
0x112: {  	s3 =	sshll.u32 s31, $0xA  }
0x113: {  	s3 =	sshra.s32 s3, $0x2  }
0x114: {  	v1 =	vld [tilespmem:s3+$0x7308];
	_ =	sdelay $0x4  }
0x115: {  	[tilespmem:s2+$0x208] =	vst.add.f32.msk $0xffff, v1  }
0x116: {  	v1 =	vld [tilespmem:s3+$0x7318];
	_ =	sdelay $0x4  }
0x117: {  	[tilespmem:s2+$0x218] =	vst.add.f32.msk $0xffff, v1  }
0x118: {  	v1 =	vld [tilespmem:s3+$0x7328];
	_ =	sdelay $0x4  }
0x119: {  	[tilespmem:s2+$0x228] =	vst.add.f32.msk $0xffff, v1  }
0x11a: {  	v1 =	vld [tilespmem:s3+$0x7338];
	_ =	sdelay $0x4  }
0x11b: {  	[tilespmem:s2+$0x238] =	vst.add.f32.msk $0xffff, v1  }
0x11c: {  	v1 =	vld [tilespmem:s3+$0x7348];
	_ =	sdelay $0x4  }
0x11d: {  	[tilespmem:s2+$0x248] =	vst.add.f32.msk $0xffff, v1  }
0x11e: {  	v1 =	vld [tilespmem:s3+$0x7358];
	_ =	sdelay $0x4  }
0x11f: {  	[tilespmem:s2+$0x258] =	vst.add.f32.msk $0xffff, v1  }
0x120: {  	v1 =	vld [tilespmem:s3+$0x7368];
	_ =	sdelay $0x4  }
0x121: {  	[tilespmem:s2+$0x268] =	vst.add.f32.msk $0xffff, v1  }
0x122: {  	v1 =	vld [tilespmem:s3+$0x7378];
	_ =	sdelay $0x4  }
0x123: {  	[tilespmem:s2+$0x278] =	vst.add.f32.msk $0xffff, v1  }
0x124: {  	v1 =	vld [tilespmem:s3+$0x7388];
	_ =	sdelay $0x4  }
0x125: {  	[tilespmem:s2+$0x288] =	vst.add.f32.msk $0xffff, v1  }
0x126: {  	v1 =	vld [tilespmem:s3+$0x7398];
	_ =	sdelay $0x4  }
0x127: {  	[tilespmem:s2+$0x298] =	vst.add.f32.msk $0xffff, v1  }
0x128: {  	v1 =	vld [tilespmem:s3+$0x73A8];
	_ =	sdelay $0x4  }
0x129: {  	[tilespmem:s2+$0x2A8] =	vst.add.f32.msk $0xffff, v1  }
0x12a: {  	v1 =	vld [tilespmem:s3+$0x73B8];
	_ =	sdelay $0x4  }
0x12b: {  	[tilespmem:s2+$0x2B8] =	vst.add.f32.msk $0xffff, v1  }
0x12c: {  	v1 =	vld [tilespmem:s3+$0x73C8];
	_ =	sdelay $0x4  }
0x12d: {  	[tilespmem:s2+$0x2C8] =	vst.add.f32.msk $0xffff, v1  }
0x12e: {  	v1 =	vld [tilespmem:s3+$0x73D8];
	_ =	sdelay $0x4  }
0x12f: {  	[tilespmem:s2+$0x2D8] =	vst.add.f32.msk $0xffff, v1  }
0x130: {  	v1 =	vld [tilespmem:s3+$0x73E8];
	_ =	sdelay $0x4  }
0x131: {  	[tilespmem:s2+$0x2E8] =	vst.add.f32.msk $0xffff, v1  }
0x132: {  	v1 =	vld [tilespmem:s3+$0x73F8];
	_ =	sdelay $0x2  }
0x133: {  	p2 =	sgt.u32 s28, $0x30FF70  }
0x134: {  	s3 =	sand.u32 @!p2 $0x3FFFF8, s28  }
0x135: {  	s7 =	sadd.s32 $0x208, s2;
	s10 =	sand.u32 @!p2 $0x7, s28;
	s3 =	sadd.s32 @!p2 s1, s3;
	[tilespmem:s2+$0x2F8] =	vst.add.f32.msk $0xffff, v1  }
0x136: {  	[hbm4b:s3+s10] =	stream.linear.scatter @!p2 [tilespmem:s7], [sflag:$0xC], $0x80, $0x38;
	[tilespmem:$0x1E678] =	vst v63  }
0x137: {  	s3 =	sadd.s32 @!p2 $0x80, s28  }
0x138: {  	s3 =	sand.u32 @!p2 $0x7FFFF8, s3  }
0x139: {  	s2 =	sadd.s32 $0x288, s2;
	s3 =	sadd.s32 @!p2 s1, s3  }
0x13a: {  	[hbm4b:s3+s10] =	stream.linear.scatter @!p2 [tilespmem:s2], [sflag:$0xC], $0x80, $0x38;
	[tilespmem:$0x1E678] =	vst v63  }
0x13b: {  	s2 =	simm.s32 $0x0  }
0x13c: {  	s2 =	simm.s32 @!p2 $0x400  }
0x13d: {  	s5 =	sadd.s32 s2, s5  }
.LBB2_22:
0x13e: {  	s2 =	sadd.s32 $0x1, s25  }
0x13f: {  	s3 =	sshrl.u32 s2, $0x4  }
0x140: {  	s3 =	smulhi.u32 $0x24924925, s3  }
0x141: {  	v1 =	vld [tilespmem:s29+$0xFFFFFF80]  }
0x142: {  	s3 =	smul.u32 $0x70, s3;
	_ =	sdelay $0x1  }
0x143: {  	s25 =	ssub.s32 s2, s3  }
0x144: {  	s2 =	sshll.u32 s25, $0x8  }
0x145: {  	[tilespmem:s2+$0x208] =	vst v1  }
0x146: {  	v1 =	vld [tilespmem:s29+$0xFFFFFF90];
	_ =	sdelay $0x4  }
0x147: {  	[tilespmem:s2+$0x218] =	vst v1  }
0x148: {  	v1 =	vld [tilespmem:s29+$0xFFFFFFA0];
	_ =	sdelay $0x4  }
0x149: {  	[tilespmem:s2+$0x228] =	vst v1  }
0x14a: {  	v1 =	vld [tilespmem:s29+$0xFFFFFFB0];
	_ =	sdelay $0x4  }
0x14b: {  	[tilespmem:s2+$0x238] =	vst v1  }
0x14c: {  	v1 =	vld [tilespmem:s29+$0xFFFFFFC0];
	_ =	sdelay $0x4  }
0x14d: {  	[tilespmem:s2+$0x248] =	vst v1  }
0x14e: {  	v1 =	vld [tilespmem:s29+$0xFFFFFFD0];
	_ =	sdelay $0x4  }
0x14f: {  	[tilespmem:s2+$0x258] =	vst v1  }
0x150: {  	v1 =	vld [tilespmem:s29+$0xFFFFFFE0];
	_ =	sdelay $0x4  }
0x151: {  	[tilespmem:s2+$0x268] =	vst v1  }
0x152: {  	v1 =	vld [tilespmem:s29+$0xFFFFFFF0];
	_ =	sdelay $0x4  }
0x153: {  	[tilespmem:s2+$0x278] =	vst v1  }
0x154: {  	v1 =	vld [tilespmem:s29+$0x0];
	_ =	sdelay $0x4  }
0x155: {  	[tilespmem:s2+$0x288] =	vst v1  }
0x156: {  	v1 =	vld [tilespmem:s29+$0x10];
	_ =	sdelay $0x4  }
0x157: {  	[tilespmem:s2+$0x298] =	vst v1  }
0x158: {  	v1 =	vld [tilespmem:s29+$0x20];
	_ =	sdelay $0x4  }
0x159: {  	[tilespmem:s2+$0x2A8] =	vst v1  }
0x15a: {  	v1 =	vld [tilespmem:s29+$0x30];
	_ =	sdelay $0x4  }
0x15b: {  	[tilespmem:s2+$0x2B8] =	vst v1  }
0x15c: {  	v1 =	vld [tilespmem:s29+$0x40];
	_ =	sdelay $0x4  }
0x15d: {  	[tilespmem:s2+$0x2C8] =	vst v1  }
0x15e: {  	v1 =	vld [tilespmem:s29+$0x50];
	_ =	sdelay $0x4  }
0x15f: {  	[tilespmem:s2+$0x2D8] =	vst v1  }
0x160: {  	v1 =	vld [tilespmem:s29+$0x60];
	_ =	sdelay $0x4  }
0x161: {  	[tilespmem:s2+$0x2E8] =	vst v1  }
0x162: {  	v1 =	vld [tilespmem:s29+$0x70]  }
.Ltmp21:
0x163: {  	_ = 	snop;
	(pc) =	sbr.rel .LBB2_23-.Ltmp21, $2  }
0x164: {  	_ =	sdelay $0x2  }
0x165: {  	s31 =	sadd.s32 $0x1, s31;
	[tilespmem:s2+$0x2F8] =	vst v1  }
.LBB2_25:
.Ltmp22:
0x166: {  	(pc) =	sbr.rel .LBB2_26-.Ltmp22, $4  }
0x167: {  	_ = 	snop  }
0x168: {  	s2 =	simm.s32 $0x2  }
0x169: {  	_ =	swait.ge [sflag:s2], $0x0  }
0x16a: {  	s4 =	smov.u32 s28;
	[sflag:s2] =	ssyncset.done $0x0;
	s2 =	simm.s32 $0x0  }
.LBB2_28:
0x16b: {  	_ =	sfence.sel $0x180000  }
0x16c: {  	s0 =	simm.s32 $0x9;
	[bflag:$0x0] =	sbarrier.arrive $0xFFFF  }
0x16d: {  	s24 =	simm.s32 $0xA;
	[sflag:s0] =	ssyncpa.u1 $0x1  }
0x16e: {  	s25 =	simm.s32 $0xB;
	[sflag:s24] =	ssyncpa.u1 $0x1  }
0x16f: {  	s26 =	simm.s32 $0x2;
	[sflag:s25] =	ssyncpa.u1 $0x1  }
0x170: {  	[sflag:s26] =	ssyncpa.u1 $0x1  }
0x171: {  	v0 =	vld [tilespmem:$0xE408];
	_ =	sdelay $0x4  }
0x172: {  	(v2sf) =	vpush v0, $0x0  }
0x173: {  	(v2sf) =	vpush v0, $0x1;
	_ =	sdelay $0x2  }
0x174: {  	(v2sf) =	vpush v0, $0x2;
	_ =	sdelay $0xa  }
0x175: {  	s0 =	spop (v2sf)  }
0x176: {  	s2 =	spop (v2sf)  }
0x177: {  	s3 =	smov.u32 s0;
	p0 =	sne.s32 s0, s2  }
0x178: {  	s3 =	simm.s32 @!p0 $0xFFFFFFFF  }
0x179: {  	v2 =	vimm.s32 $0x1;
	v3 =	vlaneseq.u32;
	v1 =	vmov s3;
	s3 =	spop (v2sf)  }
0x17a: {  	v0 =	vperm.xlane v0, v2;
	v1 =	vperm.xlane v1, v3;
	p0 =	seq.s32 s3, $0xFFFFFFFF  }
0x17b: {  	vm0 =	vcmask $0x3F04;
	s5 =	simm.s32 $0xE408;
	p1 =	sne.s32 @!p0 s0, s2  }
0x17c: {  	s6 =	rddreg [dreg:$0x6];
	s0 =	simm.s32 @!p0 $0x1;
	v0 =	vsel vm0, v1, v0;
	p1 =	por !p1, p0  }
0x17d: {  	s4 =	sor.u32 $0x2000, s6;
	s2 =	sshll.u32 @!p0 s3, $0xA;
	[tilespmem:$0xE408] =	vst v0;
	s0 =	simm.s32 @p1 $0x0  }
0x17e: {  	[spmem:s4] =	stream.linear.scatter [tilespmem:s5], [sflag:$0x1], $0x2, $0x38;
	[tilespmem:$0x1E678] =	vst v63  }
0x17f: {  	s2 =	sshra.s32 @!p0 s2, $0x2;
	s0 =	sor.u32 @!p0 s0, s6  }
0x180: {  	s2 =	sadd.s32 @!p0 $0x208, s2;
	s0 =	sshll.u32 @!p0 s0, $0x8  }
0x181: {  	[spmem:s0] =	stream.linear.scatter @!p0 [tilespmem:s2], [sflag:$0x1], $0x100, $0x38;
	[tilespmem:$0x1E678] =	vst v63  }
0x182: {  	s0 =	simm.s32 @!p0 $0x102  }
0x183: {  	s28 =	simm.s32 $0x1;
	s0 =	simm.s32 @p0 $0x2  }
0x184: {  	_ =	swait.ge [sflag:s28], s0  }
0x185: {  	s15 =	stileid.u32;
	s0 =	ssub.s32 $0x0, s0;
	[sflag:s28] =	ssyncset.done $0x0  }
0x186: {  	p0 =	sne.s32 s15, $0x0;
	[sflag:s28] =	ssyncadd.s32 s0  }
.Ltmp23:
0x187: {  	_ =	sfence.stream.spmem;
	(pc) =	sbr.rel @p0 .LBB2_45-.Ltmp23, $4  }
0x188: {  	s29 =	simm.s32 $0x3;
	[bflag:$0x0] =	sbarrier.arrive $0xFFFF  }
0x189: {  	s30 =	simm.s32 $0x4;
	[sflag:s29] =	ssyncpa.u1 $0x1  }
0x18a: {  	s31 =	simm.s32 $0x3C;
	[sflag:s30] =	ssyncpa.u1 $0x1  }
0x18b: {  	s14 =	rddreg [dreg:$0x5];
	[sflag:s31] =	ssyncpa.u1 $0x1  }
0x18c: {  	_ =	sfence.stream.spmem;
	s0 =	simm.s32 $0x5  }
0x18d: {  	s2 =	simm.s32 $0x2000;
	s3 =	simm.s32 $0xE418;
	[sflag:s0] =	ssyncpa.u1 $0x0  }
0x18e: {  	[tilespmem:s3], [sflag:$0x5] =	stream.linear.gather [spmem:s2], $0x20, $0x38;
	[tilespmem:$0x1E678] =	vst v63  }
0x18f: {  	s26 =	simm.s32 $0x0;
	s28 =	simm.s32 $0xE438  }
0x190: {  	[tilespmem:s28], [sflag:$0x5] =	stream.linear.gather [spmem:s26], $0x2000, $0x38;
	[tilespmem:$0x1E678] =	vst v63  }
0x191: {  	_ =	swait.ge [sflag:s0], $0x2020  }
0x192: {  	[sflag:s0] =	ssyncset.done $0x0  }
0x193: {  	s29 =	simm.s32 $0x0;
	[sflag:s0] =	ssyncadd.s32 $0xFFFFDFE0  }
0x194: {  	v0 =	vld.msk [tilespmem:s29+$0xE418], $0x1;
	_ =	sdelay $0x1  }
0x195: {  	s30 =	simm.s32 $0x1  }
0x196: {  	v1 =	vld.msk [tilespmem:s30+$0xE418], $0x1;
	_ =	sdelay $0x1  }
0x197: {  	(v2sf) =	vpush v0, $0x0;
	_ =	sdelay $0x2  }
0x198: {  	(v2sf) =	vpush v1, $0x0;
	_ =	sdelay $0x2  }
0x199: {  	s31 =	simm.s32 $0x2  }
0x19a: {  	v0 =	vld.msk [tilespmem:s31+$0xE418], $0x1;
	_ =	sdelay $0x2  }
0x19b: {  	s2 =	simm.s32 $0xFFFFFFFF;
	s3 =	simm.s32 $0xFFFFFFFF;
	s0 =	simm.s32 $0xC  }
.LBB2_30:
0x19c: {  	s4 =	smov.u32 s3;
	s5 =	smov.u32 s2  }
0x19d: {  	s2 =	sshra.s32 s0, $0x2;
	p1 =	sne.s32 s0, $0x7C;
	s0 =	sadd.s32 $0x4, s0;
	(v2sf) =	vpush v0, $0x0  }
0x19e: {  	v0 =	vld.msk [tilespmem:s2+$0xE418], $0x1  }
.Ltmp24:
0x19f: {  	(pc) =	sbr.rel @p1 .LBB2_30-.Ltmp24, $4  }
0x1a0: {  	s3 =	spop (v2sf)  }
0x1a1: {  	p2 =	sne.s32 s5, $0xFFFFFFFF;
	s2 =	smov.u32 s3  }
0x1a2: {  	p3 =	seq.s32 s3, $0xFFFFFFFF;
	s2 =	smov.u32 @p2 s5  }
0x1a3: {  	s3 =	smov.u32 @p3 s4;
	s2 =	smov.u32 @p3 s5  }
0x1a4: {  	(v2sf) =	vpush v0, $0x0;
	_ =	sdelay $0x8  }
0x1a5: {  	s0 =	spop (v2sf)  }
0x1a6: {  	p1 =	sne.s32 s2, $0xFFFFFFFF;
	s9 =	simm.s32 $0x6;
	s4 =	smov.u32 s0  }
0x1a7: {  	s6 =	simm.s32 $0x0;
	p2 =	seq.s32 s0, $0xFFFFFFFF;
	s4 =	smov.u32 @p1 s2  }
0x1a8: {  	s10 =	simm.s32 $0xE308;
	s4 =	smov.u32 @p2 s2;
	s2 =	spop (v2sf)  }
0x1a9: {  	s0 =	smov.u32 @p2 s3;
	p1 =	sne.s32 s4, $0xFFFFFFFF;
	s5 =	smov.u32 s2  }
.Ltmp25:
0x1aa: {  	p2 =	seq.s32 s2, $0xFFFFFFFF;
	s5 =	smov.u32 @p1 s4;
	(pc) =	sbr.rel .LBB2_32-.Ltmp25, $4  }
0x1ab: {  	s11 =	simm.s32 $0xE388;
	s5 =	smov.u32 @p2 s4;
	s7 =	spop (v2sf)  }
0x1ac: {  	s12 =	simm.s32 $0x0;
	p1 =	sne.s32 s5, $0xFFFFFFFF;
	s8 =	smov.u32 s7  }
0x1ad: {  	s2 =	smov.u32 @p2 s0;
	p2 =	seq.s32 s7, $0xFFFFFFFF;
	s8 =	smov.u32 @p1 s5  }
0x1ae: {  	[sflag:s9] =	ssyncpa.u1 $0x0;
	s7 =	smov.u32 @p2 s2;
	s8 =	smov.u32 @p2 s5  }
.LBB2_38:
0x1af: {  	p1 =	sgt.u32 s0, $0x30FF70  }
0x1b0: {  	p2 =	seq.s32 @!p1 s0, s8  }
0x1b1: {  	p1 =	por p1, p2  }
0x1b2: {  	p2 =	sne.s32 @!p1 s0, s7  }
0x1b3: {  	p1 =	por p1, !p2  }
0x1b4: {  	s0 =	sshll.u32 @p1 s12, $0xA  }
0x1b5: {  	s2 =	sand.u32 @!p1 $0x3FFFF8, s0;
	s3 =	sand.u32 @!p1 $0x7, s0;
	s0 =	sadd.s32 @!p1 $0x80, s0  }
0x1b6: {  	s2 =	sadd.s32 @!p1 s1, s2;
	s0 =	sand.u32 @!p1 $0x7FFFF8, s0  }
0x1b7: {  	[tilespmem:s10], [sflag:$0x6] =	stream.linear.gather @!p1 [hbm4b:s2+s3], $0x80, $0x38;
	[tilespmem:$0x1E678] =	vst v63  }
0x1b8: {  	s0 =	sadd.s32 @!p1 s1, s0  }
0x1b9: {  	[tilespmem:s11], [sflag:$0x6] =	stream.linear.gather @!p1 [hbm4b:s0+s3], $0x80, $0x38;
	[tilespmem:$0x1E678] =	vst v63  }
0x1ba: {  	_ =	swait.ge @!p1 [sflag:s9], $0x100  }
0x1bb: {  	[sflag:s9] =	ssyncset.done @!p1 $0x0  }
0x1bc: {  	[sflag:s9] =	ssyncadd.s32 @!p1 $0xFFFFFF00  }
0x1bd: {  	v1 =	vld @!p1 [tilespmem:$0xE308];
	_ =	sdelay $0x2  }
0x1be: {  	s0 =	sshll.u32 @!p1 s12, $0xA  }
0x1bf: {  	s2 =	sshrl.u32 @!p1 s0, $0x2  }
0x1c0: {  	[tilespmem:s2+$0xE438] =	vst.add.f32.msk @!p1 $0xffff, v1  }
0x1c1: {  	v1 =	vld @!p1 [tilespmem:$0xE318];
	_ =	sdelay $0x4  }
0x1c2: {  	[tilespmem:s2+$0xE448] =	vst.add.f32.msk @!p1 $0xffff, v1  }
0x1c3: {  	v1 =	vld @!p1 [tilespmem:$0xE328];
	_ =	sdelay $0x4  }
0x1c4: {  	[tilespmem:s2+$0xE458] =	vst.add.f32.msk @!p1 $0xffff, v1  }
0x1c5: {  	v1 =	vld @!p1 [tilespmem:$0xE338];
	_ =	sdelay $0x4  }
0x1c6: {  	[tilespmem:s2+$0xE468] =	vst.add.f32.msk @!p1 $0xffff, v1  }
0x1c7: {  	v1 =	vld @!p1 [tilespmem:$0xE348];
	_ =	sdelay $0x4  }
0x1c8: {  	[tilespmem:s2+$0xE478] =	vst.add.f32.msk @!p1 $0xffff, v1  }
0x1c9: {  	v1 =	vld @!p1 [tilespmem:$0xE358];
	_ =	sdelay $0x4  }
0x1ca: {  	[tilespmem:s2+$0xE488] =	vst.add.f32.msk @!p1 $0xffff, v1  }
0x1cb: {  	v1 =	vld @!p1 [tilespmem:$0xE368];
	_ =	sdelay $0x4  }
0x1cc: {  	[tilespmem:s2+$0xE498] =	vst.add.f32.msk @!p1 $0xffff, v1  }
0x1cd: {  	v1 =	vld @!p1 [tilespmem:$0xE378];
	_ =	sdelay $0x4  }
0x1ce: {  	[tilespmem:s2+$0xE4A8] =	vst.add.f32.msk @!p1 $0xffff, v1  }
0x1cf: {  	v1 =	vld @!p1 [tilespmem:$0xE388];
	_ =	sdelay $0x4  }
0x1d0: {  	[tilespmem:s2+$0xE4B8] =	vst.add.f32.msk @!p1 $0xffff, v1  }
0x1d1: {  	v1 =	vld @!p1 [tilespmem:$0xE398];
	_ =	sdelay $0x4  }
0x1d2: {  	[tilespmem:s2+$0xE4C8] =	vst.add.f32.msk @!p1 $0xffff, v1  }
0x1d3: {  	v1 =	vld @!p1 [tilespmem:$0xE3A8];
	_ =	sdelay $0x4  }
0x1d4: {  	[tilespmem:s2+$0xE4D8] =	vst.add.f32.msk @!p1 $0xffff, v1  }
0x1d5: {  	v1 =	vld @!p1 [tilespmem:$0xE3B8];
	_ =	sdelay $0x4  }
0x1d6: {  	[tilespmem:s2+$0xE4E8] =	vst.add.f32.msk @!p1 $0xffff, v1  }
0x1d7: {  	v1 =	vld @!p1 [tilespmem:$0xE3C8];
	_ =	sdelay $0x4  }
0x1d8: {  	[tilespmem:s2+$0xE4F8] =	vst.add.f32.msk @!p1 $0xffff, v1  }
0x1d9: {  	v1 =	vld @!p1 [tilespmem:$0xE3D8];
	_ =	sdelay $0x4  }
0x1da: {  	[tilespmem:s2+$0xE508] =	vst.add.f32.msk @!p1 $0xffff, v1  }
0x1db: {  	v1 =	vld @!p1 [tilespmem:$0xE3E8];
	_ =	sdelay $0x4  }
0x1dc: {  	[tilespmem:s2+$0xE518] =	vst.add.f32.msk @!p1 $0xffff, v1  }
0x1dd: {  	v1 =	vld @!p1 [tilespmem:$0xE3F8];
	_ =	sdelay $0x4  }
0x1de: {  	[tilespmem:s2+$0xE528] =	vst.add.f32.msk @!p1 $0xffff, v1  }
0x1df: {  	s0 =	sshrl.u32 s0, $0x2;
	[tilespmem:s6+$0xE418] =	vst.msk $0x1, v0  }
0x1e0: {  	v0 =	vld [tilespmem:s0+$0xE438];
	_ =	sdelay $0x2  }
0x1e1: {  	s31 =	sshll.u32 s6, $0xA  }
0x1e2: {  	s2 =	sshra.s32 s31, $0x2  }
0x1e3: {  	[tilespmem:s2+$0xE438] =	vst v0  }
0x1e4: {  	v0 =	vld [tilespmem:s0+$0xE448];
	_ =	sdelay $0x4  }
0x1e5: {  	[tilespmem:s2+$0xE448] =	vst v0  }
0x1e6: {  	v0 =	vld [tilespmem:s0+$0xE458];
	_ =	sdelay $0x4  }
0x1e7: {  	[tilespmem:s2+$0xE458] =	vst v0  }
0x1e8: {  	v0 =	vld [tilespmem:s0+$0xE468];
	_ =	sdelay $0x4  }
0x1e9: {  	[tilespmem:s2+$0xE468] =	vst v0  }
0x1ea: {  	v0 =	vld [tilespmem:s0+$0xE478];
	_ =	sdelay $0x4  }
0x1eb: {  	[tilespmem:s2+$0xE478] =	vst v0  }
0x1ec: {  	v0 =	vld [tilespmem:s0+$0xE488];
	_ =	sdelay $0x4  }
0x1ed: {  	[tilespmem:s2+$0xE488] =	vst v0  }
0x1ee: {  	v0 =	vld [tilespmem:s0+$0xE498];
	_ =	sdelay $0x4  }
0x1ef: {  	[tilespmem:s2+$0xE498] =	vst v0  }
0x1f0: {  	v0 =	vld [tilespmem:s0+$0xE4A8];
	_ =	sdelay $0x4  }
0x1f1: {  	[tilespmem:s2+$0xE4A8] =	vst v0  }
0x1f2: {  	v0 =	vld [tilespmem:s0+$0xE4B8];
	_ =	sdelay $0x4  }
0x1f3: {  	[tilespmem:s2+$0xE4B8] =	vst v0  }
0x1f4: {  	v0 =	vld [tilespmem:s0+$0xE4C8];
	_ =	sdelay $0x4  }
0x1f5: {  	[tilespmem:s2+$0xE4C8] =	vst v0  }
0x1f6: {  	v0 =	vld [tilespmem:s0+$0xE4D8];
	_ =	sdelay $0x4  }
0x1f7: {  	[tilespmem:s2+$0xE4D8] =	vst v0  }
0x1f8: {  	v0 =	vld [tilespmem:s0+$0xE4E8];
	_ =	sdelay $0x4  }
0x1f9: {  	[tilespmem:s2+$0xE4E8] =	vst v0  }
0x1fa: {  	v0 =	vld [tilespmem:s0+$0xE4F8];
	_ =	sdelay $0x4  }
0x1fb: {  	[tilespmem:s2+$0xE4F8] =	vst v0  }
0x1fc: {  	v0 =	vld [tilespmem:s0+$0xE508];
	_ =	sdelay $0x4  }
0x1fd: {  	[tilespmem:s2+$0xE508] =	vst v0  }
0x1fe: {  	v0 =	vld [tilespmem:s0+$0xE518];
	_ =	sdelay $0x4  }
0x1ff: {  	[tilespmem:s2+$0xE518] =	vst v0  }
0x200: {  	v0 =	vld [tilespmem:s0+$0xE528];
	_ =	sdelay $0x4  }
0x201: {  	s6 =	sadd.s32 $0x1, s6;
	[tilespmem:s2+$0xE528] =	vst v0  }
.LBB2_39:
0x202: {  	s12 =	sadd.s32 $0x1, s12  }
0x203: {  	p1 =	sne.s32 s12, $0x20  }
.Ltmp26:
0x204: {  	_ = 	snop;
	(pc) =	sbr.rel @!p1 .LBB2_40-.Ltmp26, $1  }
0x205: {  	_ =	sdelay $0x3  }
.LBB2_32:
0x206: {  	v0 =	vld.msk [tilespmem:s12+$0xE418], $0x1;
	_ =	sdelay $0x4  }
0x207: {  	(v2sf) =	vpush v0, $0x0;
	_ =	sdelay $0xe  }
0x208: {  	s0 =	spop (v2sf)  }
0x209: {  	p1 =	seq.s32 s0, $0xFFFFFFFF  }
.Ltmp27:
0x20a: {  	_ = 	snop;
	(pc) =	sbr.rel @p1 .LBB2_39-.Ltmp27, $1  }
0x20b: {  	_ =	sdelay $0x3  }
0x20c: {  	p1 =	slt.s32 s6, $0x1  }
.Ltmp28:
0x20d: {  	_ = 	snop;
	(pc) =	sbr.rel @p1 .LBB2_38-.Ltmp28, $1  }
0x20e: {  	_ =	sdelay $0x3  }
0x20f: {  	s2 =	simm.s32 $0xE418;
	p1 =	por $0x0, $0x0  }
0x210: {  	v1 =	vld.msk @!p1 [tilespmem:s2+$0x0], $0x1;
	_ =	sdelay $0x4  }
0x211: {  	(v2sf) =	vpush @!p1 v1, $0x0;
	_ =	sdelay $0xd  }
0x212: {  	p3 =	sne.s32 s6, $0x1  }
.Ltmp29:
0x213: {  	s3 =	spop @!p1 (v2sf);
	(pc) =	sbr.rel @!p3 .LBB2_36-.Ltmp29, $4  }
0x214: {  	p2 =	seq.s32 @!p1 s0, s3  }
0x215: {  	s4 =	simm.s32 $0x0;
	p2 =	por !p2, p1  }
0x216: {  	s3 =	simm.s32 $0xFFFFFFFF;
	s4 =	simm.s32 @p2 $0xFFFFFFFF  }
0x217: {  	s5 =	simm.s32 $0x1;
	s4 =	smov.u32 @p1 s3  }
.LBB2_35:
0x218: {  	s3 =	smov.u32 s4;
	p1 =	sne.s32 s4, $0xFFFFFFFF  }
0x219: {  	s2 =	sadd.s32 $0x1, s2;
	s4 =	smov.u32 s5;
	s5 =	sadd.s32 $0x1, s5  }
0x21a: {  	p2 =	sne.s32 s6, s5;
	v1 =	vld.msk @!p1 [tilespmem:s2+$0x0], $0x1;
	_ =	sdelay $0x4  }
0x21b: {  	(v2sf) =	vpush @!p1 v1, $0x0;
	_ =	sdelay $0xe  }
.Ltmp30:
0x21c: {  	s13 =	spop @!p1 (v2sf);
	(pc) =	sbr.rel @p2 .LBB2_35-.Ltmp30, $4  }
0x21d: {  	p3 =	seq.s32 @!p1 s0, s13  }
0x21e: {  	p3 =	por !p3, p1  }
0x21f: {  	s4 =	simm.s32 @p3 $0xFFFFFFFF  }
0x220: {  	s4 =	smov.u32 @p1 s3  }
.LBB2_36:
0x221: {  	p1 =	seq.s32 s4, $0xFFFFFFFF  }
.Ltmp31:
0x222: {  	_ = 	snop;
	(pc) =	sbr.rel @p1 .LBB2_38-.Ltmp31, $1  }
0x223: {  	_ =	sdelay $0x3  }
0x224: {  	s0 =	sshll.u32 s12, $0x8  }
0x225: {  	s0 =	sand.u32 $0x3FFFFF00, s0  }
0x226: {  	v0 =	vld [tilespmem:s0+$0xE438];
	_ =	sdelay $0x2  }
0x227: {  	s2 =	sshll.u32 s4, $0xA  }
0x228: {  	s2 =	sshra.s32 s2, $0x2  }
0x229: {  	[tilespmem:s2+$0xE438] =	vst.add.f32.msk $0xffff, v0  }
0x22a: {  	v0 =	vld [tilespmem:s0+$0xE448];
	_ =	sdelay $0x4  }
0x22b: {  	[tilespmem:s2+$0xE448] =	vst.add.f32.msk $0xffff, v0  }
0x22c: {  	v0 =	vld [tilespmem:s0+$0xE458];
	_ =	sdelay $0x4  }
0x22d: {  	[tilespmem:s2+$0xE458] =	vst.add.f32.msk $0xffff, v0  }
0x22e: {  	v0 =	vld [tilespmem:s0+$0xE468];
	_ =	sdelay $0x4  }
0x22f: {  	[tilespmem:s2+$0xE468] =	vst.add.f32.msk $0xffff, v0  }
0x230: {  	v0 =	vld [tilespmem:s0+$0xE478];
	_ =	sdelay $0x4  }
0x231: {  	[tilespmem:s2+$0xE478] =	vst.add.f32.msk $0xffff, v0  }
0x232: {  	v0 =	vld [tilespmem:s0+$0xE488];
	_ =	sdelay $0x4  }
0x233: {  	[tilespmem:s2+$0xE488] =	vst.add.f32.msk $0xffff, v0  }
0x234: {  	v0 =	vld [tilespmem:s0+$0xE498];
	_ =	sdelay $0x4  }
0x235: {  	[tilespmem:s2+$0xE498] =	vst.add.f32.msk $0xffff, v0  }
0x236: {  	v0 =	vld [tilespmem:s0+$0xE4A8];
	_ =	sdelay $0x4  }
0x237: {  	[tilespmem:s2+$0xE4A8] =	vst.add.f32.msk $0xffff, v0  }
0x238: {  	v0 =	vld [tilespmem:s0+$0xE4B8];
	_ =	sdelay $0x4  }
0x239: {  	[tilespmem:s2+$0xE4B8] =	vst.add.f32.msk $0xffff, v0  }
0x23a: {  	v0 =	vld [tilespmem:s0+$0xE4C8];
	_ =	sdelay $0x4  }
0x23b: {  	[tilespmem:s2+$0xE4C8] =	vst.add.f32.msk $0xffff, v0  }
0x23c: {  	v0 =	vld [tilespmem:s0+$0xE4D8];
	_ =	sdelay $0x4  }
0x23d: {  	[tilespmem:s2+$0xE4D8] =	vst.add.f32.msk $0xffff, v0  }
0x23e: {  	v0 =	vld [tilespmem:s0+$0xE4E8];
	_ =	sdelay $0x4  }
0x23f: {  	[tilespmem:s2+$0xE4E8] =	vst.add.f32.msk $0xffff, v0  }
0x240: {  	v0 =	vld [tilespmem:s0+$0xE4F8];
	_ =	sdelay $0x4  }
0x241: {  	[tilespmem:s2+$0xE4F8] =	vst.add.f32.msk $0xffff, v0  }
0x242: {  	v0 =	vld [tilespmem:s0+$0xE508];
	_ =	sdelay $0x4  }
0x243: {  	[tilespmem:s2+$0xE508] =	vst.add.f32.msk $0xffff, v0  }
0x244: {  	v0 =	vld [tilespmem:s0+$0xE518];
	_ =	sdelay $0x4  }
0x245: {  	[tilespmem:s2+$0xE518] =	vst.add.f32.msk $0xffff, v0  }
0x246: {  	v0 =	vld [tilespmem:s0+$0xE528]  }
.Ltmp32:
0x247: {  	_ = 	snop;
	(pc) =	sbr.rel .LBB2_39-.Ltmp32, $2  }
0x248: {  	_ =	sdelay $0x2  }
0x249: {  	[tilespmem:s2+$0xE528] =	vst.add.f32.msk $0xffff, v0  }
.LBB2_40:
0x24a: {  	s0 =	simm.s32 $0x6;
	p1 =	seq.s32 s6, $0x0  }
0x24b: {  	[sflag:s0] =	ssyncpa.u1 $0x1;
	v0 =	vimm.s32 @p1 $0xFFFFFFFF  }
0x24c: {  	s0 =	sadd.s32 $0xFFFFFFFF, s6;
	[tilespmem:$0x10438] =	vst @p1 v0  }
0x24d: {  	v0 =	vld.msk @!p1 [tilespmem:s0+$0xE418], $0x1;
	_ =	sdelay $0x1  }
0x24e: {  	v1 =	vld.msk @!p1 [tilespmem:$0xE418], $0x1;
	_ =	sdelay $0x2  }
0x24f: {  	p2 =	seq.s32 @!p1 s0, $0x0;
	v0 =	vbroadcast @!p1 v0, $0x0  }
0x250: {  	vm0 =	vmmov @!p1 $0x1;
	p2 =	por !p2, p1  }
0x251: {  	v1 =	vnsel @!p1 vm0, $0xFFFFFFFF, v1;
	vm0 =	vcmask @!p1 $0x308;
	v0 =	vpsel !p2, $0xFFFFFFFF, v0  }
0x252: {  	p2 =	sne.s32 @!p1 s8, s7;
	v0 =	vsel @!p1 vm0, v1, v0  }
0x253: {  	s2 =	simm.s32 @!p1 $0xE438;
	s3 =	simm.s32 @!p1 $0x0;
	p3 =	por !p2, p1;
	[tilespmem:$0x10438] =	vst @!p1 v0  }
0x254: {  	[spmem:s3] =	stream.linear.scatter @!p1 [tilespmem:s2], [sflag:$0x1], $0x100, $0x38;
	[tilespmem:$0x1E678] =	vst v63  }
0x255: {  	s2 =	sshll.u32 @!p3 s0, $0xA  }
0x256: {  	s2 =	sshra.s32 @!p3 s2, $0x2  }
0x257: {  	s3 =	simm.s32 @!p3 $0x100;
	s2 =	sadd.s32 @!p3 $0xE438, s2  }
0x258: {  	[spmem:s3] =	stream.linear.scatter @!p3 [tilespmem:s2], [sflag:$0x1], $0x100, $0x38;
	[tilespmem:$0x1E678] =	vst v63  }
0x259: {  	s2 =	simm.s32 @!p3 $0x1  }
0x25a: {  	_ =	swait.ge @!p3 [sflag:s2], $0x200  }
0x25b: {  	p1 =	por p2, p1;
	[sflag:s2] =	ssyncset.done @!p3 $0x0  }
0x25c: {  	[sflag:s2] =	ssyncadd.s32 @!p3 $0xFFFFFE00;
	s2 =	simm.s32 @!p1 $0x1  }
0x25d: {  	_ =	swait.ge @!p1 [sflag:s2], $0x100  }
0x25e: {  	s29 =	simm.s32 $0x10438;
	[sflag:s2] =	ssyncset.done @!p1 $0x0  }
0x25f: {  	s30 =	simm.s32 $0x2000;
	s31 =	simm.s32 $0x1;
	[sflag:s2] =	ssyncadd.s32 @!p1 $0xFFFFFF00  }
0x260: {  	[spmem:s30] =	stream.linear.scatter [tilespmem:s29], [sflag:$0x1], $0x10, $0x38;
	[tilespmem:$0x1E678] =	vst v63  }
0x261: {  	_ =	swait.ge [sflag:s31], $0x10  }
0x262: {  	[sflag:s31] =	ssyncset.done $0x0  }
0x263: {  	p1 =	seq.s32 s14, $0x0;
	s9 =	rddreg [dreg:$0x2];
	[sflag:s31] =	ssyncadd.s32 $0xFFFFFFF0  }
0x264: {  	s3 =	sshll.u32 @p1 s9, $0xE;
	s8 =	rddreg [dreg:$0x3]  }
0x265: {  	s2 =	sadd.s32 @p1 $0x15C3C, s3;
	s3 =	sshll.u32 @p1 s8, $0x11  }
0x266: {  	_ =	sfence.stream.spmem;
	s2 =	sor.u32 @p1 s3, s2  }
0x267: {  	[sflag:s2] =	ssyncadd.remote.s32 @p1 $0x1;
	s2 =	simm.s32 @p1 $0x4  }
0x268: {  	s4 =	simm.s32 @!p1 $0x3C;
	s3 =	sand.u32 $0xFFFFFFFE, s9;
	_ =	swait.ge @p1 [sflag:s2], $0x42  }
0x269: {  	s5 =	simm.s32 @!p1 $0x0;
	s3 =	sadd.s32 @!p1 $0x4, s3;
	[sflag:s2] =	ssyncset.done @p1 $0x0  }
0x26a: {  	s7 =	simm.s32 @!p1 $0x200;
	[sflag:s2] =	ssyncadd.s32 @p1 $0xFFFFFFBE;
	s2 =	sshll.u32 @!p1 s3, $0x1A  }
0x26b: {  	s3 =	sshll.u32 @!p1 s3, $0xD;
	s2 =	sor.u32 @!p1 s2, s8;
	_ =	swait.eq @!p1 [sflag:s4], $0x1  }
0x26c: {  	s3 =	sor.u32 @!p1 $0x1C04, s3;
	s4 =	simm.s32 @!p1 $0x1C03;
	s2 =	sor.u32 @!p1 $0x80004000, s2  }
0x26d: {  	[spmem:s7], [sflag:s3] =	dma.general @!p1 [spmem:s5], [sflag:s4], length:$0x40, [dreg:$0x0], stride_count:$0x0, ici_dest:s2, dma_misc:DstOpCode:WRITE  }
0x26e: {  	p2 =	slt.s32 s0, $0x2;
	s5 =	simm.s32 @!p1 $0x400;
	s7 =	simm.s32 @!p1 $0x402  }
0x26f: {  	[spmem:s7], [sflag:s3] =	dma.general @!p1 [spmem:s5], [sflag:s4], length:$0x2, [dreg:$0x0], stride_count:$0x0, ici_dest:s2, dma_misc:DstOpCode:WRITE  }
.Ltmp33:
0x270: {  	s2 =	simm.s32 @!p1 $0x3;
	(pc) =	sbr.rel @p2 .LBB2_44-.Ltmp33, $4  }
0x271: {  	s3 =	sshll.u32 @!p1 s9, $0xE;
	_ =	swait.ge @!p1 [sflag:s2], $0x42  }
0x272: {  	s4 =	sshll.u32 @!p1 s8, $0x11;
	s3 =	sadd.s32 @!p1 $0x11C3C, s3;
	[sflag:s2] =	ssyncset.done @!p1 $0x0  }
0x273: {  	[sflag:s2] =	ssyncadd.s32 @!p1 $0xFFFFFFBE;
	s2 =	sor.u32 @!p1 s4, s3  }
0x274: {  	s0 =	simm.s32 $0x0;
	[sflag:s2] =	ssyncadd.remote.s32 @!p1 $0xFFFFFFFF  }
0x275: {  	s0 =	simm.s32 $0xE419  }
0x276: {  	v0 =	vld.msk [tilespmem:s0+$0x0], $0x1;
	_ =	sdelay $0x4  }
0x277: {  	(v2sf) =	vpush v0, $0x0;
	_ =	sdelay $0xd  }
0x278: {  	s31 =	sadd.s32 $0xFFFFFFFE, s6  }
0x279: {  	s5 =	simm.s32 $0x0;
	s0 =	sadd.s32 $0xFFFFFFFF, s31;
	s3 =	spop (v2sf)  }
0x27a: {  	s4 =	simm.s32 $0xE538;
	p1 =	sne.s32 s0, $0x0;
	p2 =	sgt.u32 s3, $0x30FF70  }
.Ltmp34:
0x27b: {  	s2 =	simm.s32 $0xE638;
	s6 =	sand.u32 @!p2 $0x3FFFF8, s3;
	(pc) =	sbr.rel @!p1 .LBB2_43-.Ltmp34, $4  }
0x27c: {  	s7 =	sadd.s32 @!p2 $0x80, s3;
	s3 =	sand.u32 @!p2 $0x7, s3;
	s5 =	simm.s32 @!p2 $0x400  }
0x27d: {  	s6 =	sadd.s32 @!p2 s1, s6;
	s7 =	sand.u32 @!p2 $0x7FFFF8, s7;
	s5 =	sadd.s32 $0x0, s5  }
0x27e: {  	[hbm4b:s6+s3] =	stream.linear.scatter @!p2 [tilespmem:s4], [sflag:$0x5], $0x80, $0x38;
	[tilespmem:$0x1E678] =	vst v63  }
0x27f: {  	s4 =	simm.s32 $0xE41A;
	s6 =	simm.s32 @!p2 $0xE5B8;
	s7 =	sadd.s32 @!p2 s1, s7  }
.LBB2_42:
0x280: {  	[hbm4b:s7+s3] =	stream.linear.scatter @!p2 [tilespmem:s6], [sflag:$0x5], $0x80, $0x38;
	[tilespmem:$0x1E678] =	vst v63  }
0x281: {  	s0 =	sadd.s32 $0xFFFFFFFF, s0;
	s6 =	smov.u32 s2;
	v0 =	vld.msk [tilespmem:s4+$0x0], $0x1  }
0x282: {  	p1 =	sne.s32 s0, $0x0;
	_ =	sdelay $0x3  }
0x283: {  	(v2sf) =	vpush v0, $0x0;
	_ =	sdelay $0xe  }
0x284: {  	s2 =	sadd.s32 $0x100, s2;
	s8 =	simm.s32 $0x0;
	s3 =	spop (v2sf)  }
.Ltmp35:
0x285: {  	s4 =	sadd.s32 $0x1, s4;
	p2 =	sgt.u32 s3, $0x30FF70;
	(pc) =	sbr.rel @p1 .LBB2_42-.Ltmp35, $4  }
0x286: {  	s8 =	simm.s32 @!p2 $0x400;
	s7 =	sand.u32 @!p2 $0x3FFFF8, s3;
	s9 =	sadd.s32 @!p2 $0x80, s3  }
0x287: {  	s3 =	sand.u32 @!p2 $0x7, s3;
	s7 =	sadd.s32 @!p2 s1, s7;
	s9 =	sand.u32 @!p2 $0x7FFFF8, s9  }
0x288: {  	[hbm4b:s7+s3] =	stream.linear.scatter @!p2 [tilespmem:s6], [sflag:$0x5], $0x80, $0x38;
	[tilespmem:$0x1E678] =	vst v63  }
0x289: {  	s5 =	sadd.s32 s5, s8;
	s6 =	sadd.s32 @!p2 $0x80, s6;
	s7 =	sadd.s32 @!p2 s1, s9  }
.LBB2_43:
0x28a: {  	[hbm4b:s7+s3] =	stream.linear.scatter @!p2 [tilespmem:s6], [sflag:$0x5], $0x80, $0x38;
	[tilespmem:$0x1E678] =	vst v63  }
0x28b: {  	s0 =	sshrl.u32 s5, $0x2  }
.LBB2_44:
0x28c: {  	s2 =	simm.s32 $0x5  }
0x28d: {  	_ =	swait.ge [sflag:s2], s0  }
0x28e: {  	s31 =	ssub.s32 $0x0, s0;
	[sflag:s2] =	ssyncset.done $0x0  }
0x28f: {  	[sflag:s2] =	ssyncadd.s32 s31  }
0x290: {  	[sflag:s2] =	ssyncpa.u1 $0x1  }
.LBB2_45:
0x291: {  	s0 =	sor.u32 s14, s15  }
0x292: {  	p1 =	sne.s32 s0, $0x0  }
.Ltmp36:
0x293: {  	_ = 	snop;
	(pc) =	sbr.rel @p1 .LBB2_60-.Ltmp36, $3  }
0x294: {  	_ =	sdelay $0x1  }
0x295: {  	[bflag:$0x0] =	sbarrier.arrive $0xFFFF  }
0x296: {  	_ =	sfence  }
0x297: {  	s0 =	simm.s32 $0x7  }
0x298: {  	s2 =	simm.s32 $0x2000;
	s3 =	simm.s32 $0xE418;
	[sflag:s0] =	ssyncpa.u1 $0x0  }
0x299: {  	[tilespmem:s3], [sflag:$0x7] =	stream.linear.gather [spmem:s2], $0x20, $0x38;
	[tilespmem:$0x1E678] =	vst v63  }
0x29a: {  	s30 =	simm.s32 $0xE438;
	s2 =	simm.s32 $0x0  }
0x29b: {  	[tilespmem:s30], [sflag:$0x7] =	stream.linear.gather [spmem:s2], $0x2000, $0x38;
	[tilespmem:$0x1E678] =	vst v63  }
.Ltmp37:
0x29c: {  	_ = 	snop;
	(pc) =	sbr.rel .LBB2_47-.Ltmp37, $4  }
0x29d: {  	_ =	swait.ge [sflag:s0], $0x2020  }
0x29e: {  	[sflag:s0] =	ssyncset.done $0x0  }
0x29f: {  	s31 =	simm.s32 $0x8;
	[sflag:s0] =	ssyncadd.s32 $0xFFFFDFE0  }
0x2a0: {  	s3 =	simm.s32 $0x0;
	[sflag:s31] =	ssyncpa.u1 $0x0  }
.LBB2_53:
0x2a1: {  	p1 =	slt.u32 s0, $0x30FF71  }
0x2a2: {  	s4 =	sand.u32 @p1 $0x3FFFF8, s0;
	s5 =	sand.u32 @p1 $0x7, s0;
	s0 =	sadd.s32 @p1 $0x80, s0  }
0x2a3: {  	s6 =	simm.s32 @p1 $0xE308;
	s4 =	sadd.s32 @p1 s1, s4;
	s0 =	sand.u32 @p1 $0x7FFFF8, s0  }
0x2a4: {  	[tilespmem:s6], [sflag:$0x8] =	stream.linear.gather @p1 [hbm4b:s4+s5], $0x80, $0x38;
	[tilespmem:$0x1E678] =	vst v63  }
0x2a5: {  	s0 =	sadd.s32 @p1 s1, s0;
	s4 =	simm.s32 @p1 $0xE388  }
0x2a6: {  	[tilespmem:s4], [sflag:$0x8] =	stream.linear.gather @p1 [hbm4b:s0+s5], $0x80, $0x38;
	[tilespmem:$0x1E678] =	vst v63  }
0x2a7: {  	s0 =	simm.s32 @p1 $0x8  }
0x2a8: {  	_ =	swait.ge @p1 [sflag:s0], $0x100  }
0x2a9: {  	[sflag:s0] =	ssyncset.done @p1 $0x0  }
0x2aa: {  	[sflag:s0] =	ssyncadd.s32 @p1 $0xFFFFFF00  }
0x2ab: {  	v1 =	vld @p1 [tilespmem:$0xE308];
	_ =	sdelay $0x2  }
0x2ac: {  	s0 =	sshll.u32 @p1 s3, $0xA  }
0x2ad: {  	s4 =	sshrl.u32 @p1 s0, $0x2  }
0x2ae: {  	[tilespmem:s4+$0xE438] =	vst.add.f32.msk @p1 $0xffff, v1  }
0x2af: {  	v1 =	vld @p1 [tilespmem:$0xE318];
	_ =	sdelay $0x4  }
0x2b0: {  	[tilespmem:s4+$0xE448] =	vst.add.f32.msk @p1 $0xffff, v1  }
0x2b1: {  	v1 =	vld @p1 [tilespmem:$0xE328];
	_ =	sdelay $0x4  }
0x2b2: {  	[tilespmem:s4+$0xE458] =	vst.add.f32.msk @p1 $0xffff, v1  }
0x2b3: {  	v1 =	vld @p1 [tilespmem:$0xE338];
	_ =	sdelay $0x4  }
0x2b4: {  	[tilespmem:s4+$0xE468] =	vst.add.f32.msk @p1 $0xffff, v1  }
0x2b5: {  	v1 =	vld @p1 [tilespmem:$0xE348];
	_ =	sdelay $0x4  }
0x2b6: {  	[tilespmem:s4+$0xE478] =	vst.add.f32.msk @p1 $0xffff, v1  }
0x2b7: {  	v1 =	vld @p1 [tilespmem:$0xE358];
	_ =	sdelay $0x4  }
0x2b8: {  	[tilespmem:s4+$0xE488] =	vst.add.f32.msk @p1 $0xffff, v1  }
0x2b9: {  	v1 =	vld @p1 [tilespmem:$0xE368];
	_ =	sdelay $0x4  }
0x2ba: {  	[tilespmem:s4+$0xE498] =	vst.add.f32.msk @p1 $0xffff, v1  }
0x2bb: {  	v1 =	vld @p1 [tilespmem:$0xE378];
	_ =	sdelay $0x4  }
0x2bc: {  	[tilespmem:s4+$0xE4A8] =	vst.add.f32.msk @p1 $0xffff, v1  }
0x2bd: {  	v1 =	vld @p1 [tilespmem:$0xE388];
	_ =	sdelay $0x4  }
0x2be: {  	[tilespmem:s4+$0xE4B8] =	vst.add.f32.msk @p1 $0xffff, v1  }
0x2bf: {  	v1 =	vld @p1 [tilespmem:$0xE398];
	_ =	sdelay $0x4  }
0x2c0: {  	[tilespmem:s4+$0xE4C8] =	vst.add.f32.msk @p1 $0xffff, v1  }
0x2c1: {  	v1 =	vld @p1 [tilespmem:$0xE3A8];
	_ =	sdelay $0x4  }
0x2c2: {  	[tilespmem:s4+$0xE4D8] =	vst.add.f32.msk @p1 $0xffff, v1  }
0x2c3: {  	v1 =	vld @p1 [tilespmem:$0xE3B8];
	_ =	sdelay $0x4  }
0x2c4: {  	[tilespmem:s4+$0xE4E8] =	vst.add.f32.msk @p1 $0xffff, v1  }
0x2c5: {  	v1 =	vld @p1 [tilespmem:$0xE3C8];
	_ =	sdelay $0x4  }
0x2c6: {  	[tilespmem:s4+$0xE4F8] =	vst.add.f32.msk @p1 $0xffff, v1  }
0x2c7: {  	v1 =	vld @p1 [tilespmem:$0xE3D8];
	_ =	sdelay $0x4  }
0x2c8: {  	[tilespmem:s4+$0xE508] =	vst.add.f32.msk @p1 $0xffff, v1  }
0x2c9: {  	v1 =	vld @p1 [tilespmem:$0xE3E8];
	_ =	sdelay $0x4  }
0x2ca: {  	[tilespmem:s4+$0xE518] =	vst.add.f32.msk @p1 $0xffff, v1  }
0x2cb: {  	v1 =	vld @p1 [tilespmem:$0xE3F8];
	_ =	sdelay $0x3  }
0x2cc: {  	s5 =	sshll.u32 @!p1 s3, $0xA  }
0x2cd: {  	s5 =	smov.u32 @p1 s0;
	[tilespmem:s4+$0xE528] =	vst.add.f32.msk @p1 $0xffff, v1  }
0x2ce: {  	s0 =	sshrl.u32 s5, $0x2;
	[tilespmem:s2+$0xE418] =	vst.msk $0x1, v0  }
0x2cf: {  	v0 =	vld [tilespmem:s0+$0xE438];
	_ =	sdelay $0x2  }
0x2d0: {  	s31 =	sshll.u32 s2, $0xA  }
0x2d1: {  	s4 =	sshra.s32 s31, $0x2  }
0x2d2: {  	[tilespmem:s4+$0xE438] =	vst v0  }
0x2d3: {  	v0 =	vld [tilespmem:s0+$0xE448];
	_ =	sdelay $0x4  }
0x2d4: {  	[tilespmem:s4+$0xE448] =	vst v0  }
0x2d5: {  	v0 =	vld [tilespmem:s0+$0xE458];
	_ =	sdelay $0x4  }
0x2d6: {  	[tilespmem:s4+$0xE458] =	vst v0  }
0x2d7: {  	v0 =	vld [tilespmem:s0+$0xE468];
	_ =	sdelay $0x4  }
0x2d8: {  	[tilespmem:s4+$0xE468] =	vst v0  }
0x2d9: {  	v0 =	vld [tilespmem:s0+$0xE478];
	_ =	sdelay $0x4  }
0x2da: {  	[tilespmem:s4+$0xE478] =	vst v0  }
0x2db: {  	v0 =	vld [tilespmem:s0+$0xE488];
	_ =	sdelay $0x4  }
0x2dc: {  	[tilespmem:s4+$0xE488] =	vst v0  }
0x2dd: {  	v0 =	vld [tilespmem:s0+$0xE498];
	_ =	sdelay $0x4  }
0x2de: {  	[tilespmem:s4+$0xE498] =	vst v0  }
0x2df: {  	v0 =	vld [tilespmem:s0+$0xE4A8];
	_ =	sdelay $0x4  }
0x2e0: {  	[tilespmem:s4+$0xE4A8] =	vst v0  }
0x2e1: {  	v0 =	vld [tilespmem:s0+$0xE4B8];
	_ =	sdelay $0x4  }
0x2e2: {  	[tilespmem:s4+$0xE4B8] =	vst v0  }
0x2e3: {  	v0 =	vld [tilespmem:s0+$0xE4C8];
	_ =	sdelay $0x4  }
0x2e4: {  	[tilespmem:s4+$0xE4C8] =	vst v0  }
0x2e5: {  	v0 =	vld [tilespmem:s0+$0xE4D8];
	_ =	sdelay $0x4  }
0x2e6: {  	[tilespmem:s4+$0xE4D8] =	vst v0  }
0x2e7: {  	v0 =	vld [tilespmem:s0+$0xE4E8];
	_ =	sdelay $0x4  }
0x2e8: {  	[tilespmem:s4+$0xE4E8] =	vst v0  }
0x2e9: {  	v0 =	vld [tilespmem:s0+$0xE4F8];
	_ =	sdelay $0x4  }
0x2ea: {  	[tilespmem:s4+$0xE4F8] =	vst v0  }
0x2eb: {  	v0 =	vld [tilespmem:s0+$0xE508];
	_ =	sdelay $0x4  }
0x2ec: {  	[tilespmem:s4+$0xE508] =	vst v0  }
0x2ed: {  	v0 =	vld [tilespmem:s0+$0xE518];
	_ =	sdelay $0x4  }
0x2ee: {  	[tilespmem:s4+$0xE518] =	vst v0  }
0x2ef: {  	v0 =	vld [tilespmem:s0+$0xE528];
	_ =	sdelay $0x4  }
0x2f0: {  	s2 =	sadd.s32 $0x1, s2;
	[tilespmem:s4+$0xE528] =	vst v0  }
.LBB2_54:
0x2f1: {  	s3 =	sadd.s32 $0x1, s3  }
0x2f2: {  	p1 =	sne.s32 s3, $0x20  }
.Ltmp38:
0x2f3: {  	_ = 	snop;
	(pc) =	sbr.rel @!p1 .LBB2_55-.Ltmp38, $1  }
0x2f4: {  	_ =	sdelay $0x3  }
.LBB2_47:
0x2f5: {  	v0 =	vld.msk [tilespmem:s3+$0xE418], $0x1;
	_ =	sdelay $0x4  }
0x2f6: {  	(v2sf) =	vpush v0, $0x0;
	_ =	sdelay $0xe  }
0x2f7: {  	s0 =	spop (v2sf)  }
0x2f8: {  	p1 =	seq.s32 s0, $0xFFFFFFFF  }
.Ltmp39:
0x2f9: {  	_ = 	snop;
	(pc) =	sbr.rel @p1 .LBB2_54-.Ltmp39, $1  }
0x2fa: {  	_ =	sdelay $0x3  }
0x2fb: {  	p1 =	slt.s32 s2, $0x1  }
.Ltmp40:
0x2fc: {  	_ = 	snop;
	(pc) =	sbr.rel @p1 .LBB2_53-.Ltmp40, $1  }
0x2fd: {  	_ =	sdelay $0x3  }
0x2fe: {  	s4 =	simm.s32 $0xE418;
	p1 =	por $0x0, $0x0  }
0x2ff: {  	v1 =	vld.msk @!p1 [tilespmem:s4+$0x0], $0x1;
	_ =	sdelay $0x4  }
0x300: {  	(v2sf) =	vpush @!p1 v1, $0x0;
	_ =	sdelay $0xd  }
0x301: {  	p3 =	sne.s32 s2, $0x1  }
.Ltmp41:
0x302: {  	s5 =	spop @!p1 (v2sf);
	(pc) =	sbr.rel @!p3 .LBB2_51-.Ltmp41, $4  }
0x303: {  	p2 =	seq.s32 @!p1 s0, s5  }
0x304: {  	s5 =	simm.s32 $0x0;
	p2 =	por !p2, p1  }
0x305: {  	s7 =	simm.s32 $0xFFFFFFFF;
	s5 =	simm.s32 @p2 $0xFFFFFFFF  }
0x306: {  	s6 =	simm.s32 $0x1;
	s5 =	smov.u32 @p1 s7  }
.LBB2_50:
0x307: {  	s7 =	smov.u32 s5;
	p1 =	sne.s32 s5, $0xFFFFFFFF  }
0x308: {  	s4 =	sadd.s32 $0x1, s4;
	s5 =	smov.u32 s6;
	s6 =	sadd.s32 $0x1, s6  }
0x309: {  	p2 =	sne.s32 s2, s6;
	v1 =	vld.msk @!p1 [tilespmem:s4+$0x0], $0x1;
	_ =	sdelay $0x4  }
0x30a: {  	(v2sf) =	vpush @!p1 v1, $0x0;
	_ =	sdelay $0xe  }
.Ltmp42:
0x30b: {  	s8 =	spop @!p1 (v2sf);
	(pc) =	sbr.rel @p2 .LBB2_50-.Ltmp42, $4  }
0x30c: {  	p3 =	seq.s32 @!p1 s0, s8  }
0x30d: {  	p3 =	por !p3, p1  }
0x30e: {  	s5 =	simm.s32 @p3 $0xFFFFFFFF  }
0x30f: {  	s5 =	smov.u32 @p1 s7  }
.LBB2_51:
0x310: {  	p1 =	seq.s32 s5, $0xFFFFFFFF  }
.Ltmp43:
0x311: {  	_ = 	snop;
	(pc) =	sbr.rel @p1 .LBB2_53-.Ltmp43, $1  }
0x312: {  	_ =	sdelay $0x3  }
0x313: {  	s0 =	sshll.u32 s3, $0x8  }
0x314: {  	s0 =	sand.u32 $0x3FFFFF00, s0  }
0x315: {  	v0 =	vld [tilespmem:s0+$0xE438];
	_ =	sdelay $0x2  }
0x316: {  	s4 =	sshll.u32 s5, $0xA  }
0x317: {  	s4 =	sshra.s32 s4, $0x2  }
0x318: {  	[tilespmem:s4+$0xE438] =	vst.add.f32.msk $0xffff, v0  }
0x319: {  	v0 =	vld [tilespmem:s0+$0xE448];
	_ =	sdelay $0x4  }
0x31a: {  	[tilespmem:s4+$0xE448] =	vst.add.f32.msk $0xffff, v0  }
0x31b: {  	v0 =	vld [tilespmem:s0+$0xE458];
	_ =	sdelay $0x4  }
0x31c: {  	[tilespmem:s4+$0xE458] =	vst.add.f32.msk $0xffff, v0  }
0x31d: {  	v0 =	vld [tilespmem:s0+$0xE468];
	_ =	sdelay $0x4  }
0x31e: {  	[tilespmem:s4+$0xE468] =	vst.add.f32.msk $0xffff, v0  }
0x31f: {  	v0 =	vld [tilespmem:s0+$0xE478];
	_ =	sdelay $0x4  }
0x320: {  	[tilespmem:s4+$0xE478] =	vst.add.f32.msk $0xffff, v0  }
0x321: {  	v0 =	vld [tilespmem:s0+$0xE488];
	_ =	sdelay $0x4  }
0x322: {  	[tilespmem:s4+$0xE488] =	vst.add.f32.msk $0xffff, v0  }
0x323: {  	v0 =	vld [tilespmem:s0+$0xE498];
	_ =	sdelay $0x4  }
0x324: {  	[tilespmem:s4+$0xE498] =	vst.add.f32.msk $0xffff, v0  }
0x325: {  	v0 =	vld [tilespmem:s0+$0xE4A8];
	_ =	sdelay $0x4  }
0x326: {  	[tilespmem:s4+$0xE4A8] =	vst.add.f32.msk $0xffff, v0  }
0x327: {  	v0 =	vld [tilespmem:s0+$0xE4B8];
	_ =	sdelay $0x4  }
0x328: {  	[tilespmem:s4+$0xE4B8] =	vst.add.f32.msk $0xffff, v0  }
0x329: {  	v0 =	vld [tilespmem:s0+$0xE4C8];
	_ =	sdelay $0x4  }
0x32a: {  	[tilespmem:s4+$0xE4C8] =	vst.add.f32.msk $0xffff, v0  }
0x32b: {  	v0 =	vld [tilespmem:s0+$0xE4D8];
	_ =	sdelay $0x4  }
0x32c: {  	[tilespmem:s4+$0xE4D8] =	vst.add.f32.msk $0xffff, v0  }
0x32d: {  	v0 =	vld [tilespmem:s0+$0xE4E8];
	_ =	sdelay $0x4  }
0x32e: {  	[tilespmem:s4+$0xE4E8] =	vst.add.f32.msk $0xffff, v0  }
0x32f: {  	v0 =	vld [tilespmem:s0+$0xE4F8];
	_ =	sdelay $0x4  }
0x330: {  	[tilespmem:s4+$0xE4F8] =	vst.add.f32.msk $0xffff, v0  }
0x331: {  	v0 =	vld [tilespmem:s0+$0xE508];
	_ =	sdelay $0x4  }
0x332: {  	[tilespmem:s4+$0xE508] =	vst.add.f32.msk $0xffff, v0  }
0x333: {  	v0 =	vld [tilespmem:s0+$0xE518];
	_ =	sdelay $0x4  }
0x334: {  	[tilespmem:s4+$0xE518] =	vst.add.f32.msk $0xffff, v0  }
0x335: {  	v0 =	vld [tilespmem:s0+$0xE528]  }
.Ltmp44:
0x336: {  	_ = 	snop;
	(pc) =	sbr.rel .LBB2_54-.Ltmp44, $2  }
0x337: {  	_ =	sdelay $0x2  }
0x338: {  	[tilespmem:s4+$0xE528] =	vst.add.f32.msk $0xffff, v0  }
.LBB2_55:
0x339: {  	p1 =	slt.s32 s2, $0x1  }
.Ltmp45:
0x33a: {  	_ = 	snop;
	(pc) =	sbr.rel @p1 .LBB2_59-.Ltmp45, $3  }
0x33b: {  	_ =	sdelay $0x1  }
0x33c: {  	s0 =	simm.s32 $0x8  }
0x33d: {  	s4 =	simm.s32 $0x0;
	[sflag:s0] =	ssyncpa.u1 $0x1  }
0x33e: {  	s0 =	simm.s32 $0xE418  }
0x33f: {  	v0 =	vld.msk [tilespmem:s0+$0x0], $0x1;
	_ =	sdelay $0x4  }
0x340: {  	(v2sf) =	vpush v0, $0x0;
	_ =	sdelay $0xe  }
0x341: {  	s0 =	sadd.s32 $0xFFFFFFFF, s2;
	s3 =	spop (v2sf)  }
0x342: {  	s6 =	simm.s32 $0xE438;
	p1 =	sne.s32 s0, $0x0;
	p2 =	sgt.u32 s3, $0x30FF70  }
.Ltmp46:
0x343: {  	s2 =	simm.s32 $0xE538;
	s5 =	sand.u32 @!p2 $0x3FFFF8, s3;
	(pc) =	sbr.rel @!p1 .LBB2_58-.Ltmp46, $4  }
0x344: {  	s7 =	sadd.s32 @!p2 $0x80, s3;
	s4 =	simm.s32 @!p2 $0x400;
	s8 =	sadd.s32 @!p2 s1, s5  }
0x345: {  	s5 =	sand.u32 @!p2 $0x7, s3;
	s3 =	simm.s32 $0xE419;
	s7 =	sand.u32 @!p2 $0x7FFFF8, s7  }
0x346: {  	[hbm4b:s8+s5] =	stream.linear.scatter @!p2 [tilespmem:s6], [sflag:$0x7], $0x80, $0x38;
	[tilespmem:$0x1E678] =	vst v63  }
0x347: {  	s4 =	sadd.s32 $0x0, s4;
	s6 =	simm.s32 @!p2 $0xE4B8;
	s7 =	sadd.s32 @!p2 s1, s7  }
.LBB2_57:
0x348: {  	[hbm4b:s7+s5] =	stream.linear.scatter @!p2 [tilespmem:s6], [sflag:$0x7], $0x80, $0x38;
	[tilespmem:$0x1E678] =	vst v63  }
0x349: {  	s0 =	sadd.s32 $0xFFFFFFFF, s0;
	s6 =	smov.u32 s2;
	v0 =	vld.msk [tilespmem:s3+$0x0], $0x1  }
0x34a: {  	p1 =	sne.s32 s0, $0x0;
	_ =	sdelay $0x3  }
0x34b: {  	(v2sf) =	vpush v0, $0x0;
	_ =	sdelay $0xe  }
0x34c: {  	s2 =	sadd.s32 $0x100, s2;
	s8 =	simm.s32 $0x0;
	s5 =	spop (v2sf)  }
.Ltmp47:
0x34d: {  	s3 =	sadd.s32 $0x1, s3;
	p2 =	sgt.u32 s5, $0x30FF70;
	(pc) =	sbr.rel @p1 .LBB2_57-.Ltmp47, $4  }
0x34e: {  	s8 =	simm.s32 @!p2 $0x400;
	s7 =	sand.u32 @!p2 $0x3FFFF8, s5;
	s9 =	sadd.s32 @!p2 $0x80, s5  }
0x34f: {  	s5 =	sand.u32 @!p2 $0x7, s5;
	s7 =	sadd.s32 @!p2 s1, s7;
	s9 =	sand.u32 @!p2 $0x7FFFF8, s9  }
0x350: {  	[hbm4b:s7+s5] =	stream.linear.scatter @!p2 [tilespmem:s6], [sflag:$0x7], $0x80, $0x38;
	[tilespmem:$0x1E678] =	vst v63  }
0x351: {  	s4 =	sadd.s32 s4, s8;
	s6 =	sadd.s32 @!p2 $0x80, s6;
	s7 =	sadd.s32 @!p2 s1, s9  }
.LBB2_58:
0x352: {  	[hbm4b:s7+s5] =	stream.linear.scatter @!p2 [tilespmem:s6], [sflag:$0x7], $0x80, $0x38;
	[tilespmem:$0x1E678] =	vst v63  }
0x353: {  	s4 =	sshrl.u32 s4, $0x2  }
.LBB2_59:
0x354: {  	s0 =	simm.s32 $0x7  }
0x355: {  	_ =	swait.ge [sflag:s0], s4  }
0x356: {  	s1 =	ssub.s32 $0x0, s4;
	[sflag:s0] =	ssyncset.done $0x0  }
0x357: {  	[sflag:s0] =	ssyncadd.s32 s1  }
0x358: {  	[sflag:s0] =	ssyncpa.u1 $0x1  }
.LBB2_60:
0x359: {  	_ =	sfence;
	s0 =	simm.s32 $0x1  }
0x35a: {  	[sflag:s0] =	ssyncpa.u1 $0x1  }
0x35b: {  	_ =	strace $0x90000059  }
0x35c: {  	[bflag:$0x2] =	sbarrier.arrive $0xFFFF  }
0x35d: {  	s0 =	rddreg [dreg:$0x4]  }
0x35e: {  	s0 =	sadd.s32 @!p0 $0x100000, s0  }
0x35f: {  	[sflag:s0] =	ssyncadd.tile.s32 @!p0 $0x1;
	_ =	shalt  }
.Lfunc_end2:
_tile_overlayer_lowered:
.L_overlay_start_2:
0x360: {  	(tag) =	ssettag $0x2  }
0x361: {  	s0 =	rddreg [dreg:$0x0];
	s2 =	stileid.u32  }
0x362: {  	s1 =	rddreg [dreg:$0x1];
	p0 =	sne.s32 s2, $0x0  }
0x363: {  	s3 =	rddreg [dreg:$0x2];
	[bflag:$0x3] =	sbarrier.arrive $0xFFFF;
	s2 =	simm.s32 @!p0 $0x1C01  }
0x364: {  	[timem:s3], [sflag:s2] =	dma.local @!p0 [hbm:s0], s1  }
0x365: {  	s0 =	simm.s32 @!p0 $0x1  }
0x366: {  	_ =	swait.ge @!p0 [sflag:s0], s1  }
0x367: {  	s1 =	ssub.s32 @!p0 $0x0, s1;
	[sflag:s0] =	ssyncset.done @!p0 $0x0  }
0x368: {  	[sflag:s0] =	ssyncadd.s32 @!p0 s1  }
0x369: {  	[bflag:$0x3] =	sbarrier.arrive $0xFFFF  }
0x36a: {  	_ =	shalt  }

</sc_bundles>
